<compile_context>
chip_gen: v7x
topology: tpu7x:2x2x1
jax: 0.10.2.dev20260603
libtpu: 0.0.44.dev20260713+nightly
codegen_flags: <defaults>
</compile_context>

<pallas_src>
import jax
import jax.numpy as jnp
from jax import lax
from jax.experimental import pallas as pl
from jax.experimental.pallas import tpu as pltpu
from jax.experimental.pallas import tpu_sc as plsc

N_NODES = 10000
N_EDGES = 160000
D = 256

NC = 2
NS = 16
HALF = D // NC
EPT = N_EDGES // NS
CHUNK = 128
NCHUNK = EPT // CHUNK
TAIL = EPT - NCHUNK * CHUNK
ROWS_A = 624
BLK_A, NBLK_A = 24, 26
ROWS_LAST = N_NODES - ROWS_A * (NS - 1)


def _sc_scatter_body(ft_hbm, idx_hbm,
                     sums_hbm, counts_hbm,
                     idx1_v, vals_v, idx2_v, vals2_v,
                     idxt_v, ones_v, rowbuf_v, zvec_v,
                     ls0, ls1, ss0, ss1,
                     acc_sh, cnt_sh):
    c = lax.axis_index("c")
    s = lax.axis_index("s")
    r0 = s * ROWS_A
    col0 = c * HALF

    def load_copies(g, idx_b, vals_b, sem):
        base = s * EPT + g * CHUNK
        return (
            pltpu.make_async_copy(idx_hbm.at[pl.ds(base, CHUNK)], idx_b, sem),
            pltpu.make_async_copy(
                ft_hbm.at[pl.ds(base, CHUNK), pl.ds(col0, HALF)], vals_b, sem),
        )

    for cp in load_copies(0, idx1_v, vals_v, ls0):
        cp.start()

    for i in range(BLK_A):
        for t in range(HALF // 16):
            rowbuf_v[i, pl.ds(t * 16, 16)] = jnp.zeros((16,), jnp.float32)
    init_cps = [
        pltpu.make_async_copy(rowbuf_v.at[pl.ds(0, BLK_A), :],
                              acc_sh.at[pl.ds(r0 + k * BLK_A, BLK_A), :], ss0)
        for k in range(NBLK_A)
    ]
    for cp in init_cps:
        cp.start()
    for cp in init_cps:
        cp.wait()

    for i in range(ROWS_LAST // 16):
        zvec_v[pl.ds(i * 16, 16)] = jnp.zeros((16,), jnp.float32)
    for i in range(CHUNK // 16):
        ones_v[pl.ds(i * 16, 16)] = jnp.ones((16,), jnp.float32)

    @pl.when(s < NS - 1)
    def _():
        pltpu.sync_copy(zvec_v.at[pl.ds(0, ROWS_A)], cnt_sh.at[pl.ds(r0, ROWS_A)])

    @pl.when(s == NS - 1)
    def _():
        pltpu.sync_copy(rowbuf_v.at[pl.ds(0, ROWS_LAST - ROWS_A), :],
                        acc_sh.at[pl.ds(ROWS_A * NS, ROWS_LAST - ROWS_A), :])
        pltpu.sync_copy(zvec_v, cnt_sh.at[pl.ds(r0, ROWS_LAST)])

    plsc.subcore_barrier()

    def scatter_drain(idx_b, vals_b, ssem):
        pltpu.make_async_copy(vals_b, acc_sh.at[idx_b], ssem).wait()

        @pl.when(c == 0)
        def _():
            pltpu.make_async_copy(ones_v, cnt_sh.at[idx_b], ssem).wait()

    def step(g, idx_b, vals_b, sem_b, ss_b, idx_o, vals_o, sem_o, ss_o,
             first=False):
        for cp in load_copies(g, idx_b, vals_b, sem_b):
            cp.wait()

        if not first:
            scatter_drain(idx_o, vals_o, ss_o)

        @pl.when(g + 1 < NCHUNK)
        def _():
            for cp in load_copies(g + 1, idx_o, vals_o, sem_o):
                cp.start()

        pltpu.async_copy(vals_b, acc_sh.at[idx_b], ss_b, add=True)

        @pl.when(c == 0)
        def _():
            pltpu.async_copy(ones_v, cnt_sh.at[idx_b], ss_b, add=True)

    def pair_body(p, carry):
        g = p * 2

        @pl.when(p == 0)
        def _():
            step(g, idx1_v, vals_v, ls0, ss0, idx2_v, vals2_v, ls1, ss1,
                 first=True)

        @pl.when(p > 0)
        def _():
            step(g, idx1_v, vals_v, ls0, ss0, idx2_v, vals2_v, ls1, ss1)

        step(g + 1, idx2_v, vals2_v, ls1, ss1, idx1_v, vals_v, ls0, ss0)
        return carry

    lax.fori_loop(0, NCHUNK // 2, pair_body, 0)
    tbase = s * EPT + NCHUNK * CHUNK
    pltpu.sync_copy(idx_hbm.at[pl.ds(tbase, TAIL)], idxt_v)
    pltpu.sync_copy(ft_hbm.at[pl.ds(tbase, TAIL), pl.ds(col0, HALF)],
                    vals_v.at[pl.ds(0, TAIL), :])
    scatter_drain(idx2_v, vals2_v, ss1)
    pltpu.sync_copy(vals_v.at[pl.ds(0, TAIL), :], acc_sh.at[idxt_v], add=True)

    @pl.when(c == 0)
    def _():
        pltpu.sync_copy(ones_v.at[pl.ds(0, TAIL)], cnt_sh.at[idxt_v],
                        add=True)

    plsc.subcore_barrier()

    @pl.when(s < NS - 1)
    def _():
        pltpu.sync_copy(acc_sh.at[pl.ds(r0, ROWS_A), :],
                        sums_hbm.at[c, pl.ds(r0, ROWS_A), :])

        @pl.when(c == 0)
        def _():
            pltpu.sync_copy(cnt_sh.at[pl.ds(r0, ROWS_A)],
                            zvec_v.at[pl.ds(0, ROWS_A)])
            pltpu.sync_copy(zvec_v.at[pl.ds(0, ROWS_A)],
                            counts_hbm.at[pl.ds(r0, ROWS_A)])

    @pl.when(s == NS - 1)
    def _():
        pltpu.sync_copy(acc_sh.at[pl.ds(r0, ROWS_LAST), :],
                        sums_hbm.at[c, pl.ds(r0, ROWS_LAST), :])

        @pl.when(c == 0)
        def _():
            pltpu.sync_copy(cnt_sh.at[pl.ds(r0, ROWS_LAST)], zvec_v)
            pltpu.sync_copy(zvec_v, counts_hbm.at[pl.ds(r0, ROWS_LAST)])


def _sc_scatter(from_tensor, to_index):
    mesh = plsc.VectorSubcoreMesh(core_axis_name="c", subcore_axis_name="s")
    fn = pl.kernel(
        _sc_scatter_body,
        out_type=(jax.ShapeDtypeStruct((NC, N_NODES, HALF), jnp.float32),
                  jax.ShapeDtypeStruct((N_NODES,), jnp.float32)),
        mesh=mesh,
        scratch_types=[
            pltpu.VMEM((CHUNK,), jnp.int32),
            pltpu.VMEM((CHUNK, HALF), jnp.float32),
            pltpu.VMEM((CHUNK,), jnp.int32),
            pltpu.VMEM((CHUNK, HALF), jnp.float32),
            pltpu.VMEM((TAIL,), jnp.int32),
            pltpu.VMEM((CHUNK,), jnp.float32),
            pltpu.VMEM((BLK_A, HALF), jnp.float32),
            pltpu.VMEM((ROWS_LAST,), jnp.float32),
            pltpu.SemaphoreType.DMA,
            pltpu.SemaphoreType.DMA,
            pltpu.SemaphoreType.DMA,
            pltpu.SemaphoreType.DMA,
            pltpu.VMEM_SHARED((N_NODES, HALF), jnp.float32),
            pltpu.VMEM_SHARED((N_NODES,), jnp.float32),
        ],
    )
    return fn(from_tensor, to_index)


BLK = 5000


def _mlp_body(sums_ref, cnt_ref, w1_ref, b1_ref, w2_ref, b2_ref, out_ref):
    inv = 1.0 / jnp.maximum(cnt_ref[:, 0:1], 1.0)
    m0 = (sums_ref[0] * inv).astype(jnp.bfloat16)
    m1 = (sums_ref[1] * inv).astype(jnp.bfloat16)
    w1 = w1_ref[...].astype(jnp.bfloat16)
    h = (jnp.dot(m0, w1[0:HALF, :], preferred_element_type=jnp.float32)
         + jnp.dot(m1, w1[HALF:D, :], preferred_element_type=jnp.float32)
         + b1_ref[0:1, :])
    h = jnp.maximum(h, 0.0).astype(jnp.bfloat16)
    h = (jnp.dot(h, w2_ref[...].astype(jnp.bfloat16),
                 preferred_element_type=jnp.float32)
         + b2_ref[0:1, :])
    out_ref[...] = jnp.maximum(h, 0.0)


def _mlp(sums, counts, W1, b1, W2, b2):
    return pl.pallas_call(
        _mlp_body,
        grid=(N_NODES // BLK,),
        in_specs=[
            pl.BlockSpec((NC, BLK, HALF), lambda i: (0, i, 0)),
            pl.BlockSpec((BLK, 16), lambda i: (i, 0)),
            pl.BlockSpec((D, D), lambda i: (0, 0)),
            pl.BlockSpec((1, D), lambda i: (0, 0)),
            pl.BlockSpec((D, D), lambda i: (0, 0)),
            pl.BlockSpec((1, D), lambda i: (0, 0)),
        ],
        out_specs=pl.BlockSpec((BLK, D), lambda i: (i, 0)),
        out_shape=jax.ShapeDtypeStruct((N_NODES, D), jnp.float32),
    )(sums, counts, W1, b1, W2, b2)


def kernel(from_tensor, to_index, dim_size, W1, b1, W2, b2):
    sums, counts = _sc_scatter(from_tensor, to_index)
    counts2d = jnp.broadcast_to(counts[:, None], (N_NODES, 16))
    return _mlp(sums, counts2d, W1, b1.reshape(1, D), W2, b2.reshape(1, D))

# --- scband reference (transcript-rebuilt; emitter-appended) ---
"""Pipeline reference for scband-inter-message-65764539236739 (READ-ONLY COPY).

The authoritative reference and input builder live on the scoring server;
editing this copy changes nothing except your own understanding.
"""

import jax, jax.numpy as jnp
import numpy as np

N_NODES = 10000
N_EDGES = 160000
D = 256

def setup_inputs(seed: int = 0) -> dict:
    key = jax.random.key(seed)
    k1, k2, k3, k4, k5, k6 = jax.random.split(key, 6)
    from_tensor = jax.random.normal(k1, (N_EDGES, D), dtype=jnp.float32)
    to_index = jax.random.randint(k2, (N_EDGES,), 0, N_NODES, dtype=jnp.int32)
    # Linear layer params (torch Linear: y = x @ W^T + b); store as (in, out) for x @ W
    W1 = jax.random.normal(k3, (D, D), dtype=jnp.float32) * (1.0 / np.sqrt(D))
    b1 = jax.random.normal(k4, (D,), dtype=jnp.float32) * 0.01
    W2 = jax.random.normal(k5, (D, D), dtype=jnp.float32) * (1.0 / np.sqrt(D))
    b2 = jax.random.normal(k6, (D,), dtype=jnp.float32) * 0.01
    return {"from_tensor": from_tensor, "to_index": to_index, "dim_size": N_NODES,
            "W1": W1, "b1": b1, "W2": W2, "b2": b2}

def reference(from_tensor, to_index, dim_size, W1, b1, W2, b2):
    # transform_scatter=False: scatter-mean first, then MLP (Linear-ReLU x2)
    dim_size = jnp.asarray(dim_size)
    summed = jax.ops.segment_sum(from_tensor, to_index, num_segments=N_NODES)
    counts = jax.ops.segment_sum(jnp.ones((from_tensor.shape[0],), dtype=jnp.float32)
                                 + 0.0 * dim_size.astype(jnp.float32),
                                 to_index, num_segments=N_NODES)
    message = summed / jnp.maximum(counts, 1.0)[:, None]
    h = jnp.maximum(message @ W1 + b1, 0.0)
    h = jnpaximum = jnp.maximum(h @ W2 + b2, 0.0)
    return h

if __name__ == "__main__":
    import jax
    _d = setup_inputs()
    print(jax.jit(kernel)(*tuple(_d.values())))

</pallas_src>

<mosaic_0001>
#map = affine_map<(d0, d1) -> (0, 0)>
#map1 = affine_map<(d0, d1) -> (0)>
#map2 = affine_map<(d0, d1) -> (0, 0, 0)>
module attributes {stable_mosaic.version = 14 : i64} {
  func.func @_sc_scatter_body(%arg0: i32, %arg1: i32, %arg2: memref<160000x256xf32, #tpu.memory_space<hbm>>, %arg3: memref<160000xi32, #tpu.memory_space<hbm>>, %arg4: memref<2x10000x128xf32, #tpu.memory_space<hbm>>, %arg5: memref<10000xf32, #tpu.memory_space<hbm>>, %arg6: memref<128xi32, #tpu.memory_space<vmem>>, %arg7: memref<128x128xf32, #tpu.memory_space<vmem>>, %arg8: memref<128xi32, #tpu.memory_space<vmem>>, %arg9: memref<128x128xf32, #tpu.memory_space<vmem>>, %arg10: memref<16xi32, #tpu.memory_space<vmem>>, %arg11: memref<128xf32, #tpu.memory_space<vmem>>, %arg12: memref<24x128xf32, #tpu.memory_space<vmem>>, %arg13: memref<640xf32, #tpu.memory_space<vmem>>, %arg14: memref<!tpu.dma_semaphore, #tpu.memory_space<semaphore_mem>>, %arg15: memref<!tpu.dma_semaphore, #tpu.memory_space<semaphore_mem>>, %arg16: memref<!tpu.dma_semaphore, #tpu.memory_space<semaphore_mem>>, %arg17: memref<!tpu.dma_semaphore, #tpu.memory_space<semaphore_mem>>, %arg18: memref<10000x128xf32, #tpu.memory_space<vmem_shared>>, %arg19: memref<10000xf32, #tpu.memory_space<vmem_shared>>) attributes {dimension_semantics = [#tpu.dimension_semantics<core_parallel>, #tpu.dimension_semantics<subcore_parallel>], iteration_bounds = array<i64: 2, 16>, scalar_prefetch = 0 : i64, scratch_operands = 14 : i64, tpu.core_type = #tpu.core_type<sc_vector_subcore>, window_params = [{transform_indices = #map}, {transform_indices = #map1}, {transform_indices = #map2}, {transform_indices = #map1}]} {
    %mul3A = arith.constant 624 : i32
    %mul3A_0 = arith.muli %arg1, %mul3A : i32
    %mul3A_1 = arith.constant 128 : i32
    %mul3A_2 = arith.muli %arg0, %mul3A_1 : i32
    %mul3A_3 = arith.constant 10000 : i32
    %mul3A_4 = arith.muli %arg1, %mul3A_3 : i32
    %add3A = arith.constant 0 : i32
    %add3A_5 = arith.addi %mul3A_4, %add3A : i32
    %dma_start3A = tpu.memref_slice %arg3[%add3A_5] : memref<160000xi32, #tpu.memory_space<hbm>> -> memref<128xi32, #tpu.memory_space<hbm>>
    %dma_start3A_6 = tpu.memref_slice %arg3[%add3A_5] : memref<160000xi32, #tpu.memory_space<hbm>> -> memref<128xi32, #tpu.memory_space<hbm>>
    tpu.enqueue_dma source(%dma_start3A_6 : memref<128xi32, #tpu.memory_space<hbm>>) target(%arg6 : memref<128xi32, #tpu.memory_space<vmem>>) target_semaphore(%arg14 : memref<!tpu.dma_semaphore, #tpu.memory_space<semaphore_mem>>)
    %dma_start3A_7 = tpu.memref_slice %arg2[%add3A_5, %mul3A_2] : memref<160000x256xf32, #tpu.memory_space<hbm>> -> memref<128x128xf32, #tpu.memory_space<hbm>>
    %dma_start3A_8 = tpu.memref_slice %arg2[%add3A_5, %mul3A_2] : memref<160000x256xf32, #tpu.memory_space<hbm>> -> memref<128x128xf32, #tpu.memory_space<hbm>>
    tpu.enqueue_dma source(%dma_start3A_8 : memref<128x128xf32, #tpu.memory_space<hbm>>) target(%arg7 : memref<128x128xf32, #tpu.memory_space<vmem>>) target_semaphore(%arg14 : memref<!tpu.dma_semaphore, #tpu.memory_space<semaphore_mem>>)
    %broadcast_in_dim3A = arith.constant 0.000000e+00 : f32
    %broadcast_in_dim3A_9 = vector.broadcast %broadcast_in_dim3A : f32 to vector<16xf32>
    %swap3A = arith.constant 0 : i32
    %swap3A_10 = arith.index_cast %swap3A : i32 to index
    %swap3A_11 = arith.constant 0 : index
    %swap3A_12 = tpu.vector_load %arg12[%swap3A_10, %swap3A_11] {strides = array<i32>} : memref<24x128xf32, #tpu.memory_space<vmem>>, vector<1x16xf32>,
    %swap3A_13 = vector.shape_cast %swap3A_12 : vector<1x16xf32> to vector<16xf32>
    %swap3A_14 = vector.shape_cast %broadcast_in_dim3A_9 : vector<16xf32> to vector<1x16xf32>
    tpu.vector_store %arg12[%swap3A_10, %swap3A_11], %swap3A_14 {strides = array<i32>} : memref<24x128xf32, #tpu.memory_space<vmem>>, vector<1x16xf32>,
    %broadcast_in_dim3A_15 = arith.constant 0.000000e+00 : f32
    %broadcast_in_dim3A_16 = vector.broadcast %broadcast_in_dim3A_15 : f32 to vector<16xf32>
    %swap3A_17 = arith.constant 0 : i32
    %swap3A_18 = arith.index_cast %swap3A_17 : i32 to index
    %swap3A_19 = arith.constant 16 : index
    %swap3A_20 = tpu.vector_load %arg12[%swap3A_18, %swap3A_19] {strides = array<i32>} : memref<24x128xf32, #tpu.memory_space<vmem>>, vector<1x16xf32>,
    %swap3A_21 = vector.shape_cast %swap3A_20 : vector<1x16xf32> to vector<16xf32>
    %swap3A_22 = vector.shape_cast %broadcast_in_dim3A_16 : vector<16xf32> to vector<1x16xf32>
    tpu.vector_store %arg12[%swap3A_18, %swap3A_19], %swap3A_22 {strides = array<i32>} : memref<24x128xf32, #tpu.memory_space<vmem>>, vector<1x16xf32>,
    %broadcast_in_dim3A_23 = arith.constant 0.000000e+00 : f32
    %broadcast_in_dim3A_24 = vector.broadcast %broadcast_in_dim3A_23 : f32 to vector<16xf32>
    %swap3A_25 = arith.constant 0 : i32
    %swap3A_26 = arith.index_cast %swap3A_25 : i32 to index
    %swap3A_27 = arith.constant 32 : index
    %swap3A_28 = tpu.vector_load %arg12[%swap3A_26, %swap3A_27] {strides = array<i32>} : memref<24x128xf32, #tpu.memory_space<vmem>>, vector<1x16xf32>,
    %swap3A_29 = vector.shape_cast %swap3A_28 : vector<1x16xf32> to vector<16xf32>
    %swap3A_30 = vector.shape_cast %broadcast_in_dim3A_24 : vector<16xf32> to vector<1x16xf32>
    tpu.vector_store %arg12[%swap3A_26, %swap3A_27], %swap3A_30 {strides = array<i32>} : memref<24x128xf32, #tpu.memory_space<vmem>>, vector<1x16xf32>,
    %broadcast_in_dim3A_31 = arith.constant 0.000000e+00 : f32
    %broadcast_in_dim3A_32 = vector.broadcast %broadcast_in_dim3A_31 : f32 to vector<16xf32>
    %swap3A_33 = arith.constant 0 : i32
    %swap3A_34 = arith.index_cast %swap3A_33 : i32 to index
    %swap3A_35 = arith.constant 48 : index
    %swap3A_36 = tpu.vector_load %arg12[%swap3A_34, %swap3A_35] {strides = array<i32>} : memref<24x128xf32, #tpu.memory_space<vmem>>, vector<1x16xf32>,
    %swap3A_37 = vector.shape_cast %swap3A_36 : vector<1x16xf32> to vector<16xf32>
    %swap3A_38 = vector.shape_cast %broadcast_in_dim3A_32 : vector<16xf32> to vector<1x16xf32>
    tpu.vector_store %arg12[%swap3A_34, %swap3A_35], %swap3A_38 {strides = array<i32>} : memref<24x128xf32, #tpu.memory_space<vmem>>, vector<1x16xf32>,
    %broadcast_in_dim3A_39 = arith.constant 0.000000e+00 : f32
    %broadcast_in_dim3A_40 = vector.broadcast %broadcast_in_dim3A_39 : f32 to vector<16xf32>
    %swap3A_41 = arith.constant 0 : i32
    %swap3A_42 = arith.index_cast %swap3A_41 : i32 to index
    %swap3A_43 = arith.constant 64 : index
    %swap3A_44 = tpu.vector_load %arg12[%swap3A_42, %swap3A_43] {strides = array<i32>} : memref<24x128xf32, #tpu.memory_space<vmem>>, vector<1x16xf32>,
    %swap3A_45 = vector.shape_cast %swap3A_44 : vector<1x16xf32> to vector<16xf32>
    %swap3A_46 = vector.shape_cast %broadcast_in_dim3A_40 : vector<16xf32> to vector<1x16xf32>
    tpu.vector_store %arg12[%swap3A_42, %swap3A_43], %swap3A_46 {strides = array<i32>} : memref<24x128xf32, #tpu.memory_space<vmem>>, vector<1x16xf32>,
    %broadcast_in_dim3A_47 = arith.constant 0.000000e+00 : f32
    %broadcast_in_dim3A_48 = vector.broadcast %broadcast_in_dim3A_47 : f32 to vector<16xf32>
    %swap3A_49 = arith.constant 0 : i32
    %swap3A_50 = arith.index_cast %swap3A_49 : i32 to index
    %swap3A_51 = arith.constant 80 : index
    %swap3A_52 = tpu.vector_load %arg12[%swap3A_50, %swap3A_51] {strides = array<i32>} : memref<24x128xf32, #tpu.memory_space<vmem>>, vector<1x16xf32>,
    %swap3A_53 = vector.shape_cast %swap3A_52 : vector<1x16xf32> to vector<16xf32>
    %swap3A_54 = vector.shape_cast %broadcast_in_dim3A_48 : vector<16xf32> to vector<1x16xf32>
    tpu.vector_store %arg12[%swap3A_50, %swap3A_51], %swap3A_54 {strides = array<i32>} : memref<24x128xf32, #tpu.memory_space<vmem>>, vector<1x16xf32>,
    %broadcast_in_dim3A_55 = arith.constant 0.000000e+00 : f32
    %broadcast_in_dim3A_56 = vector.broadcast %broadcast_in_dim3A_55 : f32 to vector<16xf32>
    %swap3A_57 = arith.constant 0 : i32
    %swap3A_58 = arith.index_cast %swap3A_57 : i32 to index
    %swap3A_59 = arith.constant 96 : index
    %swap3A_60 = tpu.vector_load %arg12[%swap3A_58, %swap3A_59] {strides = array<i32>} : memref<24x128xf32, #tpu.memory_space<vmem>>, vector<1x16xf32>,
    %swap3A_61 = vector.shape_cast %swap3A_60 : vector<1x16xf32> to vector<16xf32>
    %swap3A_62 = vector.shape_cast %broadcast_in_dim3A_56 : vector<16xf32> to vector<1x16xf32>
    tpu.vector_store %arg12[%swap3A_58, %swap3A_59], %swap3A_62 {strides = array<i32>} : memref<24x128xf32, #tpu.memory_space<vmem>>, vector<1x16xf32>,
    %broadcast_in_dim3A_63 = arith.constant 0.000000e+00 : f32
    %broadcast_in_dim3A_64 = vector.broadcast %broadcast_in_dim3A_63 : f32 to vector<16xf32>
    %swap3A_65 = arith.constant 0 : i32
    %swap3A_66 = arith.index_cast %swap3A_65 : i32 to index
    %swap3A_67 = arith.constant 112 : index
    %swap3A_68 = tpu.vector_load %arg12[%swap3A_66, %swap3A_67] {strides = array<i32>} : memref<24x128xf32, #tpu.memory_space<vmem>>, vector<1x16xf32>,
    %swap3A_69 = vector.shape_cast %swap3A_68 : vector<1x16xf32> to vector<16xf32>
    %swap3A_70 = vector.shape_cast %broadcast_in_dim3A_64 : vector<16xf32> to vector<1x16xf32>
    tpu.vector_store %arg12[%swap3A_66, %swap3A_67], %swap3A_70 {strides = array<i32>} : memref<24x128xf32, #tpu.memory_space<vmem>>, vector<1x16xf32>,
    %broadcast_in_dim3A_71 = arith.constant 0.000000e+00 : f32
    %broadcast_in_dim3A_72 = vector.broadcast %broadcast_in_dim3A_71 : f32 to vector<16xf32>
    %swap3A_73 = arith.constant 1 : i32
    %swap3A_74 = arith.index_cast %swap3A_73 : i32 to index
    %swap3A_75 = arith.constant 0 : index
    %swap3A_76 = tpu.vector_load %arg12[%swap3A_74, %swap3A_75] {strides = array<i32>} : memref<24x128xf32, #tpu.memory_space<vmem>>, vector<1x16xf32>,
    %swap3A_77 = vector.shape_cast %swap3A_76 : vector<1x16xf32> to vector<16xf32>
    %swap3A_78 = vector.shape_cast %broadcast_in_dim3A_72 : vector<16xf32> to vector<1x16xf32>
    tpu.vector_store %arg12[%swap3A_74, %swap3A_75], %swap3A_78 {strides = array<i32>} : memref<24x128xf32, #tpu.memory_space<vmem>>, vector<1x16xf32>,
    %broadcast_in_dim3A_79 = arith.constant 0.000000e+00 : f32
    %broadcast_in_dim3A_80 = vector.broadcast %broadcast_in_dim3A_79 : f32 to vector<16xf32>
    %swap3A_81 = arith.constant 1 : i32
    %swap3A_82 = arith.index_cast %swap3A_81 : i32 to index
    %swap3A_83 = arith.constant 16 : index
    %swap3A_84 = tpu.vector_load %arg12[%swap3A_82, %swap3A_83] {strides = array<i32>} : memref<24x128xf32, #tpu.memory_space<vmem>>, vector<1x16xf32>,
    %swap3A_85 = vector.shape_cast %swap3A_84 : vector<1x16xf32> to vector<16xf32>
    %swap3A_86 = vector.shape_cast %broadcast_in_dim3A_80 : vector<16xf32> to vector<1x16xf32>
    tpu.vector_store %arg12[%swap3A_82, %swap3A_83], %swap3A_86 {strides = array<i32>} : memref<24x128xf32, #tpu.memory_space<vmem>>, vector<1x16xf32>,
    %broadcast_in_dim3A_87 = arith.constant 0.000000e+00 : f32
    %broadcast_in_dim3A_88 = vector.broadcast %broadcast_in_dim3A_87 : f32 to vector<16xf32>
    %swap3A_89 = arith.constant 1 : i32
    %swap3A_90 = arith.index_cast %swap3A_89 : i32 to index
    %swap3A_91 = arith.constant 32 : index
    %swap3A_92 = tpu.vector_load %arg12[%swap3A_90, %swap3A_91] {strides = array<i32>} : memref<24x128xf32, #tpu.memory_space<vmem>>, vector<1x16xf32>,
    %swap3A_93 = vector.shape_cast %swap3A_92 : vector<1x16xf32> to vector<16xf32>
    %swap3A_94 = vector.shape_cast %broadcast_in_dim3A_88 : vector<16xf32> to vector<1x16xf32>
    tpu.vector_store %arg12[%swap3A_90, %swap3A_91], %swap3A_94 {strides = array<i32>} : memref<24x128xf32, #tpu.memory_space<vmem>>, vector<1x16xf32>,
    %broadcast_in_dim3A_95 = arith.constant 0.000000e+00 : f32
    %broadcast_in_dim3A_96 = vector.broadcast %broadcast_in_dim3A_95 : f32 to vector<16xf32>
    %swap3A_97 = arith.constant 1 : i32
    %swap3A_98 = arith.index_cast %swap3A_97 : i32 to index
    %swap3A_99 = arith.constant 48 : index
    %swap3A_100 = tpu.vector_load %arg12[%swap3A_98, %swap3A_99] {strides = array<i32>} : memref<24x128xf32, #tpu.memory_space<vmem>>, vector<1x16xf32>,
    %swap3A_101 = vector.shape_cast %swap3A_100 : vector<1x16xf32> to vector<16xf32>
    %swap3A_102 = vector.shape_cast %broadcast_in_dim3A_96 : vector<16xf32> to vector<1x16xf32>
    tpu.vector_store %arg12[%swap3A_98, %swap3A_99], %swap3A_102 {strides = array<i32>} : memref<24x128xf32, #tpu.memory_space<vmem>>, vector<1x16xf32>,
    %broadcast_in_dim3A_103 = arith.constant 0.000000e+00 : f32
    %broadcast_in_dim3A_104 = vector.broadcast %broadcast_in_dim3A_103 : f32 to vector<16xf32>
    %swap3A_105 = arith.constant 1 : i32
    %swap3A_106 = arith.index_cast %swap3A_105 : i32 to index
    %swap3A_107 = arith.constant 64 : index
    %swap3A_108 = tpu.vector_load %arg12[%swap3A_106, %swap3A_107] {strides = array<i32>} : memref<24x128xf32, #tpu.memory_space<vmem>>, vector<1x16xf32>,
    %swap3A_109 = vector.shape_cast %swap3A_108 : vector<1x16xf32> to vector<16xf32>
    %swap3A_110 = vector.shape_cast %broadcast_in_dim3A_104 : vector<16xf32> to vector<1x16xf32>
    tpu.vector_store %arg12[%swap3A_106, %swap3A_107], %swap3A_110 {strides = array<i32>} : memref<24x128xf32, #tpu.memory_space<vmem>>, vector<1x16xf32>,
    %broadcast_in_dim3A_111 = arith.constant 0.000000e+00 : f32
    %broadcast_in_dim3A_112 = vector.broadcast %broadcast_in_dim3A_111 : f32 to vector<16xf32>
    %swap3A_113 = arith.constant 1 : i32
    %swap3A_114 = arith.index_cast %swap3A_113 : i32 to index
    %swap3A_115 = arith.constant 80 : index
    %swap3A_116 = tpu.vector_load %arg12[%swap3A_114, %swap3A_115] {strides = array<i32>} : memref<24x128xf32, #tpu.memory_space<vmem>>, vector<1x16xf32>,
    %swap3A_117 = vector.shape_cast %swap3A_116 : vector<1x16xf32> to vector<16xf32>
    %swap3A_118 = vector.shape_cast %broadcast_in_dim3A_112 : vector<16xf32> to vector<1x16xf32>
    tpu.vector_store %arg12[%swap3A_114, %swap3A_115], %swap3A_118 {strides = array<i32>} : memref<24x128xf32, #tpu.memory_space<vmem>>, vector<1x16xf32>,
    %broadcast_in_dim3A_119 = arith.constant 0.000000e+00 : f32
    %broadcast_in_dim3A_120 = vector.broadcast %broadcast_in_dim3A_119 : f32 to vector<16xf32>
    %swap3A_121 = arith.constant 1 : i32
    %swap3A_122 = arith.index_cast %swap3A_121 : i32 to index
    %swap3A_123 = arith.constant 96 : index
    %swap3A_124 = tpu.vector_load %arg12[%swap3A_122, %swap3A_123] {strides = array<i32>} : memref<24x128xf32, #tpu.memory_space<vmem>>, vector<1x16xf32>,
    %swap3A_125 = vector.shape_cast %swap3A_124 : vector<1x16xf32> to vector<16xf32>
    %swap3A_126 = vector.shape_cast %broadcast_in_dim3A_120 : vector<16xf32> to vector<1x16xf32>
    tpu.vector_store %arg12[%swap3A_122, %swap3A_123], %swap3A_126 {strides = array<i32>} : memref<24x128xf32, #tpu.memory_space<vmem>>, vector<1x16xf32>,
    %broadcast_in_dim3A_127 = arith.constant 0.000000e+00 : f32
    %broadcast_in_dim3A_128 = vector.broadcast %broadcast_in_dim3A_127 : f32 to vector<16xf32>
    %swap3A_129 = arith.constant 1 : i32
    %swap3A_130 = arith.index_cast %swap3A_129 : i32 to index
    %swap3A_131 = arith.constant 112 : index
    %swap3A_132 = tpu.vector_load %arg12[%swap3A_130, %swap3A_131] {strides = array<i32>} : memref<24x128xf32, #tpu.memory_space<vmem>>, vector<1x16xf32>,
    %swap3A_133 = vector.shape_cast %swap3A_132 : vector<1x16xf32> to vector<16xf32>
    %swap3A_134 = vector.shape_cast %broadcast_in_dim3A_128 : vector<16xf32> to vector<1x16xf32>
    tpu.vector_store %arg12[%swap3A_130, %swap3A_131], %swap3A_134 {strides = array<i32>} : memref<24x128xf32, #tpu.memory_space<vmem>>, vector<1x16xf32>,
    %broadcast_in_dim3A_135 = arith.constant 0.000000e+00 : f32
    %broadcast_in_dim3A_136 = vector.broadcast %broadcast_in_dim3A_135 : f32 to vector<16xf32>
    %swap3A_137 = arith.constant 2 : i32
    %swap3A_138 = arith.index_cast %swap3A_137 : i32 to index
    %swap3A_139 = arith.constant 0 : index
    %swap3A_140 = tpu.vector_load %arg12[%swap3A_138, %swap3A_139] {strides = array<i32>} : memref<24x128xf32, #tpu.memory_space<vmem>>, vector<1x16xf32>,
    %swap3A_141 = vector.shape_cast %swap3A_140 : vector<1x16xf32> to vector<16xf32>
    %swap3A_142 = vector.shape_cast %broadcast_in_dim3A_136 : vector<16xf32> to vector<1x16xf32>
    tpu.vector_store %arg12[%swap3A_138, %swap3A_139], %swap3A_142 {strides = array<i32>} : memref<24x128xf32, #tpu.memory_space<vmem>>, vector<1x16xf32>,
    %broadcast_in_dim3A_143 = arith.constant 0.000000e+00 : f32
    %broadcast_in_dim3A_144 = vector.broadcast %broadcast_in_dim3A_143 : f32 to vector<16xf32>
    %swap3A_145 = arith.constant 2 : i32
    %swap3A_146 = arith.index_cast %swap3A_145 : i32 to index
    %swap3A_147 = arith.constant 16 : index
    %swap3A_148 = tpu.vector_load %arg12[%swap3A_146, %swap3A_147] {strides = array<i32>} : memref<24x128xf32, #tpu.memory_space<vmem>>, vector<1x16xf32>,
    %swap3A_149 = vector.shape_cast %swap3A_148 : vector<1x16xf32> to vector<16xf32>
    %swap3A_150 = vector.shape_cast %broadcast_in_dim3A_144 : vector<16xf32> to vector<1x16xf32>
    tpu.vector_store %arg12[%swap3A_146, %swap3A_147], %swap3A_150 {strides = array<i32>} : memref<24x128xf32, #tpu.memory_space<vmem>>, vector<1x16xf32>,
    %broadcast_in_dim3A_151 = arith.constant 0.000000e+00 : f32
    %broadcast_in_dim3A_152 = vector.broadcast %broadcast_in_dim3A_151 : f32 to vector<16xf32>
    %swap3A_153 = arith.constant 2 : i32
    %swap3A_154 = arith.index_cast %swap3A_153 : i32 to index
    %swap3A_155 = arith.constant 32 : index
    %swap3A_156 = tpu.vector_load %arg12[%swap3A_154, %swap3A_155] {strides = array<i32>} : memref<24x128xf32, #tpu.memory_space<vmem>>, vector<1x16xf32>,
    %swap3A_157 = vector.shape_cast %swap3A_156 : vector<1x16xf32> to vector<16xf32>
    %swap3A_158 = vector.shape_cast %broadcast_in_dim3A_152 : vector<16xf32> to vector<1x16xf32>
    tpu.vector_store %arg12[%swap3A_154, %swap3A_155], %swap3A_158 {strides = array<i32>} : memref<24x128xf32, #tpu.memory_space<vmem>>, vector<1x16xf32>,
    %broadcast_in_dim3A_159 = arith.constant 0.000000e+00 : f32
    %broadcast_in_dim3A_160 = vector.broadcast %broadcast_in_dim3A_159 : f32 to vector<16xf32>
    %swap3A_161 = arith.constant 2 : i32
    %swap3A_162 = arith.index_cast %swap3A_161 : i32 to index
    %swap3A_163 = arith.constant 48 : index
    %swap3A_164 = tpu.vector_load %arg12[%swap3A_162, %swap3A_163] {strides = array<i32>} : memref<24x128xf32, #tpu.memory_space<vmem>>, vector<1x16xf32>,
    %swap3A_165 = vector.shape_cast %swap3A_164 : vector<1x16xf32> to vector<16xf32>
    %swap3A_166 = vector.shape_cast %broadcast_in_dim3A_160 : vector<16xf32> to vector<1x16xf32>
    tpu.vector_store %arg12[%swap3A_162, %swap3A_163], %swap3A_166 {strides = array<i32>} : memref<24x128xf32, #tpu.memory_space<vmem>>, vector<1x16xf32>,
    %broadcast_in_dim3A_167 = arith.constant 0.000000e+00 : f32
    %broadcast_in_dim3A_168 = vector.broadcast %broadcast_in_dim3A_167 : f32 to vector<16xf32>
    %swap3A_169 = arith.constant 2 : i32
    %swap3A_170 = arith.index_cast %swap3A_169 : i32 to index
    %swap3A_171 = arith.constant 64 : index
    %swap3A_172 = tpu.vector_load %arg12[%swap3A_170, %swap3A_171] {strides = array<i32>} : memref<24x128xf32, #tpu.memory_space<vmem>>, vector<1x16xf32>,
    %swap3A_173 = vector.shape_cast %swap3A_172 : vector<1x16xf32> to vector<16xf32>
    %swap3A_174 = vector.shape_cast %broadcast_in_dim3A_168 : vector<16xf32> to vector<1x16xf32>
    tpu.vector_store %arg12[%swap3A_170, %swap3A_171], %swap3A_174 {strides = array<i32>} : memref<24x128xf32, #tpu.memory_space<vmem>>, vector<1x16xf32>,
    %broadcast_in_dim3A_175 = arith.constant 0.000000e+00 : f32
    %broadcast_in_dim3A_176 = vector.broadcast %broadcast_in_dim3A_175 : f32 to vector<16xf32>
    %swap3A_177 = arith.constant 2 : i32
    %swap3A_178 = arith.index_cast %swap3A_177 : i32 to index
    %swap3A_179 = arith.constant 80 : index
    %swap3A_180 = tpu.vector_load %arg12[%swap3A_178, %swap3A_179] {strides = array<i32>} : memref<24x128xf32, #tpu.memory_space<vmem>>, vector<1x16xf32>,
    %swap3A_181 = vector.shape_cast %swap3A_180 : vector<1x16xf32> to vector<16xf32>
    %swap3A_182 = vector.shape_cast %broadcast_in_dim3A_176 : vector<16xf32> to vector<1x16xf32>
    tpu.vector_store %arg12[%swap3A_178, %swap3A_179], %swap3A_182 {strides = array<i32>} : memref<24x128xf32, #tpu.memory_space<vmem>>, vector<1x16xf32>,
    %broadcast_in_dim3A_183 = arith.constant 0.000000e+00 : f32
    %broadcast_in_dim3A_184 = vector.broadcast %broadcast_in_dim3A_183 : f32 to vector<16xf32>
    %swap3A_185 = arith.constant 2 : i32
    %swap3A_186 = arith.index_cast %swap3A_185 : i32 to index
    %swap3A_187 = arith.constant 96 : index
    %swap3A_188 = tpu.vector_load %arg12[%swap3A_186, %swap3A_187] {strides = array<i32>} : memref<24x128xf32, #tpu.memory_space<vmem>>, vector<1x16xf32>,
    %swap3A_189 = vector.shape_cast %swap3A_188 : vector<1x16xf32> to vector<16xf32>
    %swap3A_190 = vector.shape_cast %broadcast_in_dim3A_184 : vector<16xf32> to vector<1x16xf32>
    tpu.vector_store %arg12[%swap3A_186, %swap3A_187], %swap3A_190 {strides = array<i32>} : memref<24x128xf32, #tpu.memory_space<vmem>>, vector<1x16xf32>,
    %broadcast_in_dim3A_191 = arith.constant 0.000000e+00 : f32
    %broadcast_in_dim3A_192 = vector.broadcast %broadcast_in_dim3A_191 : f32 to vector<16xf32>
    %swap3A_193 = arith.constant 2 : i32
    %swap3A_194 = arith.index_cast %swap3A_193 : i32 to index
    %swap3A_195 = arith.constant 112 : index
    %swap3A_196 = tpu.vector_load %arg12[%swap3A_194, %swap3A_195] {strides = array<i32>} : memref<24x128xf32, #tpu.memory_space<vmem>>, vector<1x16xf32>,
    %swap3A_197 = vector.shape_cast %swap3A_196 : vector<1x16xf32> to vector<16xf32>
    %swap3A_198 = vector.shape_cast %broadcast_in_dim3A_192 : vector<16xf32> to vector<1x16xf32>
    tpu.vector_store %arg12[%swap3A_194, %swap3A_195], %swap3A_198 {strides = array<i32>} : memref<24x128xf32, #tpu.memory_space<vmem>>, vector<1x16xf32>,
    %broadcast_in_dim3A_199 = arith.constant 0.000000e+00 : f32
    %broadcast_in_dim3A_200 = vector.broadcast %broadcast_in_dim3A_199 : f32 to vector<16xf32>
    %swap3A_201 = arith.constant 3 : i32
    %swap3A_202 = arith.index_cast %swap3A_201 : i32 to index
    %swap3A_203 = arith.constant 0 : index
    %swap3A_204 = tpu.vector_load %arg12[%swap3A_202, %swap3A_203] {strides = array<i32>} : memref<24x128xf32, #tpu.memory_space<vmem>>, vector<1x16xf32>,
    %swap3A_205 = vector.shape_cast %swap3A_204 : vector<1x16xf32> to vector<16xf32>
    %swap3A_206 = vector.shape_cast %broadcast_in_dim3A_200 : vector<16xf32> to vector<1x16xf32>
    tpu.vector_store %arg12[%swap3A_202, %swap3A_203], %swap3A_206 {strides = array<i32>} : memref<24x128xf32, #tpu.memory_space<vmem>>, vector<1x16xf32>,
    %broadcast_in_dim3A_207 = arith.constant 0.000000e+00 : f32
    %broadcast_in_dim3A_208 = vector.broadcast %broadcast_in_dim3A_207 : f32 to vector<16xf32>
    %swap3A_209 = arith.constant 3 : i32
    %swap3A_210 = arith.index_cast %swap3A_209 : i32 to index
    %swap3A_211 = arith.constant 16 : index
    %swap3A_212 = tpu.vector_load %arg12[%swap3A_210, %swap3A_211] {strides = array<i32>} : memref<24x128xf32, #tpu.memory_space<vmem>>, vector<1x16xf32>,
    %swap3A_213 = vector.shape_cast %swap3A_212 : vector<1x16xf32> to vector<16xf32>
    %swap3A_214 = vector.shape_cast %broadcast_in_dim3A_208 : vector<16xf32> to vector<1x16xf32>
    tpu.vector_store %arg12[%swap3A_210, %swap3A_211], %swap3A_214 {strides = array<i32>} : memref<24x128xf32, #tpu.memory_space<vmem>>, vector<1x16xf32>,
    %broadcast_in_dim3A_215 = arith.constant 0.000000e+00 : f32
    %broadcast_in_dim3A_216 = vector.broadcast %broadcast_in_dim3A_215 : f32 to vector<16xf32>
    %swap3A_217 = arith.constant 3 : i32
    %swap3A_218 = arith.index_cast %swap3A_217 : i32 to index
    %swap3A_219 = arith.constant 32 : index
    %swap3A_220 = tpu.vector_load %arg12[%swap3A_218, %swap3A_219] {strides = array<i32>} : memref<24x128xf32, #tpu.memory_space<vmem>>, vector<1x16xf32>,
    %swap3A_221 = vector.shape_cast %swap3A_220 : vector<1x16xf32> to vector<16xf32>
    %swap3A_222 = vector.shape_cast %broadcast_in_dim3A_216 : vector<16xf32> to vector<1x16xf32>
    tpu.vector_store %arg12[%swap3A_218, %swap3A_219], %swap3A_222 {strides = array<i32>} : memref<24x128xf32, #tpu.memory_space<vmem>>, vector<1x16xf32>,
    %broadcast_in_dim3A_223 = arith.constant 0.000000e+00 : f32
    %broadcast_in_dim3A_224 = vector.broadcast %broadcast_in_dim3A_223 : f32 to vector<16xf32>
    %swap3A_225 = arith.constant 3 : i32
    %swap3A_226 = arith.index_cast %swap3A_225 : i32 to index
    %swap3A_227 = arith.constant 48 : index
    %swap3A_228 = tpu.vector_load %arg12[%swap3A_226, %swap3A_227] {strides = array<i32>} : memref<24x128xf32, #tpu.memory_space<vmem>>, vector<1x16xf32>,
    %swap3A_229 = vector.shape_cast %swap3A_228 : vector<1x16xf32> to vector<16xf32>
    %swap3A_230 = vector.shape_cast %broadcast_in_dim3A_224 : vector<16xf32> to vector<1x16xf32>
    tpu.vector_store %arg12[%swap3A_226, %swap3A_227], %swap3A_230 {strides = array<i32>} : memref<24x128xf32, #tpu.memory_space<vmem>>, vector<1x16xf32>,
    %broadcast_in_dim3A_231 = arith.constant 0.000000e+00 : f32
    %broadcast_in_dim3A_232 = vector.broadcast %broadcast_in_dim3A_231 : f32 to vector<16xf32>
    %swap3A_233 = arith.constant 3 : i32
    %swap3A_234 = arith.index_cast %swap3A_233 : i32 to index
    %swap3A_235 = arith.constant 64 : index
    %swap3A_236 = tpu.vector_load %arg12[%swap3A_234, %swap3A_235] {strides = array<i32>} : memref<24x128xf32, #tpu.memory_space<vmem>>, vector<1x16xf32>,
    %swap3A_237 = vector.shape_cast %swap3A_236 : vector<1x16xf32> to vector<16xf32>
    %swap3A_238 = vector.shape_cast %broadcast_in_dim3A_232 : vector<16xf32> to vector<1x16xf32>
    tpu.vector_store %arg12[%swap3A_234, %swap3A_235], %swap3A_238 {strides = array<i32>} : memref<24x128xf32, #tpu.memory_space<vmem>>, vector<1x16xf32>,
    %broadcast_in_dim3A_239 = arith.constant 0.000000e+00 : f32
    %broadcast_in_dim3A_240 = vector.broadcast %broadcast_in_dim3A_239 : f32 to vector<16xf32>
    %swap3A_241 = arith.constant 3 : i32
    %swap3A_242 = arith.index_cast %swap3A_241 : i32 to index
    %swap3A_243 = arith.constant 80 : index
    %swap3A_244 = tpu.vector_load %arg12[%swap3A_242, %swap3A_243] {strides = array<i32>} : memref<24x128xf32, #tpu.memory_space<vmem>>, vector<1x16xf32>,
    %swap3A_245 = vector.shape_cast %swap3A_244 : vector<1x16xf32> to vector<16xf32>
    %swap3A_246 = vector.shape_cast %broadcast_in_dim3A_240 : vector<16xf32> to vector<1x16xf32>
    tpu.vector_store %arg12[%swap3A_242, %swap3A_243], %swap3A_246 {strides = array<i32>} : memref<24x128xf32, #tpu.memory_space<vmem>>, vector<1x16xf32>,
    %broadcast_in_dim3A_247 = arith.constant 0.000000e+00 : f32
    %broadcast_in_dim3A_248 = vector.broadcast %broadcast_in_dim3A_247 : f32 to vector<16xf32>
    %swap3A_249 = arith.constant 3 : i32
    %swap3A_250 = arith.index_cast %swap3A_249 : i32 to index
    %swap3A_251 = arith.constant 96 : index
    %swap3A_252 = tpu.vector_load %arg12[%swap3A_250, %swap3A_251] {strides = array<i32>} : memref<24x128xf32, #tpu.memory_space<vmem>>, vector<1x16xf32>,
    %swap3A_253 = vector.shape_cast %swap3A_252 : vector<1x16xf32> to vector<16xf32>
    %swap3A_254 = vector.shape_cast %broadcast_in_dim3A_248 : vector<16xf32> to vector<1x16xf32>
    tpu.vector_store %arg12[%swap3A_250, %swap3A_251], %swap3A_254 {strides = array<i32>} : memref<24x128xf32, #tpu.memory_space<vmem>>, vector<1x16xf32>,
    %broadcast_in_dim3A_255 = arith.constant 0.000000e+00 : f32
    %broadcast_in_dim3A_256 = vector.broadcast %broadcast_in_dim3A_255 : f32 to vector<16xf32>
    %swap3A_257 = arith.constant 3 : i32
    %swap3A_258 = arith.index_cast %swap3A_257 : i32 to index
    %swap3A_259 = arith.constant 112 : index
    %swap3A_260 = tpu.vector_load %arg12[%swap3A_258, %swap3A_259] {strides = array<i32>} : memref<24x128xf32, #tpu.memory_space<vmem>>, vector<1x16xf32>,
    %swap3A_261 = vector.shape_cast %swap3A_260 : vector<1x16xf32> to vector<16xf32>
    %swap3A_262 = vector.shape_cast %broadcast_in_dim3A_256 : vector<16xf32> to vector<1x16xf32>
    tpu.vector_store %arg12[%swap3A_258, %swap3A_259], %swap3A_262 {strides = array<i32>} : memref<24x128xf32, #tpu.memory_space<vmem>>, vector<1x16xf32>,
    %broadcast_in_dim3A_263 = arith.constant 0.000000e+00 : f32
    %broadcast_in_dim3A_264 = vector.broadcast %broadcast_in_dim3A_263 : f32 to vector<16xf32>
    %swap3A_265 = arith.constant 4 : i32
    %swap3A_266 = arith.index_cast %swap3A_265 : i32 to index
    %swap3A_267 = arith.constant 0 : index
    %swap3A_268 = tpu.vector_load %arg12[%swap3A_266, %swap3A_267] {strides = array<i32>} : memref<24x128xf32, #tpu.memory_space<vmem>>, vector<1x16xf32>,
    %swap3A_269 = vector.shape_cast %swap3A_268 : vector<1x16xf32> to vector<16xf32>
    %swap3A_270 = vector.shape_cast %broadcast_in_dim3A_264 : vector<16xf32> to vector<1x16xf32>
    tpu.vector_store %arg12[%swap3A_266, %swap3A_267], %swap3A_270 {strides = array<i32>} : memref<24x128xf32, #tpu.memory_space<vmem>>, vector<1x16xf32>,
    %broadcast_in_dim3A_271 = arith.constant 0.000000e+00 : f32
    %broadcast_in_dim3A_272 = vector.broadcast %broadcast_in_dim3A_271 : f32 to vector<16xf32>
    %swap3A_273 = arith.constant 4 : i32
    %swap3A_274 = arith.index_cast %swap3A_273 : i32 to index
    %swap3A_275 = arith.constant 16 : index
    %swap3A_276 = tpu.vector_load %arg12[%swap3A_274, %swap3A_275] {strides = array<i32>} : memref<24x128xf32, #tpu.memory_space<vmem>>, vector<1x16xf32>,
    %swap3A_277 = vector.shape_cast %swap3A_276 : vector<1x16xf32> to vector<16xf32>
    %swap3A_278 = vector.shape_cast %broadcast_in_dim3A_272 : vector<16xf32> to vector<1x16xf32>
    tpu.vector_store %arg12[%swap3A_274, %swap3A_275], %swap3A_278 {strides = array<i32>} : memref<24x128xf32, #tpu.memory_space<vmem>>, vector<1x16xf32>,
    %broadcast_in_dim3A_279 = arith.constant 0.000000e+00 : f32
    %broadcast_in_dim3A_280 = vector.broadcast %broadcast_in_dim3A_279 : f32 to vector<16xf32>
    %swap3A_281 = arith.constant 4 : i32
    %swap3A_282 = arith.index_cast %swap3A_281 : i32 to index
    %swap3A_283 = arith.constant 32 : index
    %swap3A_284 = tpu.vector_load %arg12[%swap3A_282, %swap3A_283] {strides = array<i32>} : memref<24x128xf32, #tpu.memory_space<vmem>>, vector<1x16xf32>,
    %swap3A_285 = vector.shape_cast %swap3A_284 : vector<1x16xf32> to vector<16xf32>
    %swap3A_286 = vector.shape_cast %broadcast_in_dim3A_280 : vector<16xf32> to vector<1x16xf32>
    tpu.vector_store %arg12[%swap3A_282, %swap3A_283], %swap3A_286 {strides = array<i32>} : memref<24x128xf32, #tpu.memory_space<vmem>>, vector<1x16xf32>,
    %broadcast_in_dim3A_287 = arith.constant 0.000000e+00 : f32
    %broadcast_in_dim3A_288 = vector.broadcast %broadcast_in_dim3A_287 : f32 to vector<16xf32>
    %swap3A_289 = arith.constant 4 : i32
    %swap3A_290 = arith.index_cast %swap3A_289 : i32 to index
    %swap3A_291 = arith.constant 48 : index
    %swap3A_292 = tpu.vector_load %arg12[%swap3A_290, %swap3A_291] {strides = array<i32>} : memref<24x128xf32, #tpu.memory_space<vmem>>, vector<1x16xf32>,
    %swap3A_293 = vector.shape_cast %swap3A_292 : vector<1x16xf32> to vector<16xf32>
    %swap3A_294 = vector.shape_cast %broadcast_in_dim3A_288 : vector<16xf32> to vector<1x16xf32>
    tpu.vector_store %arg12[%swap3A_290, %swap3A_291], %swap3A_294 {strides = array<i32>} : memref<24x128xf32, #tpu.memory_space<vmem>>, vector<1x16xf32>,
    %broadcast_in_dim3A_295 = arith.constant 0.000000e+00 : f32
    %broadcast_in_dim3A_296 = vector.broadcast %broadcast_in_dim3A_295 : f32 to vector<16xf32>
    %swap3A_297 = arith.constant 4 : i32
    %swap3A_298 = arith.index_cast %swap3A_297 : i32 to index
    %swap3A_299 = arith.constant 64 : index
    %swap3A_300 = tpu.vector_load %arg12[%swap3A_298, %swap3A_299] {strides = array<i32>} : memref<24x128xf32, #tpu.memory_space<vmem>>, vector<1x16xf32>,
    %swap3A_301 = vector.shape_cast %swap3A_300 : vector<1x16xf32> to vector<16xf32>
    %swap3A_302 = vector.shape_cast %broadcast_in_dim3A_296 : vector<16xf32> to vector<1x16xf32>
    tpu.vector_store %arg12[%swap3A_298, %swap3A_299], %swap3A_302 {strides = array<i32>} : memref<24x128xf32, #tpu.memory_space<vmem>>, vector<1x16xf32>,
    %broadcast_in_dim3A_303 = arith.constant 0.000000e+00 : f32
    %broadcast_in_dim3A_304 = vector.broadcast %broadcast_in_dim3A_303 : f32 to vector<16xf32>
    %swap3A_305 = arith.constant 4 : i32
    %swap3A_306 = arith.index_cast %swap3A_305 : i32 to index
    %swap3A_307 = arith.constant 80 : index
    %swap3A_308 = tpu.vector_load %arg12[%swap3A_306, %swap3A_307] {strides = array<i32>} : memref<24x128xf32, #tpu.memory_space<vmem>>, vector<1x16xf32>,
    %swap3A_309 = vector.shape_cast %swap3A_308 : vector<1x16xf32> to vector<16xf32>
    %swap3A_310 = vector.shape_cast %broadcast_in_dim3A_304 : vector<16xf32> to vector<1x16xf32>
    tpu.vector_store %arg12[%swap3A_306, %swap3A_307], %swap3A_310 {strides = array<i32>} : memref<24x128xf32, #tpu.memory_space<vmem>>, vector<1x16xf32>,
    %broadcast_in_dim3A_311 = arith.constant 0.000000e+00 : f32
    %broadcast_in_dim3A_312 = vector.broadcast %broadcast_in_dim3A_311 : f32 to vector<16xf32>
    %swap3A_313 = arith.constant 4 : i32
    %swap3A_314 = arith.index_cast %swap3A_313 : i32 to index
    %swap3A_315 = arith.constant 96 : index
    %swap3A_316 = tpu.vector_load %arg12[%swap3A_314, %swap3A_315] {strides = array<i32>} : memref<24x128xf32, #tpu.memory_space<vmem>>, vector<1x16xf32>,
    %swap3A_317 = vector.shape_cast %swap3A_316 : vector<1x16xf32> to vector<16xf32>
    %swap3A_318 = vector.shape_cast %broadcast_in_dim3A_312 : vector<16xf32> to vector<1x16xf32>
    tpu.vector_store %arg12[%swap3A_314, %swap3A_315], %swap3A_318 {strides = array<i32>} : memref<24x128xf32, #tpu.memory_space<vmem>>, vector<1x16xf32>,
    %broadcast_in_dim3A_319 = arith.constant 0.000000e+00 : f32
    %broadcast_in_dim3A_320 = vector.broadcast %broadcast_in_dim3A_319 : f32 to vector<16xf32>
    %swap3A_321 = arith.constant 4 : i32
    %swap3A_322 = arith.index_cast %swap3A_321 : i32 to index
    %swap3A_323 = arith.constant 112 : index
    %swap3A_324 = tpu.vector_load %arg12[%swap3A_322, %swap3A_323] {strides = array<i32>} : memref<24x128xf32, #tpu.memory_space<vmem>>, vector<1x16xf32>,
    %swap3A_325 = vector.shape_cast %swap3A_324 : vector<1x16xf32> to vector<16xf32>
    %swap3A_326 = vector.shape_cast %broadcast_in_dim3A_320 : vector<16xf32> to vector<1x16xf32>
    tpu.vector_store %arg12[%swap3A_322, %swap3A_323], %swap3A_326 {strides = array<i32>} : memref<24x128xf32, #tpu.memory_space<vmem>>, vector<1x16xf32>,
    %broadcast_in_dim3A_327 = arith.constant 0.000000e+00 : f32
    %broadcast_in_dim3A_328 = vector.broadcast %broadcast_in_dim3A_327 : f32 to vector<16xf32>
    %swap3A_329 = arith.constant 5 : i32
    %swap3A_330 = arith.index_cast %swap3A_329 : i32 to index
    %swap3A_331 = arith.constant 0 : index
    %swap3A_332 = tpu.vector_load %arg12[%swap3A_330, %swap3A_331] {strides = array<i32>} : memref<24x128xf32, #tpu.memory_space<vmem>>, vector<1x16xf32>,
    %swap3A_333 = vector.shape_cast %swap3A_332 : vector<1x16xf32> to vector<16xf32>
    %swap3A_334 = vector.shape_cast %broadcast_in_dim3A_328 : vector<16xf32> to vector<1x16xf32>
    tpu.vector_store %arg12[%swap3A_330, %swap3A_331], %swap3A_334 {strides = array<i32>} : memref<24x128xf32, #tpu.memory_space<vmem>>, vector<1x16xf32>,
    %broadcast_in_dim3A_335 = arith.constant 0.000000e+00 : f32
    %broadcast_in_dim3A_336 = vector.broadcast %broadcast_in_dim3A_335 : f32 to vector<16xf32>
    %swap3A_337 = arith.constant 5 : i32
    %swap3A_338 = arith.index_cast %swap3A_337 : i32 to index
    %swap3A_339 = arith.constant 16 : index
    %swap3A_340 = tpu.vector_load %arg12[%swap3A_338, %swap3A_339] {strides = array<i32>} : memref<24x128xf32, #tpu.memory_space<vmem>>, vector<1x16xf32>,
    %swap3A_341 = vector.shape_cast %swap3A_340 : vector<1x16xf32> to vector<16xf32>
    %swap3A_342 = vector.shape_cast %broadcast_in_dim3A_336 : vector<16xf32> to vector<1x16xf32>
    tpu.vector_store %arg12[%swap3A_338, %swap3A_339], %swap3A_342 {strides = array<i32>} : memref<24x128xf32, #tpu.memory_space<vmem>>, vector<1x16xf32>,
    %broadcast_in_dim3A_343 = arith.constant 0.000000e+00 : f32
    %broadcast_in_dim3A_344 = vector.broadcast %broadcast_in_dim3A_343 : f32 to vector<16xf32>
    %swap3A_345 = arith.constant 5 : i32
    %swap3A_346 = arith.index_cast %swap3A_345 : i32 to index
    %swap3A_347 = arith.constant 32 : index
    %swap3A_348 = tpu.vector_load %arg12[%swap3A_346, %swap3A_347] {strides = array<i32>} : memref<24x128xf32, #tpu.memory_space<vmem>>, vector<1x16xf32>,
    %swap3A_349 = vector.shape_cast %swap3A_348 : vector<1x16xf32> to vector<16xf32>
    %swap3A_350 = vector.shape_cast %broadcast_in_dim3A_344 : vector<16xf32> to vector<1x16xf32>
    tpu.vector_store %arg12[%swap3A_346, %swap3A_347], %swap3A_350 {strides = array<i32>} : memref<24x128xf32, #tpu.memory_space<vmem>>, vector<1x16xf32>,
    %broadcast_in_dim3A_351 = arith.constant 0.000000e+00 : f32
    %broadcast_in_dim3A_352 = vector.broadcast %broadcast_in_dim3A_351 : f32 to vector<16xf32>
    %swap3A_353 = arith.constant 5 : i32
    %swap3A_354 = arith.index_cast %swap3A_353 : i32 to index
    %swap3A_355 = arith.constant 48 : index
    %swap3A_356 = tpu.vector_load %arg12[%swap3A_354, %swap3A_355] {strides = array<i32>} : memref<24x128xf32, #tpu.memory_space<vmem>>, vector<1x16xf32>,
    %swap3A_357 = vector.shape_cast %swap3A_356 : vector<1x16xf32> to vector<16xf32>
    %swap3A_358 = vector.shape_cast %broadcast_in_dim3A_352 : vector<16xf32> to vector<1x16xf32>
    tpu.vector_store %arg12[%swap3A_354, %swap3A_355], %swap3A_358 {strides = array<i32>} : memref<24x128xf32, #tpu.memory_space<vmem>>, vector<1x16xf32>,
    %broadcast_in_dim3A_359 = arith.constant 0.000000e+00 : f32
    %broadcast_in_dim3A_360 = vector.broadcast %broadcast_in_dim3A_359 : f32 to vector<16xf32>
    %swap3A_361 = arith.constant 5 : i32
    %swap3A_362 = arith.index_cast %swap3A_361 : i32 to index
    %swap3A_363 = arith.constant 64 : index
    %swap3A_364 = tpu.vector_load %arg12[%swap3A_362, %swap3A_363] {strides = array<i32>} : memref<24x128xf32, #tpu.memory_space<vmem>>, vector<1x16xf32>,
    %swap3A_365 = vector.shape_cast %swap3A_364 : vector<1x16xf32> to vector<16xf32>
    %swap3A_366 = vector.shape_cast %broadcast_in_dim3A_360 : vector<16xf32> to vector<1x16xf32>
    tpu.vector_store %arg12[%swap3A_362, %swap3A_363], %swap3A_366 {strides = array<i32>} : memref<24x128xf32, #tpu.memory_space<vmem>>, vector<1x16xf32>,
    %broadcast_in_dim3A_367 = arith.constant 0.000000e+00 : f32
    %broadcast_in_dim3A_368 = vector.broadcast %broadcast_in_dim3A_367 : f32 to vector<16xf32>
    %swap3A_369 = arith.constant 5 : i32
    %swap3A_370 = arith.index_cast %swap3A_369 : i32 to index
    %swap3A_371 = arith.constant 80 : index
    %swap3A_372 = tpu.vector_load %arg12[%swap3A_370, %swap3A_371] {strides = array<i32>} : memref<24x128xf32, #tpu.memory_space<vmem>>, vector<1x16xf32>,
    %swap3A_373 = vector.shape_cast %swap3A_372 : vector<1x16xf32> to vector<16xf32>
    %swap3A_374 = vector.shape_cast %broadcast_in_dim3A_368 : vector<16xf32> to vector<1x16xf32>
    tpu.vector_store %arg12[%swap3A_370, %swap3A_371], %swap3A_374 {strides = array<i32>} : memref<24x128xf32, #tpu.memory_space<vmem>>, vector<1x16xf32>,
    %broadcast_in_dim3A_375 = arith.constant 0.000000e+00 : f32
    %broadcast_in_dim3A_376 = vector.broadcast %broadcast_in_dim3A_375 : f32 to vector<16xf32>
    %swap3A_377 = arith.constant 5 : i32
    %swap3A_378 = arith.index_cast %swap3A_377 : i32 to index
    %swap3A_379 = arith.constant 96 : index
    %swap3A_380 = tpu.vector_load %arg12[%swap3A_378, %swap3A_379] {strides = array<i32>} : memref<24x128xf32, #tpu.memory_space<vmem>>, vector<1x16xf32>,
    %swap3A_381 = vector.shape_cast %swap3A_380 : vector<1x16xf32> to vector<16xf32>
    %swap3A_382 = vector.shape_cast %broadcast_in_dim3A_376 : vector<16xf32> to vector<1x16xf32>
    tpu.vector_store %arg12[%swap3A_378, %swap3A_379], %swap3A_382 {strides = array<i32>} : memref<24x128xf32, #tpu.memory_space<vmem>>, vector<1x16xf32>,
    %broadcast_in_dim3A_383 = arith.constant 0.000000e+00 : f32
    %broadcast_in_dim3A_384 = vector.broadcast %broadcast_in_dim3A_383 : f32 to vector<16xf32>
    %swap3A_385 = arith.constant 5 : i32
    %swap3A_386 = arith.index_cast %swap3A_385 : i32 to index
    %swap3A_387 = arith.constant 112 : index
    %swap3A_388 = tpu.vector_load %arg12[%swap3A_386, %swap3A_387] {strides = array<i32>} : memref<24x128xf32, #tpu.memory_space<vmem>>, vector<1x16xf32>,
    %swap3A_389 = vector.shape_cast %swap3A_388 : vector<1x16xf32> to vector<16xf32>
    %swap3A_390 = vector.shape_cast %broadcast_in_dim3A_384 : vector<16xf32> to vector<1x16xf32>
    tpu.vector_store %arg12[%swap3A_386, %swap3A_387], %swap3A_390 {strides = array<i32>} : memref<24x128xf32, #tpu.memory_space<vmem>>, vector<1x16xf32>,
    %broadcast_in_dim3A_391 = arith.constant 0.000000e+00 : f32
    %broadcast_in_dim3A_392 = vector.broadcast %broadcast_in_dim3A_391 : f32 to vector<16xf32>
    %swap3A_393 = arith.constant 6 : i32
    %swap3A_394 = arith.index_cast %swap3A_393 : i32 to index
    %swap3A_395 = arith.constant 0 : index
    %swap3A_396 = tpu.vector_load %arg12[%swap3A_394, %swap3A_395] {strides = array<i32>} : memref<24x128xf32, #tpu.memory_space<vmem>>, vector<1x16xf32>,
    %swap3A_397 = vector.shape_cast %swap3A_396 : vector<1x16xf32> to vector<16xf32>
    %swap3A_398 = vector.shape_cast %broadcast_in_dim3A_392 : vector<16xf32> to vector<1x16xf32>
    tpu.vector_store %arg12[%swap3A_394, %swap3A_395], %swap3A_398 {strides = array<i32>} : memref<24x128xf32, #tpu.memory_space<vmem>>, vector<1x16xf32>,
    %broadcast_in_dim3A_399 = arith.constant 0.000000e+00 : f32
    %broadcast_in_dim3A_400 = vector.broadcast %broadcast_in_dim3A_399 : f32 to vector<16xf32>
    %swap3A_401 = arith.constant 6 : i32
    %swap3A_402 = arith.index_cast %swap3A_401 : i32 to index
    %swap3A_403 = arith.constant 16 : index
    %swap3A_404 = tpu.vector_load %arg12[%swap3A_402, %swap3A_403] {strides = array<i32>} : memref<24x128xf32, #tpu.memory_space<vmem>>, vector<1x16xf32>,
    %swap3A_405 = vector.shape_cast %swap3A_404 : vector<1x16xf32> to vector<16xf32>
    %swap3A_406 = vector.shape_cast %broadcast_in_dim3A_400 : vector<16xf32> to vector<1x16xf32>
    tpu.vector_store %arg12[%swap3A_402, %swap3A_403], %swap3A_406 {strides = array<i32>} : memref<24x128xf32, #tpu.memory_space<vmem>>, vector<1x16xf32>,
    %broadcast_in_dim3A_407 = arith.constant 0.000000e+00 : f32
    %broadcast_in_dim3A_408 = vector.broadcast %broadcast_in_dim3A_407 : f32 to vector<16xf32>
    %swap3A_409 = arith.constant 6 : i32
    %swap3A_410 = arith.index_cast %swap3A_409 : i32 to index
    %swap3A_411 = arith.constant 32 : index
    %swap3A_412 = tpu.vector_load %arg12[%swap3A_410, %swap3A_411] {strides = array<i32>} : memref<24x128xf32, #tpu.memory_space<vmem>>, vector<1x16xf32>,
    %swap3A_413 = vector.shape_cast %swap3A_412 : vector<1x16xf32> to vector<16xf32>
    %swap3A_414 = vector.shape_cast %broadcast_in_dim3A_408 : vector<16xf32> to vector<1x16xf32>
    tpu.vector_store %arg12[%swap3A_410, %swap3A_411], %swap3A_414 {strides = array<i32>} : memref<24x128xf32, #tpu.memory_space<vmem>>, vector<1x16xf32>,
    %broadcast_in_dim3A_415 = arith.constant 0.000000e+00 : f32
    %broadcast_in_dim3A_416 = vector.broadcast %broadcast_in_dim3A_415 : f32 to vector<16xf32>
    %swap3A_417 = arith.constant 6 : i32
    %swap3A_418 = arith.index_cast %swap3A_417 : i32 to index
    %swap3A_419 = arith.constant 48 : index
    %swap3A_420 = tpu.vector_load %arg12[%swap3A_418, %swap3A_419] {strides = array<i32>} : memref<24x128xf32, #tpu.memory_space<vmem>>, vector<1x16xf32>,
    %swap3A_421 = vector.shape_cast %swap3A_420 : vector<1x16xf32> to vector<16xf32>
    %swap3A_422 = vector.shape_cast %broadcast_in_dim3A_416 : vector<16xf32> to vector<1x16xf32>
    tpu.vector_store %arg12[%swap3A_418, %swap3A_419], %swap3A_422 {strides = array<i32>} : memref<24x128xf32, #tpu.memory_space<vmem>>, vector<1x16xf32>,
    %broadcast_in_dim3A_423 = arith.constant 0.000000e+00 : f32
    %broadcast_in_dim3A_424 = vector.broadcast %broadcast_in_dim3A_423 : f32 to vector<16xf32>
    %swap3A_425 = arith.constant 6 : i32
    %swap3A_426 = arith.index_cast %swap3A_425 : i32 to index
    %swap3A_427 = arith.constant 64 : index
    %swap3A_428 = tpu.vector_load %arg12[%swap3A_426, %swap3A_427] {strides = array<i32>} : memref<24x128xf32, #tpu.memory_space<vmem>>, vector<1x16xf32>,
    %swap3A_429 = vector.shape_cast %swap3A_428 : vector<1x16xf32> to vector<16xf32>
    %swap3A_430 = vector.shape_cast %broadcast_in_dim3A_424 : vector<16xf32> to vector<1x16xf32>
    tpu.vector_store %arg12[%swap3A_426, %swap3A_427], %swap3A_430 {strides = array<i32>} : memref<24x128xf32, #tpu.memory_space<vmem>>, vector<1x16xf32>,
    %broadcast_in_dim3A_431 = arith.constant 0.000000e+00 : f32
    %broadcast_in_dim3A_432 = vector.broadcast %broadcast_in_dim3A_431 : f32 to vector<16xf32>
    %swap3A_433 = arith.constant 6 : i32
    %swap3A_434 = arith.index_cast %swap3A_433 : i32 to index
    %swap3A_435 = arith.constant 80 : index
    %swap3A_436 = tpu.vector_load %arg12[%swap3A_434, %swap3A_435] {strides = array<i32>} : memref<24x128xf32, #tpu.memory_space<vmem>>, vector<1x16xf32>,
    %swap3A_437 = vector.shape_cast %swap3A_436 : vector<1x16xf32> to vector<16xf32>
    %swap3A_438 = vector.shape_cast %broadcast_in_dim3A_432 : vector<16xf32> to vector<1x16xf32>
    tpu.vector_store %arg12[%swap3A_434, %swap3A_435], %swap3A_438 {strides = array<i32>} : memref<24x128xf32, #tpu.memory_space<vmem>>, vector<1x16xf32>,
    %broadcast_in_dim3A_439 = arith.constant 0.000000e+00 : f32
    %broadcast_in_dim3A_440 = vector.broadcast %broadcast_in_dim3A_439 : f32 to vector<16xf32>
    %swap3A_441 = arith.constant 6 : i32
    %swap3A_442 = arith.index_cast %swap3A_441 : i32 to index
    %swap3A_443 = arith.constant 96 : index
    %swap3A_444 = tpu.vector_load %arg12[%swap3A_442, %swap3A_443] {strides = array<i32>} : memref<24x128xf32, #tpu.memory_space<vmem>>, vector<1x16xf32>,
    %swap3A_445 = vector.shape_cast %swap3A_444 : vector<1x16xf32> to vector<16xf32>
    %swap3A_446 = vector.shape_cast %broadcast_in_dim3A_440 : vector<16xf32> to vector<1x16xf32>
    tpu.vector_store %arg12[%swap3A_442, %swap3A_443], %swap3A_446 {strides = array<i32>} : memref<24x128xf32, #tpu.memory_space<vmem>>, vector<1x16xf32>,
    %broadcast_in_dim3A_447 = arith.constant 0.000000e+00 : f32
    %broadcast_in_dim3A_448 = vector.broadcast %broadcast_in_dim3A_447 : f32 to vector<16xf32>
    %swap3A_449 = arith.constant 6 : i32
    %swap3A_450 = arith.index_cast %swap3A_449 : i32 to index
    %swap3A_451 = arith.constant 112 : index
    %swap3A_452 = tpu.vector_load %arg12[%swap3A_450, %swap3A_451] {strides = array<i32>} : memref<24x128xf32, #tpu.memory_space<vmem>>, vector<1x16xf32>,
    %swap3A_453 = vector.shape_cast %swap3A_452 : vector<1x16xf32> to vector<16xf32>
    %swap3A_454 = vector.shape_cast %broadcast_in_dim3A_448 : vector<16xf32> to vector<1x16xf32>
    tpu.vector_store %arg12[%swap3A_450, %swap3A_451], %swap3A_454 {strides = array<i32>} : memref<24x128xf32, #tpu.memory_space<vmem>>, vector<1x16xf32>,
    %broadcast_in_dim3A_455 = arith.constant 0.000000e+00 : f32
    %broadcast_in_dim3A_456 = vector.broadcast %broadcast_in_dim3A_455 : f32 to vector<16xf32>
    %swap3A_457 = arith.constant 7 : i32
    %swap3A_458 = arith.index_cast %swap3A_457 : i32 to index
    %swap3A_459 = arith.constant 0 : index
    %swap3A_460 = tpu.vector_load %arg12[%swap3A_458, %swap3A_459] {strides = array<i32>} : memref<24x128xf32, #tpu.memory_space<vmem>>, vector<1x16xf32>,
    %swap3A_461 = vector.shape_cast %swap3A_460 : vector<1x16xf32> to vector<16xf32>
    %swap3A_462 = vector.shape_cast %broadcast_in_dim3A_456 : vector<16xf32> to vector<1x16xf32>
    tpu.vector_store %arg12[%swap3A_458, %swap3A_459], %swap3A_462 {strides = array<i32>} : memref<24x128xf32, #tpu.memory_space<vmem>>, vector<1x16xf32>,
    %broadcast_in_dim3A_463 = arith.constant 0.000000e+00 : f32
    %broadcast_in_dim3A_464 = vector.broadcast %broadcast_in_dim3A_463 : f32 to vector<16xf32>
    %swap3A_465 = arith.constant 7 : i32
    %swap3A_466 = arith.index_cast %swap3A_465 : i32 to index
    %swap3A_467 = arith.constant 16 : index
    %swap3A_468 = tpu.vector_load %arg12[%swap3A_466, %swap3A_467] {strides = array<i32>} : memref<24x128xf32, #tpu.memory_space<vmem>>, vector<1x16xf32>,
    %swap3A_469 = vector.shape_cast %swap3A_468 : vector<1x16xf32> to vector<16xf32>
    %swap3A_470 = vector.shape_cast %broadcast_in_dim3A_464 : vector<16xf32> to vector<1x16xf32>
    tpu.vector_store %arg12[%swap3A_466, %swap3A_467], %swap3A_470 {strides = array<i32>} : memref<24x128xf32, #tpu.memory_space<vmem>>, vector<1x16xf32>,
    %broadcast_in_dim3A_471 = arith.constant 0.000000e+00 : f32
    %broadcast_in_dim3A_472 = vector.broadcast %broadcast_in_dim3A_471 : f32 to vector<16xf32>
    %swap3A_473 = arith.constant 7 : i32
    %swap3A_474 = arith.index_cast %swap3A_473 : i32 to index
    %swap3A_475 = arith.constant 32 : index
    %swap3A_476 = tpu.vector_load %arg12[%swap3A_474, %swap3A_475] {strides = array<i32>} : memref<24x128xf32, #tpu.memory_space<vmem>>, vector<1x16xf32>,
    %swap3A_477 = vector.shape_cast %swap3A_476 : vector<1x16xf32> to vector<16xf32>
    %swap3A_478 = vector.shape_cast %broadcast_in_dim3A_472 : vector<16xf32> to vector<1x16xf32>
    tpu.vector_store %arg12[%swap3A_474, %swap3A_475], %swap3A_478 {strides = array<i32>} : memref<24x128xf32, #tpu.memory_space<vmem>>, vector<1x16xf32>,
    %broadcast_in_dim3A_479 = arith.constant 0.000000e+00 : f32
    %broadcast_in_dim3A_480 = vector.broadcast %broadcast_in_dim3A_479 : f32 to vector<16xf32>
    %swap3A_481 = arith.constant 7 : i32
    %swap3A_482 = arith.index_cast %swap3A_481 : i32 to index
    %swap3A_483 = arith.constant 48 : index
    %swap3A_484 = tpu.vector_load %arg12[%swap3A_482, %swap3A_483] {strides = array<i32>} : memref<24x128xf32, #tpu.memory_space<vmem>>, vector<1x16xf32>,
    %swap3A_485 = vector.shape_cast %swap3A_484 : vector<1x16xf32> to vector<16xf32>
    %swap3A_486 = vector.shape_cast %broadcast_in_dim3A_480 : vector<16xf32> to vector<1x16xf32>
    tpu.vector_store %arg12[%swap3A_482, %swap3A_483], %swap3A_486 {strides = array<i32>} : memref<24x128xf32, #tpu.memory_space<vmem>>, vector<1x16xf32>,
    %broadcast_in_dim3A_487 = arith.constant 0.000000e+00 : f32
    %broadcast_in_dim3A_488 = vector.broadcast %broadcast_in_dim3A_487 : f32 to vector<16xf32>
    %swap3A_489 = arith.constant 7 : i32
    %swap3A_490 = arith.index_cast %swap3A_489 : i32 to index
    %swap3A_491 = arith.constant 64 : index
    %swap3A_492 = tpu.vector_load %arg12[%swap3A_490, %swap3A_491] {strides = array<i32>} : memref<24x128xf32, #tpu.memory_space<vmem>>, vector<1x16xf32>,
    %swap3A_493 = vector.shape_cast %swap3A_492 : vector<1x16xf32> to vector<16xf32>
    %swap3A_494 = vector.shape_cast %broadcast_in_dim3A_488 : vector<16xf32> to vector<1x16xf32>
    tpu.vector_store %arg12[%swap3A_490, %swap3A_491], %swap3A_494 {strides = array<i32>} : memref<24x128xf32, #tpu.memory_space<vmem>>, vector<1x16xf32>,
    %broadcast_in_dim3A_495 = arith.constant 0.000000e+00 : f32
    %broadcast_in_dim3A_496 = vector.broadcast %broadcast_in_dim3A_495 : f32 to vector<16xf32>
    %swap3A_497 = arith.constant 7 : i32
    %swap3A_498 = arith.index_cast %swap3A_497 : i32 to index
    %swap3A_499 = arith.constant 80 : index
    %swap3A_500 = tpu.vector_load %arg12[%swap3A_498, %swap3A_499] {strides = array<i32>} : memref<24x128xf32, #tpu.memory_space<vmem>>, vector<1x16xf32>,
    %swap3A_501 = vector.shape_cast %swap3A_500 : vector<1x16xf32> to vector<16xf32>
    %swap3A_502 = vector.shape_cast %broadcast_in_dim3A_496 : vector<16xf32> to vector<1x16xf32>
    tpu.vector_store %arg12[%swap3A_498, %swap3A_499], %swap3A_502 {strides = array<i32>} : memref<24x128xf32, #tpu.memory_space<vmem>>, vector<1x16xf32>,
    %broadcast_in_dim3A_503 = arith.constant 0.000000e+00 : f32
    %broadcast_in_dim3A_504 = vector.broadcast %broadcast_in_dim3A_503 : f32 to vector<16xf32>
    %swap3A_505 = arith.constant 7 : i32
    %swap3A_506 = arith.index_cast %swap3A_505 : i32 to index
    %swap3A_507 = arith.constant 96 : index
    %swap3A_508 = tpu.vector_load %arg12[%swap3A_506, %swap3A_507] {strides = array<i32>} : memref<24x128xf32, #tpu.memory_space<vmem>>, vector<1x16xf32>,
    %swap3A_509 = vector.shape_cast %swap3A_508 : vector<1x16xf32> to vector<16xf32>
    %swap3A_510 = vector.shape_cast %broadcast_in_dim3A_504 : vector<16xf32> to vector<1x16xf32>
    tpu.vector_store %arg12[%swap3A_506, %swap3A_507], %swap3A_510 {strides = array<i32>} : memref<24x128xf32, #tpu.memory_space<vmem>>, vector<1x16xf32>,
    %broadcast_in_dim3A_511 = arith.constant 0.000000e+00 : f32
    %broadcast_in_dim3A_512 = vector.broadcast %broadcast_in_dim3A_511 : f32 to vector<16xf32>
    %swap3A_513 = arith.constant 7 : i32
    %swap3A_514 = arith.index_cast %swap3A_513 : i32 to index
    %swap3A_515 = arith.constant 112 : index
    %swap3A_516 = tpu.vector_load %arg12[%swap3A_514, %swap3A_515] {strides = array<i32>} : memref<24x128xf32, #tpu.memory_space<vmem>>, vector<1x16xf32>,
    %swap3A_517 = vector.shape_cast %swap3A_516 : vector<1x16xf32> to vector<16xf32>
    %swap3A_518 = vector.shape_cast %broadcast_in_dim3A_512 : vector<16xf32> to vector<1x16xf32>
    tpu.vector_store %arg12[%swap3A_514, %swap3A_515], %swap3A_518 {strides = array<i32>} : memref<24x128xf32, #tpu.memory_space<vmem>>, vector<1x16xf32>,
    %broadcast_in_dim3A_519 = arith.constant 0.000000e+00 : f32
    %broadcast_in_dim3A_520 = vector.broadcast %broadcast_in_dim3A_519 : f32 to vector<16xf32>
    %swap3A_521 = arith.constant 8 : i32
    %swap3A_522 = arith.index_cast %swap3A_521 : i32 to index
    %swap3A_523 = arith.constant 0 : index
    %swap3A_524 = tpu.vector_load %arg12[%swap3A_522, %swap3A_523] {strides = array<i32>} : memref<24x128xf32, #tpu.memory_space<vmem>>, vector<1x16xf32>,
    %swap3A_525 = vector.shape_cast %swap3A_524 : vector<1x16xf32> to vector<16xf32>
    %swap3A_526 = vector.shape_cast %broadcast_in_dim3A_520 : vector<16xf32> to vector<1x16xf32>
    tpu.vector_store %arg12[%swap3A_522, %swap3A_523], %swap3A_526 {strides = array<i32>} : memref<24x128xf32, #tpu.memory_space<vmem>>, vector<1x16xf32>,
    %broadcast_in_dim3A_527 = arith.constant 0.000000e+00 : f32
    %broadcast_in_dim3A_528 = vector.broadcast %broadcast_in_dim3A_527 : f32 to vector<16xf32>
    %swap3A_529 = arith.constant 8 : i32
    %swap3A_530 = arith.index_cast %swap3A_529 : i32 to index
    %swap3A_531 = arith.constant 16 : index
    %swap3A_532 = tpu.vector_load %arg12[%swap3A_530, %swap3A_531] {strides = array<i32>} : memref<24x128xf32, #tpu.memory_space<vmem>>, vector<1x16xf32>,
    %swap3A_533 = vector.shape_cast %swap3A_532 : vector<1x16xf32> to vector<16xf32>
    %swap3A_534 = vector.shape_cast %broadcast_in_dim3A_528 : vector<16xf32> to vector<1x16xf32>
    tpu.vector_store %arg12[%swap3A_530, %swap3A_531], %swap3A_534 {strides = array<i32>} : memref<24x128xf32, #tpu.memory_space<vmem>>, vector<1x16xf32>,
    %broadcast_in_dim3A_535 = arith.constant 0.000000e+00 : f32
    %broadcast_in_dim3A_536 = vector.broadcast %broadcast_in_dim3A_535 : f32 to vector<16xf32>
    %swap3A_537 = arith.constant 8 : i32
    %swap3A_538 = arith.index_cast %swap3A_537 : i32 to index
    %swap3A_539 = arith.constant 32 : index
    %swap3A_540 = tpu.vector_load %arg12[%swap3A_538, %swap3A_539] {strides = array<i32>} : memref<24x128xf32, #tpu.memory_space<vmem>>, vector<1x16xf32>,
    %swap3A_541 = vector.shape_cast %swap3A_540 : vector<1x16xf32> to vector<16xf32>
    %swap3A_542 = vector.shape_cast %broadcast_in_dim3A_536 : vector<16xf32> to vector<1x16xf32>
    tpu.vector_store %arg12[%swap3A_538, %swap3A_539], %swap3A_542 {strides = array<i32>} : memref<24x128xf32, #tpu.memory_space<vmem>>, vector<1x16xf32>,
    %broadcast_in_dim3A_543 = arith.constant 0.000000e+00 : f32
    %broadcast_in_dim3A_544 = vector.broadcast %broadcast_in_dim3A_543 : f32 to vector<16xf32>
    %swap3A_545 = arith.constant 8 : i32
    %swap3A_546 = arith.index_cast %swap3A_545 : i32 to index
    %swap3A_547 = arith.constant 48 : index
    %swap3A_548 = tpu.vector_load %arg12[%swap3A_546, %swap3A_547] {strides = array<i32>} : memref<24x128xf32, #tpu.memory_space<vmem>>, vector<1x16xf32>,
    %swap3A_549 = vector.shape_cast %swap3A_548 : vector<1x16xf32> to vector<16xf32>
    %swap3A_550 = vector.shape_cast %broadcast_in_dim3A_544 : vector<16xf32> to vector<1x16xf32>
    tpu.vector_store %arg12[%swap3A_546, %swap3A_547], %swap3A_550 {strides = array<i32>} : memref<24x128xf32, #tpu.memory_space<vmem>>, vector<1x16xf32>,
    %broadcast_in_dim3A_551 = arith.constant 0.000000e+00 : f32
    %broadcast_in_dim3A_552 = vector.broadcast %broadcast_in_dim3A_551 : f32 to vector<16xf32>
    %swap3A_553 = arith.constant 8 : i32
    %swap3A_554 = arith.index_cast %swap3A_553 : i32 to index
    %swap3A_555 = arith.constant 64 : index
    %swap3A_556 = tpu.vector_load %arg12[%swap3A_554, %swap3A_555] {strides = array<i32>} : memref<24x128xf32, #tpu.memory_space<vmem>>, vector<1x16xf32>,
    %swap3A_557 = vector.shape_cast %swap3A_556 : vector<1x16xf32> to vector<16xf32>
    %swap3A_558 = vector.shape_cast %broadcast_in_dim3A_552 : vector<16xf32> to vector<1x16xf32>
    tpu.vector_store %arg12[%swap3A_554, %swap3A_555], %swap3A_558 {strides = array<i32>} : memref<24x128xf32, #tpu.memory_space<vmem>>, vector<1x16xf32>,
    %broadcast_in_dim3A_559 = arith.constant 0.000000e+00 : f32
    %broadcast_in_dim3A_560 = vector.broadcast %broadcast_in_dim3A_559 : f32 to vector<16xf32>
    %swap3A_561 = arith.constant 8 : i32
    %swap3A_562 = arith.index_cast %swap3A_561 : i32 to index
    %swap3A_563 = arith.constant 80 : index
    %swap3A_564 = tpu.vector_load %arg12[%swap3A_562, %swap3A_563] {strides = array<i32>} : memref<24x128xf32, #tpu.memory_space<vmem>>, vector<1x16xf32>,
    %swap3A_565 = vector.shape_cast %swap3A_564 : vector<1x16xf32> to vector<16xf32>
    %swap3A_566 = vector.shape_cast %broadcast_in_dim3A_560 : vector<16xf32> to vector<1x16xf32>
    tpu.vector_store %arg12[%swap3A_562, %swap3A_563], %swap3A_566 {strides = array<i32>} : memref<24x128xf32, #tpu.memory_space<vmem>>, vector<1x16xf32>,
    %broadcast_in_dim3A_567 = arith.constant 0.000000e+00 : f32
    %broadcast_in_dim3A_568 = vector.broadcast %broadcast_in_dim3A_567 : f32 to vector<16xf32>
    %swap3A_569 = arith.constant 8 : i32
    %swap3A_570 = arith.index_cast %swap3A_569 : i32 to index
    %swap3A_571 = arith.constant 96 : index
    %swap3A_572 = tpu.vector_load %arg12[%swap3A_570, %swap3A_571] {strides = array<i32>} : memref<24x128xf32, #tpu.memory_space<vmem>>, vector<1x16xf32>,
    %swap3A_573 = vector.shape_cast %swap3A_572 : vector<1x16xf32> to vector<16xf32>
    %swap3A_574 = vector.shape_cast %broadcast_in_dim3A_568 : vector<16xf32> to vector<1x16xf32>
    tpu.vector_store %arg12[%swap3A_570, %swap3A_571], %swap3A_574 {strides = array<i32>} : memref<24x128xf32, #tpu.memory_space<vmem>>, vector<1x16xf32>,
    %broadcast_in_dim3A_575 = arith.constant 0.000000e+00 : f32
    %broadcast_in_dim3A_576 = vector.broadcast %broadcast_in_dim3A_575 : f32 to vector<16xf32>
    %swap3A_577 = arith.constant 8 : i32
    %swap3A_578 = arith.index_cast %swap3A_577 : i32 to index
    %swap3A_579 = arith.constant 112 : index
    %swap3A_580 = tpu.vector_load %arg12[%swap3A_578, %swap3A_579] {strides = array<i32>} : memref<24x128xf32, #tpu.memory_space<vmem>>, vector<1x16xf32>,
    %swap3A_581 = vector.shape_cast %swap3A_580 : vector<1x16xf32> to vector<16xf32>
    %swap3A_582 = vector.shape_cast %broadcast_in_dim3A_576 : vector<16xf32> to vector<1x16xf32>
    tpu.vector_store %arg12[%swap3A_578, %swap3A_579], %swap3A_582 {strides = array<i32>} : memref<24x128xf32, #tpu.memory_space<vmem>>, vector<1x16xf32>,
    %broadcast_in_dim3A_583 = arith.constant 0.000000e+00 : f32
    %broadcast_in_dim3A_584 = vector.broadcast %broadcast_in_dim3A_583 : f32 to vector<16xf32>
    %swap3A_585 = arith.constant 9 : i32
    %swap3A_586 = arith.index_cast %swap3A_585 : i32 to index
    %swap3A_587 = arith.constant 0 : index
    %swap3A_588 = tpu.vector_load %arg12[%swap3A_586, %swap3A_587] {strides = array<i32>} : memref<24x128xf32, #tpu.memory_space<vmem>>, vector<1x16xf32>,
    %swap3A_589 = vector.shape_cast %swap3A_588 : vector<1x16xf32> to vector<16xf32>
    %swap3A_590 = vector.shape_cast %broadcast_in_dim3A_584 : vector<16xf32> to vector<1x16xf32>
    tpu.vector_store %arg12[%swap3A_586, %swap3A_587], %swap3A_590 {strides = array<i32>} : memref<24x128xf32, #tpu.memory_space<vmem>>, vector<1x16xf32>,
    %broadcast_in_dim3A_591 = arith.constant 0.000000e+00 : f32
    %broadcast_in_dim3A_592 = vector.broadcast %broadcast_in_dim3A_591 : f32 to vector<16xf32>
    %swap3A_593 = arith.constant 9 : i32
    %swap3A_594 = arith.index_cast %swap3A_593 : i32 to index
    %swap3A_595 = arith.constant 16 : index
    %swap3A_596 = tpu.vector_load %arg12[%swap3A_594, %swap3A_595] {strides = array<i32>} : memref<24x128xf32, #tpu.memory_space<vmem>>, vector<1x16xf32>,
    %swap3A_597 = vector.shape_cast %swap3A_596 : vector<1x16xf32> to vector<16xf32>
    %swap3A_598 = vector.shape_cast %broadcast_in_dim3A_592 : vector<16xf32> to vector<1x16xf32>
    tpu.vector_store %arg12[%swap3A_594, %swap3A_595], %swap3A_598 {strides = array<i32>} : memref<24x128xf32, #tpu.memory_space<vmem>>, vector<1x16xf32>,
    %broadcast_in_dim3A_599 = arith.constant 0.000000e+00 : f32
    %broadcast_in_dim3A_600 = vector.broadcast %broadcast_in_dim3A_599 : f32 to vector<16xf32>
    %swap3A_601 = arith.constant 9 : i32
    %swap3A_602 = arith.index_cast %swap3A_601 : i32 to index
    %swap3A_603 = arith.constant 32 : index
    %swap3A_604 = tpu.vector_load %arg12[%swap3A_602, %swap3A_603] {strides = array<i32>} : memref<24x128xf32, #tpu.memory_space<vmem>>, vector<1x16xf32>,
    %swap3A_605 = vector.shape_cast %swap3A_604 : vector<1x16xf32> to vector<16xf32>
    %swap3A_606 = vector.shape_cast %broadcast_in_dim3A_600 : vector<16xf32> to vector<1x16xf32>
    tpu.vector_store %arg12[%swap3A_602, %swap3A_603], %swap3A_606 {strides = array<i32>} : memref<24x128xf32, #tpu.memory_space<vmem>>, vector<1x16xf32>,
    %broadcast_in_dim3A_607 = arith.constant 0.000000e+00 : f32
    %broadcast_in_dim3A_608 = vector.broadcast %broadcast_in_dim3A_607 : f32 to vector<16xf32>
    %swap3A_609 = arith.constant 9 : i32
    %swap3A_610 = arith.index_cast %swap3A_609 : i32 to index
    %swap3A_611 = arith.constant 48 : index
    %swap3A_612 = tpu.vector_load %arg12[%swap3A_610, %swap3A_611] {strides = array<i32>} : memref<24x128xf32, #tpu.memory_space<vmem>>, vector<1x16xf32>,
    %swap3A_613 = vector.shape_cast %swap3A_612 : vector<1x16xf32> to vector<16xf32>
    %swap3A_614 = vector.shape_cast %broadcast_in_dim3A_608 : vector<16xf32> to vector<1x16xf32>
    tpu.vector_store %arg12[%swap3A_610, %swap3A_611], %swap3A_614 {strides = array<i32>} : memref<24x128xf32, #tpu.memory_space<vmem>>, vector<1x16xf32>,
    %broadcast_in_dim3A_615 = arith.constant 0.000000e+00 : f32
    %broadcast_in_dim3A_616 = vector.broadcast %broadcast_in_dim3A_615 : f32 to vector<16xf32>
    %swap3A_617 = arith.constant 9 : i32
    %swap3A_618 = arith.index_cast %swap3A_617 : i32 to index
    %swap3A_619 = arith.constant 64 : index
    %swap3A_620 = tpu.vector_load %arg12[%swap3A_618, %swap3A_619] {strides = array<i32>} : memref<24x128xf32, #tpu.memory_space<vmem>>, vector<1x16xf32>,
    %swap3A_621 = vector.shape_cast %swap3A_620 : vector<1x16xf32> to vector<16xf32>
    %swap3A_622 = vector.shape_cast %broadcast_in_dim3A_616 : vector<16xf32> to vector<1x16xf32>
    tpu.vector_store %arg12[%swap3A_618, %swap3A_619], %swap3A_622 {strides = array<i32>} : memref<24x128xf32, #tpu.memory_space<vmem>>, vector<1x16xf32>,
    %broadcast_in_dim3A_623 = arith.constant 0.000000e+00 : f32
    %broadcast_in_dim3A_624 = vector.broadcast %broadcast_in_dim3A_623 : f32 to vector<16xf32>
    %swap3A_625 = arith.constant 9 : i32
    %swap3A_626 = arith.index_cast %swap3A_625 : i32 to index
    %swap3A_627 = arith.constant 80 : index
    %swap3A_628 = tpu.vector_load %arg12[%swap3A_626, %swap3A_627] {strides = array<i32>} : memref<24x128xf32, #tpu.memory_space<vmem>>, vector<1x16xf32>,
    %swap3A_629 = vector.shape_cast %swap3A_628 : vector<1x16xf32> to vector<16xf32>
    %swap3A_630 = vector.shape_cast %broadcast_in_dim3A_624 : vector<16xf32> to vector<1x16xf32>
    tpu.vector_store %arg12[%swap3A_626, %swap3A_627], %swap3A_630 {strides = array<i32>} : memref<24x128xf32, #tpu.memory_space<vmem>>, vector<1x16xf32>,
    %broadcast_in_dim3A_631 = arith.constant 0.000000e+00 : f32
    %broadcast_in_dim3A_632 = vector.broadcast %broadcast_in_dim3A_631 : f32 to vector<16xf32>
    %swap3A_633 = arith.constant 9 : i32
    %swap3A_634 = arith.index_cast %swap3A_633 : i32 to index
    %swap3A_635 = arith.constant 96 : index
    %swap3A_636 = tpu.vector_load %arg12[%swap3A_634, %swap3A_635] {strides = array<i32>} : memref<24x128xf32, #tpu.memory_space<vmem>>, vector<1x16xf32>,
    %swap3A_637 = vector.shape_cast %swap3A_636 : vector<1x16xf32> to vector<16xf32>
    %swap3A_638 = vector.shape_cast %broadcast_in_dim3A_632 : vector<16xf32> to vector<1x16xf32>
    tpu.vector_store %arg12[%swap3A_634, %swap3A_635], %swap3A_638 {strides = array<i32>} : memref<24x128xf32, #tpu.memory_space<vmem>>, vector<1x16xf32>,
    %broadcast_in_dim3A_639 = arith.constant 0.000000e+00 : f32
    %broadcast_in_dim3A_640 = vector.broadcast %broadcast_in_dim3A_639 : f32 to vector<16xf32>
    %swap3A_641 = arith.constant 9 : i32
    %swap3A_642 = arith.index_cast %swap3A_641 : i32 to index
    %swap3A_643 = arith.constant 112 : index
    %swap3A_644 = tpu.vector_load %arg12[%swap3A_642, %swap3A_643] {strides = array<i32>} : memref<24x128xf32, #tpu.memory_space<vmem>>, vector<1x16xf32>,
    %swap3A_645 = vector.shape_cast %swap3A_644 : vector<1x16xf32> to vector<16xf32>
    %swap3A_646 = vector.shape_cast %broadcast_in_dim3A_640 : vector<16xf32> to vector<1x16xf32>
    tpu.vector_store %arg12[%swap3A_642, %swap3A_643], %swap3A_646 {strides = array<i32>} : memref<24x128xf32, #tpu.memory_space<vmem>>, vector<1x16xf32>,
    %broadcast_in_dim3A_647 = arith.constant 0.000000e+00 : f32
    %broadcast_in_dim3A_648 = vector.broadcast %broadcast_in_dim3A_647 : f32 to vector<16xf32>
    %swap3A_649 = arith.constant 10 : i32
    %swap3A_650 = arith.index_cast %swap3A_649 : i32 to index
    %swap3A_651 = arith.constant 0 : index
    %swap3A_652 = tpu.vector_load %arg12[%swap3A_650, %swap3A_651] {strides = array<i32>} : memref<24x128xf32, #tpu.memory_space<vmem>>, vector<1x16xf32>,
    %swap3A_653 = vector.shape_cast %swap3A_652 : vector<1x16xf32> to vector<16xf32>
    %swap3A_654 = vector.shape_cast %broadcast_in_dim3A_648 : vector<16xf32> to vector<1x16xf32>
    tpu.vector_store %arg12[%swap3A_650, %swap3A_651], %swap3A_654 {strides = array<i32>} : memref<24x128xf32, #tpu.memory_space<vmem>>, vector<1x16xf32>,
    %broadcast_in_dim3A_655 = arith.constant 0.000000e+00 : f32
    %broadcast_in_dim3A_656 = vector.broadcast %broadcast_in_dim3A_655 : f32 to vector<16xf32>
    %swap3A_657 = arith.constant 10 : i32
    %swap3A_658 = arith.index_cast %swap3A_657 : i32 to index
    %swap3A_659 = arith.constant 16 : index
    %swap3A_660 = tpu.vector_load %arg12[%swap3A_658, %swap3A_659] {strides = array<i32>} : memref<24x128xf32, #tpu.memory_space<vmem>>, vector<1x16xf32>,
    %swap3A_661 = vector.shape_cast %swap3A_660 : vector<1x16xf32> to vector<16xf32>
    %swap3A_662 = vector.shape_cast %broadcast_in_dim3A_656 : vector<16xf32> to vector<1x16xf32>
    tpu.vector_store %arg12[%swap3A_658, %swap3A_659], %swap3A_662 {strides = array<i32>} : memref<24x128xf32, #tpu.memory_space<vmem>>, vector<1x16xf32>,
    %broadcast_in_dim3A_663 = arith.constant 0.000000e+00 : f32
    %broadcast_in_dim3A_664 = vector.broadcast %broadcast_in_dim3A_663 : f32 to vector<16xf32>
    %swap3A_665 = arith.constant 10 : i32
    %swap3A_666 = arith.index_cast %swap3A_665 : i32 to index
    %swap3A_667 = arith.constant 32 : index
    %swap3A_668 = tpu.vector_load %arg12[%swap3A_666, %swap3A_667] {strides = array<i32>} : memref<24x128xf32, #tpu.memory_space<vmem>>, vector<1x16xf32>,
    %swap3A_669 = vector.shape_cast %swap3A_668 : vector<1x16xf32> to vector<16xf32>
    %swap3A_670 = vector.shape_cast %broadcast_in_dim3A_664 : vector<16xf32> to vector<1x16xf32>
    tpu.vector_store %arg12[%swap3A_666, %swap3A_667], %swap3A_670 {strides = array<i32>} : memref<24x128xf32, #tpu.memory_space<vmem>>, vector<1x16xf32>,
    %broadcast_in_dim3A_671 = arith.constant 0.000000e+00 : f32
    %broadcast_in_dim3A_672 = vector.broadcast %broadcast_in_dim3A_671 : f32 to vector<16xf32>
    %swap3A_673 = arith.constant 10 : i32
    %swap3A_674 = arith.index_cast %swap3A_673 : i32 to index
    %swap3A_675 = arith.constant 48 : index
    %swap3A_676 = tpu.vector_load %arg12[%swap3A_674, %swap3A_675] {strides = array<i32>} : memref<24x128xf32, #tpu.memory_space<vmem>>, vector<1x16xf32>,
    %swap3A_677 = vector.shape_cast %swap3A_676 : vector<1x16xf32> to vector<16xf32>
    %swap3A_678 = vector.shape_cast %broadcast_in_dim3A_672 : vector<16xf32> to vector<1x16xf32>
    tpu.vector_store %arg12[%swap3A_674, %swap3A_675], %swap3A_678 {strides = array<i32>} : memref<24x128xf32, #tpu.memory_space<vmem>>, vector<1x16xf32>,
    %broadcast_in_dim3A_679 = arith.constant 0.000000e+00 : f32
    %broadcast_in_dim3A_680 = vector.broadcast %broadcast_in_dim3A_679 : f32 to vector<16xf32>
    %swap3A_681 = arith.constant 10 : i32
    %swap3A_682 = arith.index_cast %swap3A_681 : i32 to index
    %swap3A_683 = arith.constant 64 : index
    %swap3A_684 = tpu.vector_load %arg12[%swap3A_682, %swap3A_683] {strides = array<i32>} : memref<24x128xf32, #tpu.memory_space<vmem>>, vector<1x16xf32>,
    %swap3A_685 = vector.shape_cast %swap3A_684 : vector<1x16xf32> to vector<16xf32>
    %swap3A_686 = vector.shape_cast %broadcast_in_dim3A_680 : vector<16xf32> to vector<1x16xf32>
    tpu.vector_store %arg12[%swap3A_682, %swap3A_683], %swap3A_686 {strides = array<i32>} : memref<24x128xf32, #tpu.memory_space<vmem>>, vector<1x16xf32>,
    %broadcast_in_dim3A_687 = arith.constant 0.000000e+00 : f32
    %broadcast_in_dim3A_688 = vector.broadcast %broadcast_in_dim3A_687 : f32 to vector<16xf32>
    %swap3A_689 = arith.constant 10 : i32
    %swap3A_690 = arith.index_cast %swap3A_689 : i32 to index
    %swap3A_691 = arith.constant 80 : index
    %swap3A_692 = tpu.vector_load %arg12[%swap3A_690, %swap3A_691] {strides = array<i32>} : memref<24x128xf32, #tpu.memory_space<vmem>>, vector<1x16xf32>,
    %swap3A_693 = vector.shape_cast %swap3A_692 : vector<1x16xf32> to vector<16xf32>
    %swap3A_694 = vector.shape_cast %broadcast_in_dim3A_688 : vector<16xf32> to vector<1x16xf32>
    tpu.vector_store %arg12[%swap3A_690, %swap3A_691], %swap3A_694 {strides = array<i32>} : memref<24x128xf32, #tpu.memory_space<vmem>>, vector<1x16xf32>,
    %broadcast_in_dim3A_695 = arith.constant 0.000000e+00 : f32
    %broadcast_in_dim3A_696 = vector.broadcast %broadcast_in_dim3A_695 : f32 to vector<16xf32>
    %swap3A_697 = arith.constant 10 : i32
    %swap3A_698 = arith.index_cast %swap3A_697 : i32 to index
    %swap3A_699 = arith.constant 96 : index
    %swap3A_700 = tpu.vector_load %arg12[%swap3A_698, %swap3A_699] {strides = array<i32>} : memref<24x128xf32, #tpu.memory_space<vmem>>, vector<1x16xf32>,
    %swap3A_701 = vector.shape_cast %swap3A_700 : vector<1x16xf32> to vector<16xf32>
    %swap3A_702 = vector.shape_cast %broadcast_in_dim3A_696 : vector<16xf32> to vector<1x16xf32>
    tpu.vector_store %arg12[%swap3A_698, %swap3A_699], %swap3A_702 {strides = array<i32>} : memref<24x128xf32, #tpu.memory_space<vmem>>, vector<1x16xf32>,
    %broadcast_in_dim3A_703 = arith.constant 0.000000e+00 : f32
    %broadcast_in_dim3A_704 = vector.broadcast %broadcast_in_dim3A_703 : f32 to vector<16xf32>
    %swap3A_705 = arith.constant 10 : i32
    %swap3A_706 = arith.index_cast %swap3A_705 : i32 to index
    %swap3A_707 = arith.constant 112 : index
    %swap3A_708 = tpu.vector_load %arg12[%swap3A_706, %swap3A_707] {strides = array<i32>} : memref<24x128xf32, #tpu.memory_space<vmem>>, vector<1x16xf32>,
    %swap3A_709 = vector.shape_cast %swap3A_708 : vector<1x16xf32> to vector<16xf32>
    %swap3A_710 = vector.shape_cast %broadcast_in_dim3A_704 : vector<16xf32> to vector<1x16xf32>
    tpu.vector_store %arg12[%swap3A_706, %swap3A_707], %swap3A_710 {strides = array<i32>} : memref<24x128xf32, #tpu.memory_space<vmem>>, vector<1x16xf32>,
    %broadcast_in_dim3A_711 = arith.constant 0.000000e+00 : f32
    %broadcast_in_dim3A_712 = vector.broadcast %broadcast_in_dim3A_711 : f32 to vector<16xf32>
    %swap3A_713 = arith.constant 11 : i32
    %swap3A_714 = arith.index_cast %swap3A_713 : i32 to index
    %swap3A_715 = arith.constant 0 : index
    %swap3A_716 = tpu.vector_load %arg12[%swap3A_714, %swap3A_715] {strides = array<i32>} : memref<24x128xf32, #tpu.memory_space<vmem>>, vector<1x16xf32>,
    %swap3A_717 = vector.shape_cast %swap3A_716 : vector<1x16xf32> to vector<16xf32>
    %swap3A_718 = vector.shape_cast %broadcast_in_dim3A_712 : vector<16xf32> to vector<1x16xf32>
    tpu.vector_store %arg12[%swap3A_714, %swap3A_715], %swap3A_718 {strides = array<i32>} : memref<24x128xf32, #tpu.memory_space<vmem>>, vector<1x16xf32>,
    %broadcast_in_dim3A_719 = arith.constant 0.000000e+00 : f32
    %broadcast_in_dim3A_720 = vector.broadcast %broadcast_in_dim3A_719 : f32 to vector<16xf32>
    %swap3A_721 = arith.constant 11 : i32
    %swap3A_722 = arith.index_cast %swap3A_721 : i32 to index
    %swap3A_723 = arith.constant 16 : index
    %swap3A_724 = tpu.vector_load %arg12[%swap3A_722, %swap3A_723] {strides = array<i32>} : memref<24x128xf32, #tpu.memory_space<vmem>>, vector<1x16xf32>,
    %swap3A_725 = vector.shape_cast %swap3A_724 : vector<1x16xf32> to vector<16xf32>
    %swap3A_726 = vector.shape_cast %broadcast_in_dim3A_720 : vector<16xf32> to vector<1x16xf32>
    tpu.vector_store %arg12[%swap3A_722, %swap3A_723], %swap3A_726 {strides = array<i32>} : memref<24x128xf32, #tpu.memory_space<vmem>>, vector<1x16xf32>,
    %broadcast_in_dim3A_727 = arith.constant 0.000000e+00 : f32
    %broadcast_in_dim3A_728 = vector.broadcast %broadcast_in_dim3A_727 : f32 to vector<16xf32>
    %swap3A_729 = arith.constant 11 : i32
    %swap3A_730 = arith.index_cast %swap3A_729 : i32 to index
    %swap3A_731 = arith.constant 32 : index
    %swap3A_732 = tpu.vector_load %arg12[%swap3A_730, %swap3A_731] {strides = array<i32>} : memref<24x128xf32, #tpu.memory_space<vmem>>, vector<1x16xf32>,
    %swap3A_733 = vector.shape_cast %swap3A_732 : vector<1x16xf32> to vector<16xf32>
    %swap3A_734 = vector.shape_cast %broadcast_in_dim3A_728 : vector<16xf32> to vector<1x16xf32>
    tpu.vector_store %arg12[%swap3A_730, %swap3A_731], %swap3A_734 {strides = array<i32>} : memref<24x128xf32, #tpu.memory_space<vmem>>, vector<1x16xf32>,
    %broadcast_in_dim3A_735 = arith.constant 0.000000e+00 : f32
    %broadcast_in_dim3A_736 = vector.broadcast %broadcast_in_dim3A_735 : f32 to vector<16xf32>
    %swap3A_737 = arith.constant 11 : i32
    %swap3A_738 = arith.index_cast %swap3A_737 : i32 to index
    %swap3A_739 = arith.constant 48 : index
    %swap3A_740 = tpu.vector_load %arg12[%swap3A_738, %swap3A_739] {strides = array<i32>} : memref<24x128xf32, #tpu.memory_space<vmem>>, vector<1x16xf32>,
    %swap3A_741 = vector.shape_cast %swap3A_740 : vector<1x16xf32> to vector<16xf32>
    %swap3A_742 = vector.shape_cast %broadcast_in_dim3A_736 : vector<16xf32> to vector<1x16xf32>
    tpu.vector_store %arg12[%swap3A_738, %swap3A_739], %swap3A_742 {strides = array<i32>} : memref<24x128xf32, #tpu.memory_space<vmem>>, vector<1x16xf32>,
    %broadcast_in_dim3A_743 = arith.constant 0.000000e+00 : f32
    %broadcast_in_dim3A_744 = vector.broadcast %broadcast_in_dim3A_743 : f32 to vector<16xf32>
    %swap3A_745 = arith.constant 11 : i32
    %swap3A_746 = arith.index_cast %swap3A_745 : i32 to index
    %swap3A_747 = arith.constant 64 : index
    %swap3A_748 = tpu.vector_load %arg12[%swap3A_746, %swap3A_747] {strides = array<i32>} : memref<24x128xf32, #tpu.memory_space<vmem>>, vector<1x16xf32>,
    %swap3A_749 = vector.shape_cast %swap3A_748 : vector<1x16xf32> to vector<16xf32>
    %swap3A_750 = vector.shape_cast %broadcast_in_dim3A_744 : vector<16xf32> to vector<1x16xf32>
    tpu.vector_store %arg12[%swap3A_746, %swap3A_747], %swap3A_750 {strides = array<i32>} : memref<24x128xf32, #tpu.memory_space<vmem>>, vector<1x16xf32>,
    %broadcast_in_dim3A_751 = arith.constant 0.000000e+00 : f32
    %broadcast_in_dim3A_752 = vector.broadcast %broadcast_in_dim3A_751 : f32 to vector<16xf32>
    %swap3A_753 = arith.constant 11 : i32
    %swap3A_754 = arith.index_cast %swap3A_753 : i32 to index
    %swap3A_755 = arith.constant 80 : index
    %swap3A_756 = tpu.vector_load %arg12[%swap3A_754, %swap3A_755] {strides = array<i32>} : memref<24x128xf32, #tpu.memory_space<vmem>>, vector<1x16xf32>,
    %swap3A_757 = vector.shape_cast %swap3A_756 : vector<1x16xf32> to vector<16xf32>
    %swap3A_758 = vector.shape_cast %broadcast_in_dim3A_752 : vector<16xf32> to vector<1x16xf32>
    tpu.vector_store %arg12[%swap3A_754, %swap3A_755], %swap3A_758 {strides = array<i32>} : memref<24x128xf32, #tpu.memory_space<vmem>>, vector<1x16xf32>,
    %broadcast_in_dim3A_759 = arith.constant 0.000000e+00 : f32
    %broadcast_in_dim3A_760 = vector.broadcast %broadcast_in_dim3A_759 : f32 to vector<16xf32>
    %swap3A_761 = arith.constant 11 : i32
    %swap3A_762 = arith.index_cast %swap3A_761 : i32 to index
    %swap3A_763 = arith.constant 96 : index
    %swap3A_764 = tpu.vector_load %arg12[%swap3A_762, %swap3A_763] {strides = array<i32>} : memref<24x128xf32, #tpu.memory_space<vmem>>, vector<1x16xf32>,
    %swap3A_765 = vector.shape_cast %swap3A_764 : vector<1x16xf32> to vector<16xf32>
    %swap3A_766 = vector.shape_cast %broadcast_in_dim3A_760 : vector<16xf32> to vector<1x16xf32>
    tpu.vector_store %arg12[%swap3A_762, %swap3A_763], %swap3A_766 {strides = array<i32>} : memref<24x128xf32, #tpu.memory_space<vmem>>, vector<1x16xf32>,
    %broadcast_in_dim3A_767 = arith.constant 0.000000e+00 : f32
    %broadcast_in_dim3A_768 = vector.broadcast %broadcast_in_dim3A_767 : f32 to vector<16xf32>
    %swap3A_769 = arith.constant 11 : i32
    %swap3A_770 = arith.index_cast %swap3A_769 : i32 to index
    %swap3A_771 = arith.constant 112 : index
    %swap3A_772 = tpu.vector_load %arg12[%swap3A_770, %swap3A_771] {strides = array<i32>} : memref<24x128xf32, #tpu.memory_space<vmem>>, vector<1x16xf32>,
    %swap3A_773 = vector.shape_cast %swap3A_772 : vector<1x16xf32> to vector<16xf32>
    %swap3A_774 = vector.shape_cast %broadcast_in_dim3A_768 : vector<16xf32> to vector<1x16xf32>
    tpu.vector_store %arg12[%swap3A_770, %swap3A_771], %swap3A_774 {strides = array<i32>} : memref<24x128xf32, #tpu.memory_space<vmem>>, vector<1x16xf32>,
    %broadcast_in_dim3A_775 = arith.constant 0.000000e+00 : f32
    %broadcast_in_dim3A_776 = vector.broadcast %broadcast_in_dim3A_775 : f32 to vector<16xf32>
    %swap3A_777 = arith.constant 12 : i32
    %swap3A_778 = arith.index_cast %swap3A_777 : i32 to index
    %swap3A_779 = arith.constant 0 : index
    %swap3A_780 = tpu.vector_load %arg12[%swap3A_778, %swap3A_779] {strides = array<i32>} : memref<24x128xf32, #tpu.memory_space<vmem>>, vector<1x16xf32>,
    %swap3A_781 = vector.shape_cast %swap3A_780 : vector<1x16xf32> to vector<16xf32>
    %swap3A_782 = vector.shape_cast %broadcast_in_dim3A_776 : vector<16xf32> to vector<1x16xf32>
    tpu.vector_store %arg12[%swap3A_778, %swap3A_779], %swap3A_782 {strides = array<i32>} : memref<24x128xf32, #tpu.memory_space<vmem>>, vector<1x16xf32>,
    %broadcast_in_dim3A_783 = arith.constant 0.000000e+00 : f32
    %broadcast_in_dim3A_784 = vector.broadcast %broadcast_in_dim3A_783 : f32 to vector<16xf32>
    %swap3A_785 = arith.constant 12 : i32
    %swap3A_786 = arith.index_cast %swap3A_785 : i32 to index
    %swap3A_787 = arith.constant 16 : index
    %swap3A_788 = tpu.vector_load %arg12[%swap3A_786, %swap3A_787] {strides = array<i32>} : memref<24x128xf32, #tpu.memory_space<vmem>>, vector<1x16xf32>,
    %swap3A_789 = vector.shape_cast %swap3A_788 : vector<1x16xf32> to vector<16xf32>
    %swap3A_790 = vector.shape_cast %broadcast_in_dim3A_784 : vector<16xf32> to vector<1x16xf32>
    tpu.vector_store %arg12[%swap3A_786, %swap3A_787], %swap3A_790 {strides = array<i32>} : memref<24x128xf32, #tpu.memory_space<vmem>>, vector<1x16xf32>,
    %broadcast_in_dim3A_791 = arith.constant 0.000000e+00 : f32
    %broadcast_in_dim3A_792 = vector.broadcast %broadcast_in_dim3A_791 : f32 to vector<16xf32>
    %swap3A_793 = arith.constant 12 : i32
    %swap3A_794 = arith.index_cast %swap3A_793 : i32 to index
    %swap3A_795 = arith.constant 32 : index
    %swap3A_796 = tpu.vector_load %arg12[%swap3A_794, %swap3A_795] {strides = array<i32>} : memref<24x128xf32, #tpu.memory_space<vmem>>, vector<1x16xf32>,
    %swap3A_797 = vector.shape_cast %swap3A_796 : vector<1x16xf32> to vector<16xf32>
    %swap3A_798 = vector.shape_cast %broadcast_in_dim3A_792 : vector<16xf32> to vector<1x16xf32>
    tpu.vector_store %arg12[%swap3A_794, %swap3A_795], %swap3A_798 {strides = array<i32>} : memref<24x128xf32, #tpu.memory_space<vmem>>, vector<1x16xf32>,
    %broadcast_in_dim3A_799 = arith.constant 0.000000e+00 : f32
    %broadcast_in_dim3A_800 = vector.broadcast %broadcast_in_dim3A_799 : f32 to vector<16xf32>
    %swap3A_801 = arith.constant 12 : i32
    %swap3A_802 = arith.index_cast %swap3A_801 : i32 to index
    %swap3A_803 = arith.constant 48 : index
    %swap3A_804 = tpu.vector_load %arg12[%swap3A_802, %swap3A_803] {strides = array<i32>} : memref<24x128xf32, #tpu.memory_space<vmem>>, vector<1x16xf32>,
    %swap3A_805 = vector.shape_cast %swap3A_804 : vector<1x16xf32> to vector<16xf32>
    %swap3A_806 = vector.shape_cast %broadcast_in_dim3A_800 : vector<16xf32> to vector<1x16xf32>
    tpu.vector_store %arg12[%swap3A_802, %swap3A_803], %swap3A_806 {strides = array<i32>} : memref<24x128xf32, #tpu.memory_space<vmem>>, vector<1x16xf32>,
    %broadcast_in_dim3A_807 = arith.constant 0.000000e+00 : f32
    %broadcast_in_dim3A_808 = vector.broadcast %broadcast_in_dim3A_807 : f32 to vector<16xf32>
    %swap3A_809 = arith.constant 12 : i32
    %swap3A_810 = arith.index_cast %swap3A_809 : i32 to index
    %swap3A_811 = arith.constant 64 : index
    %swap3A_812 = tpu.vector_load %arg12[%swap3A_810, %swap3A_811] {strides = array<i32>} : memref<24x128xf32, #tpu.memory_space<vmem>>, vector<1x16xf32>,
    %swap3A_813 = vector.shape_cast %swap3A_812 : vector<1x16xf32> to vector<16xf32>
    %swap3A_814 = vector.shape_cast %broadcast_in_dim3A_808 : vector<16xf32> to vector<1x16xf32>
    tpu.vector_store %arg12[%swap3A_810, %swap3A_811], %swap3A_814 {strides = array<i32>} : memref<24x128xf32, #tpu.memory_space<vmem>>, vector<1x16xf32>,
    %broadcast_in_dim3A_815 = arith.constant 0.000000e+00 : f32
    %broadcast_in_dim3A_816 = vector.broadcast %broadcast_in_dim3A_815 : f32 to vector<16xf32>
    %swap3A_817 = arith.constant 12 : i32
    %swap3A_818 = arith.index_cast %swap3A_817 : i32 to index
    %swap3A_819 = arith.constant 80 : index
    %swap3A_820 = tpu.vector_load %arg12[%swap3A_818, %swap3A_819] {strides = array<i32>} : memref<24x128xf32, #tpu.memory_space<vmem>>, vector<1x16xf32>,
    %swap3A_821 = vector.shape_cast %swap3A_820 : vector<1x16xf32> to vector<16xf32>
    %swap3A_822 = vector.shape_cast %broadcast_in_dim3A_816 : vector<16xf32> to vector<1x16xf32>
    tpu.vector_store %arg12[%swap3A_818, %swap3A_819], %swap3A_822 {strides = array<i32>} : memref<24x128xf32, #tpu.memory_space<vmem>>, vector<1x16xf32>,
    %broadcast_in_dim3A_823 = arith.constant 0.000000e+00 : f32
    %broadcast_in_dim3A_824 = vector.broadcast %broadcast_in_dim3A_823 : f32 to vector<16xf32>
    %swap3A_825 = arith.constant 12 : i32
    %swap3A_826 = arith.index_cast %swap3A_825 : i32 to index
    %swap3A_827 = arith.constant 96 : index
    %swap3A_828 = tpu.vector_load %arg12[%swap3A_826, %swap3A_827] {strides = array<i32>} : memref<24x128xf32, #tpu.memory_space<vmem>>, vector<1x16xf32>,
    %swap3A_829 = vector.shape_cast %swap3A_828 : vector<1x16xf32> to vector<16xf32>
    %swap3A_830 = vector.shape_cast %broadcast_in_dim3A_824 : vector<16xf32> to vector<1x16xf32>
    tpu.vector_store %arg12[%swap3A_826, %swap3A_827], %swap3A_830 {strides = array<i32>} : memref<24x128xf32, #tpu.memory_space<vmem>>, vector<1x16xf32>,
    %broadcast_in_dim3A_831 = arith.constant 0.000000e+00 : f32
    %broadcast_in_dim3A_832 = vector.broadcast %broadcast_in_dim3A_831 : f32 to vector<16xf32>
    %swap3A_833 = arith.constant 12 : i32
    %swap3A_834 = arith.index_cast %swap3A_833 : i32 to index
    %swap3A_835 = arith.constant 112 : index
    %swap3A_836 = tpu.vector_load %arg12[%swap3A_834, %swap3A_835] {strides = array<i32>} : memref<24x128xf32, #tpu.memory_space<vmem>>, vector<1x16xf32>,
    %swap3A_837 = vector.shape_cast %swap3A_836 : vector<1x16xf32> to vector<16xf32>
    %swap3A_838 = vector.shape_cast %broadcast_in_dim3A_832 : vector<16xf32> to vector<1x16xf32>
    tpu.vector_store %arg12[%swap3A_834, %swap3A_835], %swap3A_838 {strides = array<i32>} : memref<24x128xf32, #tpu.memory_space<vmem>>, vector<1x16xf32>,
    %broadcast_in_dim3A_839 = arith.constant 0.000000e+00 : f32
    %broadcast_in_dim3A_840 = vector.broadcast %broadcast_in_dim3A_839 : f32 to vector<16xf32>
    %swap3A_841 = arith.constant 13 : i32
    %swap3A_842 = arith.index_cast %swap3A_841 : i32 to index
    %swap3A_843 = arith.constant 0 : index
    %swap3A_844 = tpu.vector_load %arg12[%swap3A_842, %swap3A_843] {strides = array<i32>} : memref<24x128xf32, #tpu.memory_space<vmem>>, vector<1x16xf32>,
    %swap3A_845 = vector.shape_cast %swap3A_844 : vector<1x16xf32> to vector<16xf32>
    %swap3A_846 = vector.shape_cast %broadcast_in_dim3A_840 : vector<16xf32> to vector<1x16xf32>
    tpu.vector_store %arg12[%swap3A_842, %swap3A_843], %swap3A_846 {strides = array<i32>} : memref<24x128xf32, #tpu.memory_space<vmem>>, vector<1x16xf32>,
    %broadcast_in_dim3A_847 = arith.constant 0.000000e+00 : f32
    %broadcast_in_dim3A_848 = vector.broadcast %broadcast_in_dim3A_847 : f32 to vector<16xf32>
    %swap3A_849 = arith.constant 13 : i32
    %swap3A_850 = arith.index_cast %swap3A_849 : i32 to index
    %swap3A_851 = arith.constant 16 : index
    %swap3A_852 = tpu.vector_load %arg12[%swap3A_850, %swap3A_851] {strides = array<i32>} : memref<24x128xf32, #tpu.memory_space<vmem>>, vector<1x16xf32>,
    %swap3A_853 = vector.shape_cast %swap3A_852 : vector<1x16xf32> to vector<16xf32>
    %swap3A_854 = vector.shape_cast %broadcast_in_dim3A_848 : vector<16xf32> to vector<1x16xf32>
    tpu.vector_store %arg12[%swap3A_850, %swap3A_851], %swap3A_854 {strides = array<i32>} : memref<24x128xf32, #tpu.memory_space<vmem>>, vector<1x16xf32>,
    %broadcast_in_dim3A_855 = arith.constant 0.000000e+00 : f32
    %broadcast_in_dim3A_856 = vector.broadcast %broadcast_in_dim3A_855 : f32 to vector<16xf32>
    %swap3A_857 = arith.constant 13 : i32
    %swap3A_858 = arith.index_cast %swap3A_857 : i32 to index
    %swap3A_859 = arith.constant 32 : index
    %swap3A_860 = tpu.vector_load %arg12[%swap3A_858, %swap3A_859] {strides = array<i32>} : memref<24x128xf32, #tpu.memory_space<vmem>>, vector<1x16xf32>,
    %swap3A_861 = vector.shape_cast %swap3A_860 : vector<1x16xf32> to vector<16xf32>
    %swap3A_862 = vector.shape_cast %broadcast_in_dim3A_856 : vector<16xf32> to vector<1x16xf32>
    tpu.vector_store %arg12[%swap3A_858, %swap3A_859], %swap3A_862 {strides = array<i32>} : memref<24x128xf32, #tpu.memory_space<vmem>>, vector<1x16xf32>,
    %broadcast_in_dim3A_863 = arith.constant 0.000000e+00 : f32
    %broadcast_in_dim3A_864 = vector.broadcast %broadcast_in_dim3A_863 : f32 to vector<16xf32>
    %swap3A_865 = arith.constant 13 : i32
    %swap3A_866 = arith.index_cast %swap3A_865 : i32 to index
    %swap3A_867 = arith.constant 48 : index
    %swap3A_868 = tpu.vector_load %arg12[%swap3A_866, %swap3A_867] {strides = array<i32>} : memref<24x128xf32, #tpu.memory_space<vmem>>, vector<1x16xf32>,
    %swap3A_869 = vector.shape_cast %swap3A_868 : vector<1x16xf32> to vector<16xf32>
    %swap3A_870 = vector.shape_cast %broadcast_in_dim3A_864 : vector<16xf32> to vector<1x16xf32>
    tpu.vector_store %arg12[%swap3A_866, %swap3A_867], %swap3A_870 {strides = array<i32>} : memref<24x128xf32, #tpu.memory_space<vmem>>, vector<1x16xf32>,
    %broadcast_in_dim3A_871 = arith.constant 0.000000e+00 : f32
    %broadcast_in_dim3A_872 = vector.broadcast %broadcast_in_dim3A_871 : f32 to vector<16xf32>
    %swap3A_873 = arith.constant 13 : i32
    %swap3A_874 = arith.index_cast %swap3A_873 : i32 to index
    %swap3A_875 = arith.constant 64 : index
    %swap3A_876 = tpu.vector_load %arg12[%swap3A_874, %swap3A_875] {strides = array<i32>} : memref<24x128xf32, #tpu.memory_space<vmem>>, vector<1x16xf32>,
    %swap3A_877 = vector.shape_cast %swap3A_876 : vector<1x16xf32> to vector<16xf32>
    %swap3A_878 = vector.shape_cast %broadcast_in_dim3A_872 : vector<16xf32> to vector<1x16xf32>
    tpu.vector_store %arg12[%swap3A_874, %swap3A_875], %swap3A_878 {strides = array<i32>} : memref<24x128xf32, #tpu.memory_space<vmem>>, vector<1x16xf32>,
    %broadcast_in_dim3A_879 = arith.constant 0.000000e+00 : f32
    %broadcast_in_dim3A_880 = vector.broadcast %broadcast_in_dim3A_879 : f32 to vector<16xf32>
    %swap3A_881 = arith.constant 13 : i32
    %swap3A_882 = arith.index_cast %swap3A_881 : i32 to index
    %swap3A_883 = arith.constant 80 : index
    %swap3A_884 = tpu.vector_load %arg12[%swap3A_882, %swap3A_883] {strides = array<i32>} : memref<24x128xf32, #tpu.memory_space<vmem>>, vector<1x16xf32>,
    %swap3A_885 = vector.shape_cast %swap3A_884 : vector<1x16xf32> to vector<16xf32>
    %swap3A_886 = vector.shape_cast %broadcast_in_dim3A_880 : vector<16xf32> to vector<1x16xf32>
    tpu.vector_store %arg12[%swap3A_882, %swap3A_883], %swap3A_886 {strides = array<i32>} : memref<24x128xf32, #tpu.memory_space<vmem>>, vector<1x16xf32>,
    %broadcast_in_dim3A_887 = arith.constant 0.000000e+00 : f32
    %broadcast_in_dim3A_888 = vector.broadcast %broadcast_in_dim3A_887 : f32 to vector<16xf32>
    %swap3A_889 = arith.constant 13 : i32
    %swap3A_890 = arith.index_cast %swap3A_889 : i32 to index
    %swap3A_891 = arith.constant 96 : index
    %swap3A_892 = tpu.vector_load %arg12[%swap3A_890, %swap3A_891] {strides = array<i32>} : memref<24x128xf32, #tpu.memory_space<vmem>>, vector<1x16xf32>,
    %swap3A_893 = vector.shape_cast %swap3A_892 : vector<1x16xf32> to vector<16xf32>
    %swap3A_894 = vector.shape_cast %broadcast_in_dim3A_888 : vector<16xf32> to vector<1x16xf32>
    tpu.vector_store %arg12[%swap3A_890, %swap3A_891], %swap3A_894 {strides = array<i32>} : memref<24x128xf32, #tpu.memory_space<vmem>>, vector<1x16xf32>,
    %broadcast_in_dim3A_895 = arith.constant 0.000000e+00 : f32
    %broadcast_in_dim3A_896 = vector.broadcast %broadcast_in_dim3A_895 : f32 to vector<16xf32>
    %swap3A_897 = arith.constant 13 : i32
    %swap3A_898 = arith.index_cast %swap3A_897 : i32 to index
    %swap3A_899 = arith.constant 112 : index
    %swap3A_900 = tpu.vector_load %arg12[%swap3A_898, %swap3A_899] {strides = array<i32>} : memref<24x128xf32, #tpu.memory_space<vmem>>, vector<1x16xf32>,
    %swap3A_901 = vector.shape_cast %swap3A_900 : vector<1x16xf32> to vector<16xf32>
    %swap3A_902 = vector.shape_cast %broadcast_in_dim3A_896 : vector<16xf32> to vector<1x16xf32>
    tpu.vector_store %arg12[%swap3A_898, %swap3A_899], %swap3A_902 {strides = array<i32>} : memref<24x128xf32, #tpu.memory_space<vmem>>, vector<1x16xf32>,
    %broadcast_in_dim3A_903 = arith.constant 0.000000e+00 : f32
    %broadcast_in_dim3A_904 = vector.broadcast %broadcast_in_dim3A_903 : f32 to vector<16xf32>
    %swap3A_905 = arith.constant 14 : i32
    %swap3A_906 = arith.index_cast %swap3A_905 : i32 to index
    %swap3A_907 = arith.constant 0 : index
    %swap3A_908 = tpu.vector_load %arg12[%swap3A_906, %swap3A_907] {strides = array<i32>} : memref<24x128xf32, #tpu.memory_space<vmem>>, vector<1x16xf32>,
    %swap3A_909 = vector.shape_cast %swap3A_908 : vector<1x16xf32> to vector<16xf32>
    %swap3A_910 = vector.shape_cast %broadcast_in_dim3A_904 : vector<16xf32> to vector<1x16xf32>
    tpu.vector_store %arg12[%swap3A_906, %swap3A_907], %swap3A_910 {strides = array<i32>} : memref<24x128xf32, #tpu.memory_space<vmem>>, vector<1x16xf32>,
    %broadcast_in_dim3A_911 = arith.constant 0.000000e+00 : f32
    %broadcast_in_dim3A_912 = vector.broadcast %broadcast_in_dim3A_911 : f32 to vector<16xf32>
    %swap3A_913 = arith.constant 14 : i32
    %swap3A_914 = arith.index_cast %swap3A_913 : i32 to index
    %swap3A_915 = arith.constant 16 : index
    %swap3A_916 = tpu.vector_load %arg12[%swap3A_914, %swap3A_915] {strides = array<i32>} : memref<24x128xf32, #tpu.memory_space<vmem>>, vector<1x16xf32>,
    %swap3A_917 = vector.shape_cast %swap3A_916 : vector<1x16xf32> to vector<16xf32>
    %swap3A_918 = vector.shape_cast %broadcast_in_dim3A_912 : vector<16xf32> to vector<1x16xf32>
    tpu.vector_store %arg12[%swap3A_914, %swap3A_915], %swap3A_918 {strides = array<i32>} : memref<24x128xf32, #tpu.memory_space<vmem>>, vector<1x16xf32>,
    %broadcast_in_dim3A_919 = arith.constant 0.000000e+00 : f32
    %broadcast_in_dim3A_920 = vector.broadcast %broadcast_in_dim3A_919 : f32 to vector<16xf32>
    %swap3A_921 = arith.constant 14 : i32
    %swap3A_922 = arith.index_cast %swap3A_921 : i32 to index
    %swap3A_923 = arith.constant 32 : index
    %swap3A_924 = tpu.vector_load %arg12[%swap3A_922, %swap3A_923] {strides = array<i32>} : memref<24x128xf32, #tpu.memory_space<vmem>>, vector<1x16xf32>,
    %swap3A_925 = vector.shape_cast %swap3A_924 : vector<1x16xf32> to vector<16xf32>
    %swap3A_926 = vector.shape_cast %broadcast_in_dim3A_920 : vector<16xf32> to vector<1x16xf32>
    tpu.vector_store %arg12[%swap3A_922, %swap3A_923], %swap3A_926 {strides = array<i32>} : memref<24x128xf32, #tpu.memory_space<vmem>>, vector<1x16xf32>,
    %broadcast_in_dim3A_927 = arith.constant 0.000000e+00 : f32
    %broadcast_in_dim3A_928 = vector.broadcast %broadcast_in_dim3A_927 : f32 to vector<16xf32>
    %swap3A_929 = arith.constant 14 : i32
    %swap3A_930 = arith.index_cast %swap3A_929 : i32 to index
    %swap3A_931 = arith.constant 48 : index
    %swap3A_932 = tpu.vector_load %arg12[%swap3A_930, %swap3A_931] {strides = array<i32>} : memref<24x128xf32, #tpu.memory_space<vmem>>, vector<1x16xf32>,
    %swap3A_933 = vector.shape_cast %swap3A_932 : vector<1x16xf32> to vector<16xf32>
    %swap3A_934 = vector.shape_cast %broadcast_in_dim3A_928 : vector<16xf32> to vector<1x16xf32>
    tpu.vector_store %arg12[%swap3A_930, %swap3A_931], %swap3A_934 {strides = array<i32>} : memref<24x128xf32, #tpu.memory_space<vmem>>, vector<1x16xf32>,
    %broadcast_in_dim3A_935 = arith.constant 0.000000e+00 : f32
    %broadcast_in_dim3A_936 = vector.broadcast %broadcast_in_dim3A_935 : f32 to vector<16xf32>
    %swap3A_937 = arith.constant 14 : i32
    %swap3A_938 = arith.index_cast %swap3A_937 : i32 to index
    %swap3A_939 = arith.constant 64 : index
    %swap3A_940 = tpu.vector_load %arg12[%swap3A_938, %swap3A_939] {strides = array<i32>} : memref<24x128xf32, #tpu.memory_space<vmem>>, vector<1x16xf32>,
    %swap3A_941 = vector.shape_cast %swap3A_940 : vector<1x16xf32> to vector<16xf32>
    %swap3A_942 = vector.shape_cast %broadcast_in_dim3A_936 : vector<16xf32> to vector<1x16xf32>
    tpu.vector_store %arg12[%swap3A_938, %swap3A_939], %swap3A_942 {strides = array<i32>} : memref<24x128xf32, #tpu.memory_space<vmem>>, vector<1x16xf32>,
    %broadcast_in_dim3A_943 = arith.constant 0.000000e+00 : f32
    %broadcast_in_dim3A_944 = vector.broadcast %broadcast_in_dim3A_943 : f32 to vector<16xf32>
    %swap3A_945 = arith.constant 14 : i32
    %swap3A_946 = arith.index_cast %swap3A_945 : i32 to index
    %swap3A_947 = arith.constant 80 : index
    %swap3A_948 = tpu.vector_load %arg12[%swap3A_946, %swap3A_947] {strides = array<i32>} : memref<24x128xf32, #tpu.memory_space<vmem>>, vector<1x16xf32>,
    %swap3A_949 = vector.shape_cast %swap3A_948 : vector<1x16xf32> to vector<16xf32>
    %swap3A_950 = vector.shape_cast %broadcast_in_dim3A_944 : vector<16xf32> to vector<1x16xf32>
    tpu.vector_store %arg12[%swap3A_946, %swap3A_947], %swap3A_950 {strides = array<i32>} : memref<24x128xf32, #tpu.memory_space<vmem>>, vector<1x16xf32>,
    %broadcast_in_dim3A_951 = arith.constant 0.000000e+00 : f32
    %broadcast_in_dim3A_952 = vector.broadcast %broadcast_in_dim3A_951 : f32 to vector<16xf32>
    %swap3A_953 = arith.constant 14 : i32
    %swap3A_954 = arith.index_cast %swap3A_953 : i32 to index
    %swap3A_955 = arith.constant 96 : index
    %swap3A_956 = tpu.vector_load %arg12[%swap3A_954, %swap3A_955] {strides = array<i32>} : memref<24x128xf32, #tpu.memory_space<vmem>>, vector<1x16xf32>,
    %swap3A_957 = vector.shape_cast %swap3A_956 : vector<1x16xf32> to vector<16xf32>
    %swap3A_958 = vector.shape_cast %broadcast_in_dim3A_952 : vector<16xf32> to vector<1x16xf32>
    tpu.vector_store %arg12[%swap3A_954, %swap3A_955], %swap3A_958 {strides = array<i32>} : memref<24x128xf32, #tpu.memory_space<vmem>>, vector<1x16xf32>,
    %broadcast_in_dim3A_959 = arith.constant 0.000000e+00 : f32
    %broadcast_in_dim3A_960 = vector.broadcast %broadcast_in_dim3A_959 : f32 to vector<16xf32>
    %swap3A_961 = arith.constant 14 : i32
    %swap3A_962 = arith.index_cast %swap3A_961 : i32 to index
    %swap3A_963 = arith.constant 112 : index
    %swap3A_964 = tpu.vector_load %arg12[%swap3A_962, %swap3A_963] {strides = array<i32>} : memref<24x128xf32, #tpu.memory_space<vmem>>, vector<1x16xf32>,
    %swap3A_965 = vector.shape_cast %swap3A_964 : vector<1x16xf32> to vector<16xf32>
    %swap3A_966 = vector.shape_cast %broadcast_in_dim3A_960 : vector<16xf32> to vector<1x16xf32>
    tpu.vector_store %arg12[%swap3A_962, %swap3A_963], %swap3A_966 {strides = array<i32>} : memref<24x128xf32, #tpu.memory_space<vmem>>, vector<1x16xf32>,
    %broadcast_in_dim3A_967 = arith.constant 0.000000e+00 : f32
    %broadcast_in_dim3A_968 = vector.broadcast %broadcast_in_dim3A_967 : f32 to vector<16xf32>
    %swap3A_969 = arith.constant 15 : i32
    %swap3A_970 = arith.index_cast %swap3A_969 : i32 to index
    %swap3A_971 = arith.constant 0 : index
    %swap3A_972 = tpu.vector_load %arg12[%swap3A_970, %swap3A_971] {strides = array<i32>} : memref<24x128xf32, #tpu.memory_space<vmem>>, vector<1x16xf32>,
    %swap3A_973 = vector.shape_cast %swap3A_972 : vector<1x16xf32> to vector<16xf32>
    %swap3A_974 = vector.shape_cast %broadcast_in_dim3A_968 : vector<16xf32> to vector<1x16xf32>
    tpu.vector_store %arg12[%swap3A_970, %swap3A_971], %swap3A_974 {strides = array<i32>} : memref<24x128xf32, #tpu.memory_space<vmem>>, vector<1x16xf32>,
    %broadcast_in_dim3A_975 = arith.constant 0.000000e+00 : f32
    %broadcast_in_dim3A_976 = vector.broadcast %broadcast_in_dim3A_975 : f32 to vector<16xf32>
    %swap3A_977 = arith.constant 15 : i32
    %swap3A_978 = arith.index_cast %swap3A_977 : i32 to index
    %swap3A_979 = arith.constant 16 : index
    %swap3A_980 = tpu.vector_load %arg12[%swap3A_978, %swap3A_979] {strides = array<i32>} : memref<24x128xf32, #tpu.memory_space<vmem>>, vector<1x16xf32>,
    %swap3A_981 = vector.shape_cast %swap3A_980 : vector<1x16xf32> to vector<16xf32>
    %swap3A_982 = vector.shape_cast %broadcast_in_dim3A_976 : vector<16xf32> to vector<1x16xf32>
    tpu.vector_store %arg12[%swap3A_978, %swap3A_979], %swap3A_982 {strides = array<i32>} : memref<24x128xf32, #tpu.memory_space<vmem>>, vector<1x16xf32>,
    %broadcast_in_dim3A_983 = arith.constant 0.000000e+00 : f32
    %broadcast_in_dim3A_984 = vector.broadcast %broadcast_in_dim3A_983 : f32 to vector<16xf32>
    %swap3A_985 = arith.constant 15 : i32
    %swap3A_986 = arith.index_cast %swap3A_985 : i32 to index
    %swap3A_987 = arith.constant 32 : index
    %swap3A_988 = tpu.vector_load %arg12[%swap3A_986, %swap3A_987] {strides = array<i32>} : memref<24x128xf32, #tpu.memory_space<vmem>>, vector<1x16xf32>,
    %swap3A_989 = vector.shape_cast %swap3A_988 : vector<1x16xf32> to vector<16xf32>
    %swap3A_990 = vector.shape_cast %broadcast_in_dim3A_984 : vector<16xf32> to vector<1x16xf32>
    tpu.vector_store %arg12[%swap3A_986, %swap3A_987], %swap3A_990 {strides = array<i32>} : memref<24x128xf32, #tpu.memory_space<vmem>>, vector<1x16xf32>,
    %broadcast_in_dim3A_991 = arith.constant 0.000000e+00 : f32
    %broadcast_in_dim3A_992 = vector.broadcast %broadcast_in_dim3A_991 : f32 to vector<16xf32>
    %swap3A_993 = arith.constant 15 : i32
    %swap3A_994 = arith.index_cast %swap3A_993 : i32 to index
    %swap3A_995 = arith.constant 48 : index
    %swap3A_996 = tpu.vector_load %arg12[%swap3A_994, %swap3A_995] {strides = array<i32>} : memref<24x128xf32, #tpu.memory_space<vmem>>, vector<1x16xf32>,
    %swap3A_997 = vector.shape_cast %swap3A_996 : vector<1x16xf32> to vector<16xf32>
    %swap3A_998 = vector.shape_cast %broadcast_in_dim3A_992 : vector<16xf32> to vector<1x16xf32>
    tpu.vector_store %arg12[%swap3A_994, %swap3A_995], %swap3A_998 {strides = array<i32>} : memref<24x128xf32, #tpu.memory_space<vmem>>, vector<1x16xf32>,
    %broadcast_in_dim3A_999 = arith.constant 0.000000e+00 : f32
    %broadcast_in_dim3A_1000 = vector.broadcast %broadcast_in_dim3A_999 : f32 to vector<16xf32>
    %swap3A_1001 = arith.constant 15 : i32
    %swap3A_1002 = arith.index_cast %swap3A_1001 : i32 to index
    %swap3A_1003 = arith.constant 64 : index
    %swap3A_1004 = tpu.vector_load %arg12[%swap3A_1002, %swap3A_1003] {strides = array<i32>} : memref<24x128xf32, #tpu.memory_space<vmem>>, vector<1x16xf32>,
    %swap3A_1005 = vector.shape_cast %swap3A_1004 : vector<1x16xf32> to vector<16xf32>
    %swap3A_1006 = vector.shape_cast %broadcast_in_dim3A_1000 : vector<16xf32> to vector<1x16xf32>
    tpu.vector_store %arg12[%swap3A_1002, %swap3A_1003], %swap3A_1006 {strides = array<i32>} : memref<24x128xf32, #tpu.memory_space<vmem>>, vector<1x16xf32>,
    %broadcast_in_dim3A_1007 = arith.constant 0.000000e+00 : f32
    %broadcast_in_dim3A_1008 = vector.broadcast %broadcast_in_dim3A_1007 : f32 to vector<16xf32>
    %swap3A_1009 = arith.constant 15 : i32
    %swap3A_1010 = arith.index_cast %swap3A_1009 : i32 to index
    %swap3A_1011 = arith.constant 80 : index
    %swap3A_1012 = tpu.vector_load %arg12[%swap3A_1010, %swap3A_1011] {strides = array<i32>} : memref<24x128xf32, #tpu.memory_space<vmem>>, vector<1x16xf32>,
    %swap3A_1013 = vector.shape_cast %swap3A_1012 : vector<1x16xf32> to vector<16xf32>
    %swap3A_1014 = vector.shape_cast %broadcast_in_dim3A_1008 : vector<16xf32> to vector<1x16xf32>
    tpu.vector_store %arg12[%swap3A_1010, %swap3A_1011], %swap3A_1014 {strides = array<i32>} : memref<24x128xf32, #tpu.memory_space<vmem>>, vector<1x16xf32>,
    %broadcast_in_dim3A_1015 = arith.constant 0.000000e+00 : f32
    %broadcast_in_dim3A_1016 = vector.broadcast %broadcast_in_dim3A_1015 : f32 to vector<16xf32>
    %swap3A_1017 = arith.constant 15 : i32
    %swap3A_1018 = arith.index_cast %swap3A_1017 : i32 to index
    %swap3A_1019 = arith.constant 96 : index
    %swap3A_1020 = tpu.vector_load %arg12[%swap3A_1018, %swap3A_1019] {strides = array<i32>} : memref<24x128xf32, #tpu.memory_space<vmem>>, vector<1x16xf32>,
    %swap3A_1021 = vector.shape_cast %swap3A_1020 : vector<1x16xf32> to vector<16xf32>
    %swap3A_1022 = vector.shape_cast %broadcast_in_dim3A_1016 : vector<16xf32> to vector<1x16xf32>
    tpu.vector_store %arg12[%swap3A_1018, %swap3A_1019], %swap3A_1022 {strides = array<i32>} : memref<24x128xf32, #tpu.memory_space<vmem>>, vector<1x16xf32>,
    %broadcast_in_dim3A_1023 = arith.constant 0.000000e+00 : f32
    %broadcast_in_dim3A_1024 = vector.broadcast %broadcast_in_dim3A_1023 : f32 to vector<16xf32>
    %swap3A_1025 = arith.constant 15 : i32
    %swap3A_1026 = arith.index_cast %swap3A_1025 : i32 to index
    %swap3A_1027 = arith.constant 112 : index
    %swap3A_1028 = tpu.vector_load %arg12[%swap3A_1026, %swap3A_1027] {strides = array<i32>} : memref<24x128xf32, #tpu.memory_space<vmem>>, vector<1x16xf32>,
    %swap3A_1029 = vector.shape_cast %swap3A_1028 : vector<1x16xf32> to vector<16xf32>
    %swap3A_1030 = vector.shape_cast %broadcast_in_dim3A_1024 : vector<16xf32> to vector<1x16xf32>
    tpu.vector_store %arg12[%swap3A_1026, %swap3A_1027], %swap3A_1030 {strides = array<i32>} : memref<24x128xf32, #tpu.memory_space<vmem>>, vector<1x16xf32>,
    %broadcast_in_dim3A_1031 = arith.constant 0.000000e+00 : f32
    %broadcast_in_dim3A_1032 = vector.broadcast %broadcast_in_dim3A_1031 : f32 to vector<16xf32>
    %swap3A_1033 = arith.constant 16 : i32
    %swap3A_1034 = arith.index_cast %swap3A_1033 : i32 to index
    %swap3A_1035 = arith.constant 0 : index
    %swap3A_1036 = tpu.vector_load %arg12[%swap3A_1034, %swap3A_1035] {strides = array<i32>} : memref<24x128xf32, #tpu.memory_space<vmem>>, vector<1x16xf32>,
    %swap3A_1037 = vector.shape_cast %swap3A_1036 : vector<1x16xf32> to vector<16xf32>
    %swap3A_1038 = vector.shape_cast %broadcast_in_dim3A_1032 : vector<16xf32> to vector<1x16xf32>
    tpu.vector_store %arg12[%swap3A_1034, %swap3A_1035], %swap3A_1038 {strides = array<i32>} : memref<24x128xf32, #tpu.memory_space<vmem>>, vector<1x16xf32>,
    %broadcast_in_dim3A_1039 = arith.constant 0.000000e+00 : f32
    %broadcast_in_dim3A_1040 = vector.broadcast %broadcast_in_dim3A_1039 : f32 to vector<16xf32>
    %swap3A_1041 = arith.constant 16 : i32
    %swap3A_1042 = arith.index_cast %swap3A_1041 : i32 to index
    %swap3A_1043 = arith.constant 16 : index
    %swap3A_1044 = tpu.vector_load %arg12[%swap3A_1042, %swap3A_1043] {strides = array<i32>} : memref<24x128xf32, #tpu.memory_space<vmem>>, vector<1x16xf32>,
    %swap3A_1045 = vector.shape_cast %swap3A_1044 : vector<1x16xf32> to vector<16xf32>
    %swap3A_1046 = vector.shape_cast %broadcast_in_dim3A_1040 : vector<16xf32> to vector<1x16xf32>
    tpu.vector_store %arg12[%swap3A_1042, %swap3A_1043], %swap3A_1046 {strides = array<i32>} : memref<24x128xf32, #tpu.memory_space<vmem>>, vector<1x16xf32>,
    %broadcast_in_dim3A_1047 = arith.constant 0.000000e+00 : f32
    %broadcast_in_dim3A_1048 = vector.broadcast %broadcast_in_dim3A_1047 : f32 to vector<16xf32>
    %swap3A_1049 = arith.constant 16 : i32
    %swap3A_1050 = arith.index_cast %swap3A_1049 : i32 to index
    %swap3A_1051 = arith.constant 32 : index
    %swap3A_1052 = tpu.vector_load %arg12[%swap3A_1050, %swap3A_1051] {strides = array<i32>} : memref<24x128xf32, #tpu.memory_space<vmem>>, vector<1x16xf32>,
    %swap3A_1053 = vector.shape_cast %swap3A_1052 : vector<1x16xf32> to vector<16xf32>
    %swap3A_1054 = vector.shape_cast %broadcast_in_dim3A_1048 : vector<16xf32> to vector<1x16xf32>
    tpu.vector_store %arg12[%swap3A_1050, %swap3A_1051], %swap3A_1054 {strides = array<i32>} : memref<24x128xf32, #tpu.memory_space<vmem>>, vector<1x16xf32>,
    %broadcast_in_dim3A_1055 = arith.constant 0.000000e+00 : f32
    %broadcast_in_dim3A_1056 = vector.broadcast %broadcast_in_dim3A_1055 : f32 to vector<16xf32>
    %swap3A_1057 = arith.constant 16 : i32
    %swap3A_1058 = arith.index_cast %swap3A_1057 : i32 to index
    %swap3A_1059 = arith.constant 48 : index
    %swap3A_1060 = tpu.vector_load %arg12[%swap3A_1058, %swap3A_1059] {strides = array<i32>} : memref<24x128xf32, #tpu.memory_space<vmem>>, vector<1x16xf32>,
    %swap3A_1061 = vector.shape_cast %swap3A_1060 : vector<1x16xf32> to vector<16xf32>
    %swap3A_1062 = vector.shape_cast %broadcast_in_dim3A_1056 : vector<16xf32> to vector<1x16xf32>
    tpu.vector_store %arg12[%swap3A_1058, %swap3A_1059], %swap3A_1062 {strides = array<i32>} : memref<24x128xf32, #tpu.memory_space<vmem>>, vector<1x16xf32>,
    %broadcast_in_dim3A_1063 = arith.constant 0.000000e+00 : f32
    %broadcast_in_dim3A_1064 = vector.broadcast %broadcast_in_dim3A_1063 : f32 to vector<16xf32>
    %swap3A_1065 = arith.constant 16 : i32
    %swap3A_1066 = arith.index_cast %swap3A_1065 : i32 to index
    %swap3A_1067 = arith.constant 64 : index
    %swap3A_1068 = tpu.vector_load %arg12[%swap3A_1066, %swap3A_1067] {strides = array<i32>} : memref<24x128xf32, #tpu.memory_space<vmem>>, vector<1x16xf32>,
    %swap3A_1069 = vector.shape_cast %swap3A_1068 : vector<1x16xf32> to vector<16xf32>
    %swap3A_1070 = vector.shape_cast %broadcast_in_dim3A_1064 : vector<16xf32> to vector<1x16xf32>
    tpu.vector_store %arg12[%swap3A_1066, %swap3A_1067], %swap3A_1070 {strides = array<i32>} : memref<24x128xf32, #tpu.memory_space<vmem>>, vector<1x16xf32>,
    %broadcast_in_dim3A_1071 = arith.constant 0.000000e+00 : f32
    %broadcast_in_dim3A_1072 = vector.broadcast %broadcast_in_dim3A_1071 : f32 to vector<16xf32>
    %swap3A_1073 = arith.constant 16 : i32
    %swap3A_1074 = arith.index_cast %swap3A_1073 : i32 to index
    %swap3A_1075 = arith.constant 80 : index
    %swap3A_1076 = tpu.vector_load %arg12[%swap3A_1074, %swap3A_1075] {strides = array<i32>} : memref<24x128xf32, #tpu.memory_space<vmem>>, vector<1x16xf32>,
    %swap3A_1077 = vector.shape_cast %swap3A_1076 : vector<1x16xf32> to vector<16xf32>
    %swap3A_1078 = vector.shape_cast %broadcast_in_dim3A_1072 : vector<16xf32> to vector<1x16xf32>
    tpu.vector_store %arg12[%swap3A_1074, %swap3A_1075], %swap3A_1078 {strides = array<i32>} : memref<24x128xf32, #tpu.memory_space<vmem>>, vector<1x16xf32>,
    %broadcast_in_dim3A_1079 = arith.constant 0.000000e+00 : f32
    %broadcast_in_dim3A_1080 = vector.broadcast %broadcast_in_dim3A_1079 : f32 to vector<16xf32>
    %swap3A_1081 = arith.constant 16 : i32
    %swap3A_1082 = arith.index_cast %swap3A_1081 : i32 to index
    %swap3A_1083 = arith.constant 96 : index
    %swap3A_1084 = tpu.vector_load %arg12[%swap3A_1082, %swap3A_1083] {strides = array<i32>} : memref<24x128xf32, #tpu.memory_space<vmem>>, vector<1x16xf32>,
    %swap3A_1085 = vector.shape_cast %swap3A_1084 : vector<1x16xf32> to vector<16xf32>
    %swap3A_1086 = vector.shape_cast %broadcast_in_dim3A_1080 : vector<16xf32> to vector<1x16xf32>
    tpu.vector_store %arg12[%swap3A_1082, %swap3A_1083], %swap3A_1086 {strides = array<i32>} : memref<24x128xf32, #tpu.memory_space<vmem>>, vector<1x16xf32>,
    %broadcast_in_dim3A_1087 = arith.constant 0.000000e+00 : f32
    %broadcast_in_dim3A_1088 = vector.broadcast %broadcast_in_dim3A_1087 : f32 to vector<16xf32>
    %swap3A_1089 = arith.constant 16 : i32
    %swap3A_1090 = arith.index_cast %swap3A_1089 : i32 to index
    %swap3A_1091 = arith.constant 112 : index
    %swap3A_1092 = tpu.vector_load %arg12[%swap3A_1090, %swap3A_1091] {strides = array<i32>} : memref<24x128xf32, #tpu.memory_space<vmem>>, vector<1x16xf32>,
    %swap3A_1093 = vector.shape_cast %swap3A_1092 : vector<1x16xf32> to vector<16xf32>
    %swap3A_1094 = vector.shape_cast %broadcast_in_dim3A_1088 : vector<16xf32> to vector<1x16xf32>
    tpu.vector_store %arg12[%swap3A_1090, %swap3A_1091], %swap3A_1094 {strides = array<i32>} : memref<24x128xf32, #tpu.memory_space<vmem>>, vector<1x16xf32>,
    %broadcast_in_dim3A_1095 = arith.constant 0.000000e+00 : f32
    %broadcast_in_dim3A_1096 = vector.broadcast %broadcast_in_dim3A_1095 : f32 to vector<16xf32>
    %swap3A_1097 = arith.constant 17 : i32
    %swap3A_1098 = arith.index_cast %swap3A_1097 : i32 to index
    %swap3A_1099 = arith.constant 0 : index
    %swap3A_1100 = tpu.vector_load %arg12[%swap3A_1098, %swap3A_1099] {strides = array<i32>} : memref<24x128xf32, #tpu.memory_space<vmem>>, vector<1x16xf32>,
    %swap3A_1101 = vector.shape_cast %swap3A_1100 : vector<1x16xf32> to vector<16xf32>
    %swap3A_1102 = vector.shape_cast %broadcast_in_dim3A_1096 : vector<16xf32> to vector<1x16xf32>
    tpu.vector_store %arg12[%swap3A_1098, %swap3A_1099], %swap3A_1102 {strides = array<i32>} : memref<24x128xf32, #tpu.memory_space<vmem>>, vector<1x16xf32>,
    %broadcast_in_dim3A_1103 = arith.constant 0.000000e+00 : f32
    %broadcast_in_dim3A_1104 = vector.broadcast %broadcast_in_dim3A_1103 : f32 to vector<16xf32>
    %swap3A_1105 = arith.constant 17 : i32
    %swap3A_1106 = arith.index_cast %swap3A_1105 : i32 to index
    %swap3A_1107 = arith.constant 16 : index
    %swap3A_1108 = tpu.vector_load %arg12[%swap3A_1106, %swap3A_1107] {strides = array<i32>} : memref<24x128xf32, #tpu.memory_space<vmem>>, vector<1x16xf32>,
    %swap3A_1109 = vector.shape_cast %swap3A_1108 : vector<1x16xf32> to vector<16xf32>
    %swap3A_1110 = vector.shape_cast %broadcast_in_dim3A_1104 : vector<16xf32> to vector<1x16xf32>
    tpu.vector_store %arg12[%swap3A_1106, %swap3A_1107], %swap3A_1110 {strides = array<i32>} : memref<24x128xf32, #tpu.memory_space<vmem>>, vector<1x16xf32>,
    %broadcast_in_dim3A_1111 = arith.constant 0.000000e+00 : f32
    %broadcast_in_dim3A_1112 = vector.broadcast %broadcast_in_dim3A_1111 : f32 to vector<16xf32>
    %swap3A_1113 = arith.constant 17 : i32
    %swap3A_1114 = arith.index_cast %swap3A_1113 : i32 to index
    %swap3A_1115 = arith.constant 32 : index
    %swap3A_1116 = tpu.vector_load %arg12[%swap3A_1114, %swap3A_1115] {strides = array<i32>} : memref<24x128xf32, #tpu.memory_space<vmem>>, vector<1x16xf32>,
    %swap3A_1117 = vector.shape_cast %swap3A_1116 : vector<1x16xf32> to vector<16xf32>
    %swap3A_1118 = vector.shape_cast %broadcast_in_dim3A_1112 : vector<16xf32> to vector<1x16xf32>
    tpu.vector_store %arg12[%swap3A_1114, %swap3A_1115], %swap3A_1118 {strides = array<i32>} : memref<24x128xf32, #tpu.memory_space<vmem>>, vector<1x16xf32>,
    %broadcast_in_dim3A_1119 = arith.constant 0.000000e+00 : f32
    %broadcast_in_dim3A_1120 = vector.broadcast %broadcast_in_dim3A_1119 : f32 to vector<16xf32>
    %swap3A_1121 = arith.constant 17 : i32
    %swap3A_1122 = arith.index_cast %swap3A_1121 : i32 to index
    %swap3A_1123 = arith.constant 48 : index
    %swap3A_1124 = tpu.vector_load %arg12[%swap3A_1122, %swap3A_1123] {strides = array<i32>} : memref<24x128xf32, #tpu.memory_space<vmem>>, vector<1x16xf32>,
    %swap3A_1125 = vector.shape_cast %swap3A_1124 : vector<1x16xf32> to vector<16xf32>
    %swap3A_1126 = vector.shape_cast %broadcast_in_dim3A_1120 : vector<16xf32> to vector<1x16xf32>
    tpu.vector_store %arg12[%swap3A_1122, %swap3A_1123], %swap3A_1126 {strides = array<i32>} : memref<24x128xf32, #tpu.memory_space<vmem>>, vector<1x16xf32>,
    %broadcast_in_dim3A_1127 = arith.constant 0.000000e+00 : f32
    %broadcast_in_dim3A_1128 = vector.broadcast %broadcast_in_dim3A_1127 : f32 to vector<16xf32>
    %swap3A_1129 = arith.constant 17 : i32
    %swap3A_1130 = arith.index_cast %swap3A_1129 : i32 to index
    %swap3A_1131 = arith.constant 64 : index
    %swap3A_1132 = tpu.vector_load %arg12[%swap3A_1130, %swap3A_1131] {strides = array<i32>} : memref<24x128xf32, #tpu.memory_space<vmem>>, vector<1x16xf32>,
    %swap3A_1133 = vector.shape_cast %swap3A_1132 : vector<1x16xf32> to vector<16xf32>
    %swap3A_1134 = vector.shape_cast %broadcast_in_dim3A_1128 : vector<16xf32> to vector<1x16xf32>
    tpu.vector_store %arg12[%swap3A_1130, %swap3A_1131], %swap3A_1134 {strides = array<i32>} : memref<24x128xf32, #tpu.memory_space<vmem>>, vector<1x16xf32>,
    %broadcast_in_dim3A_1135 = arith.constant 0.000000e+00 : f32
    %broadcast_in_dim3A_1136 = vector.broadcast %broadcast_in_dim3A_1135 : f32 to vector<16xf32>
    %swap3A_1137 = arith.constant 17 : i32
    %swap3A_1138 = arith.index_cast %swap3A_1137 : i32 to index
    %swap3A_1139 = arith.constant 80 : index
    %swap3A_1140 = tpu.vector_load %arg12[%swap3A_1138, %swap3A_1139] {strides = array<i32>} : memref<24x128xf32, #tpu.memory_space<vmem>>, vector<1x16xf32>,
    %swap3A_1141 = vector.shape_cast %swap3A_1140 : vector<1x16xf32> to vector<16xf32>
    %swap3A_1142 = vector.shape_cast %broadcast_in_dim3A_1136 : vector<16xf32> to vector<1x16xf32>
    tpu.vector_store %arg12[%swap3A_1138, %swap3A_1139], %swap3A_1142 {strides = array<i32>} : memref<24x128xf32, #tpu.memory_space<vmem>>, vector<1x16xf32>,
    %broadcast_in_dim3A_1143 = arith.constant 0.000000e+00 : f32
    %broadcast_in_dim3A_1144 = vector.broadcast %broadcast_in_dim3A_1143 : f32 to vector<16xf32>
    %swap3A_1145 = arith.constant 17 : i32
    %swap3A_1146 = arith.index_cast %swap3A_1145 : i32 to index
    %swap3A_1147 = arith.constant 96 : index
    %swap3A_1148 = tpu.vector_load %arg12[%swap3A_1146, %swap3A_1147] {strides = array<i32>} : memref<24x128xf32, #tpu.memory_space<vmem>>, vector<1x16xf32>,
    %swap3A_1149 = vector.shape_cast %swap3A_1148 : vector<1x16xf32> to vector<16xf32>
    %swap3A_1150 = vector.shape_cast %broadcast_in_dim3A_1144 : vector<16xf32> to vector<1x16xf32>
    tpu.vector_store %arg12[%swap3A_1146, %swap3A_1147], %swap3A_1150 {strides = array<i32>} : memref<24x128xf32, #tpu.memory_space<vmem>>, vector<1x16xf32>,
    %broadcast_in_dim3A_1151 = arith.constant 0.000000e+00 : f32
    %broadcast_in_dim3A_1152 = vector.broadcast %broadcast_in_dim3A_1151 : f32 to vector<16xf32>
    %swap3A_1153 = arith.constant 17 : i32
    %swap3A_1154 = arith.index_cast %swap3A_1153 : i32 to index
    %swap3A_1155 = arith.constant 112 : index
    %swap3A_1156 = tpu.vector_load %arg12[%swap3A_1154, %swap3A_1155] {strides = array<i32>} : memref<24x128xf32, #tpu.memory_space<vmem>>, vector<1x16xf32>,
    %swap3A_1157 = vector.shape_cast %swap3A_1156 : vector<1x16xf32> to vector<16xf32>
    %swap3A_1158 = vector.shape_cast %broadcast_in_dim3A_1152 : vector<16xf32> to vector<1x16xf32>
    tpu.vector_store %arg12[%swap3A_1154, %swap3A_1155], %swap3A_1158 {strides = array<i32>} : memref<24x128xf32, #tpu.memory_space<vmem>>, vector<1x16xf32>,
    %broadcast_in_dim3A_1159 = arith.constant 0.000000e+00 : f32
    %broadcast_in_dim3A_1160 = vector.broadcast %broadcast_in_dim3A_1159 : f32 to vector<16xf32>
    %swap3A_1161 = arith.constant 18 : i32
    %swap3A_1162 = arith.index_cast %swap3A_1161 : i32 to index
    %swap3A_1163 = arith.constant 0 : index
    %swap3A_1164 = tpu.vector_load %arg12[%swap3A_1162, %swap3A_1163] {strides = array<i32>} : memref<24x128xf32, #tpu.memory_space<vmem>>, vector<1x16xf32>,
    %swap3A_1165 = vector.shape_cast %swap3A_1164 : vector<1x16xf32> to vector<16xf32>
    %swap3A_1166 = vector.shape_cast %broadcast_in_dim3A_1160 : vector<16xf32> to vector<1x16xf32>
    tpu.vector_store %arg12[%swap3A_1162, %swap3A_1163], %swap3A_1166 {strides = array<i32>} : memref<24x128xf32, #tpu.memory_space<vmem>>, vector<1x16xf32>,
    %broadcast_in_dim3A_1167 = arith.constant 0.000000e+00 : f32
    %broadcast_in_dim3A_1168 = vector.broadcast %broadcast_in_dim3A_1167 : f32 to vector<16xf32>
    %swap3A_1169 = arith.constant 18 : i32
    %swap3A_1170 = arith.index_cast %swap3A_1169 : i32 to index
    %swap3A_1171 = arith.constant 16 : index
    %swap3A_1172 = tpu.vector_load %arg12[%swap3A_1170, %swap3A_1171] {strides = array<i32>} : memref<24x128xf32, #tpu.memory_space<vmem>>, vector<1x16xf32>,
    %swap3A_1173 = vector.shape_cast %swap3A_1172 : vector<1x16xf32> to vector<16xf32>
    %swap3A_1174 = vector.shape_cast %broadcast_in_dim3A_1168 : vector<16xf32> to vector<1x16xf32>
    tpu.vector_store %arg12[%swap3A_1170, %swap3A_1171], %swap3A_1174 {strides = array<i32>} : memref<24x128xf32, #tpu.memory_space<vmem>>, vector<1x16xf32>,
    %broadcast_in_dim3A_1175 = arith.constant 0.000000e+00 : f32
    %broadcast_in_dim3A_1176 = vector.broadcast %broadcast_in_dim3A_1175 : f32 to vector<16xf32>
    %swap3A_1177 = arith.constant 18 : i32
    %swap3A_1178 = arith.index_cast %swap3A_1177 : i32 to index
    %swap3A_1179 = arith.constant 32 : index
    %swap3A_1180 = tpu.vector_load %arg12[%swap3A_1178, %swap3A_1179] {strides = array<i32>} : memref<24x128xf32, #tpu.memory_space<vmem>>, vector<1x16xf32>,
    %swap3A_1181 = vector.shape_cast %swap3A_1180 : vector<1x16xf32> to vector<16xf32>
    %swap3A_1182 = vector.shape_cast %broadcast_in_dim3A_1176 : vector<16xf32> to vector<1x16xf32>
    tpu.vector_store %arg12[%swap3A_1178, %swap3A_1179], %swap3A_1182 {strides = array<i32>} : memref<24x128xf32, #tpu.memory_space<vmem>>, vector<1x16xf32>,
    %broadcast_in_dim3A_1183 = arith.constant 0.000000e+00 : f32
    %broadcast_in_dim3A_1184 = vector.broadcast %broadcast_in_dim3A_1183 : f32 to vector<16xf32>
    %swap3A_1185 = arith.constant 18 : i32
    %swap3A_1186 = arith.index_cast %swap3A_1185 : i32 to index
    %swap3A_1187 = arith.constant 48 : index
    %swap3A_1188 = tpu.vector_load %arg12[%swap3A_1186, %swap3A_1187] {strides = array<i32>} : memref<24x128xf32, #tpu.memory_space<vmem>>, vector<1x16xf32>,
    %swap3A_1189 = vector.shape_cast %swap3A_1188 : vector<1x16xf32> to vector<16xf32>
    %swap3A_1190 = vector.shape_cast %broadcast_in_dim3A_1184 : vector<16xf32> to vector<1x16xf32>
    tpu.vector_store %arg12[%swap3A_1186, %swap3A_1187], %swap3A_1190 {strides = array<i32>} : memref<24x128xf32, #tpu.memory_space<vmem>>, vector<1x16xf32>,
    %broadcast_in_dim3A_1191 = arith.constant 0.000000e+00 : f32
    %broadcast_in_dim3A_1192 = vector.broadcast %broadcast_in_dim3A_1191 : f32 to vector<16xf32>
    %swap3A_1193 = arith.constant 18 : i32
    %swap3A_1194 = arith.index_cast %swap3A_1193 : i32 to index
    %swap3A_1195 = arith.constant 64 : index
    %swap3A_1196 = tpu.vector_load %arg12[%swap3A_1194, %swap3A_1195] {strides = array<i32>} : memref<24x128xf32, #tpu.memory_space<vmem>>, vector<1x16xf32>,
    %swap3A_1197 = vector.shape_cast %swap3A_1196 : vector<1x16xf32> to vector<16xf32>
    %swap3A_1198 = vector.shape_cast %broadcast_in_dim3A_1192 : vector<16xf32> to vector<1x16xf32>
    tpu.vector_store %arg12[%swap3A_1194, %swap3A_1195], %swap3A_1198 {strides = array<i32>} : memref<24x128xf32, #tpu.memory_space<vmem>>, vector<1x16xf32>,
    %broadcast_in_dim3A_1199 = arith.constant 0.000000e+00 : f32
    %broadcast_in_dim3A_1200 = vector.broadcast %broadcast_in_dim3A_1199 : f32 to vector<16xf32>
    %swap3A_1201 = arith.constant 18 : i32
    %swap3A_1202 = arith.index_cast %swap3A_1201 : i32 to index
    %swap3A_1203 = arith.constant 80 : index
    %swap3A_1204 = tpu.vector_load %arg12[%swap3A_1202, %swap3A_1203] {strides = array<i32>} : memref<24x128xf32, #tpu.memory_space<vmem>>, vector<1x16xf32>,
    %swap3A_1205 = vector.shape_cast %swap3A_1204 : vector<1x16xf32> to vector<16xf32>
    %swap3A_1206 = vector.shape_cast %broadcast_in_dim3A_1200 : vector<16xf32> to vector<1x16xf32>
    tpu.vector_store %arg12[%swap3A_1202, %swap3A_1203], %swap3A_1206 {strides = array<i32>} : memref<24x128xf32, #tpu.memory_space<vmem>>, vector<1x16xf32>,
    %broadcast_in_dim3A_1207 = arith.constant 0.000000e+00 : f32
    %broadcast_in_dim3A_1208 = vector.broadcast %broadcast_in_dim3A_1207 : f32 to vector<16xf32>
    %swap3A_1209 = arith.constant 18 : i32
    %swap3A_1210 = arith.index_cast %swap3A_1209 : i32 to index
    %swap3A_1211 = arith.constant 96 : index
    %swap3A_1212 = tpu.vector_load %arg12[%swap3A_1210, %swap3A_1211] {strides = array<i32>} : memref<24x128xf32, #tpu.memory_space<vmem>>, vector<1x16xf32>,
    %swap3A_1213 = vector.shape_cast %swap3A_1212 : vector<1x16xf32> to vector<16xf32>
    %swap3A_1214 = vector.shape_cast %broadcast_in_dim3A_1208 : vector<16xf32> to vector<1x16xf32>
    tpu.vector_store %arg12[%swap3A_1210, %swap3A_1211], %swap3A_1214 {strides = array<i32>} : memref<24x128xf32, #tpu.memory_space<vmem>>, vector<1x16xf32>,
    %broadcast_in_dim3A_1215 = arith.constant 0.000000e+00 : f32
    %broadcast_in_dim3A_1216 = vector.broadcast %broadcast_in_dim3A_1215 : f32 to vector<16xf32>
    %swap3A_1217 = arith.constant 18 : i32
    %swap3A_1218 = arith.index_cast %swap3A_1217 : i32 to index
    %swap3A_1219 = arith.constant 112 : index
    %swap3A_1220 = tpu.vector_load %arg12[%swap3A_1218, %swap3A_1219] {strides = array<i32>} : memref<24x128xf32, #tpu.memory_space<vmem>>, vector<1x16xf32>,
    %swap3A_1221 = vector.shape_cast %swap3A_1220 : vector<1x16xf32> to vector<16xf32>
    %swap3A_1222 = vector.shape_cast %broadcast_in_dim3A_1216 : vector<16xf32> to vector<1x16xf32>
    tpu.vector_store %arg12[%swap3A_1218, %swap3A_1219], %swap3A_1222 {strides = array<i32>} : memref<24x128xf32, #tpu.memory_space<vmem>>, vector<1x16xf32>,
    %broadcast_in_dim3A_1223 = arith.constant 0.000000e+00 : f32
    %broadcast_in_dim3A_1224 = vector.broadcast %broadcast_in_dim3A_1223 : f32 to vector<16xf32>
    %swap3A_1225 = arith.constant 19 : i32
    %swap3A_1226 = arith.index_cast %swap3A_1225 : i32 to index
    %swap3A_1227 = arith.constant 0 : index
    %swap3A_1228 = tpu.vector_load %arg12[%swap3A_1226, %swap3A_1227] {strides = array<i32>} : memref<24x128xf32, #tpu.memory_space<vmem>>, vector<1x16xf32>,
    %swap3A_1229 = vector.shape_cast %swap3A_1228 : vector<1x16xf32> to vector<16xf32>
    %swap3A_1230 = vector.shape_cast %broadcast_in_dim3A_1224 : vector<16xf32> to vector<1x16xf32>
    tpu.vector_store %arg12[%swap3A_1226, %swap3A_1227], %swap3A_1230 {strides = array<i32>} : memref<24x128xf32, #tpu.memory_space<vmem>>, vector<1x16xf32>,
    %broadcast_in_dim3A_1231 = arith.constant 0.000000e+00 : f32
    %broadcast_in_dim3A_1232 = vector.broadcast %broadcast_in_dim3A_1231 : f32 to vector<16xf32>
    %swap3A_1233 = arith.constant 19 : i32
    %swap3A_1234 = arith.index_cast %swap3A_1233 : i32 to index
    %swap3A_1235 = arith.constant 16 : index
    %swap3A_1236 = tpu.vector_load %arg12[%swap3A_1234, %swap3A_1235] {strides = array<i32>} : memref<24x128xf32, #tpu.memory_space<vmem>>, vector<1x16xf32>,
    %swap3A_1237 = vector.shape_cast %swap3A_1236 : vector<1x16xf32> to vector<16xf32>
    %swap3A_1238 = vector.shape_cast %broadcast_in_dim3A_1232 : vector<16xf32> to vector<1x16xf32>
    tpu.vector_store %arg12[%swap3A_1234, %swap3A_1235], %swap3A_1238 {strides = array<i32>} : memref<24x128xf32, #tpu.memory_space<vmem>>, vector<1x16xf32>,
    %broadcast_in_dim3A_1239 = arith.constant 0.000000e+00 : f32
    %broadcast_in_dim3A_1240 = vector.broadcast %broadcast_in_dim3A_1239 : f32 to vector<16xf32>
    %swap3A_1241 = arith.constant 19 : i32
    %swap3A_1242 = arith.index_cast %swap3A_1241 : i32 to index
    %swap3A_1243 = arith.constant 32 : index
    %swap3A_1244 = tpu.vector_load %arg12[%swap3A_1242, %swap3A_1243] {strides = array<i32>} : memref<24x128xf32, #tpu.memory_space<vmem>>, vector<1x16xf32>,
    %swap3A_1245 = vector.shape_cast %swap3A_1244 : vector<1x16xf32> to vector<16xf32>
    %swap3A_1246 = vector.shape_cast %broadcast_in_dim3A_1240 : vector<16xf32> to vector<1x16xf32>
    tpu.vector_store %arg12[%swap3A_1242, %swap3A_1243], %swap3A_1246 {strides = array<i32>} : memref<24x128xf32, #tpu.memory_space<vmem>>, vector<1x16xf32>,
    %broadcast_in_dim3A_1247 = arith.constant 0.000000e+00 : f32
    %broadcast_in_dim3A_1248 = vector.broadcast %broadcast_in_dim3A_1247 : f32 to vector<16xf32>
    %swap3A_1249 = arith.constant 19 : i32
    %swap3A_1250 = arith.index_cast %swap3A_1249 : i32 to index
    %swap3A_1251 = arith.constant 48 : index
    %swap3A_1252 = tpu.vector_load %arg12[%swap3A_1250, %swap3A_1251] {strides = array<i32>} : memref<24x128xf32, #tpu.memory_space<vmem>>, vector<1x16xf32>,
    %swap3A_1253 = vector.shape_cast %swap3A_1252 : vector<1x16xf32> to vector<16xf32>
    %swap3A_1254 = vector.shape_cast %broadcast_in_dim3A_1248 : vector<16xf32> to vector<1x16xf32>
    tpu.vector_store %arg12[%swap3A_1250, %swap3A_1251], %swap3A_1254 {strides = array<i32>} : memref<24x128xf32, #tpu.memory_space<vmem>>, vector<1x16xf32>,
    %broadcast_in_dim3A_1255 = arith.constant 0.000000e+00 : f32
    %broadcast_in_dim3A_1256 = vector.broadcast %broadcast_in_dim3A_1255 : f32 to vector<16xf32>
    %swap3A_1257 = arith.constant 19 : i32
    %swap3A_1258 = arith.index_cast %swap3A_1257 : i32 to index
    %swap3A_1259 = arith.constant 64 : index
    %swap3A_1260 = tpu.vector_load %arg12[%swap3A_1258, %swap3A_1259] {strides = array<i32>} : memref<24x128xf32, #tpu.memory_space<vmem>>, vector<1x16xf32>,
    %swap3A_1261 = vector.shape_cast %swap3A_1260 : vector<1x16xf32> to vector<16xf32>
    %swap3A_1262 = vector.shape_cast %broadcast_in_dim3A_1256 : vector<16xf32> to vector<1x16xf32>
    tpu.vector_store %arg12[%swap3A_1258, %swap3A_1259], %swap3A_1262 {strides = array<i32>} : memref<24x128xf32, #tpu.memory_space<vmem>>, vector<1x16xf32>,
    %broadcast_in_dim3A_1263 = arith.constant 0.000000e+00 : f32
    %broadcast_in_dim3A_1264 = vector.broadcast %broadcast_in_dim3A_1263 : f32 to vector<16xf32>
    %swap3A_1265 = arith.constant 19 : i32
    %swap3A_1266 = arith.index_cast %swap3A_1265 : i32 to index
    %swap3A_1267 = arith.constant 80 : index
    %swap3A_1268 = tpu.vector_load %arg12[%swap3A_1266, %swap3A_1267] {strides = array<i32>} : memref<24x128xf32, #tpu.memory_space<vmem>>, vector<1x16xf32>,
    %swap3A_1269 = vector.shape_cast %swap3A_1268 : vector<1x16xf32> to vector<16xf32>
    %swap3A_1270 = vector.shape_cast %broadcast_in_dim3A_1264 : vector<16xf32> to vector<1x16xf32>
    tpu.vector_store %arg12[%swap3A_1266, %swap3A_1267], %swap3A_1270 {strides = array<i32>} : memref<24x128xf32, #tpu.memory_space<vmem>>, vector<1x16xf32>,
    %broadcast_in_dim3A_1271 = arith.constant 0.000000e+00 : f32
    %broadcast_in_dim3A_1272 = vector.broadcast %broadcast_in_dim3A_1271 : f32 to vector<16xf32>
    %swap3A_1273 = arith.constant 19 : i32
    %swap3A_1274 = arith.index_cast %swap3A_1273 : i32 to index
    %swap3A_1275 = arith.constant 96 : index
    %swap3A_1276 = tpu.vector_load %arg12[%swap3A_1274, %swap3A_1275] {strides = array<i32>} : memref<24x128xf32, #tpu.memory_space<vmem>>, vector<1x16xf32>,
    %swap3A_1277 = vector.shape_cast %swap3A_1276 : vector<1x16xf32> to vector<16xf32>
    %swap3A_1278 = vector.shape_cast %broadcast_in_dim3A_1272 : vector<16xf32> to vector<1x16xf32>
    tpu.vector_store %arg12[%swap3A_1274, %swap3A_1275], %swap3A_1278 {strides = array<i32>} : memref<24x128xf32, #tpu.memory_space<vmem>>, vector<1x16xf32>,
    %broadcast_in_dim3A_1279 = arith.constant 0.000000e+00 : f32
    %broadcast_in_dim3A_1280 = vector.broadcast %broadcast_in_dim3A_1279 : f32 to vector<16xf32>
    %swap3A_1281 = arith.constant 19 : i32
    %swap3A_1282 = arith.index_cast %swap3A_1281 : i32 to index
    %swap3A_1283 = arith.constant 112 : index
    %swap3A_1284 = tpu.vector_load %arg12[%swap3A_1282, %swap3A_1283] {strides = array<i32>} : memref<24x128xf32, #tpu.memory_space<vmem>>, vector<1x16xf32>,
    %swap3A_1285 = vector.shape_cast %swap3A_1284 : vector<1x16xf32> to vector<16xf32>
    %swap3A_1286 = vector.shape_cast %broadcast_in_dim3A_1280 : vector<16xf32> to vector<1x16xf32>
    tpu.vector_store %arg12[%swap3A_1282, %swap3A_1283], %swap3A_1286 {strides = array<i32>} : memref<24x128xf32, #tpu.memory_space<vmem>>, vector<1x16xf32>,
    %broadcast_in_dim3A_1287 = arith.constant 0.000000e+00 : f32
    %broadcast_in_dim3A_1288 = vector.broadcast %broadcast_in_dim3A_1287 : f32 to vector<16xf32>
    %swap3A_1289 = arith.constant 20 : i32
    %swap3A_1290 = arith.index_cast %swap3A_1289 : i32 to index
    %swap3A_1291 = arith.constant 0 : index
    %swap3A_1292 = tpu.vector_load %arg12[%swap3A_1290, %swap3A_1291] {strides = array<i32>} : memref<24x128xf32, #tpu.memory_space<vmem>>, vector<1x16xf32>,
    %swap3A_1293 = vector.shape_cast %swap3A_1292 : vector<1x16xf32> to vector<16xf32>
    %swap3A_1294 = vector.shape_cast %broadcast_in_dim3A_1288 : vector<16xf32> to vector<1x16xf32>
    tpu.vector_store %arg12[%swap3A_1290, %swap3A_1291], %swap3A_1294 {strides = array<i32>} : memref<24x128xf32, #tpu.memory_space<vmem>>, vector<1x16xf32>,
    %broadcast_in_dim3A_1295 = arith.constant 0.000000e+00 : f32
    %broadcast_in_dim3A_1296 = vector.broadcast %broadcast_in_dim3A_1295 : f32 to vector<16xf32>
    %swap3A_1297 = arith.constant 20 : i32
    %swap3A_1298 = arith.index_cast %swap3A_1297 : i32 to index
    %swap3A_1299 = arith.constant 16 : index
    %swap3A_1300 = tpu.vector_load %arg12[%swap3A_1298, %swap3A_1299] {strides = array<i32>} : memref<24x128xf32, #tpu.memory_space<vmem>>, vector<1x16xf32>,
    %swap3A_1301 = vector.shape_cast %swap3A_1300 : vector<1x16xf32> to vector<16xf32>
    %swap3A_1302 = vector.shape_cast %broadcast_in_dim3A_1296 : vector<16xf32> to vector<1x16xf32>
    tpu.vector_store %arg12[%swap3A_1298, %swap3A_1299], %swap3A_1302 {strides = array<i32>} : memref<24x128xf32, #tpu.memory_space<vmem>>, vector<1x16xf32>,
    %broadcast_in_dim3A_1303 = arith.constant 0.000000e+00 : f32
    %broadcast_in_dim3A_1304 = vector.broadcast %broadcast_in_dim3A_1303 : f32 to vector<16xf32>
    %swap3A_1305 = arith.constant 20 : i32
    %swap3A_1306 = arith.index_cast %swap3A_1305 : i32 to index
    %swap3A_1307 = arith.constant 32 : index
    %swap3A_1308 = tpu.vector_load %arg12[%swap3A_1306, %swap3A_1307] {strides = array<i32>} : memref<24x128xf32, #tpu.memory_space<vmem>>, vector<1x16xf32>,
    %swap3A_1309 = vector.shape_cast %swap3A_1308 : vector<1x16xf32> to vector<16xf32>
    %swap3A_1310 = vector.shape_cast %broadcast_in_dim3A_1304 : vector<16xf32> to vector<1x16xf32>
    tpu.vector_store %arg12[%swap3A_1306, %swap3A_1307], %swap3A_1310 {strides = array<i32>} : memref<24x128xf32, #tpu.memory_space<vmem>>, vector<1x16xf32>,
    %broadcast_in_dim3A_1311 = arith.constant 0.000000e+00 : f32
    %broadcast_in_dim3A_1312 = vector.broadcast %broadcast_in_dim3A_1311 : f32 to vector<16xf32>
    %swap3A_1313 = arith.constant 20 : i32
    %swap3A_1314 = arith.index_cast %swap3A_1313 : i32 to index
    %swap3A_1315 = arith.constant 48 : index
    %swap3A_1316 = tpu.vector_load %arg12[%swap3A_1314, %swap3A_1315] {strides = array<i32>} : memref<24x128xf32, #tpu.memory_space<vmem>>, vector<1x16xf32>,
    %swap3A_1317 = vector.shape_cast %swap3A_1316 : vector<1x16xf32> to vector<16xf32>
    %swap3A_1318 = vector.shape_cast %broadcast_in_dim3A_1312 : vector<16xf32> to vector<1x16xf32>
    tpu.vector_store %arg12[%swap3A_1314, %swap3A_1315], %swap3A_1318 {strides = array<i32>} : memref<24x128xf32, #tpu.memory_space<vmem>>, vector<1x16xf32>,
    %broadcast_in_dim3A_1319 = arith.constant 0.000000e+00 : f32
    %broadcast_in_dim3A_1320 = vector.broadcast %broadcast_in_dim3A_1319 : f32 to vector<16xf32>
    %swap3A_1321 = arith.constant 20 : i32
    %swap3A_1322 = arith.index_cast %swap3A_1321 : i32 to index
    %swap3A_1323 = arith.constant 64 : index
    %swap3A_1324 = tpu.vector_load %arg12[%swap3A_1322, %swap3A_1323] {strides = array<i32>} : memref<24x128xf32, #tpu.memory_space<vmem>>, vector<1x16xf32>,
    %swap3A_1325 = vector.shape_cast %swap3A_1324 : vector<1x16xf32> to vector<16xf32>
    %swap3A_1326 = vector.shape_cast %broadcast_in_dim3A_1320 : vector<16xf32> to vector<1x16xf32>
    tpu.vector_store %arg12[%swap3A_1322, %swap3A_1323], %swap3A_1326 {strides = array<i32>} : memref<24x128xf32, #tpu.memory_space<vmem>>, vector<1x16xf32>,
    %broadcast_in_dim3A_1327 = arith.constant 0.000000e+00 : f32
    %broadcast_in_dim3A_1328 = vector.broadcast %broadcast_in_dim3A_1327 : f32 to vector<16xf32>
    %swap3A_1329 = arith.constant 20 : i32
    %swap3A_1330 = arith.index_cast %swap3A_1329 : i32 to index
    %swap3A_1331 = arith.constant 80 : index
    %swap3A_1332 = tpu.vector_load %arg12[%swap3A_1330, %swap3A_1331] {strides = array<i32>} : memref<24x128xf32, #tpu.memory_space<vmem>>, vector<1x16xf32>,
    %swap3A_1333 = vector.shape_cast %swap3A_1332 : vector<1x16xf32> to vector<16xf32>
    %swap3A_1334 = vector.shape_cast %broadcast_in_dim3A_1328 : vector<16xf32> to vector<1x16xf32>
    tpu.vector_store %arg12[%swap3A_1330, %swap3A_1331], %swap3A_1334 {strides = array<i32>} : memref<24x128xf32, #tpu.memory_space<vmem>>, vector<1x16xf32>,
    %broadcast_in_dim3A_1335 = arith.constant 0.000000e+00 : f32
    %broadcast_in_dim3A_1336 = vector.broadcast %broadcast_in_dim3A_1335 : f32 to vector<16xf32>
    %swap3A_1337 = arith.constant 20 : i32
    %swap3A_1338 = arith.index_cast %swap3A_1337 : i32 to index
    %swap3A_1339 = arith.constant 96 : index
    %swap3A_1340 = tpu.vector_load %arg12[%swap3A_1338, %swap3A_1339] {strides = array<i32>} : memref<24x128xf32, #tpu.memory_space<vmem>>, vector<1x16xf32>,
    %swap3A_1341 = vector.shape_cast %swap3A_1340 : vector<1x16xf32> to vector<16xf32>
    %swap3A_1342 = vector.shape_cast %broadcast_in_dim3A_1336 : vector<16xf32> to vector<1x16xf32>
    tpu.vector_store %arg12[%swap3A_1338, %swap3A_1339], %swap3A_1342 {strides = array<i32>} : memref<24x128xf32, #tpu.memory_space<vmem>>, vector<1x16xf32>,
    %broadcast_in_dim3A_1343 = arith.constant 0.000000e+00 : f32
    %broadcast_in_dim3A_1344 = vector.broadcast %broadcast_in_dim3A_1343 : f32 to vector<16xf32>
    %swap3A_1345 = arith.constant 20 : i32
    %swap3A_1346 = arith.index_cast %swap3A_1345 : i32 to index
    %swap3A_1347 = arith.constant 112 : index
    %swap3A_1348 = tpu.vector_load %arg12[%swap3A_1346, %swap3A_1347] {strides = array<i32>} : memref<24x128xf32, #tpu.memory_space<vmem>>, vector<1x16xf32>,
    %swap3A_1349 = vector.shape_cast %swap3A_1348 : vector<1x16xf32> to vector<16xf32>
    %swap3A_1350 = vector.shape_cast %broadcast_in_dim3A_1344 : vector<16xf32> to vector<1x16xf32>
    tpu.vector_store %arg12[%swap3A_1346, %swap3A_1347], %swap3A_1350 {strides = array<i32>} : memref<24x128xf32, #tpu.memory_space<vmem>>, vector<1x16xf32>,
    %broadcast_in_dim3A_1351 = arith.constant 0.000000e+00 : f32
    %broadcast_in_dim3A_1352 = vector.broadcast %broadcast_in_dim3A_1351 : f32 to vector<16xf32>
    %swap3A_1353 = arith.constant 21 : i32
    %swap3A_1354 = arith.index_cast %swap3A_1353 : i32 to index
    %swap3A_1355 = arith.constant 0 : index
    %swap3A_1356 = tpu.vector_load %arg12[%swap3A_1354, %swap3A_1355] {strides = array<i32>} : memref<24x128xf32, #tpu.memory_space<vmem>>, vector<1x16xf32>,
    %swap3A_1357 = vector.shape_cast %swap3A_1356 : vector<1x16xf32> to vector<16xf32>
    %swap3A_1358 = vector.shape_cast %broadcast_in_dim3A_1352 : vector<16xf32> to vector<1x16xf32>
    tpu.vector_store %arg12[%swap3A_1354, %swap3A_1355], %swap3A_1358 {strides = array<i32>} : memref<24x128xf32, #tpu.memory_space<vmem>>, vector<1x16xf32>,
    %broadcast_in_dim3A_1359 = arith.constant 0.000000e+00 : f32
    %broadcast_in_dim3A_1360 = vector.broadcast %broadcast_in_dim3A_1359 : f32 to vector<16xf32>
    %swap3A_1361 = arith.constant 21 : i32
    %swap3A_1362 = arith.index_cast %swap3A_1361 : i32 to index
    %swap3A_1363 = arith.constant 16 : index
    %swap3A_1364 = tpu.vector_load %arg12[%swap3A_1362, %swap3A_1363] {strides = array<i32>} : memref<24x128xf32, #tpu.memory_space<vmem>>, vector<1x16xf32>,
    %swap3A_1365 = vector.shape_cast %swap3A_1364 : vector<1x16xf32> to vector<16xf32>
    %swap3A_1366 = vector.shape_cast %broadcast_in_dim3A_1360 : vector<16xf32> to vector<1x16xf32>
    tpu.vector_store %arg12[%swap3A_1362, %swap3A_1363], %swap3A_1366 {strides = array<i32>} : memref<24x128xf32, #tpu.memory_space<vmem>>, vector<1x16xf32>,
    %broadcast_in_dim3A_1367 = arith.constant 0.000000e+00 : f32
    %broadcast_in_dim3A_1368 = vector.broadcast %broadcast_in_dim3A_1367 : f32 to vector<16xf32>
    %swap3A_1369 = arith.constant 21 : i32
    %swap3A_1370 = arith.index_cast %swap3A_1369 : i32 to index
    %swap3A_1371 = arith.constant 32 : index
    %swap3A_1372 = tpu.vector_load %arg12[%swap3A_1370, %swap3A_1371] {strides = array<i32>} : memref<24x128xf32, #tpu.memory_space<vmem>>, vector<1x16xf32>,
    %swap3A_1373 = vector.shape_cast %swap3A_1372 : vector<1x16xf32> to vector<16xf32>
    %swap3A_1374 = vector.shape_cast %broadcast_in_dim3A_1368 : vector<16xf32> to vector<1x16xf32>
    tpu.vector_store %arg12[%swap3A_1370, %swap3A_1371], %swap3A_1374 {strides = array<i32>} : memref<24x128xf32, #tpu.memory_space<vmem>>, vector<1x16xf32>,
    %broadcast_in_dim3A_1375 = arith.constant 0.000000e+00 : f32
    %broadcast_in_dim3A_1376 = vector.broadcast %broadcast_in_dim3A_1375 : f32 to vector<16xf32>
    %swap3A_1377 = arith.constant 21 : i32
    %swap3A_1378 = arith.index_cast %swap3A_1377 : i32 to index
    %swap3A_1379 = arith.constant 48 : index
    %swap3A_1380 = tpu.vector_load %arg12[%swap3A_1378, %swap3A_1379] {strides = array<i32>} : memref<24x128xf32, #tpu.memory_space<vmem>>, vector<1x16xf32>,
    %swap3A_1381 = vector.shape_cast %swap3A_1380 : vector<1x16xf32> to vector<16xf32>
    %swap3A_1382 = vector.shape_cast %broadcast_in_dim3A_1376 : vector<16xf32> to vector<1x16xf32>
    tpu.vector_store %arg12[%swap3A_1378, %swap3A_1379], %swap3A_1382 {strides = array<i32>} : memref<24x128xf32, #tpu.memory_space<vmem>>, vector<1x16xf32>,
    %broadcast_in_dim3A_1383 = arith.constant 0.000000e+00 : f32
    %broadcast_in_dim3A_1384 = vector.broadcast %broadcast_in_dim3A_1383 : f32 to vector<16xf32>
    %swap3A_1385 = arith.constant 21 : i32
    %swap3A_1386 = arith.index_cast %swap3A_1385 : i32 to index
    %swap3A_1387 = arith.constant 64 : index
    %swap3A_1388 = tpu.vector_load %arg12[%swap3A_1386, %swap3A_1387] {strides = array<i32>} : memref<24x128xf32, #tpu.memory_space<vmem>>, vector<1x16xf32>,
    %swap3A_1389 = vector.shape_cast %swap3A_1388 : vector<1x16xf32> to vector<16xf32>
    %swap3A_1390 = vector.shape_cast %broadcast_in_dim3A_1384 : vector<16xf32> to vector<1x16xf32>
    tpu.vector_store %arg12[%swap3A_1386, %swap3A_1387], %swap3A_1390 {strides = array<i32>} : memref<24x128xf32, #tpu.memory_space<vmem>>, vector<1x16xf32>,
    %broadcast_in_dim3A_1391 = arith.constant 0.000000e+00 : f32
    %broadcast_in_dim3A_1392 = vector.broadcast %broadcast_in_dim3A_1391 : f32 to vector<16xf32>
    %swap3A_1393 = arith.constant 21 : i32
    %swap3A_1394 = arith.index_cast %swap3A_1393 : i32 to index
    %swap3A_1395 = arith.constant 80 : index
    %swap3A_1396 = tpu.vector_load %arg12[%swap3A_1394, %swap3A_1395] {strides = array<i32>} : memref<24x128xf32, #tpu.memory_space<vmem>>, vector<1x16xf32>,
    %swap3A_1397 = vector.shape_cast %swap3A_1396 : vector<1x16xf32> to vector<16xf32>
    %swap3A_1398 = vector.shape_cast %broadcast_in_dim3A_1392 : vector<16xf32> to vector<1x16xf32>
    tpu.vector_store %arg12[%swap3A_1394, %swap3A_1395], %swap3A_1398 {strides = array<i32>} : memref<24x128xf32, #tpu.memory_space<vmem>>, vector<1x16xf32>,
    %broadcast_in_dim3A_1399 = arith.constant 0.000000e+00 : f32
    %broadcast_in_dim3A_1400 = vector.broadcast %broadcast_in_dim3A_1399 : f32 to vector<16xf32>
    %swap3A_1401 = arith.constant 21 : i32
    %swap3A_1402 = arith.index_cast %swap3A_1401 : i32 to index
    %swap3A_1403 = arith.constant 96 : index
    %swap3A_1404 = tpu.vector_load %arg12[%swap3A_1402, %swap3A_1403] {strides = array<i32>} : memref<24x128xf32, #tpu.memory_space<vmem>>, vector<1x16xf32>,
    %swap3A_1405 = vector.shape_cast %swap3A_1404 : vector<1x16xf32> to vector<16xf32>
    %swap3A_1406 = vector.shape_cast %broadcast_in_dim3A_1400 : vector<16xf32> to vector<1x16xf32>
    tpu.vector_store %arg12[%swap3A_1402, %swap3A_1403], %swap3A_1406 {strides = array<i32>} : memref<24x128xf32, #tpu.memory_space<vmem>>, vector<1x16xf32>,
    %broadcast_in_dim3A_1407 = arith.constant 0.000000e+00 : f32
    %broadcast_in_dim3A_1408 = vector.broadcast %broadcast_in_dim3A_1407 : f32 to vector<16xf32>
    %swap3A_1409 = arith.constant 21 : i32
    %swap3A_1410 = arith.index_cast %swap3A_1409 : i32 to index
    %swap3A_1411 = arith.constant 112 : index
    %swap3A_1412 = tpu.vector_load %arg12[%swap3A_1410, %swap3A_1411] {strides = array<i32>} : memref<24x128xf32, #tpu.memory_space<vmem>>, vector<1x16xf32>,
    %swap3A_1413 = vector.shape_cast %swap3A_1412 : vector<1x16xf32> to vector<16xf32>
    %swap3A_1414 = vector.shape_cast %broadcast_in_dim3A_1408 : vector<16xf32> to vector<1x16xf32>
    tpu.vector_store %arg12[%swap3A_1410, %swap3A_1411], %swap3A_1414 {strides = array<i32>} : memref<24x128xf32, #tpu.memory_space<vmem>>, vector<1x16xf32>,
    %broadcast_in_dim3A_1415 = arith.constant 0.000000e+00 : f32
    %broadcast_in_dim3A_1416 = vector.broadcast %broadcast_in_dim3A_1415 : f32 to vector<16xf32>
    %swap3A_1417 = arith.constant 22 : i32
    %swap3A_1418 = arith.index_cast %swap3A_1417 : i32 to index
    %swap3A_1419 = arith.constant 0 : index
    %swap3A_1420 = tpu.vector_load %arg12[%swap3A_1418, %swap3A_1419] {strides = array<i32>} : memref<24x128xf32, #tpu.memory_space<vmem>>, vector<1x16xf32>,
    %swap3A_1421 = vector.shape_cast %swap3A_1420 : vector<1x16xf32> to vector<16xf32>
    %swap3A_1422 = vector.shape_cast %broadcast_in_dim3A_1416 : vector<16xf32> to vector<1x16xf32>
    tpu.vector_store %arg12[%swap3A_1418, %swap3A_1419], %swap3A_1422 {strides = array<i32>} : memref<24x128xf32, #tpu.memory_space<vmem>>, vector<1x16xf32>,
    %broadcast_in_dim3A_1423 = arith.constant 0.000000e+00 : f32
    %broadcast_in_dim3A_1424 = vector.broadcast %broadcast_in_dim3A_1423 : f32 to vector<16xf32>
    %swap3A_1425 = arith.constant 22 : i32
    %swap3A_1426 = arith.index_cast %swap3A_1425 : i32 to index
    %swap3A_1427 = arith.constant 16 : index
    %swap3A_1428 = tpu.vector_load %arg12[%swap3A_1426, %swap3A_1427] {strides = array<i32>} : memref<24x128xf32, #tpu.memory_space<vmem>>, vector<1x16xf32>,
    %swap3A_1429 = vector.shape_cast %swap3A_1428 : vector<1x16xf32> to vector<16xf32>
    %swap3A_1430 = vector.shape_cast %broadcast_in_dim3A_1424 : vector<16xf32> to vector<1x16xf32>
    tpu.vector_store %arg12[%swap3A_1426, %swap3A_1427], %swap3A_1430 {strides = array<i32>} : memref<24x128xf32, #tpu.memory_space<vmem>>, vector<1x16xf32>,
    %broadcast_in_dim3A_1431 = arith.constant 0.000000e+00 : f32
    %broadcast_in_dim3A_1432 = vector.broadcast %broadcast_in_dim3A_1431 : f32 to vector<16xf32>
    %swap3A_1433 = arith.constant 22 : i32
    %swap3A_1434 = arith.index_cast %swap3A_1433 : i32 to index
    %swap3A_1435 = arith.constant 32 : index
    %swap3A_1436 = tpu.vector_load %arg12[%swap3A_1434, %swap3A_1435] {strides = array<i32>} : memref<24x128xf32, #tpu.memory_space<vmem>>, vector<1x16xf32>,
    %swap3A_1437 = vector.shape_cast %swap3A_1436 : vector<1x16xf32> to vector<16xf32>
    %swap3A_1438 = vector.shape_cast %broadcast_in_dim3A_1432 : vector<16xf32> to vector<1x16xf32>
    tpu.vector_store %arg12[%swap3A_1434, %swap3A_1435], %swap3A_1438 {strides = array<i32>} : memref<24x128xf32, #tpu.memory_space<vmem>>, vector<1x16xf32>,
    %broadcast_in_dim3A_1439 = arith.constant 0.000000e+00 : f32
    %broadcast_in_dim3A_1440 = vector.broadcast %broadcast_in_dim3A_1439 : f32 to vector<16xf32>
    %swap3A_1441 = arith.constant 22 : i32
    %swap3A_1442 = arith.index_cast %swap3A_1441 : i32 to index
    %swap3A_1443 = arith.constant 48 : index
    %swap3A_1444 = tpu.vector_load %arg12[%swap3A_1442, %swap3A_1443] {strides = array<i32>} : memref<24x128xf32, #tpu.memory_space<vmem>>, vector<1x16xf32>,
    %swap3A_1445 = vector.shape_cast %swap3A_1444 : vector<1x16xf32> to vector<16xf32>
    %swap3A_1446 = vector.shape_cast %broadcast_in_dim3A_1440 : vector<16xf32> to vector<1x16xf32>
    tpu.vector_store %arg12[%swap3A_1442, %swap3A_1443], %swap3A_1446 {strides = array<i32>} : memref<24x128xf32, #tpu.memory_space<vmem>>, vector<1x16xf32>,
    %broadcast_in_dim3A_1447 = arith.constant 0.000000e+00 : f32
    %broadcast_in_dim3A_1448 = vector.broadcast %broadcast_in_dim3A_1447 : f32 to vector<16xf32>
    %swap3A_1449 = arith.constant 22 : i32
    %swap3A_1450 = arith.index_cast %swap3A_1449 : i32 to index
    %swap3A_1451 = arith.constant 64 : index
    %swap3A_1452 = tpu.vector_load %arg12[%swap3A_1450, %swap3A_1451] {strides = array<i32>} : memref<24x128xf32, #tpu.memory_space<vmem>>, vector<1x16xf32>,
    %swap3A_1453 = vector.shape_cast %swap3A_1452 : vector<1x16xf32> to vector<16xf32>
    %swap3A_1454 = vector.shape_cast %broadcast_in_dim3A_1448 : vector<16xf32> to vector<1x16xf32>
    tpu.vector_store %arg12[%swap3A_1450, %swap3A_1451], %swap3A_1454 {strides = array<i32>} : memref<24x128xf32, #tpu.memory_space<vmem>>, vector<1x16xf32>,
    %broadcast_in_dim3A_1455 = arith.constant 0.000000e+00 : f32
    %broadcast_in_dim3A_1456 = vector.broadcast %broadcast_in_dim3A_1455 : f32 to vector<16xf32>
    %swap3A_1457 = arith.constant 22 : i32
    %swap3A_1458 = arith.index_cast %swap3A_1457 : i32 to index
    %swap3A_1459 = arith.constant 80 : index
    %swap3A_1460 = tpu.vector_load %arg12[%swap3A_1458, %swap3A_1459] {strides = array<i32>} : memref<24x128xf32, #tpu.memory_space<vmem>>, vector<1x16xf32>,
    %swap3A_1461 = vector.shape_cast %swap3A_1460 : vector<1x16xf32> to vector<16xf32>
    %swap3A_1462 = vector.shape_cast %broadcast_in_dim3A_1456 : vector<16xf32> to vector<1x16xf32>
    tpu.vector_store %arg12[%swap3A_1458, %swap3A_1459], %swap3A_1462 {strides = array<i32>} : memref<24x128xf32, #tpu.memory_space<vmem>>, vector<1x16xf32>,
    %broadcast_in_dim3A_1463 = arith.constant 0.000000e+00 : f32
    %broadcast_in_dim3A_1464 = vector.broadcast %broadcast_in_dim3A_1463 : f32 to vector<16xf32>
    %swap3A_1465 = arith.constant 22 : i32
    %swap3A_1466 = arith.index_cast %swap3A_1465 : i32 to index
    %swap3A_1467 = arith.constant 96 : index
    %swap3A_1468 = tpu.vector_load %arg12[%swap3A_1466, %swap3A_1467] {strides = array<i32>} : memref<24x128xf32, #tpu.memory_space<vmem>>, vector<1x16xf32>,
    %swap3A_1469 = vector.shape_cast %swap3A_1468 : vector<1x16xf32> to vector<16xf32>
    %swap3A_1470 = vector.shape_cast %broadcast_in_dim3A_1464 : vector<16xf32> to vector<1x16xf32>
    tpu.vector_store %arg12[%swap3A_1466, %swap3A_1467], %swap3A_1470 {strides = array<i32>} : memref<24x128xf32, #tpu.memory_space<vmem>>, vector<1x16xf32>,
    %broadcast_in_dim3A_1471 = arith.constant 0.000000e+00 : f32
    %broadcast_in_dim3A_1472 = vector.broadcast %broadcast_in_dim3A_1471 : f32 to vector<16xf32>
    %swap3A_1473 = arith.constant 22 : i32
    %swap3A_1474 = arith.index_cast %swap3A_1473 : i32 to index
    %swap3A_1475 = arith.constant 112 : index
    %swap3A_1476 = tpu.vector_load %arg12[%swap3A_1474, %swap3A_1475] {strides = array<i32>} : memref<24x128xf32, #tpu.memory_space<vmem>>, vector<1x16xf32>,
    %swap3A_1477 = vector.shape_cast %swap3A_1476 : vector<1x16xf32> to vector<16xf32>
    %swap3A_1478 = vector.shape_cast %broadcast_in_dim3A_1472 : vector<16xf32> to vector<1x16xf32>
    tpu.vector_store %arg12[%swap3A_1474, %swap3A_1475], %swap3A_1478 {strides = array<i32>} : memref<24x128xf32, #tpu.memory_space<vmem>>, vector<1x16xf32>,
    %broadcast_in_dim3A_1479 = arith.constant 0.000000e+00 : f32
    %broadcast_in_dim3A_1480 = vector.broadcast %broadcast_in_dim3A_1479 : f32 to vector<16xf32>
    %swap3A_1481 = arith.constant 23 : i32
    %swap3A_1482 = arith.index_cast %swap3A_1481 : i32 to index
    %swap3A_1483 = arith.constant 0 : index
    %swap3A_1484 = tpu.vector_load %arg12[%swap3A_1482, %swap3A_1483] {strides = array<i32>} : memref<24x128xf32, #tpu.memory_space<vmem>>, vector<1x16xf32>,
    %swap3A_1485 = vector.shape_cast %swap3A_1484 : vector<1x16xf32> to vector<16xf32>
    %swap3A_1486 = vector.shape_cast %broadcast_in_dim3A_1480 : vector<16xf32> to vector<1x16xf32>
    tpu.vector_store %arg12[%swap3A_1482, %swap3A_1483], %swap3A_1486 {strides = array<i32>} : memref<24x128xf32, #tpu.memory_space<vmem>>, vector<1x16xf32>,
    %broadcast_in_dim3A_1487 = arith.constant 0.000000e+00 : f32
    %broadcast_in_dim3A_1488 = vector.broadcast %broadcast_in_dim3A_1487 : f32 to vector<16xf32>
    %swap3A_1489 = arith.constant 23 : i32
    %swap3A_1490 = arith.index_cast %swap3A_1489 : i32 to index
    %swap3A_1491 = arith.constant 16 : index
    %swap3A_1492 = tpu.vector_load %arg12[%swap3A_1490, %swap3A_1491] {strides = array<i32>} : memref<24x128xf32, #tpu.memory_space<vmem>>, vector<1x16xf32>,
    %swap3A_1493 = vector.shape_cast %swap3A_1492 : vector<1x16xf32> to vector<16xf32>
    %swap3A_1494 = vector.shape_cast %broadcast_in_dim3A_1488 : vector<16xf32> to vector<1x16xf32>
    tpu.vector_store %arg12[%swap3A_1490, %swap3A_1491], %swap3A_1494 {strides = array<i32>} : memref<24x128xf32, #tpu.memory_space<vmem>>, vector<1x16xf32>,
    %broadcast_in_dim3A_1495 = arith.constant 0.000000e+00 : f32
    %broadcast_in_dim3A_1496 = vector.broadcast %broadcast_in_dim3A_1495 : f32 to vector<16xf32>
    %swap3A_1497 = arith.constant 23 : i32
    %swap3A_1498 = arith.index_cast %swap3A_1497 : i32 to index
    %swap3A_1499 = arith.constant 32 : index
    %swap3A_1500 = tpu.vector_load %arg12[%swap3A_1498, %swap3A_1499] {strides = array<i32>} : memref<24x128xf32, #tpu.memory_space<vmem>>, vector<1x16xf32>,
    %swap3A_1501 = vector.shape_cast %swap3A_1500 : vector<1x16xf32> to vector<16xf32>
    %swap3A_1502 = vector.shape_cast %broadcast_in_dim3A_1496 : vector<16xf32> to vector<1x16xf32>
    tpu.vector_store %arg12[%swap3A_1498, %swap3A_1499], %swap3A_1502 {strides = array<i32>} : memref<24x128xf32, #tpu.memory_space<vmem>>, vector<1x16xf32>,
    %broadcast_in_dim3A_1503 = arith.constant 0.000000e+00 : f32
    %broadcast_in_dim3A_1504 = vector.broadcast %broadcast_in_dim3A_1503 : f32 to vector<16xf32>
    %swap3A_1505 = arith.constant 23 : i32
    %swap3A_1506 = arith.index_cast %swap3A_1505 : i32 to index
    %swap3A_1507 = arith.constant 48 : index
    %swap3A_1508 = tpu.vector_load %arg12[%swap3A_1506, %swap3A_1507] {strides = array<i32>} : memref<24x128xf32, #tpu.memory_space<vmem>>, vector<1x16xf32>,
    %swap3A_1509 = vector.shape_cast %swap3A_1508 : vector<1x16xf32> to vector<16xf32>
    %swap3A_1510 = vector.shape_cast %broadcast_in_dim3A_1504 : vector<16xf32> to vector<1x16xf32>
    tpu.vector_store %arg12[%swap3A_1506, %swap3A_1507], %swap3A_1510 {strides = array<i32>} : memref<24x128xf32, #tpu.memory_space<vmem>>, vector<1x16xf32>,
    %broadcast_in_dim3A_1511 = arith.constant 0.000000e+00 : f32
    %broadcast_in_dim3A_1512 = vector.broadcast %broadcast_in_dim3A_1511 : f32 to vector<16xf32>
    %swap3A_1513 = arith.constant 23 : i32
    %swap3A_1514 = arith.index_cast %swap3A_1513 : i32 to index
    %swap3A_1515 = arith.constant 64 : index
    %swap3A_1516 = tpu.vector_load %arg12[%swap3A_1514, %swap3A_1515] {strides = array<i32>} : memref<24x128xf32, #tpu.memory_space<vmem>>, vector<1x16xf32>,
    %swap3A_1517 = vector.shape_cast %swap3A_1516 : vector<1x16xf32> to vector<16xf32>
    %swap3A_1518 = vector.shape_cast %broadcast_in_dim3A_1512 : vector<16xf32> to vector<1x16xf32>
    tpu.vector_store %arg12[%swap3A_1514, %swap3A_1515], %swap3A_1518 {strides = array<i32>} : memref<24x128xf32, #tpu.memory_space<vmem>>, vector<1x16xf32>,
    %broadcast_in_dim3A_1519 = arith.constant 0.000000e+00 : f32
    %broadcast_in_dim3A_1520 = vector.broadcast %broadcast_in_dim3A_1519 : f32 to vector<16xf32>
    %swap3A_1521 = arith.constant 23 : i32
    %swap3A_1522 = arith.index_cast %swap3A_1521 : i32 to index
    %swap3A_1523 = arith.constant 80 : index
    %swap3A_1524 = tpu.vector_load %arg12[%swap3A_1522, %swap3A_1523] {strides = array<i32>} : memref<24x128xf32, #tpu.memory_space<vmem>>, vector<1x16xf32>,
    %swap3A_1525 = vector.shape_cast %swap3A_1524 : vector<1x16xf32> to vector<16xf32>
    %swap3A_1526 = vector.shape_cast %broadcast_in_dim3A_1520 : vector<16xf32> to vector<1x16xf32>
    tpu.vector_store %arg12[%swap3A_1522, %swap3A_1523], %swap3A_1526 {strides = array<i32>} : memref<24x128xf32, #tpu.memory_space<vmem>>, vector<1x16xf32>,
    %broadcast_in_dim3A_1527 = arith.constant 0.000000e+00 : f32
    %broadcast_in_dim3A_1528 = vector.broadcast %broadcast_in_dim3A_1527 : f32 to vector<16xf32>
    %swap3A_1529 = arith.constant 23 : i32
    %swap3A_1530 = arith.index_cast %swap3A_1529 : i32 to index
    %swap3A_1531 = arith.constant 96 : index
    %swap3A_1532 = tpu.vector_load %arg12[%swap3A_1530, %swap3A_1531] {strides = array<i32>} : memref<24x128xf32, #tpu.memory_space<vmem>>, vector<1x16xf32>,
    %swap3A_1533 = vector.shape_cast %swap3A_1532 : vector<1x16xf32> to vector<16xf32>
    %swap3A_1534 = vector.shape_cast %broadcast_in_dim3A_1528 : vector<16xf32> to vector<1x16xf32>
    tpu.vector_store %arg12[%swap3A_1530, %swap3A_1531], %swap3A_1534 {strides = array<i32>} : memref<24x128xf32, #tpu.memory_space<vmem>>, vector<1x16xf32>,
    %broadcast_in_dim3A_1535 = arith.constant 0.000000e+00 : f32
    %broadcast_in_dim3A_1536 = vector.broadcast %broadcast_in_dim3A_1535 : f32 to vector<16xf32>
    %swap3A_1537 = arith.constant 23 : i32
    %swap3A_1538 = arith.index_cast %swap3A_1537 : i32 to index
    %swap3A_1539 = arith.constant 112 : index
    %swap3A_1540 = tpu.vector_load %arg12[%swap3A_1538, %swap3A_1539] {strides = array<i32>} : memref<24x128xf32, #tpu.memory_space<vmem>>, vector<1x16xf32>,
    %swap3A_1541 = vector.shape_cast %swap3A_1540 : vector<1x16xf32> to vector<16xf32>
    %swap3A_1542 = vector.shape_cast %broadcast_in_dim3A_1536 : vector<16xf32> to vector<1x16xf32>
    tpu.vector_store %arg12[%swap3A_1538, %swap3A_1539], %swap3A_1542 {strides = array<i32>} : memref<24x128xf32, #tpu.memory_space<vmem>>, vector<1x16xf32>,
    %add3A_1543 = arith.constant 0 : i32
    %add3A_1544 = arith.addi %mul3A_0, %add3A_1543 : i32
    %add3A_1545 = arith.constant 24 : i32
    %add3A_1546 = arith.addi %mul3A_0, %add3A_1545 : i32
    %add3A_1547 = arith.constant 48 : i32
    %add3A_1548 = arith.addi %mul3A_0, %add3A_1547 : i32
    %add3A_1549 = arith.constant 72 : i32
    %add3A_1550 = arith.addi %mul3A_0, %add3A_1549 : i32
    %add3A_1551 = arith.constant 96 : i32
    %add3A_1552 = arith.addi %mul3A_0, %add3A_1551 : i32
    %add3A_1553 = arith.constant 120 : i32
    %add3A_1554 = arith.addi %mul3A_0, %add3A_1553 : i32
    %add3A_1555 = arith.constant 144 : i32
    %add3A_1556 = arith.addi %mul3A_0, %add3A_1555 : i32
    %add3A_1557 = arith.constant 168 : i32
    %add3A_1558 = arith.addi %mul3A_0, %add3A_1557 : i32
    %add3A_1559 = arith.constant 192 : i32
    %add3A_1560 = arith.addi %mul3A_0, %add3A_1559 : i32
    %add3A_1561 = arith.constant 216 : i32
    %add3A_1562 = arith.addi %mul3A_0, %add3A_1561 : i32
    %add3A_1563 = arith.constant 240 : i32
    %add3A_1564 = arith.addi %mul3A_0, %add3A_1563 : i32
    %add3A_1565 = arith.constant 264 : i32
    %add3A_1566 = arith.addi %mul3A_0, %add3A_1565 : i32
    %add3A_1567 = arith.constant 288 : i32
    %add3A_1568 = arith.addi %mul3A_0, %add3A_1567 : i32
    %add3A_1569 = arith.constant 312 : i32
    %add3A_1570 = arith.addi %mul3A_0, %add3A_1569 : i32
    %add3A_1571 = arith.constant 336 : i32
    %add3A_1572 = arith.addi %mul3A_0, %add3A_1571 : i32
    %add3A_1573 = arith.constant 360 : i32
    %add3A_1574 = arith.addi %mul3A_0, %add3A_1573 : i32
    %add3A_1575 = arith.constant 384 : i32
    %add3A_1576 = arith.addi %mul3A_0, %add3A_1575 : i32
    %add3A_1577 = arith.constant 408 : i32
    %add3A_1578 = arith.addi %mul3A_0, %add3A_1577 : i32
    %add3A_1579 = arith.constant 432 : i32
    %add3A_1580 = arith.addi %mul3A_0, %add3A_1579 : i32
    %add3A_1581 = arith.constant 456 : i32
    %add3A_1582 = arith.addi %mul3A_0, %add3A_1581 : i32
    %add3A_1583 = arith.constant 480 : i32
    %add3A_1584 = arith.addi %mul3A_0, %add3A_1583 : i32
    %add3A_1585 = arith.constant 504 : i32
    %add3A_1586 = arith.addi %mul3A_0, %add3A_1585 : i32
    %add3A_1587 = arith.constant 528 : i32
    %add3A_1588 = arith.addi %mul3A_0, %add3A_1587 : i32
    %add3A_1589 = arith.constant 552 : i32
    %add3A_1590 = arith.addi %mul3A_0, %add3A_1589 : i32
    %add3A_1591 = arith.constant 576 : i32
    %add3A_1592 = arith.addi %mul3A_0, %add3A_1591 : i32
    %add3A_1593 = arith.constant 600 : i32
    %add3A_1594 = arith.addi %mul3A_0, %add3A_1593 : i32
    %dma_start3A_1595 = arith.constant 0 : i32
    %dma_start3A_1596 = arith.constant 0 : i32
    %dma_start3A_1597 = tpu.memref_slice %arg12[%dma_start3A_1595, %dma_start3A_1596] : memref<24x128xf32, #tpu.memory_space<vmem>> -> memref<24x128xf32, #tpu.memory_space<vmem>>
    %dma_start3A_1598 = arith.constant 0 : i32
    %dma_start3A_1599 = tpu.memref_slice %arg18[%add3A_1544, %dma_start3A_1598] : memref<10000x128xf32, #tpu.memory_space<vmem_shared>> -> memref<24x128xf32, #tpu.memory_space<vmem_shared>>
    %dma_start3A_1600 = arith.constant 0 : i32
    %dma_start3A_1601 = tpu.memref_slice %arg18[%add3A_1544, %dma_start3A_1600] : memref<10000x128xf32, #tpu.memory_space<vmem_shared>> -> memref<24x128xf32, #tpu.memory_space<vmem_shared>>
    %dma_start3A_1602 = arith.constant 0 : i32
    %dma_start3A_1603 = arith.constant 0 : i32
    %dma_start3A_1604 = tpu.memref_slice %arg12[%dma_start3A_1602, %dma_start3A_1603] : memref<24x128xf32, #tpu.memory_space<vmem>> -> memref<24x128xf32, #tpu.memory_space<vmem>>
    tpu.enqueue_dma source(%dma_start3A_1604 : memref<24x128xf32, #tpu.memory_space<vmem>>) target(%dma_start3A_1601 : memref<24x128xf32, #tpu.memory_space<vmem_shared>>) target_semaphore(%arg16 : memref<!tpu.dma_semaphore, #tpu.memory_space<semaphore_mem>>)
    %dma_start3A_1605 = arith.constant 0 : i32
    %dma_start3A_1606 = arith.constant 0 : i32
    %dma_start3A_1607 = tpu.memref_slice %arg12[%dma_start3A_1605, %dma_start3A_1606] : memref<24x128xf32, #tpu.memory_space<vmem>> -> memref<24x128xf32, #tpu.memory_space<vmem>>
    %dma_start3A_1608 = arith.constant 0 : i32
    %dma_start3A_1609 = tpu.memref_slice %arg18[%add3A_1546, %dma_start3A_1608] : memref<10000x128xf32, #tpu.memory_space<vmem_shared>> -> memref<24x128xf32, #tpu.memory_space<vmem_shared>>
    %dma_start3A_1610 = arith.constant 0 : i32
    %dma_start3A_1611 = tpu.memref_slice %arg18[%add3A_1546, %dma_start3A_1610] : memref<10000x128xf32, #tpu.memory_space<vmem_shared>> -> memref<24x128xf32, #tpu.memory_space<vmem_shared>>
    %dma_start3A_1612 = arith.constant 0 : i32
    %dma_start3A_1613 = arith.constant 0 : i32
    %dma_start3A_1614 = tpu.memref_slice %arg12[%dma_start3A_1612, %dma_start3A_1613] : memref<24x128xf32, #tpu.memory_space<vmem>> -> memref<24x128xf32, #tpu.memory_space<vmem>>
    tpu.enqueue_dma source(%dma_start3A_1614 : memref<24x128xf32, #tpu.memory_space<vmem>>) target(%dma_start3A_1611 : memref<24x128xf32, #tpu.memory_space<vmem_shared>>) target_semaphore(%arg16 : memref<!tpu.dma_semaphore, #tpu.memory_space<semaphore_mem>>)
    %dma_start3A_1615 = arith.constant 0 : i32
    %dma_start3A_1616 = arith.constant 0 : i32
    %dma_start3A_1617 = tpu.memref_slice %arg12[%dma_start3A_1615, %dma_start3A_1616] : memref<24x128xf32, #tpu.memory_space<vmem>> -> memref<24x128xf32, #tpu.memory_space<vmem>>
    %dma_start3A_1618 = arith.constant 0 : i32
    %dma_start3A_1619 = tpu.memref_slice %arg18[%add3A_1548, %dma_start3A_1618] : memref<10000x128xf32, #tpu.memory_space<vmem_shared>> -> memref<24x128xf32, #tpu.memory_space<vmem_shared>>
    %dma_start3A_1620 = arith.constant 0 : i32
    %dma_start3A_1621 = tpu.memref_slice %arg18[%add3A_1548, %dma_start3A_1620] : memref<10000x128xf32, #tpu.memory_space<vmem_shared>> -> memref<24x128xf32, #tpu.memory_space<vmem_shared>>
    %dma_start3A_1622 = arith.constant 0 : i32
    %dma_start3A_1623 = arith.constant 0 : i32
    %dma_start3A_1624 = tpu.memref_slice %arg12[%dma_start3A_1622, %dma_start3A_1623] : memref<24x128xf32, #tpu.memory_space<vmem>> -> memref<24x128xf32, #tpu.memory_space<vmem>>
    tpu.enqueue_dma source(%dma_start3A_1624 : memref<24x128xf32, #tpu.memory_space<vmem>>) target(%dma_start3A_1621 : memref<24x128xf32, #tpu.memory_space<vmem_shared>>) target_semaphore(%arg16 : memref<!tpu.dma_semaphore, #tpu.memory_space<semaphore_mem>>)
    %dma_start3A_1625 = arith.constant 0 : i32
    %dma_start3A_1626 = arith.constant 0 : i32
    %dma_start3A_1627 = tpu.memref_slice %arg12[%dma_start3A_1625, %dma_start3A_1626] : memref<24x128xf32, #tpu.memory_space<vmem>> -> memref<24x128xf32, #tpu.memory_space<vmem>>
    %dma_start3A_1628 = arith.constant 0 : i32
    %dma_start3A_1629 = tpu.memref_slice %arg18[%add3A_1550, %dma_start3A_1628] : memref<10000x128xf32, #tpu.memory_space<vmem_shared>> -> memref<24x128xf32, #tpu.memory_space<vmem_shared>>
    %dma_start3A_1630 = arith.constant 0 : i32
    %dma_start3A_1631 = tpu.memref_slice %arg18[%add3A_1550, %dma_start3A_1630] : memref<10000x128xf32, #tpu.memory_space<vmem_shared>> -> memref<24x128xf32, #tpu.memory_space<vmem_shared>>
    %dma_start3A_1632 = arith.constant 0 : i32
    %dma_start3A_1633 = arith.constant 0 : i32
    %dma_start3A_1634 = tpu.memref_slice %arg12[%dma_start3A_1632, %dma_start3A_1633] : memref<24x128xf32, #tpu.memory_space<vmem>> -> memref<24x128xf32, #tpu.memory_space<vmem>>
    tpu.enqueue_dma source(%dma_start3A_1634 : memref<24x128xf32, #tpu.memory_space<vmem>>) target(%dma_start3A_1631 : memref<24x128xf32, #tpu.memory_space<vmem_shared>>) target_semaphore(%arg16 : memref<!tpu.dma_semaphore, #tpu.memory_space<semaphore_mem>>)
    %dma_start3A_1635 = arith.constant 0 : i32
    %dma_start3A_1636 = arith.constant 0 : i32
    %dma_start3A_1637 = tpu.memref_slice %arg12[%dma_start3A_1635, %dma_start3A_1636] : memref<24x128xf32, #tpu.memory_space<vmem>> -> memref<24x128xf32, #tpu.memory_space<vmem>>
    %dma_start3A_1638 = arith.constant 0 : i32
    %dma_start3A_1639 = tpu.memref_slice %arg18[%add3A_1552, %dma_start3A_1638] : memref<10000x128xf32, #tpu.memory_space<vmem_shared>> -> memref<24x128xf32, #tpu.memory_space<vmem_shared>>
    %dma_start3A_1640 = arith.constant 0 : i32
    %dma_start3A_1641 = tpu.memref_slice %arg18[%add3A_1552, %dma_start3A_1640] : memref<10000x128xf32, #tpu.memory_space<vmem_shared>> -> memref<24x128xf32, #tpu.memory_space<vmem_shared>>
    %dma_start3A_1642 = arith.constant 0 : i32
    %dma_start3A_1643 = arith.constant 0 : i32
    %dma_start3A_1644 = tpu.memref_slice %arg12[%dma_start3A_1642, %dma_start3A_1643] : memref<24x128xf32, #tpu.memory_space<vmem>> -> memref<24x128xf32, #tpu.memory_space<vmem>>
    tpu.enqueue_dma source(%dma_start3A_1644 : memref<24x128xf32, #tpu.memory_space<vmem>>) target(%dma_start3A_1641 : memref<24x128xf32, #tpu.memory_space<vmem_shared>>) target_semaphore(%arg16 : memref<!tpu.dma_semaphore, #tpu.memory_space<semaphore_mem>>)
    %dma_start3A_1645 = arith.constant 0 : i32
    %dma_start3A_1646 = arith.constant 0 : i32
    %dma_start3A_1647 = tpu.memref_slice %arg12[%dma_start3A_1645, %dma_start3A_1646] : memref<24x128xf32, #tpu.memory_space<vmem>> -> memref<24x128xf32, #tpu.memory_space<vmem>>
    %dma_start3A_1648 = arith.constant 0 : i32
    %dma_start3A_1649 = tpu.memref_slice %arg18[%add3A_1554, %dma_start3A_1648] : memref<10000x128xf32, #tpu.memory_space<vmem_shared>> -> memref<24x128xf32, #tpu.memory_space<vmem_shared>>
    %dma_start3A_1650 = arith.constant 0 : i32
    %dma_start3A_1651 = tpu.memref_slice %arg18[%add3A_1554, %dma_start3A_1650] : memref<10000x128xf32, #tpu.memory_space<vmem_shared>> -> memref<24x128xf32, #tpu.memory_space<vmem_shared>>
    %dma_start3A_1652 = arith.constant 0 : i32
    %dma_start3A_1653 = arith.constant 0 : i32
    %dma_start3A_1654 = tpu.memref_slice %arg12[%dma_start3A_1652, %dma_start3A_1653] : memref<24x128xf32, #tpu.memory_space<vmem>> -> memref<24x128xf32, #tpu.memory_space<vmem>>
    tpu.enqueue_dma source(%dma_start3A_1654 : memref<24x128xf32, #tpu.memory_space<vmem>>) target(%dma_start3A_1651 : memref<24x128xf32, #tpu.memory_space<vmem_shared>>) target_semaphore(%arg16 : memref<!tpu.dma_semaphore, #tpu.memory_space<semaphore_mem>>)
    %dma_start3A_1655 = arith.constant 0 : i32
    %dma_start3A_1656 = arith.constant 0 : i32
    %dma_start3A_1657 = tpu.memref_slice %arg12[%dma_start3A_1655, %dma_start3A_1656] : memref<24x128xf32, #tpu.memory_space<vmem>> -> memref<24x128xf32, #tpu.memory_space<vmem>>
    %dma_start3A_1658 = arith.constant 0 : i32
    %dma_start3A_1659 = tpu.memref_slice %arg18[%add3A_1556, %dma_start3A_1658] : memref<10000x128xf32, #tpu.memory_space<vmem_shared>> -> memref<24x128xf32, #tpu.memory_space<vmem_shared>>
    %dma_start3A_1660 = arith.constant 0 : i32
    %dma_start3A_1661 = tpu.memref_slice %arg18[%add3A_1556, %dma_start3A_1660] : memref<10000x128xf32, #tpu.memory_space<vmem_shared>> -> memref<24x128xf32, #tpu.memory_space<vmem_shared>>
    %dma_start3A_1662 = arith.constant 0 : i32
    %dma_start3A_1663 = arith.constant 0 : i32
    %dma_start3A_1664 = tpu.memref_slice %arg12[%dma_start3A_1662, %dma_start3A_1663] : memref<24x128xf32, #tpu.memory_space<vmem>> -> memref<24x128xf32, #tpu.memory_space<vmem>>
    tpu.enqueue_dma source(%dma_start3A_1664 : memref<24x128xf32, #tpu.memory_space<vmem>>) target(%dma_start3A_1661 : memref<24x128xf32, #tpu.memory_space<vmem_shared>>) target_semaphore(%arg16 : memref<!tpu.dma_semaphore, #tpu.memory_space<semaphore_mem>>)
    %dma_start3A_1665 = arith.constant 0 : i32
    %dma_start3A_1666 = arith.constant 0 : i32
    %dma_start3A_1667 = tpu.memref_slice %arg12[%dma_start3A_1665, %dma_start3A_1666] : memref<24x128xf32, #tpu.memory_space<vmem>> -> memref<24x128xf32, #tpu.memory_space<vmem>>
    %dma_start3A_1668 = arith.constant 0 : i32
    %dma_start3A_1669 = tpu.memref_slice %arg18[%add3A_1558, %dma_start3A_1668] : memref<10000x128xf32, #tpu.memory_space<vmem_shared>> -> memref<24x128xf32, #tpu.memory_space<vmem_shared>>
    %dma_start3A_1670 = arith.constant 0 : i32
    %dma_start3A_1671 = tpu.memref_slice %arg18[%add3A_1558, %dma_start3A_1670] : memref<10000x128xf32, #tpu.memory_space<vmem_shared>> -> memref<24x128xf32, #tpu.memory_space<vmem_shared>>
    %dma_start3A_1672 = arith.constant 0 : i32
    %dma_start3A_1673 = arith.constant 0 : i32
    %dma_start3A_1674 = tpu.memref_slice %arg12[%dma_start3A_1672, %dma_start3A_1673] : memref<24x128xf32, #tpu.memory_space<vmem>> -> memref<24x128xf32, #tpu.memory_space<vmem>>
    tpu.enqueue_dma source(%dma_start3A_1674 : memref<24x128xf32, #tpu.memory_space<vmem>>) target(%dma_start3A_1671 : memref<24x128xf32, #tpu.memory_space<vmem_shared>>) target_semaphore(%arg16 : memref<!tpu.dma_semaphore, #tpu.memory_space<semaphore_mem>>)
    %dma_start3A_1675 = arith.constant 0 : i32
    %dma_start3A_1676 = arith.constant 0 : i32
    %dma_start3A_1677 = tpu.memref_slice %arg12[%dma_start3A_1675, %dma_start3A_1676] : memref<24x128xf32, #tpu.memory_space<vmem>> -> memref<24x128xf32, #tpu.memory_space<vmem>>
    %dma_start3A_1678 = arith.constant 0 : i32
    %dma_start3A_1679 = tpu.memref_slice %arg18[%add3A_1560, %dma_start3A_1678] : memref<10000x128xf32, #tpu.memory_space<vmem_shared>> -> memref<24x128xf32, #tpu.memory_space<vmem_shared>>
    %dma_start3A_1680 = arith.constant 0 : i32
    %dma_start3A_1681 = tpu.memref_slice %arg18[%add3A_1560, %dma_start3A_1680] : memref<10000x128xf32, #tpu.memory_space<vmem_shared>> -> memref<24x128xf32, #tpu.memory_space<vmem_shared>>
    %dma_start3A_1682 = arith.constant 0 : i32
    %dma_start3A_1683 = arith.constant 0 : i32
    %dma_start3A_1684 = tpu.memref_slice %arg12[%dma_start3A_1682, %dma_start3A_1683] : memref<24x128xf32, #tpu.memory_space<vmem>> -> memref<24x128xf32, #tpu.memory_space<vmem>>
    tpu.enqueue_dma source(%dma_start3A_1684 : memref<24x128xf32, #tpu.memory_space<vmem>>) target(%dma_start3A_1681 : memref<24x128xf32, #tpu.memory_space<vmem_shared>>) target_semaphore(%arg16 : memref<!tpu.dma_semaphore, #tpu.memory_space<semaphore_mem>>)
    %dma_start3A_1685 = arith.constant 0 : i32
    %dma_start3A_1686 = arith.constant 0 : i32
    %dma_start3A_1687 = tpu.memref_slice %arg12[%dma_start3A_1685, %dma_start3A_1686] : memref<24x128xf32, #tpu.memory_space<vmem>> -> memref<24x128xf32, #tpu.memory_space<vmem>>
    %dma_start3A_1688 = arith.constant 0 : i32
    %dma_start3A_1689 = tpu.memref_slice %arg18[%add3A_1562, %dma_start3A_1688] : memref<10000x128xf32, #tpu.memory_space<vmem_shared>> -> memref<24x128xf32, #tpu.memory_space<vmem_shared>>
    %dma_start3A_1690 = arith.constant 0 : i32
    %dma_start3A_1691 = tpu.memref_slice %arg18[%add3A_1562, %dma_start3A_1690] : memref<10000x128xf32, #tpu.memory_space<vmem_shared>> -> memref<24x128xf32, #tpu.memory_space<vmem_shared>>
    %dma_start3A_1692 = arith.constant 0 : i32
    %dma_start3A_1693 = arith.constant 0 : i32
    %dma_start3A_1694 = tpu.memref_slice %arg12[%dma_start3A_1692, %dma_start3A_1693] : memref<24x128xf32, #tpu.memory_space<vmem>> -> memref<24x128xf32, #tpu.memory_space<vmem>>
    tpu.enqueue_dma source(%dma_start3A_1694 : memref<24x128xf32, #tpu.memory_space<vmem>>) target(%dma_start3A_1691 : memref<24x128xf32, #tpu.memory_space<vmem_shared>>) target_semaphore(%arg16 : memref<!tpu.dma_semaphore, #tpu.memory_space<semaphore_mem>>)
    %dma_start3A_1695 = arith.constant 0 : i32
    %dma_start3A_1696 = arith.constant 0 : i32
    %dma_start3A_1697 = tpu.memref_slice %arg12[%dma_start3A_1695, %dma_start3A_1696] : memref<24x128xf32, #tpu.memory_space<vmem>> -> memref<24x128xf32, #tpu.memory_space<vmem>>
    %dma_start3A_1698 = arith.constant 0 : i32
    %dma_start3A_1699 = tpu.memref_slice %arg18[%add3A_1564, %dma_start3A_1698] : memref<10000x128xf32, #tpu.memory_space<vmem_shared>> -> memref<24x128xf32, #tpu.memory_space<vmem_shared>>
    %dma_start3A_1700 = arith.constant 0 : i32
    %dma_start3A_1701 = tpu.memref_slice %arg18[%add3A_1564, %dma_start3A_1700] : memref<10000x128xf32, #tpu.memory_space<vmem_shared>> -> memref<24x128xf32, #tpu.memory_space<vmem_shared>>
    %dma_start3A_1702 = arith.constant 0 : i32
    %dma_start3A_1703 = arith.constant 0 : i32
    %dma_start3A_1704 = tpu.memref_slice %arg12[%dma_start3A_1702, %dma_start3A_1703] : memref<24x128xf32, #tpu.memory_space<vmem>> -> memref<24x128xf32, #tpu.memory_space<vmem>>
    tpu.enqueue_dma source(%dma_start3A_1704 : memref<24x128xf32, #tpu.memory_space<vmem>>) target(%dma_start3A_1701 : memref<24x128xf32, #tpu.memory_space<vmem_shared>>) target_semaphore(%arg16 : memref<!tpu.dma_semaphore, #tpu.memory_space<semaphore_mem>>)
    %dma_start3A_1705 = arith.constant 0 : i32
    %dma_start3A_1706 = arith.constant 0 : i32
    %dma_start3A_1707 = tpu.memref_slice %arg12[%dma_start3A_1705, %dma_start3A_1706] : memref<24x128xf32, #tpu.memory_space<vmem>> -> memref<24x128xf32, #tpu.memory_space<vmem>>
    %dma_start3A_1708 = arith.constant 0 : i32
    %dma_start3A_1709 = tpu.memref_slice %arg18[%add3A_1566, %dma_start3A_1708] : memref<10000x128xf32, #tpu.memory_space<vmem_shared>> -> memref<24x128xf32, #tpu.memory_space<vmem_shared>>
    %dma_start3A_1710 = arith.constant 0 : i32
    %dma_start3A_1711 = tpu.memref_slice %arg18[%add3A_1566, %dma_start3A_1710] : memref<10000x128xf32, #tpu.memory_space<vmem_shared>> -> memref<24x128xf32, #tpu.memory_space<vmem_shared>>
    %dma_start3A_1712 = arith.constant 0 : i32
    %dma_start3A_1713 = arith.constant 0 : i32
    %dma_start3A_1714 = tpu.memref_slice %arg12[%dma_start3A_1712, %dma_start3A_1713] : memref<24x128xf32, #tpu.memory_space<vmem>> -> memref<24x128xf32, #tpu.memory_space<vmem>>
    tpu.enqueue_dma source(%dma_start3A_1714 : memref<24x128xf32, #tpu.memory_space<vmem>>) target(%dma_start3A_1711 : memref<24x128xf32, #tpu.memory_space<vmem_shared>>) target_semaphore(%arg16 : memref<!tpu.dma_semaphore, #tpu.memory_space<semaphore_mem>>)
    %dma_start3A_1715 = arith.constant 0 : i32
    %dma_start3A_1716 = arith.constant 0 : i32
    %dma_start3A_1717 = tpu.memref_slice %arg12[%dma_start3A_1715, %dma_start3A_1716] : memref<24x128xf32, #tpu.memory_space<vmem>> -> memref<24x128xf32, #tpu.memory_space<vmem>>
    %dma_start3A_1718 = arith.constant 0 : i32
    %dma_start3A_1719 = tpu.memref_slice %arg18[%add3A_1568, %dma_start3A_1718] : memref<10000x128xf32, #tpu.memory_space<vmem_shared>> -> memref<24x128xf32, #tpu.memory_space<vmem_shared>>
    %dma_start3A_1720 = arith.constant 0 : i32
    %dma_start3A_1721 = tpu.memref_slice %arg18[%add3A_1568, %dma_start3A_1720] : memref<10000x128xf32, #tpu.memory_space<vmem_shared>> -> memref<24x128xf32, #tpu.memory_space<vmem_shared>>
    %dma_start3A_1722 = arith.constant 0 : i32
    %dma_start3A_1723 = arith.constant 0 : i32
    %dma_start3A_1724 = tpu.memref_slice %arg12[%dma_start3A_1722, %dma_start3A_1723] : memref<24x128xf32, #tpu.memory_space<vmem>> -> memref<24x128xf32, #tpu.memory_space<vmem>>
    tpu.enqueue_dma source(%dma_start3A_1724 : memref<24x128xf32, #tpu.memory_space<vmem>>) target(%dma_start3A_1721 : memref<24x128xf32, #tpu.memory_space<vmem_shared>>) target_semaphore(%arg16 : memref<!tpu.dma_semaphore, #tpu.memory_space<semaphore_mem>>)
    %dma_start3A_1725 = arith.constant 0 : i32
    %dma_start3A_1726 = arith.constant 0 : i32
    %dma_start3A_1727 = tpu.memref_slice %arg12[%dma_start3A_1725, %dma_start3A_1726] : memref<24x128xf32, #tpu.memory_space<vmem>> -> memref<24x128xf32, #tpu.memory_space<vmem>>
    %dma_start3A_1728 = arith.constant 0 : i32
    %dma_start3A_1729 = tpu.memref_slice %arg18[%add3A_1570, %dma_start3A_1728] : memref<10000x128xf32, #tpu.memory_space<vmem_shared>> -> memref<24x128xf32, #tpu.memory_space<vmem_shared>>
    %dma_start3A_1730 = arith.constant 0 : i32
    %dma_start3A_1731 = tpu.memref_slice %arg18[%add3A_1570, %dma_start3A_1730] : memref<10000x128xf32, #tpu.memory_space<vmem_shared>> -> memref<24x128xf32, #tpu.memory_space<vmem_shared>>
    %dma_start3A_1732 = arith.constant 0 : i32
    %dma_start3A_1733 = arith.constant 0 : i32
    %dma_start3A_1734 = tpu.memref_slice %arg12[%dma_start3A_1732, %dma_start3A_1733] : memref<24x128xf32, #tpu.memory_space<vmem>> -> memref<24x128xf32, #tpu.memory_space<vmem>>
    tpu.enqueue_dma source(%dma_start3A_1734 : memref<24x128xf32, #tpu.memory_space<vmem>>) target(%dma_start3A_1731 : memref<24x128xf32, #tpu.memory_space<vmem_shared>>) target_semaphore(%arg16 : memref<!tpu.dma_semaphore, #tpu.memory_space<semaphore_mem>>)
    %dma_start3A_1735 = arith.constant 0 : i32
    %dma_start3A_1736 = arith.constant 0 : i32
    %dma_start3A_1737 = tpu.memref_slice %arg12[%dma_start3A_1735, %dma_start3A_1736] : memref<24x128xf32, #tpu.memory_space<vmem>> -> memref<24x128xf32, #tpu.memory_space<vmem>>
    %dma_start3A_1738 = arith.constant 0 : i32
    %dma_start3A_1739 = tpu.memref_slice %arg18[%add3A_1572, %dma_start3A_1738] : memref<10000x128xf32, #tpu.memory_space<vmem_shared>> -> memref<24x128xf32, #tpu.memory_space<vmem_shared>>
    %dma_start3A_1740 = arith.constant 0 : i32
    %dma_start3A_1741 = tpu.memref_slice %arg18[%add3A_1572, %dma_start3A_1740] : memref<10000x128xf32, #tpu.memory_space<vmem_shared>> -> memref<24x128xf32, #tpu.memory_space<vmem_shared>>
    %dma_start3A_1742 = arith.constant 0 : i32
    %dma_start3A_1743 = arith.constant 0 : i32
    %dma_start3A_1744 = tpu.memref_slice %arg12[%dma_start3A_1742, %dma_start3A_1743] : memref<24x128xf32, #tpu.memory_space<vmem>> -> memref<24x128xf32, #tpu.memory_space<vmem>>
    tpu.enqueue_dma source(%dma_start3A_1744 : memref<24x128xf32, #tpu.memory_space<vmem>>) target(%dma_start3A_1741 : memref<24x128xf32, #tpu.memory_space<vmem_shared>>) target_semaphore(%arg16 : memref<!tpu.dma_semaphore, #tpu.memory_space<semaphore_mem>>)
    %dma_start3A_1745 = arith.constant 0 : i32
    %dma_start3A_1746 = arith.constant 0 : i32
    %dma_start3A_1747 = tpu.memref_slice %arg12[%dma_start3A_1745, %dma_start3A_1746] : memref<24x128xf32, #tpu.memory_space<vmem>> -> memref<24x128xf32, #tpu.memory_space<vmem>>
    %dma_start3A_1748 = arith.constant 0 : i32
    %dma_start3A_1749 = tpu.memref_slice %arg18[%add3A_1574, %dma_start3A_1748] : memref<10000x128xf32, #tpu.memory_space<vmem_shared>> -> memref<24x128xf32, #tpu.memory_space<vmem_shared>>
    %dma_start3A_1750 = arith.constant 0 : i32
    %dma_start3A_1751 = tpu.memref_slice %arg18[%add3A_1574, %dma_start3A_1750] : memref<10000x128xf32, #tpu.memory_space<vmem_shared>> -> memref<24x128xf32, #tpu.memory_space<vmem_shared>>
    %dma_start3A_1752 = arith.constant 0 : i32
    %dma_start3A_1753 = arith.constant 0 : i32
    %dma_start3A_1754 = tpu.memref_slice %arg12[%dma_start3A_1752, %dma_start3A_1753] : memref<24x128xf32, #tpu.memory_space<vmem>> -> memref<24x128xf32, #tpu.memory_space<vmem>>
    tpu.enqueue_dma source(%dma_start3A_1754 : memref<24x128xf32, #tpu.memory_space<vmem>>) target(%dma_start3A_1751 : memref<24x128xf32, #tpu.memory_space<vmem_shared>>) target_semaphore(%arg16 : memref<!tpu.dma_semaphore, #tpu.memory_space<semaphore_mem>>)
    %dma_start3A_1755 = arith.constant 0 : i32
    %dma_start3A_1756 = arith.constant 0 : i32
    %dma_start3A_1757 = tpu.memref_slice %arg12[%dma_start3A_1755, %dma_start3A_1756] : memref<24x128xf32, #tpu.memory_space<vmem>> -> memref<24x128xf32, #tpu.memory_space<vmem>>
    %dma_start3A_1758 = arith.constant 0 : i32
    %dma_start3A_1759 = tpu.memref_slice %arg18[%add3A_1576, %dma_start3A_1758] : memref<10000x128xf32, #tpu.memory_space<vmem_shared>> -> memref<24x128xf32, #tpu.memory_space<vmem_shared>>
    %dma_start3A_1760 = arith.constant 0 : i32
    %dma_start3A_1761 = tpu.memref_slice %arg18[%add3A_1576, %dma_start3A_1760] : memref<10000x128xf32, #tpu.memory_space<vmem_shared>> -> memref<24x128xf32, #tpu.memory_space<vmem_shared>>
    %dma_start3A_1762 = arith.constant 0 : i32
    %dma_start3A_1763 = arith.constant 0 : i32
    %dma_start3A_1764 = tpu.memref_slice %arg12[%dma_start3A_1762, %dma_start3A_1763] : memref<24x128xf32, #tpu.memory_space<vmem>> -> memref<24x128xf32, #tpu.memory_space<vmem>>
    tpu.enqueue_dma source(%dma_start3A_1764 : memref<24x128xf32, #tpu.memory_space<vmem>>) target(%dma_start3A_1761 : memref<24x128xf32, #tpu.memory_space<vmem_shared>>) target_semaphore(%arg16 : memref<!tpu.dma_semaphore, #tpu.memory_space<semaphore_mem>>)
    %dma_start3A_1765 = arith.constant 0 : i32
    %dma_start3A_1766 = arith.constant 0 : i32
    %dma_start3A_1767 = tpu.memref_slice %arg12[%dma_start3A_1765, %dma_start3A_1766] : memref<24x128xf32, #tpu.memory_space<vmem>> -> memref<24x128xf32, #tpu.memory_space<vmem>>
    %dma_start3A_1768 = arith.constant 0 : i32
    %dma_start3A_1769 = tpu.memref_slice %arg18[%add3A_1578, %dma_start3A_1768] : memref<10000x128xf32, #tpu.memory_space<vmem_shared>> -> memref<24x128xf32, #tpu.memory_space<vmem_shared>>
    %dma_start3A_1770 = arith.constant 0 : i32
    %dma_start3A_1771 = tpu.memref_slice %arg18[%add3A_1578, %dma_start3A_1770] : memref<10000x128xf32, #tpu.memory_space<vmem_shared>> -> memref<24x128xf32, #tpu.memory_space<vmem_shared>>
    %dma_start3A_1772 = arith.constant 0 : i32
    %dma_start3A_1773 = arith.constant 0 : i32
    %dma_start3A_1774 = tpu.memref_slice %arg12[%dma_start3A_1772, %dma_start3A_1773] : memref<24x128xf32, #tpu.memory_space<vmem>> -> memref<24x128xf32, #tpu.memory_space<vmem>>
    tpu.enqueue_dma source(%dma_start3A_1774 : memref<24x128xf32, #tpu.memory_space<vmem>>) target(%dma_start3A_1771 : memref<24x128xf32, #tpu.memory_space<vmem_shared>>) target_semaphore(%arg16 : memref<!tpu.dma_semaphore, #tpu.memory_space<semaphore_mem>>)
    %dma_start3A_1775 = arith.constant 0 : i32
    %dma_start3A_1776 = arith.constant 0 : i32
    %dma_start3A_1777 = tpu.memref_slice %arg12[%dma_start3A_1775, %dma_start3A_1776] : memref<24x128xf32, #tpu.memory_space<vmem>> -> memref<24x128xf32, #tpu.memory_space<vmem>>
    %dma_start3A_1778 = arith.constant 0 : i32
    %dma_start3A_1779 = tpu.memref_slice %arg18[%add3A_1580, %dma_start3A_1778] : memref<10000x128xf32, #tpu.memory_space<vmem_shared>> -> memref<24x128xf32, #tpu.memory_space<vmem_shared>>
    %dma_start3A_1780 = arith.constant 0 : i32
    %dma_start3A_1781 = tpu.memref_slice %arg18[%add3A_1580, %dma_start3A_1780] : memref<10000x128xf32, #tpu.memory_space<vmem_shared>> -> memref<24x128xf32, #tpu.memory_space<vmem_shared>>
    %dma_start3A_1782 = arith.constant 0 : i32
    %dma_start3A_1783 = arith.constant 0 : i32
    %dma_start3A_1784 = tpu.memref_slice %arg12[%dma_start3A_1782, %dma_start3A_1783] : memref<24x128xf32, #tpu.memory_space<vmem>> -> memref<24x128xf32, #tpu.memory_space<vmem>>
    tpu.enqueue_dma source(%dma_start3A_1784 : memref<24x128xf32, #tpu.memory_space<vmem>>) target(%dma_start3A_1781 : memref<24x128xf32, #tpu.memory_space<vmem_shared>>) target_semaphore(%arg16 : memref<!tpu.dma_semaphore, #tpu.memory_space<semaphore_mem>>)
    %dma_start3A_1785 = arith.constant 0 : i32
    %dma_start3A_1786 = arith.constant 0 : i32
    %dma_start3A_1787 = tpu.memref_slice %arg12[%dma_start3A_1785, %dma_start3A_1786] : memref<24x128xf32, #tpu.memory_space<vmem>> -> memref<24x128xf32, #tpu.memory_space<vmem>>
    %dma_start3A_1788 = arith.constant 0 : i32
    %dma_start3A_1789 = tpu.memref_slice %arg18[%add3A_1582, %dma_start3A_1788] : memref<10000x128xf32, #tpu.memory_space<vmem_shared>> -> memref<24x128xf32, #tpu.memory_space<vmem_shared>>
    %dma_start3A_1790 = arith.constant 0 : i32
    %dma_start3A_1791 = tpu.memref_slice %arg18[%add3A_1582, %dma_start3A_1790] : memref<10000x128xf32, #tpu.memory_space<vmem_shared>> -> memref<24x128xf32, #tpu.memory_space<vmem_shared>>
    %dma_start3A_1792 = arith.constant 0 : i32
    %dma_start3A_1793 = arith.constant 0 : i32
    %dma_start3A_1794 = tpu.memref_slice %arg12[%dma_start3A_1792, %dma_start3A_1793] : memref<24x128xf32, #tpu.memory_space<vmem>> -> memref<24x128xf32, #tpu.memory_space<vmem>>
    tpu.enqueue_dma source(%dma_start3A_1794 : memref<24x128xf32, #tpu.memory_space<vmem>>) target(%dma_start3A_1791 : memref<24x128xf32, #tpu.memory_space<vmem_shared>>) target_semaphore(%arg16 : memref<!tpu.dma_semaphore, #tpu.memory_space<semaphore_mem>>)
    %dma_start3A_1795 = arith.constant 0 : i32
    %dma_start3A_1796 = arith.constant 0 : i32
    %dma_start3A_1797 = tpu.memref_slice %arg12[%dma_start3A_1795, %dma_start3A_1796] : memref<24x128xf32, #tpu.memory_space<vmem>> -> memref<24x128xf32, #tpu.memory_space<vmem>>
    %dma_start3A_1798 = arith.constant 0 : i32
    %dma_start3A_1799 = tpu.memref_slice %arg18[%add3A_1584, %dma_start3A_1798] : memref<10000x128xf32, #tpu.memory_space<vmem_shared>> -> memref<24x128xf32, #tpu.memory_space<vmem_shared>>
    %dma_start3A_1800 = arith.constant 0 : i32
    %dma_start3A_1801 = tpu.memref_slice %arg18[%add3A_1584, %dma_start3A_1800] : memref<10000x128xf32, #tpu.memory_space<vmem_shared>> -> memref<24x128xf32, #tpu.memory_space<vmem_shared>>
    %dma_start3A_1802 = arith.constant 0 : i32
    %dma_start3A_1803 = arith.constant 0 : i32
    %dma_start3A_1804 = tpu.memref_slice %arg12[%dma_start3A_1802, %dma_start3A_1803] : memref<24x128xf32, #tpu.memory_space<vmem>> -> memref<24x128xf32, #tpu.memory_space<vmem>>
    tpu.enqueue_dma source(%dma_start3A_1804 : memref<24x128xf32, #tpu.memory_space<vmem>>) target(%dma_start3A_1801 : memref<24x128xf32, #tpu.memory_space<vmem_shared>>) target_semaphore(%arg16 : memref<!tpu.dma_semaphore, #tpu.memory_space<semaphore_mem>>)
    %dma_start3A_1805 = arith.constant 0 : i32
    %dma_start3A_1806 = arith.constant 0 : i32
    %dma_start3A_1807 = tpu.memref_slice %arg12[%dma_start3A_1805, %dma_start3A_1806] : memref<24x128xf32, #tpu.memory_space<vmem>> -> memref<24x128xf32, #tpu.memory_space<vmem>>
    %dma_start3A_1808 = arith.constant 0 : i32
    %dma_start3A_1809 = tpu.memref_slice %arg18[%add3A_1586, %dma_start3A_1808] : memref<10000x128xf32, #tpu.memory_space<vmem_shared>> -> memref<24x128xf32, #tpu.memory_space<vmem_shared>>
    %dma_start3A_1810 = arith.constant 0 : i32
    %dma_start3A_1811 = tpu.memref_slice %arg18[%add3A_1586, %dma_start3A_1810] : memref<10000x128xf32, #tpu.memory_space<vmem_shared>> -> memref<24x128xf32, #tpu.memory_space<vmem_shared>>
    %dma_start3A_1812 = arith.constant 0 : i32
    %dma_start3A_1813 = arith.constant 0 : i32
    %dma_start3A_1814 = tpu.memref_slice %arg12[%dma_start3A_1812, %dma_start3A_1813] : memref<24x128xf32, #tpu.memory_space<vmem>> -> memref<24x128xf32, #tpu.memory_space<vmem>>
    tpu.enqueue_dma source(%dma_start3A_1814 : memref<24x128xf32, #tpu.memory_space<vmem>>) target(%dma_start3A_1811 : memref<24x128xf32, #tpu.memory_space<vmem_shared>>) target_semaphore(%arg16 : memref<!tpu.dma_semaphore, #tpu.memory_space<semaphore_mem>>)
    %dma_start3A_1815 = arith.constant 0 : i32
    %dma_start3A_1816 = arith.constant 0 : i32
    %dma_start3A_1817 = tpu.memref_slice %arg12[%dma_start3A_1815, %dma_start3A_1816] : memref<24x128xf32, #tpu.memory_space<vmem>> -> memref<24x128xf32, #tpu.memory_space<vmem>>
    %dma_start3A_1818 = arith.constant 0 : i32
    %dma_start3A_1819 = tpu.memref_slice %arg18[%add3A_1588, %dma_start3A_1818] : memref<10000x128xf32, #tpu.memory_space<vmem_shared>> -> memref<24x128xf32, #tpu.memory_space<vmem_shared>>
    %dma_start3A_1820 = arith.constant 0 : i32
    %dma_start3A_1821 = tpu.memref_slice %arg18[%add3A_1588, %dma_start3A_1820] : memref<10000x128xf32, #tpu.memory_space<vmem_shared>> -> memref<24x128xf32, #tpu.memory_space<vmem_shared>>
    %dma_start3A_1822 = arith.constant 0 : i32
    %dma_start3A_1823 = arith.constant 0 : i32
    %dma_start3A_1824 = tpu.memref_slice %arg12[%dma_start3A_1822, %dma_start3A_1823] : memref<24x128xf32, #tpu.memory_space<vmem>> -> memref<24x128xf32, #tpu.memory_space<vmem>>
    tpu.enqueue_dma source(%dma_start3A_1824 : memref<24x128xf32, #tpu.memory_space<vmem>>) target(%dma_start3A_1821 : memref<24x128xf32, #tpu.memory_space<vmem_shared>>) target_semaphore(%arg16 : memref<!tpu.dma_semaphore, #tpu.memory_space<semaphore_mem>>)
    %dma_start3A_1825 = arith.constant 0 : i32
    %dma_start3A_1826 = arith.constant 0 : i32
    %dma_start3A_1827 = tpu.memref_slice %arg12[%dma_start3A_1825, %dma_start3A_1826] : memref<24x128xf32, #tpu.memory_space<vmem>> -> memref<24x128xf32, #tpu.memory_space<vmem>>
    %dma_start3A_1828 = arith.constant 0 : i32
    %dma_start3A_1829 = tpu.memref_slice %arg18[%add3A_1590, %dma_start3A_1828] : memref<10000x128xf32, #tpu.memory_space<vmem_shared>> -> memref<24x128xf32, #tpu.memory_space<vmem_shared>>
    %dma_start3A_1830 = arith.constant 0 : i32
    %dma_start3A_1831 = tpu.memref_slice %arg18[%add3A_1590, %dma_start3A_1830] : memref<10000x128xf32, #tpu.memory_space<vmem_shared>> -> memref<24x128xf32, #tpu.memory_space<vmem_shared>>
    %dma_start3A_1832 = arith.constant 0 : i32
    %dma_start3A_1833 = arith.constant 0 : i32
    %dma_start3A_1834 = tpu.memref_slice %arg12[%dma_start3A_1832, %dma_start3A_1833] : memref<24x128xf32, #tpu.memory_space<vmem>> -> memref<24x128xf32, #tpu.memory_space<vmem>>
    tpu.enqueue_dma source(%dma_start3A_1834 : memref<24x128xf32, #tpu.memory_space<vmem>>) target(%dma_start3A_1831 : memref<24x128xf32, #tpu.memory_space<vmem_shared>>) target_semaphore(%arg16 : memref<!tpu.dma_semaphore, #tpu.memory_space<semaphore_mem>>)
    %dma_start3A_1835 = arith.constant 0 : i32
    %dma_start3A_1836 = arith.constant 0 : i32
    %dma_start3A_1837 = tpu.memref_slice %arg12[%dma_start3A_1835, %dma_start3A_1836] : memref<24x128xf32, #tpu.memory_space<vmem>> -> memref<24x128xf32, #tpu.memory_space<vmem>>
    %dma_start3A_1838 = arith.constant 0 : i32
    %dma_start3A_1839 = tpu.memref_slice %arg18[%add3A_1592, %dma_start3A_1838] : memref<10000x128xf32, #tpu.memory_space<vmem_shared>> -> memref<24x128xf32, #tpu.memory_space<vmem_shared>>
    %dma_start3A_1840 = arith.constant 0 : i32
    %dma_start3A_1841 = tpu.memref_slice %arg18[%add3A_1592, %dma_start3A_1840] : memref<10000x128xf32, #tpu.memory_space<vmem_shared>> -> memref<24x128xf32, #tpu.memory_space<vmem_shared>>
    %dma_start3A_1842 = arith.constant 0 : i32
    %dma_start3A_1843 = arith.constant 0 : i32
    %dma_start3A_1844 = tpu.memref_slice %arg12[%dma_start3A_1842, %dma_start3A_1843] : memref<24x128xf32, #tpu.memory_space<vmem>> -> memref<24x128xf32, #tpu.memory_space<vmem>>
    tpu.enqueue_dma source(%dma_start3A_1844 : memref<24x128xf32, #tpu.memory_space<vmem>>) target(%dma_start3A_1841 : memref<24x128xf32, #tpu.memory_space<vmem_shared>>) target_semaphore(%arg16 : memref<!tpu.dma_semaphore, #tpu.memory_space<semaphore_mem>>)
    %dma_start3A_1845 = arith.constant 0 : i32
    %dma_start3A_1846 = arith.constant 0 : i32
    %dma_start3A_1847 = tpu.memref_slice %arg12[%dma_start3A_1845, %dma_start3A_1846] : memref<24x128xf32, #tpu.memory_space<vmem>> -> memref<24x128xf32, #tpu.memory_space<vmem>>
    %dma_start3A_1848 = arith.constant 0 : i32
    %dma_start3A_1849 = tpu.memref_slice %arg18[%add3A_1594, %dma_start3A_1848] : memref<10000x128xf32, #tpu.memory_space<vmem_shared>> -> memref<24x128xf32, #tpu.memory_space<vmem_shared>>
    %dma_start3A_1850 = arith.constant 0 : i32
    %dma_start3A_1851 = tpu.memref_slice %arg18[%add3A_1594, %dma_start3A_1850] : memref<10000x128xf32, #tpu.memory_space<vmem_shared>> -> memref<24x128xf32, #tpu.memory_space<vmem_shared>>
    %dma_start3A_1852 = arith.constant 0 : i32
    %dma_start3A_1853 = arith.constant 0 : i32
    %dma_start3A_1854 = tpu.memref_slice %arg12[%dma_start3A_1852, %dma_start3A_1853] : memref<24x128xf32, #tpu.memory_space<vmem>> -> memref<24x128xf32, #tpu.memory_space<vmem>>
    tpu.enqueue_dma source(%dma_start3A_1854 : memref<24x128xf32, #tpu.memory_space<vmem>>) target(%dma_start3A_1851 : memref<24x128xf32, #tpu.memory_space<vmem_shared>>) target_semaphore(%arg16 : memref<!tpu.dma_semaphore, #tpu.memory_space<semaphore_mem>>)
    %dma_wait3A = arith.constant 0 : i32
    %dma_wait3A_1855 = arith.constant 0 : i32
    %dma_wait3A_1856 = tpu.memref_slice %arg12[%dma_wait3A, %dma_wait3A_1855] : memref<24x128xf32, #tpu.memory_space<vmem>> -> memref<24x128xf32, #tpu.memory_space<vmem>>
    %dma_wait3A_1857 = arith.constant 0 : i32
    %dma_wait3A_1858 = tpu.memref_slice %arg18[%add3A_1544, %dma_wait3A_1857] : memref<10000x128xf32, #tpu.memory_space<vmem_shared>> -> memref<24x128xf32, #tpu.memory_space<vmem_shared>>
    %dma_wait3A_1859 = arith.constant 0 : i32
    %dma_wait3A_1860 = tpu.memref_slice %arg18[%add3A_1544, %dma_wait3A_1859] : memref<10000x128xf32, #tpu.memory_space<vmem_shared>> -> memref<24x128xf32, #tpu.memory_space<vmem_shared>>
    %dma_wait3A_1861 = arith.constant 0 : i32
    %dma_wait3A_1862 = arith.constant 0 : i32
    %dma_wait3A_1863 = tpu.memref_slice %arg12[%dma_wait3A_1861, %dma_wait3A_1862] : memref<24x128xf32, #tpu.memory_space<vmem>> -> memref<24x128xf32, #tpu.memory_space<vmem>>
    tpu.wait_dma2 semaphore(%arg16 : memref<!tpu.dma_semaphore, #tpu.memory_space<semaphore_mem>>) src(%dma_wait3A_1863 : memref<24x128xf32, #tpu.memory_space<vmem>>) dst(%dma_wait3A_1860 : memref<24x128xf32, #tpu.memory_space<vmem_shared>>)
    %dma_wait3A_1864 = arith.constant 0 : i32
    %dma_wait3A_1865 = arith.constant 0 : i32
    %dma_wait3A_1866 = tpu.memref_slice %arg12[%dma_wait3A_1864, %dma_wait3A_1865] : memref<24x128xf32, #tpu.memory_space<vmem>> -> memref<24x128xf32, #tpu.memory_space<vmem>>
    %dma_wait3A_1867 = arith.constant 0 : i32
    %dma_wait3A_1868 = tpu.memref_slice %arg18[%add3A_1546, %dma_wait3A_1867] : memref<10000x128xf32, #tpu.memory_space<vmem_shared>> -> memref<24x128xf32, #tpu.memory_space<vmem_shared>>
    %dma_wait3A_1869 = arith.constant 0 : i32
    %dma_wait3A_1870 = tpu.memref_slice %arg18[%add3A_1546, %dma_wait3A_1869] : memref<10000x128xf32, #tpu.memory_space<vmem_shared>> -> memref<24x128xf32, #tpu.memory_space<vmem_shared>>
    %dma_wait3A_1871 = arith.constant 0 : i32
    %dma_wait3A_1872 = arith.constant 0 : i32
    %dma_wait3A_1873 = tpu.memref_slice %arg12[%dma_wait3A_1871, %dma_wait3A_1872] : memref<24x128xf32, #tpu.memory_space<vmem>> -> memref<24x128xf32, #tpu.memory_space<vmem>>
    tpu.wait_dma2 semaphore(%arg16 : memref<!tpu.dma_semaphore, #tpu.memory_space<semaphore_mem>>) src(%dma_wait3A_1873 : memref<24x128xf32, #tpu.memory_space<vmem>>) dst(%dma_wait3A_1870 : memref<24x128xf32, #tpu.memory_space<vmem_shared>>)
    %dma_wait3A_1874 = arith.constant 0 : i32
    %dma_wait3A_1875 = arith.constant 0 : i32
    %dma_wait3A_1876 = tpu.memref_slice %arg12[%dma_wait3A_1874, %dma_wait3A_1875] : memref<24x128xf32, #tpu.memory_space<vmem>> -> memref<24x128xf32, #tpu.memory_space<vmem>>
    %dma_wait3A_1877 = arith.constant 0 : i32
    %dma_wait3A_1878 = tpu.memref_slice %arg18[%add3A_1548, %dma_wait3A_1877] : memref<10000x128xf32, #tpu.memory_space<vmem_shared>> -> memref<24x128xf32, #tpu.memory_space<vmem_shared>>
    %dma_wait3A_1879 = arith.constant 0 : i32
    %dma_wait3A_1880 = tpu.memref_slice %arg18[%add3A_1548, %dma_wait3A_1879] : memref<10000x128xf32, #tpu.memory_space<vmem_shared>> -> memref<24x128xf32, #tpu.memory_space<vmem_shared>>
    %dma_wait3A_1881 = arith.constant 0 : i32
    %dma_wait3A_1882 = arith.constant 0 : i32
    %dma_wait3A_1883 = tpu.memref_slice %arg12[%dma_wait3A_1881, %dma_wait3A_1882] : memref<24x128xf32, #tpu.memory_space<vmem>> -> memref<24x128xf32, #tpu.memory_space<vmem>>
    tpu.wait_dma2 semaphore(%arg16 : memref<!tpu.dma_semaphore, #tpu.memory_space<semaphore_mem>>) src(%dma_wait3A_1883 : memref<24x128xf32, #tpu.memory_space<vmem>>) dst(%dma_wait3A_1880 : memref<24x128xf32, #tpu.memory_space<vmem_shared>>)
    %dma_wait3A_1884 = arith.constant 0 : i32
    %dma_wait3A_1885 = arith.constant 0 : i32
    %dma_wait3A_1886 = tpu.memref_slice %arg12[%dma_wait3A_1884, %dma_wait3A_1885] : memref<24x128xf32, #tpu.memory_space<vmem>> -> memref<24x128xf32, #tpu.memory_space<vmem>>
    %dma_wait3A_1887 = arith.constant 0 : i32
    %dma_wait3A_1888 = tpu.memref_slice %arg18[%add3A_1550, %dma_wait3A_1887] : memref<10000x128xf32, #tpu.memory_space<vmem_shared>> -> memref<24x128xf32, #tpu.memory_space<vmem_shared>>
    %dma_wait3A_1889 = arith.constant 0 : i32
    %dma_wait3A_1890 = tpu.memref_slice %arg18[%add3A_1550, %dma_wait3A_1889] : memref<10000x128xf32, #tpu.memory_space<vmem_shared>> -> memref<24x128xf32, #tpu.memory_space<vmem_shared>>
    %dma_wait3A_1891 = arith.constant 0 : i32
    %dma_wait3A_1892 = arith.constant 0 : i32
    %dma_wait3A_1893 = tpu.memref_slice %arg12[%dma_wait3A_1891, %dma_wait3A_1892] : memref<24x128xf32, #tpu.memory_space<vmem>> -> memref<24x128xf32, #tpu.memory_space<vmem>>
    tpu.wait_dma2 semaphore(%arg16 : memref<!tpu.dma_semaphore, #tpu.memory_space<semaphore_mem>>) src(%dma_wait3A_1893 : memref<24x128xf32, #tpu.memory_space<vmem>>) dst(%dma_wait3A_1890 : memref<24x128xf32, #tpu.memory_space<vmem_shared>>)
    %dma_wait3A_1894 = arith.constant 0 : i32
    %dma_wait3A_1895 = arith.constant 0 : i32
    %dma_wait3A_1896 = tpu.memref_slice %arg12[%dma_wait3A_1894, %dma_wait3A_1895] : memref<24x128xf32, #tpu.memory_space<vmem>> -> memref<24x128xf32, #tpu.memory_space<vmem>>
    %dma_wait3A_1897 = arith.constant 0 : i32
    %dma_wait3A_1898 = tpu.memref_slice %arg18[%add3A_1552, %dma_wait3A_1897] : memref<10000x128xf32, #tpu.memory_space<vmem_shared>> -> memref<24x128xf32, #tpu.memory_space<vmem_shared>>
    %dma_wait3A_1899 = arith.constant 0 : i32
    %dma_wait3A_1900 = tpu.memref_slice %arg18[%add3A_1552, %dma_wait3A_1899] : memref<10000x128xf32, #tpu.memory_space<vmem_shared>> -> memref<24x128xf32, #tpu.memory_space<vmem_shared>>
    %dma_wait3A_1901 = arith.constant 0 : i32
    %dma_wait3A_1902 = arith.constant 0 : i32
    %dma_wait3A_1903 = tpu.memref_slice %arg12[%dma_wait3A_1901, %dma_wait3A_1902] : memref<24x128xf32, #tpu.memory_space<vmem>> -> memref<24x128xf32, #tpu.memory_space<vmem>>
    tpu.wait_dma2 semaphore(%arg16 : memref<!tpu.dma_semaphore, #tpu.memory_space<semaphore_mem>>) src(%dma_wait3A_1903 : memref<24x128xf32, #tpu.memory_space<vmem>>) dst(%dma_wait3A_1900 : memref<24x128xf32, #tpu.memory_space<vmem_shared>>)
    %dma_wait3A_1904 = arith.constant 0 : i32
    %dma_wait3A_1905 = arith.constant 0 : i32
    %dma_wait3A_1906 = tpu.memref_slice %arg12[%dma_wait3A_1904, %dma_wait3A_1905] : memref<24x128xf32, #tpu.memory_space<vmem>> -> memref<24x128xf32, #tpu.memory_space<vmem>>
    %dma_wait3A_1907 = arith.constant 0 : i32
    %dma_wait3A_1908 = tpu.memref_slice %arg18[%add3A_1554, %dma_wait3A_1907] : memref<10000x128xf32, #tpu.memory_space<vmem_shared>> -> memref<24x128xf32, #tpu.memory_space<vmem_shared>>
    %dma_wait3A_1909 = arith.constant 0 : i32
    %dma_wait3A_1910 = tpu.memref_slice %arg18[%add3A_1554, %dma_wait3A_1909] : memref<10000x128xf32, #tpu.memory_space<vmem_shared>> -> memref<24x128xf32, #tpu.memory_space<vmem_shared>>
    %dma_wait3A_1911 = arith.constant 0 : i32
    %dma_wait3A_1912 = arith.constant 0 : i32
    %dma_wait3A_1913 = tpu.memref_slice %arg12[%dma_wait3A_1911, %dma_wait3A_1912] : memref<24x128xf32, #tpu.memory_space<vmem>> -> memref<24x128xf32, #tpu.memory_space<vmem>>
    tpu.wait_dma2 semaphore(%arg16 : memref<!tpu.dma_semaphore, #tpu.memory_space<semaphore_mem>>) src(%dma_wait3A_1913 : memref<24x128xf32, #tpu.memory_space<vmem>>) dst(%dma_wait3A_1910 : memref<24x128xf32, #tpu.memory_space<vmem_shared>>)
    %dma_wait3A_1914 = arith.constant 0 : i32
    %dma_wait3A_1915 = arith.constant 0 : i32
    %dma_wait3A_1916 = tpu.memref_slice %arg12[%dma_wait3A_1914, %dma_wait3A_1915] : memref<24x128xf32, #tpu.memory_space<vmem>> -> memref<24x128xf32, #tpu.memory_space<vmem>>
    %dma_wait3A_1917 = arith.constant 0 : i32
    %dma_wait3A_1918 = tpu.memref_slice %arg18[%add3A_1556, %dma_wait3A_1917] : memref<10000x128xf32, #tpu.memory_space<vmem_shared>> -> memref<24x128xf32, #tpu.memory_space<vmem_shared>>
    %dma_wait3A_1919 = arith.constant 0 : i32
    %dma_wait3A_1920 = tpu.memref_slice %arg18[%add3A_1556, %dma_wait3A_1919] : memref<10000x128xf32, #tpu.memory_space<vmem_shared>> -> memref<24x128xf32, #tpu.memory_space<vmem_shared>>
    %dma_wait3A_1921 = arith.constant 0 : i32
    %dma_wait3A_1922 = arith.constant 0 : i32
    %dma_wait3A_1923 = tpu.memref_slice %arg12[%dma_wait3A_1921, %dma_wait3A_1922] : memref<24x128xf32, #tpu.memory_space<vmem>> -> memref<24x128xf32, #tpu.memory_space<vmem>>
    tpu.wait_dma2 semaphore(%arg16 : memref<!tpu.dma_semaphore, #tpu.memory_space<semaphore_mem>>) src(%dma_wait3A_1923 : memref<24x128xf32, #tpu.memory_space<vmem>>) dst(%dma_wait3A_1920 : memref<24x128xf32, #tpu.memory_space<vmem_shared>>)
    %dma_wait3A_1924 = arith.constant 0 : i32
    %dma_wait3A_1925 = arith.constant 0 : i32
    %dma_wait3A_1926 = tpu.memref_slice %arg12[%dma_wait3A_1924, %dma_wait3A_1925] : memref<24x128xf32, #tpu.memory_space<vmem>> -> memref<24x128xf32, #tpu.memory_space<vmem>>
    %dma_wait3A_1927 = arith.constant 0 : i32
    %dma_wait3A_1928 = tpu.memref_slice %arg18[%add3A_1558, %dma_wait3A_1927] : memref<10000x128xf32, #tpu.memory_space<vmem_shared>> -> memref<24x128xf32, #tpu.memory_space<vmem_shared>>
    %dma_wait3A_1929 = arith.constant 0 : i32
    %dma_wait3A_1930 = tpu.memref_slice %arg18[%add3A_1558, %dma_wait3A_1929] : memref<10000x128xf32, #tpu.memory_space<vmem_shared>> -> memref<24x128xf32, #tpu.memory_space<vmem_shared>>
    %dma_wait3A_1931 = arith.constant 0 : i32
    %dma_wait3A_1932 = arith.constant 0 : i32
    %dma_wait3A_1933 = tpu.memref_slice %arg12[%dma_wait3A_1931, %dma_wait3A_1932] : memref<24x128xf32, #tpu.memory_space<vmem>> -> memref<24x128xf32, #tpu.memory_space<vmem>>
    tpu.wait_dma2 semaphore(%arg16 : memref<!tpu.dma_semaphore, #tpu.memory_space<semaphore_mem>>) src(%dma_wait3A_1933 : memref<24x128xf32, #tpu.memory_space<vmem>>) dst(%dma_wait3A_1930 : memref<24x128xf32, #tpu.memory_space<vmem_shared>>)
    %dma_wait3A_1934 = arith.constant 0 : i32
    %dma_wait3A_1935 = arith.constant 0 : i32
    %dma_wait3A_1936 = tpu.memref_slice %arg12[%dma_wait3A_1934, %dma_wait3A_1935] : memref<24x128xf32, #tpu.memory_space<vmem>> -> memref<24x128xf32, #tpu.memory_space<vmem>>
    %dma_wait3A_1937 = arith.constant 0 : i32
    %dma_wait3A_1938 = tpu.memref_slice %arg18[%add3A_1560, %dma_wait3A_1937] : memref<10000x128xf32, #tpu.memory_space<vmem_shared>> -> memref<24x128xf32, #tpu.memory_space<vmem_shared>>
    %dma_wait3A_1939 = arith.constant 0 : i32
    %dma_wait3A_1940 = tpu.memref_slice %arg18[%add3A_1560, %dma_wait3A_1939] : memref<10000x128xf32, #tpu.memory_space<vmem_shared>> -> memref<24x128xf32, #tpu.memory_space<vmem_shared>>
    %dma_wait3A_1941 = arith.constant 0 : i32
    %dma_wait3A_1942 = arith.constant 0 : i32
    %dma_wait3A_1943 = tpu.memref_slice %arg12[%dma_wait3A_1941, %dma_wait3A_1942] : memref<24x128xf32, #tpu.memory_space<vmem>> -> memref<24x128xf32, #tpu.memory_space<vmem>>
    tpu.wait_dma2 semaphore(%arg16 : memref<!tpu.dma_semaphore, #tpu.memory_space<semaphore_mem>>) src(%dma_wait3A_1943 : memref<24x128xf32, #tpu.memory_space<vmem>>) dst(%dma_wait3A_1940 : memref<24x128xf32, #tpu.memory_space<vmem_shared>>)
    %dma_wait3A_1944 = arith.constant 0 : i32
    %dma_wait3A_1945 = arith.constant 0 : i32
    %dma_wait3A_1946 = tpu.memref_slice %arg12[%dma_wait3A_1944, %dma_wait3A_1945] : memref<24x128xf32, #tpu.memory_space<vmem>> -> memref<24x128xf32, #tpu.memory_space<vmem>>
    %dma_wait3A_1947 = arith.constant 0 : i32
    %dma_wait3A_1948 = tpu.memref_slice %arg18[%add3A_1562, %dma_wait3A_1947] : memref<10000x128xf32, #tpu.memory_space<vmem_shared>> -> memref<24x128xf32, #tpu.memory_space<vmem_shared>>
    %dma_wait3A_1949 = arith.constant 0 : i32
    %dma_wait3A_1950 = tpu.memref_slice %arg18[%add3A_1562, %dma_wait3A_1949] : memref<10000x128xf32, #tpu.memory_space<vmem_shared>> -> memref<24x128xf32, #tpu.memory_space<vmem_shared>>
    %dma_wait3A_1951 = arith.constant 0 : i32
    %dma_wait3A_1952 = arith.constant 0 : i32
    %dma_wait3A_1953 = tpu.memref_slice %arg12[%dma_wait3A_1951, %dma_wait3A_1952] : memref<24x128xf32, #tpu.memory_space<vmem>> -> memref<24x128xf32, #tpu.memory_space<vmem>>
    tpu.wait_dma2 semaphore(%arg16 : memref<!tpu.dma_semaphore, #tpu.memory_space<semaphore_mem>>) src(%dma_wait3A_1953 : memref<24x128xf32, #tpu.memory_space<vmem>>) dst(%dma_wait3A_1950 : memref<24x128xf32, #tpu.memory_space<vmem_shared>>)
    %dma_wait3A_1954 = arith.constant 0 : i32
    %dma_wait3A_1955 = arith.constant 0 : i32
    %dma_wait3A_1956 = tpu.memref_slice %arg12[%dma_wait3A_1954, %dma_wait3A_1955] : memref<24x128xf32, #tpu.memory_space<vmem>> -> memref<24x128xf32, #tpu.memory_space<vmem>>
    %dma_wait3A_1957 = arith.constant 0 : i32
    %dma_wait3A_1958 = tpu.memref_slice %arg18[%add3A_1564, %dma_wait3A_1957] : memref<10000x128xf32, #tpu.memory_space<vmem_shared>> -> memref<24x128xf32, #tpu.memory_space<vmem_shared>>
    %dma_wait3A_1959 = arith.constant 0 : i32
    %dma_wait3A_1960 = tpu.memref_slice %arg18[%add3A_1564, %dma_wait3A_1959] : memref<10000x128xf32, #tpu.memory_space<vmem_shared>> -> memref<24x128xf32, #tpu.memory_space<vmem_shared>>
    %dma_wait3A_1961 = arith.constant 0 : i32
    %dma_wait3A_1962 = arith.constant 0 : i32
    %dma_wait3A_1963 = tpu.memref_slice %arg12[%dma_wait3A_1961, %dma_wait3A_1962] : memref<24x128xf32, #tpu.memory_space<vmem>> -> memref<24x128xf32, #tpu.memory_space<vmem>>
    tpu.wait_dma2 semaphore(%arg16 : memref<!tpu.dma_semaphore, #tpu.memory_space<semaphore_mem>>) src(%dma_wait3A_1963 : memref<24x128xf32, #tpu.memory_space<vmem>>) dst(%dma_wait3A_1960 : memref<24x128xf32, #tpu.memory_space<vmem_shared>>)
    %dma_wait3A_1964 = arith.constant 0 : i32
    %dma_wait3A_1965 = arith.constant 0 : i32
    %dma_wait3A_1966 = tpu.memref_slice %arg12[%dma_wait3A_1964, %dma_wait3A_1965] : memref<24x128xf32, #tpu.memory_space<vmem>> -> memref<24x128xf32, #tpu.memory_space<vmem>>
    %dma_wait3A_1967 = arith.constant 0 : i32
    %dma_wait3A_1968 = tpu.memref_slice %arg18[%add3A_1566, %dma_wait3A_1967] : memref<10000x128xf32, #tpu.memory_space<vmem_shared>> -> memref<24x128xf32, #tpu.memory_space<vmem_shared>>
    %dma_wait3A_1969 = arith.constant 0 : i32
    %dma_wait3A_1970 = tpu.memref_slice %arg18[%add3A_1566, %dma_wait3A_1969] : memref<10000x128xf32, #tpu.memory_space<vmem_shared>> -> memref<24x128xf32, #tpu.memory_space<vmem_shared>>
    %dma_wait3A_1971 = arith.constant 0 : i32
    %dma_wait3A_1972 = arith.constant 0 : i32
    %dma_wait3A_1973 = tpu.memref_slice %arg12[%dma_wait3A_1971, %dma_wait3A_1972] : memref<24x128xf32, #tpu.memory_space<vmem>> -> memref<24x128xf32, #tpu.memory_space<vmem>>
    tpu.wait_dma2 semaphore(%arg16 : memref<!tpu.dma_semaphore, #tpu.memory_space<semaphore_mem>>) src(%dma_wait3A_1973 : memref<24x128xf32, #tpu.memory_space<vmem>>) dst(%dma_wait3A_1970 : memref<24x128xf32, #tpu.memory_space<vmem_shared>>)
    %dma_wait3A_1974 = arith.constant 0 : i32
    %dma_wait3A_1975 = arith.constant 0 : i32
    %dma_wait3A_1976 = tpu.memref_slice %arg12[%dma_wait3A_1974, %dma_wait3A_1975] : memref<24x128xf32, #tpu.memory_space<vmem>> -> memref<24x128xf32, #tpu.memory_space<vmem>>
    %dma_wait3A_1977 = arith.constant 0 : i32
    %dma_wait3A_1978 = tpu.memref_slice %arg18[%add3A_1568, %dma_wait3A_1977] : memref<10000x128xf32, #tpu.memory_space<vmem_shared>> -> memref<24x128xf32, #tpu.memory_space<vmem_shared>>
    %dma_wait3A_1979 = arith.constant 0 : i32
    %dma_wait3A_1980 = tpu.memref_slice %arg18[%add3A_1568, %dma_wait3A_1979] : memref<10000x128xf32, #tpu.memory_space<vmem_shared>> -> memref<24x128xf32, #tpu.memory_space<vmem_shared>>
    %dma_wait3A_1981 = arith.constant 0 : i32
    %dma_wait3A_1982 = arith.constant 0 : i32
    %dma_wait3A_1983 = tpu.memref_slice %arg12[%dma_wait3A_1981, %dma_wait3A_1982] : memref<24x128xf32, #tpu.memory_space<vmem>> -> memref<24x128xf32, #tpu.memory_space<vmem>>
    tpu.wait_dma2 semaphore(%arg16 : memref<!tpu.dma_semaphore, #tpu.memory_space<semaphore_mem>>) src(%dma_wait3A_1983 : memref<24x128xf32, #tpu.memory_space<vmem>>) dst(%dma_wait3A_1980 : memref<24x128xf32, #tpu.memory_space<vmem_shared>>)
    %dma_wait3A_1984 = arith.constant 0 : i32
    %dma_wait3A_1985 = arith.constant 0 : i32
    %dma_wait3A_1986 = tpu.memref_slice %arg12[%dma_wait3A_1984, %dma_wait3A_1985] : memref<24x128xf32, #tpu.memory_space<vmem>> -> memref<24x128xf32, #tpu.memory_space<vmem>>
    %dma_wait3A_1987 = arith.constant 0 : i32
    %dma_wait3A_1988 = tpu.memref_slice %arg18[%add3A_1570, %dma_wait3A_1987] : memref<10000x128xf32, #tpu.memory_space<vmem_shared>> -> memref<24x128xf32, #tpu.memory_space<vmem_shared>>
    %dma_wait3A_1989 = arith.constant 0 : i32
    %dma_wait3A_1990 = tpu.memref_slice %arg18[%add3A_1570, %dma_wait3A_1989] : memref<10000x128xf32, #tpu.memory_space<vmem_shared>> -> memref<24x128xf32, #tpu.memory_space<vmem_shared>>
    %dma_wait3A_1991 = arith.constant 0 : i32
    %dma_wait3A_1992 = arith.constant 0 : i32
    %dma_wait3A_1993 = tpu.memref_slice %arg12[%dma_wait3A_1991, %dma_wait3A_1992] : memref<24x128xf32, #tpu.memory_space<vmem>> -> memref<24x128xf32, #tpu.memory_space<vmem>>
    tpu.wait_dma2 semaphore(%arg16 : memref<!tpu.dma_semaphore, #tpu.memory_space<semaphore_mem>>) src(%dma_wait3A_1993 : memref<24x128xf32, #tpu.memory_space<vmem>>) dst(%dma_wait3A_1990 : memref<24x128xf32, #tpu.memory_space<vmem_shared>>)
    %dma_wait3A_1994 = arith.constant 0 : i32
    %dma_wait3A_1995 = arith.constant 0 : i32
    %dma_wait3A_1996 = tpu.memref_slice %arg12[%dma_wait3A_1994, %dma_wait3A_1995] : memref<24x128xf32, #tpu.memory_space<vmem>> -> memref<24x128xf32, #tpu.memory_space<vmem>>
    %dma_wait3A_1997 = arith.constant 0 : i32
    %dma_wait3A_1998 = tpu.memref_slice %arg18[%add3A_1572, %dma_wait3A_1997] : memref<10000x128xf32, #tpu.memory_space<vmem_shared>> -> memref<24x128xf32, #tpu.memory_space<vmem_shared>>
    %dma_wait3A_1999 = arith.constant 0 : i32
    %dma_wait3A_2000 = tpu.memref_slice %arg18[%add3A_1572, %dma_wait3A_1999] : memref<10000x128xf32, #tpu.memory_space<vmem_shared>> -> memref<24x128xf32, #tpu.memory_space<vmem_shared>>
    %dma_wait3A_2001 = arith.constant 0 : i32
    %dma_wait3A_2002 = arith.constant 0 : i32
    %dma_wait3A_2003 = tpu.memref_slice %arg12[%dma_wait3A_2001, %dma_wait3A_2002] : memref<24x128xf32, #tpu.memory_space<vmem>> -> memref<24x128xf32, #tpu.memory_space<vmem>>
    tpu.wait_dma2 semaphore(%arg16 : memref<!tpu.dma_semaphore, #tpu.memory_space<semaphore_mem>>) src(%dma_wait3A_2003 : memref<24x128xf32, #tpu.memory_space<vmem>>) dst(%dma_wait3A_2000 : memref<24x128xf32, #tpu.memory_space<vmem_shared>>)
    %dma_wait3A_2004 = arith.constant 0 : i32
    %dma_wait3A_2005 = arith.constant 0 : i32
    %dma_wait3A_2006 = tpu.memref_slice %arg12[%dma_wait3A_2004, %dma_wait3A_2005] : memref<24x128xf32, #tpu.memory_space<vmem>> -> memref<24x128xf32, #tpu.memory_space<vmem>>
    %dma_wait3A_2007 = arith.constant 0 : i32
    %dma_wait3A_2008 = tpu.memref_slice %arg18[%add3A_1574, %dma_wait3A_2007] : memref<10000x128xf32, #tpu.memory_space<vmem_shared>> -> memref<24x128xf32, #tpu.memory_space<vmem_shared>>
    %dma_wait3A_2009 = arith.constant 0 : i32
    %dma_wait3A_2010 = tpu.memref_slice %arg18[%add3A_1574, %dma_wait3A_2009] : memref<10000x128xf32, #tpu.memory_space<vmem_shared>> -> memref<24x128xf32, #tpu.memory_space<vmem_shared>>
    %dma_wait3A_2011 = arith.constant 0 : i32
    %dma_wait3A_2012 = arith.constant 0 : i32
    %dma_wait3A_2013 = tpu.memref_slice %arg12[%dma_wait3A_2011, %dma_wait3A_2012] : memref<24x128xf32, #tpu.memory_space<vmem>> -> memref<24x128xf32, #tpu.memory_space<vmem>>
    tpu.wait_dma2 semaphore(%arg16 : memref<!tpu.dma_semaphore, #tpu.memory_space<semaphore_mem>>) src(%dma_wait3A_2013 : memref<24x128xf32, #tpu.memory_space<vmem>>) dst(%dma_wait3A_2010 : memref<24x128xf32, #tpu.memory_space<vmem_shared>>)
    %dma_wait3A_2014 = arith.constant 0 : i32
    %dma_wait3A_2015 = arith.constant 0 : i32
    %dma_wait3A_2016 = tpu.memref_slice %arg12[%dma_wait3A_2014, %dma_wait3A_2015] : memref<24x128xf32, #tpu.memory_space<vmem>> -> memref<24x128xf32, #tpu.memory_space<vmem>>
    %dma_wait3A_2017 = arith.constant 0 : i32
    %dma_wait3A_2018 = tpu.memref_slice %arg18[%add3A_1576, %dma_wait3A_2017] : memref<10000x128xf32, #tpu.memory_space<vmem_shared>> -> memref<24x128xf32, #tpu.memory_space<vmem_shared>>
    %dma_wait3A_2019 = arith.constant 0 : i32
    %dma_wait3A_2020 = tpu.memref_slice %arg18[%add3A_1576, %dma_wait3A_2019] : memref<10000x128xf32, #tpu.memory_space<vmem_shared>> -> memref<24x128xf32, #tpu.memory_space<vmem_shared>>
    %dma_wait3A_2021 = arith.constant 0 : i32
    %dma_wait3A_2022 = arith.constant 0 : i32
    %dma_wait3A_2023 = tpu.memref_slice %arg12[%dma_wait3A_2021, %dma_wait3A_2022] : memref<24x128xf32, #tpu.memory_space<vmem>> -> memref<24x128xf32, #tpu.memory_space<vmem>>
    tpu.wait_dma2 semaphore(%arg16 : memref<!tpu.dma_semaphore, #tpu.memory_space<semaphore_mem>>) src(%dma_wait3A_2023 : memref<24x128xf32, #tpu.memory_space<vmem>>) dst(%dma_wait3A_2020 : memref<24x128xf32, #tpu.memory_space<vmem_shared>>)
    %dma_wait3A_2024 = arith.constant 0 : i32
    %dma_wait3A_2025 = arith.constant 0 : i32
    %dma_wait3A_2026 = tpu.memref_slice %arg12[%dma_wait3A_2024, %dma_wait3A_2025] : memref<24x128xf32, #tpu.memory_space<vmem>> -> memref<24x128xf32, #tpu.memory_space<vmem>>
    %dma_wait3A_2027 = arith.constant 0 : i32
    %dma_wait3A_2028 = tpu.memref_slice %arg18[%add3A_1578, %dma_wait3A_2027] : memref<10000x128xf32, #tpu.memory_space<vmem_shared>> -> memref<24x128xf32, #tpu.memory_space<vmem_shared>>
    %dma_wait3A_2029 = arith.constant 0 : i32
    %dma_wait3A_2030 = tpu.memref_slice %arg18[%add3A_1578, %dma_wait3A_2029] : memref<10000x128xf32, #tpu.memory_space<vmem_shared>> -> memref<24x128xf32, #tpu.memory_space<vmem_shared>>
    %dma_wait3A_2031 = arith.constant 0 : i32
    %dma_wait3A_2032 = arith.constant 0 : i32
    %dma_wait3A_2033 = tpu.memref_slice %arg12[%dma_wait3A_2031, %dma_wait3A_2032] : memref<24x128xf32, #tpu.memory_space<vmem>> -> memref<24x128xf32, #tpu.memory_space<vmem>>
    tpu.wait_dma2 semaphore(%arg16 : memref<!tpu.dma_semaphore, #tpu.memory_space<semaphore_mem>>) src(%dma_wait3A_2033 : memref<24x128xf32, #tpu.memory_space<vmem>>) dst(%dma_wait3A_2030 : memref<24x128xf32, #tpu.memory_space<vmem_shared>>)
    %dma_wait3A_2034 = arith.constant 0 : i32
    %dma_wait3A_2035 = arith.constant 0 : i32
    %dma_wait3A_2036 = tpu.memref_slice %arg12[%dma_wait3A_2034, %dma_wait3A_2035] : memref<24x128xf32, #tpu.memory_space<vmem>> -> memref<24x128xf32, #tpu.memory_space<vmem>>
    %dma_wait3A_2037 = arith.constant 0 : i32
    %dma_wait3A_2038 = tpu.memref_slice %arg18[%add3A_1580, %dma_wait3A_2037] : memref<10000x128xf32, #tpu.memory_space<vmem_shared>> -> memref<24x128xf32, #tpu.memory_space<vmem_shared>>
    %dma_wait3A_2039 = arith.constant 0 : i32
    %dma_wait3A_2040 = tpu.memref_slice %arg18[%add3A_1580, %dma_wait3A_2039] : memref<10000x128xf32, #tpu.memory_space<vmem_shared>> -> memref<24x128xf32, #tpu.memory_space<vmem_shared>>
    %dma_wait3A_2041 = arith.constant 0 : i32
    %dma_wait3A_2042 = arith.constant 0 : i32
    %dma_wait3A_2043 = tpu.memref_slice %arg12[%dma_wait3A_2041, %dma_wait3A_2042] : memref<24x128xf32, #tpu.memory_space<vmem>> -> memref<24x128xf32, #tpu.memory_space<vmem>>
    tpu.wait_dma2 semaphore(%arg16 : memref<!tpu.dma_semaphore, #tpu.memory_space<semaphore_mem>>) src(%dma_wait3A_2043 : memref<24x128xf32, #tpu.memory_space<vmem>>) dst(%dma_wait3A_2040 : memref<24x128xf32, #tpu.memory_space<vmem_shared>>)
    %dma_wait3A_2044 = arith.constant 0 : i32
    %dma_wait3A_2045 = arith.constant 0 : i32
    %dma_wait3A_2046 = tpu.memref_slice %arg12[%dma_wait3A_2044, %dma_wait3A_2045] : memref<24x128xf32, #tpu.memory_space<vmem>> -> memref<24x128xf32, #tpu.memory_space<vmem>>
    %dma_wait3A_2047 = arith.constant 0 : i32
    %dma_wait3A_2048 = tpu.memref_slice %arg18[%add3A_1582, %dma_wait3A_2047] : memref<10000x128xf32, #tpu.memory_space<vmem_shared>> -> memref<24x128xf32, #tpu.memory_space<vmem_shared>>
    %dma_wait3A_2049 = arith.constant 0 : i32
    %dma_wait3A_2050 = tpu.memref_slice %arg18[%add3A_1582, %dma_wait3A_2049] : memref<10000x128xf32, #tpu.memory_space<vmem_shared>> -> memref<24x128xf32, #tpu.memory_space<vmem_shared>>
    %dma_wait3A_2051 = arith.constant 0 : i32
    %dma_wait3A_2052 = arith.constant 0 : i32
    %dma_wait3A_2053 = tpu.memref_slice %arg12[%dma_wait3A_2051, %dma_wait3A_2052] : memref<24x128xf32, #tpu.memory_space<vmem>> -> memref<24x128xf32, #tpu.memory_space<vmem>>
    tpu.wait_dma2 semaphore(%arg16 : memref<!tpu.dma_semaphore, #tpu.memory_space<semaphore_mem>>) src(%dma_wait3A_2053 : memref<24x128xf32, #tpu.memory_space<vmem>>) dst(%dma_wait3A_2050 : memref<24x128xf32, #tpu.memory_space<vmem_shared>>)
    %dma_wait3A_2054 = arith.constant 0 : i32
    %dma_wait3A_2055 = arith.constant 0 : i32
    %dma_wait3A_2056 = tpu.memref_slice %arg12[%dma_wait3A_2054, %dma_wait3A_2055] : memref<24x128xf32, #tpu.memory_space<vmem>> -> memref<24x128xf32, #tpu.memory_space<vmem>>
    %dma_wait3A_2057 = arith.constant 0 : i32
    %dma_wait3A_2058 = tpu.memref_slice %arg18[%add3A_1584, %dma_wait3A_2057] : memref<10000x128xf32, #tpu.memory_space<vmem_shared>> -> memref<24x128xf32, #tpu.memory_space<vmem_shared>>
    %dma_wait3A_2059 = arith.constant 0 : i32
    %dma_wait3A_2060 = tpu.memref_slice %arg18[%add3A_1584, %dma_wait3A_2059] : memref<10000x128xf32, #tpu.memory_space<vmem_shared>> -> memref<24x128xf32, #tpu.memory_space<vmem_shared>>
    %dma_wait3A_2061 = arith.constant 0 : i32
    %dma_wait3A_2062 = arith.constant 0 : i32
    %dma_wait3A_2063 = tpu.memref_slice %arg12[%dma_wait3A_2061, %dma_wait3A_2062] : memref<24x128xf32, #tpu.memory_space<vmem>> -> memref<24x128xf32, #tpu.memory_space<vmem>>
    tpu.wait_dma2 semaphore(%arg16 : memref<!tpu.dma_semaphore, #tpu.memory_space<semaphore_mem>>) src(%dma_wait3A_2063 : memref<24x128xf32, #tpu.memory_space<vmem>>) dst(%dma_wait3A_2060 : memref<24x128xf32, #tpu.memory_space<vmem_shared>>)
    %dma_wait3A_2064 = arith.constant 0 : i32
    %dma_wait3A_2065 = arith.constant 0 : i32
    %dma_wait3A_2066 = tpu.memref_slice %arg12[%dma_wait3A_2064, %dma_wait3A_2065] : memref<24x128xf32, #tpu.memory_space<vmem>> -> memref<24x128xf32, #tpu.memory_space<vmem>>
    %dma_wait3A_2067 = arith.constant 0 : i32
    %dma_wait3A_2068 = tpu.memref_slice %arg18[%add3A_1586, %dma_wait3A_2067] : memref<10000x128xf32, #tpu.memory_space<vmem_shared>> -> memref<24x128xf32, #tpu.memory_space<vmem_shared>>
    %dma_wait3A_2069 = arith.constant 0 : i32
    %dma_wait3A_2070 = tpu.memref_slice %arg18[%add3A_1586, %dma_wait3A_2069] : memref<10000x128xf32, #tpu.memory_space<vmem_shared>> -> memref<24x128xf32, #tpu.memory_space<vmem_shared>>
    %dma_wait3A_2071 = arith.constant 0 : i32
    %dma_wait3A_2072 = arith.constant 0 : i32
    %dma_wait3A_2073 = tpu.memref_slice %arg12[%dma_wait3A_2071, %dma_wait3A_2072] : memref<24x128xf32, #tpu.memory_space<vmem>> -> memref<24x128xf32, #tpu.memory_space<vmem>>
    tpu.wait_dma2 semaphore(%arg16 : memref<!tpu.dma_semaphore, #tpu.memory_space<semaphore_mem>>) src(%dma_wait3A_2073 : memref<24x128xf32, #tpu.memory_space<vmem>>) dst(%dma_wait3A_2070 : memref<24x128xf32, #tpu.memory_space<vmem_shared>>)
    %dma_wait3A_2074 = arith.constant 0 : i32
    %dma_wait3A_2075 = arith.constant 0 : i32
    %dma_wait3A_2076 = tpu.memref_slice %arg12[%dma_wait3A_2074, %dma_wait3A_2075] : memref<24x128xf32, #tpu.memory_space<vmem>> -> memref<24x128xf32, #tpu.memory_space<vmem>>
    %dma_wait3A_2077 = arith.constant 0 : i32
    %dma_wait3A_2078 = tpu.memref_slice %arg18[%add3A_1588, %dma_wait3A_2077] : memref<10000x128xf32, #tpu.memory_space<vmem_shared>> -> memref<24x128xf32, #tpu.memory_space<vmem_shared>>
    %dma_wait3A_2079 = arith.constant 0 : i32
    %dma_wait3A_2080 = tpu.memref_slice %arg18[%add3A_1588, %dma_wait3A_2079] : memref<10000x128xf32, #tpu.memory_space<vmem_shared>> -> memref<24x128xf32, #tpu.memory_space<vmem_shared>>
    %dma_wait3A_2081 = arith.constant 0 : i32
    %dma_wait3A_2082 = arith.constant 0 : i32
    %dma_wait3A_2083 = tpu.memref_slice %arg12[%dma_wait3A_2081, %dma_wait3A_2082] : memref<24x128xf32, #tpu.memory_space<vmem>> -> memref<24x128xf32, #tpu.memory_space<vmem>>
    tpu.wait_dma2 semaphore(%arg16 : memref<!tpu.dma_semaphore, #tpu.memory_space<semaphore_mem>>) src(%dma_wait3A_2083 : memref<24x128xf32, #tpu.memory_space<vmem>>) dst(%dma_wait3A_2080 : memref<24x128xf32, #tpu.memory_space<vmem_shared>>)
    %dma_wait3A_2084 = arith.constant 0 : i32
    %dma_wait3A_2085 = arith.constant 0 : i32
    %dma_wait3A_2086 = tpu.memref_slice %arg12[%dma_wait3A_2084, %dma_wait3A_2085] : memref<24x128xf32, #tpu.memory_space<vmem>> -> memref<24x128xf32, #tpu.memory_space<vmem>>
    %dma_wait3A_2087 = arith.constant 0 : i32
    %dma_wait3A_2088 = tpu.memref_slice %arg18[%add3A_1590, %dma_wait3A_2087] : memref<10000x128xf32, #tpu.memory_space<vmem_shared>> -> memref<24x128xf32, #tpu.memory_space<vmem_shared>>
    %dma_wait3A_2089 = arith.constant 0 : i32
    %dma_wait3A_2090 = tpu.memref_slice %arg18[%add3A_1590, %dma_wait3A_2089] : memref<10000x128xf32, #tpu.memory_space<vmem_shared>> -> memref<24x128xf32, #tpu.memory_space<vmem_shared>>
    %dma_wait3A_2091 = arith.constant 0 : i32
    %dma_wait3A_2092 = arith.constant 0 : i32
    %dma_wait3A_2093 = tpu.memref_slice %arg12[%dma_wait3A_2091, %dma_wait3A_2092] : memref<24x128xf32, #tpu.memory_space<vmem>> -> memref<24x128xf32, #tpu.memory_space<vmem>>
    tpu.wait_dma2 semaphore(%arg16 : memref<!tpu.dma_semaphore, #tpu.memory_space<semaphore_mem>>) src(%dma_wait3A_2093 : memref<24x128xf32, #tpu.memory_space<vmem>>) dst(%dma_wait3A_2090 : memref<24x128xf32, #tpu.memory_space<vmem_shared>>)
    %dma_wait3A_2094 = arith.constant 0 : i32
    %dma_wait3A_2095 = arith.constant 0 : i32
    %dma_wait3A_2096 = tpu.memref_slice %arg12[%dma_wait3A_2094, %dma_wait3A_2095] : memref<24x128xf32, #tpu.memory_space<vmem>> -> memref<24x128xf32, #tpu.memory_space<vmem>>
    %dma_wait3A_2097 = arith.constant 0 : i32
    %dma_wait3A_2098 = tpu.memref_slice %arg18[%add3A_1592, %dma_wait3A_2097] : memref<10000x128xf32, #tpu.memory_space<vmem_shared>> -> memref<24x128xf32, #tpu.memory_space<vmem_shared>>
    %dma_wait3A_2099 = arith.constant 0 : i32
    %dma_wait3A_2100 = tpu.memref_slice %arg18[%add3A_1592, %dma_wait3A_2099] : memref<10000x128xf32, #tpu.memory_space<vmem_shared>> -> memref<24x128xf32, #tpu.memory_space<vmem_shared>>
    %dma_wait3A_2101 = arith.constant 0 : i32
    %dma_wait3A_2102 = arith.constant 0 : i32
    %dma_wait3A_2103 = tpu.memref_slice %arg12[%dma_wait3A_2101, %dma_wait3A_2102] : memref<24x128xf32, #tpu.memory_space<vmem>> -> memref<24x128xf32, #tpu.memory_space<vmem>>
    tpu.wait_dma2 semaphore(%arg16 : memref<!tpu.dma_semaphore, #tpu.memory_space<semaphore_mem>>) src(%dma_wait3A_2103 : memref<24x128xf32, #tpu.memory_space<vmem>>) dst(%dma_wait3A_2100 : memref<24x128xf32, #tpu.memory_space<vmem_shared>>)
    %dma_wait3A_2104 = arith.constant 0 : i32
    %dma_wait3A_2105 = arith.constant 0 : i32
    %dma_wait3A_2106 = tpu.memref_slice %arg12[%dma_wait3A_2104, %dma_wait3A_2105] : memref<24x128xf32, #tpu.memory_space<vmem>> -> memref<24x128xf32, #tpu.memory_space<vmem>>
    %dma_wait3A_2107 = arith.constant 0 : i32
    %dma_wait3A_2108 = tpu.memref_slice %arg18[%add3A_1594, %dma_wait3A_2107] : memref<10000x128xf32, #tpu.memory_space<vmem_shared>> -> memref<24x128xf32, #tpu.memory_space<vmem_shared>>
    %dma_wait3A_2109 = arith.constant 0 : i32
    %dma_wait3A_2110 = tpu.memref_slice %arg18[%add3A_1594, %dma_wait3A_2109] : memref<10000x128xf32, #tpu.memory_space<vmem_shared>> -> memref<24x128xf32, #tpu.memory_space<vmem_shared>>
    %dma_wait3A_2111 = arith.constant 0 : i32
    %dma_wait3A_2112 = arith.constant 0 : i32
    %dma_wait3A_2113 = tpu.memref_slice %arg12[%dma_wait3A_2111, %dma_wait3A_2112] : memref<24x128xf32, #tpu.memory_space<vmem>> -> memref<24x128xf32, #tpu.memory_space<vmem>>
    tpu.wait_dma2 semaphore(%arg16 : memref<!tpu.dma_semaphore, #tpu.memory_space<semaphore_mem>>) src(%dma_wait3A_2113 : memref<24x128xf32, #tpu.memory_space<vmem>>) dst(%dma_wait3A_2110 : memref<24x128xf32, #tpu.memory_space<vmem_shared>>)
    %broadcast_in_dim3A_2114 = arith.constant 0.000000e+00 : f32
    %broadcast_in_dim3A_2115 = vector.broadcast %broadcast_in_dim3A_2114 : f32 to vector<16xf32>
    %swap3A_2116 = arith.constant 0 : index
    %swap3A_2117 = tpu.vector_load %arg13[%swap3A_2116] {strides = array<i32>} : memref<640xf32, #tpu.memory_space<vmem>>, vector<16xf32>,
    %swap3A_2118 = vector.shape_cast %swap3A_2117 : vector<16xf32> to vector<16xf32>
    %swap3A_2119 = vector.shape_cast %broadcast_in_dim3A_2115 : vector<16xf32> to vector<16xf32>
    tpu.vector_store %arg13[%swap3A_2116], %swap3A_2119 {strides = array<i32>} : memref<640xf32, #tpu.memory_space<vmem>>, vector<16xf32>,
    %broadcast_in_dim3A_2120 = arith.constant 0.000000e+00 : f32
    %broadcast_in_dim3A_2121 = vector.broadcast %broadcast_in_dim3A_2120 : f32 to vector<16xf32>
    %swap3A_2122 = arith.constant 16 : index
    %swap3A_2123 = tpu.vector_load %arg13[%swap3A_2122] {strides = array<i32>} : memref<640xf32, #tpu.memory_space<vmem>>, vector<16xf32>,
    %swap3A_2124 = vector.shape_cast %swap3A_2123 : vector<16xf32> to vector<16xf32>
    %swap3A_2125 = vector.shape_cast %broadcast_in_dim3A_2121 : vector<16xf32> to vector<16xf32>
    tpu.vector_store %arg13[%swap3A_2122], %swap3A_2125 {strides = array<i32>} : memref<640xf32, #tpu.memory_space<vmem>>, vector<16xf32>,
    %broadcast_in_dim3A_2126 = arith.constant 0.000000e+00 : f32
    %broadcast_in_dim3A_2127 = vector.broadcast %broadcast_in_dim3A_2126 : f32 to vector<16xf32>
    %swap3A_2128 = arith.constant 32 : index
    %swap3A_2129 = tpu.vector_load %arg13[%swap3A_2128] {strides = array<i32>} : memref<640xf32, #tpu.memory_space<vmem>>, vector<16xf32>,
    %swap3A_2130 = vector.shape_cast %swap3A_2129 : vector<16xf32> to vector<16xf32>
    %swap3A_2131 = vector.shape_cast %broadcast_in_dim3A_2127 : vector<16xf32> to vector<16xf32>
    tpu.vector_store %arg13[%swap3A_2128], %swap3A_2131 {strides = array<i32>} : memref<640xf32, #tpu.memory_space<vmem>>, vector<16xf32>,
    %broadcast_in_dim3A_2132 = arith.constant 0.000000e+00 : f32
    %broadcast_in_dim3A_2133 = vector.broadcast %broadcast_in_dim3A_2132 : f32 to vector<16xf32>
    %swap3A_2134 = arith.constant 48 : index
    %swap3A_2135 = tpu.vector_load %arg13[%swap3A_2134] {strides = array<i32>} : memref<640xf32, #tpu.memory_space<vmem>>, vector<16xf32>,
    %swap3A_2136 = vector.shape_cast %swap3A_2135 : vector<16xf32> to vector<16xf32>
    %swap3A_2137 = vector.shape_cast %broadcast_in_dim3A_2133 : vector<16xf32> to vector<16xf32>
    tpu.vector_store %arg13[%swap3A_2134], %swap3A_2137 {strides = array<i32>} : memref<640xf32, #tpu.memory_space<vmem>>, vector<16xf32>,
    %broadcast_in_dim3A_2138 = arith.constant 0.000000e+00 : f32
    %broadcast_in_dim3A_2139 = vector.broadcast %broadcast_in_dim3A_2138 : f32 to vector<16xf32>
    %swap3A_2140 = arith.constant 64 : index
    %swap3A_2141 = tpu.vector_load %arg13[%swap3A_2140] {strides = array<i32>} : memref<640xf32, #tpu.memory_space<vmem>>, vector<16xf32>,
    %swap3A_2142 = vector.shape_cast %swap3A_2141 : vector<16xf32> to vector<16xf32>
    %swap3A_2143 = vector.shape_cast %broadcast_in_dim3A_2139 : vector<16xf32> to vector<16xf32>
    tpu.vector_store %arg13[%swap3A_2140], %swap3A_2143 {strides = array<i32>} : memref<640xf32, #tpu.memory_space<vmem>>, vector<16xf32>,
    %broadcast_in_dim3A_2144 = arith.constant 0.000000e+00 : f32
    %broadcast_in_dim3A_2145 = vector.broadcast %broadcast_in_dim3A_2144 : f32 to vector<16xf32>
    %swap3A_2146 = arith.constant 80 : index
    %swap3A_2147 = tpu.vector_load %arg13[%swap3A_2146] {strides = array<i32>} : memref<640xf32, #tpu.memory_space<vmem>>, vector<16xf32>,
    %swap3A_2148 = vector.shape_cast %swap3A_2147 : vector<16xf32> to vector<16xf32>
    %swap3A_2149 = vector.shape_cast %broadcast_in_dim3A_2145 : vector<16xf32> to vector<16xf32>
    tpu.vector_store %arg13[%swap3A_2146], %swap3A_2149 {strides = array<i32>} : memref<640xf32, #tpu.memory_space<vmem>>, vector<16xf32>,
    %broadcast_in_dim3A_2150 = arith.constant 0.000000e+00 : f32
    %broadcast_in_dim3A_2151 = vector.broadcast %broadcast_in_dim3A_2150 : f32 to vector<16xf32>
    %swap3A_2152 = arith.constant 96 : index
    %swap3A_2153 = tpu.vector_load %arg13[%swap3A_2152] {strides = array<i32>} : memref<640xf32, #tpu.memory_space<vmem>>, vector<16xf32>,
    %swap3A_2154 = vector.shape_cast %swap3A_2153 : vector<16xf32> to vector<16xf32>
    %swap3A_2155 = vector.shape_cast %broadcast_in_dim3A_2151 : vector<16xf32> to vector<16xf32>
    tpu.vector_store %arg13[%swap3A_2152], %swap3A_2155 {strides = array<i32>} : memref<640xf32, #tpu.memory_space<vmem>>, vector<16xf32>,
    %broadcast_in_dim3A_2156 = arith.constant 0.000000e+00 : f32
    %broadcast_in_dim3A_2157 = vector.broadcast %broadcast_in_dim3A_2156 : f32 to vector<16xf32>
    %swap3A_2158 = arith.constant 112 : index
    %swap3A_2159 = tpu.vector_load %arg13[%swap3A_2158] {strides = array<i32>} : memref<640xf32, #tpu.memory_space<vmem>>, vector<16xf32>,
    %swap3A_2160 = vector.shape_cast %swap3A_2159 : vector<16xf32> to vector<16xf32>
    %swap3A_2161 = vector.shape_cast %broadcast_in_dim3A_2157 : vector<16xf32> to vector<16xf32>
    tpu.vector_store %arg13[%swap3A_2158], %swap3A_2161 {strides = array<i32>} : memref<640xf32, #tpu.memory_space<vmem>>, vector<16xf32>,
    %broadcast_in_dim3A_2162 = arith.constant 0.000000e+00 : f32
    %broadcast_in_dim3A_2163 = vector.broadcast %broadcast_in_dim3A_2162 : f32 to vector<16xf32>
    %swap3A_2164 = arith.constant 128 : index
    %swap3A_2165 = tpu.vector_load %arg13[%swap3A_2164] {strides = array<i32>} : memref<640xf32, #tpu.memory_space<vmem>>, vector<16xf32>,
    %swap3A_2166 = vector.shape_cast %swap3A_2165 : vector<16xf32> to vector<16xf32>
    %swap3A_2167 = vector.shape_cast %broadcast_in_dim3A_2163 : vector<16xf32> to vector<16xf32>
    tpu.vector_store %arg13[%swap3A_2164], %swap3A_2167 {strides = array<i32>} : memref<640xf32, #tpu.memory_space<vmem>>, vector<16xf32>,
    %broadcast_in_dim3A_2168 = arith.constant 0.000000e+00 : f32
    %broadcast_in_dim3A_2169 = vector.broadcast %broadcast_in_dim3A_2168 : f32 to vector<16xf32>
    %swap3A_2170 = arith.constant 144 : index
    %swap3A_2171 = tpu.vector_load %arg13[%swap3A_2170] {strides = array<i32>} : memref<640xf32, #tpu.memory_space<vmem>>, vector<16xf32>,
    %swap3A_2172 = vector.shape_cast %swap3A_2171 : vector<16xf32> to vector<16xf32>
    %swap3A_2173 = vector.shape_cast %broadcast_in_dim3A_2169 : vector<16xf32> to vector<16xf32>
    tpu.vector_store %arg13[%swap3A_2170], %swap3A_2173 {strides = array<i32>} : memref<640xf32, #tpu.memory_space<vmem>>, vector<16xf32>,
    %broadcast_in_dim3A_2174 = arith.constant 0.000000e+00 : f32
    %broadcast_in_dim3A_2175 = vector.broadcast %broadcast_in_dim3A_2174 : f32 to vector<16xf32>
    %swap3A_2176 = arith.constant 160 : index
    %swap3A_2177 = tpu.vector_load %arg13[%swap3A_2176] {strides = array<i32>} : memref<640xf32, #tpu.memory_space<vmem>>, vector<16xf32>,
    %swap3A_2178 = vector.shape_cast %swap3A_2177 : vector<16xf32> to vector<16xf32>
    %swap3A_2179 = vector.shape_cast %broadcast_in_dim3A_2175 : vector<16xf32> to vector<16xf32>
    tpu.vector_store %arg13[%swap3A_2176], %swap3A_2179 {strides = array<i32>} : memref<640xf32, #tpu.memory_space<vmem>>, vector<16xf32>,
    %broadcast_in_dim3A_2180 = arith.constant 0.000000e+00 : f32
    %broadcast_in_dim3A_2181 = vector.broadcast %broadcast_in_dim3A_2180 : f32 to vector<16xf32>
    %swap3A_2182 = arith.constant 176 : index
    %swap3A_2183 = tpu.vector_load %arg13[%swap3A_2182] {strides = array<i32>} : memref<640xf32, #tpu.memory_space<vmem>>, vector<16xf32>,
    %swap3A_2184 = vector.shape_cast %swap3A_2183 : vector<16xf32> to vector<16xf32>
    %swap3A_2185 = vector.shape_cast %broadcast_in_dim3A_2181 : vector<16xf32> to vector<16xf32>
    tpu.vector_store %arg13[%swap3A_2182], %swap3A_2185 {strides = array<i32>} : memref<640xf32, #tpu.memory_space<vmem>>, vector<16xf32>,
    %broadcast_in_dim3A_2186 = arith.constant 0.000000e+00 : f32
    %broadcast_in_dim3A_2187 = vector.broadcast %broadcast_in_dim3A_2186 : f32 to vector<16xf32>
    %swap3A_2188 = arith.constant 192 : index
    %swap3A_2189 = tpu.vector_load %arg13[%swap3A_2188] {strides = array<i32>} : memref<640xf32, #tpu.memory_space<vmem>>, vector<16xf32>,
    %swap3A_2190 = vector.shape_cast %swap3A_2189 : vector<16xf32> to vector<16xf32>
    %swap3A_2191 = vector.shape_cast %broadcast_in_dim3A_2187 : vector<16xf32> to vector<16xf32>
    tpu.vector_store %arg13[%swap3A_2188], %swap3A_2191 {strides = array<i32>} : memref<640xf32, #tpu.memory_space<vmem>>, vector<16xf32>,
    %broadcast_in_dim3A_2192 = arith.constant 0.000000e+00 : f32
    %broadcast_in_dim3A_2193 = vector.broadcast %broadcast_in_dim3A_2192 : f32 to vector<16xf32>
    %swap3A_2194 = arith.constant 208 : index
    %swap3A_2195 = tpu.vector_load %arg13[%swap3A_2194] {strides = array<i32>} : memref<640xf32, #tpu.memory_space<vmem>>, vector<16xf32>,
    %swap3A_2196 = vector.shape_cast %swap3A_2195 : vector<16xf32> to vector<16xf32>
    %swap3A_2197 = vector.shape_cast %broadcast_in_dim3A_2193 : vector<16xf32> to vector<16xf32>
    tpu.vector_store %arg13[%swap3A_2194], %swap3A_2197 {strides = array<i32>} : memref<640xf32, #tpu.memory_space<vmem>>, vector<16xf32>,
    %broadcast_in_dim3A_2198 = arith.constant 0.000000e+00 : f32
    %broadcast_in_dim3A_2199 = vector.broadcast %broadcast_in_dim3A_2198 : f32 to vector<16xf32>
    %swap3A_2200 = arith.constant 224 : index
    %swap3A_2201 = tpu.vector_load %arg13[%swap3A_2200] {strides = array<i32>} : memref<640xf32, #tpu.memory_space<vmem>>, vector<16xf32>,
    %swap3A_2202 = vector.shape_cast %swap3A_2201 : vector<16xf32> to vector<16xf32>
    %swap3A_2203 = vector.shape_cast %broadcast_in_dim3A_2199 : vector<16xf32> to vector<16xf32>
    tpu.vector_store %arg13[%swap3A_2200], %swap3A_2203 {strides = array<i32>} : memref<640xf32, #tpu.memory_space<vmem>>, vector<16xf32>,
    %broadcast_in_dim3A_2204 = arith.constant 0.000000e+00 : f32
    %broadcast_in_dim3A_2205 = vector.broadcast %broadcast_in_dim3A_2204 : f32 to vector<16xf32>
    %swap3A_2206 = arith.constant 240 : index
    %swap3A_2207 = tpu.vector_load %arg13[%swap3A_2206] {strides = array<i32>} : memref<640xf32, #tpu.memory_space<vmem>>, vector<16xf32>,
    %swap3A_2208 = vector.shape_cast %swap3A_2207 : vector<16xf32> to vector<16xf32>
    %swap3A_2209 = vector.shape_cast %broadcast_in_dim3A_2205 : vector<16xf32> to vector<16xf32>
    tpu.vector_store %arg13[%swap3A_2206], %swap3A_2209 {strides = array<i32>} : memref<640xf32, #tpu.memory_space<vmem>>, vector<16xf32>,
    %broadcast_in_dim3A_2210 = arith.constant 0.000000e+00 : f32
    %broadcast_in_dim3A_2211 = vector.broadcast %broadcast_in_dim3A_2210 : f32 to vector<16xf32>
    %swap3A_2212 = arith.constant 256 : index
    %swap3A_2213 = tpu.vector_load %arg13[%swap3A_2212] {strides = array<i32>} : memref<640xf32, #tpu.memory_space<vmem>>, vector<16xf32>,
    %swap3A_2214 = vector.shape_cast %swap3A_2213 : vector<16xf32> to vector<16xf32>
    %swap3A_2215 = vector.shape_cast %broadcast_in_dim3A_2211 : vector<16xf32> to vector<16xf32>
    tpu.vector_store %arg13[%swap3A_2212], %swap3A_2215 {strides = array<i32>} : memref<640xf32, #tpu.memory_space<vmem>>, vector<16xf32>,
    %broadcast_in_dim3A_2216 = arith.constant 0.000000e+00 : f32
    %broadcast_in_dim3A_2217 = vector.broadcast %broadcast_in_dim3A_2216 : f32 to vector<16xf32>
    %swap3A_2218 = arith.constant 272 : index
    %swap3A_2219 = tpu.vector_load %arg13[%swap3A_2218] {strides = array<i32>} : memref<640xf32, #tpu.memory_space<vmem>>, vector<16xf32>,
    %swap3A_2220 = vector.shape_cast %swap3A_2219 : vector<16xf32> to vector<16xf32>
    %swap3A_2221 = vector.shape_cast %broadcast_in_dim3A_2217 : vector<16xf32> to vector<16xf32>
    tpu.vector_store %arg13[%swap3A_2218], %swap3A_2221 {strides = array<i32>} : memref<640xf32, #tpu.memory_space<vmem>>, vector<16xf32>,
    %broadcast_in_dim3A_2222 = arith.constant 0.000000e+00 : f32
    %broadcast_in_dim3A_2223 = vector.broadcast %broadcast_in_dim3A_2222 : f32 to vector<16xf32>
    %swap3A_2224 = arith.constant 288 : index
    %swap3A_2225 = tpu.vector_load %arg13[%swap3A_2224] {strides = array<i32>} : memref<640xf32, #tpu.memory_space<vmem>>, vector<16xf32>,
    %swap3A_2226 = vector.shape_cast %swap3A_2225 : vector<16xf32> to vector<16xf32>
    %swap3A_2227 = vector.shape_cast %broadcast_in_dim3A_2223 : vector<16xf32> to vector<16xf32>
    tpu.vector_store %arg13[%swap3A_2224], %swap3A_2227 {strides = array<i32>} : memref<640xf32, #tpu.memory_space<vmem>>, vector<16xf32>,
    %broadcast_in_dim3A_2228 = arith.constant 0.000000e+00 : f32
    %broadcast_in_dim3A_2229 = vector.broadcast %broadcast_in_dim3A_2228 : f32 to vector<16xf32>
    %swap3A_2230 = arith.constant 304 : index
    %swap3A_2231 = tpu.vector_load %arg13[%swap3A_2230] {strides = array<i32>} : memref<640xf32, #tpu.memory_space<vmem>>, vector<16xf32>,
    %swap3A_2232 = vector.shape_cast %swap3A_2231 : vector<16xf32> to vector<16xf32>
    %swap3A_2233 = vector.shape_cast %broadcast_in_dim3A_2229 : vector<16xf32> to vector<16xf32>
    tpu.vector_store %arg13[%swap3A_2230], %swap3A_2233 {strides = array<i32>} : memref<640xf32, #tpu.memory_space<vmem>>, vector<16xf32>,
    %broadcast_in_dim3A_2234 = arith.constant 0.000000e+00 : f32
    %broadcast_in_dim3A_2235 = vector.broadcast %broadcast_in_dim3A_2234 : f32 to vector<16xf32>
    %swap3A_2236 = arith.constant 320 : index
    %swap3A_2237 = tpu.vector_load %arg13[%swap3A_2236] {strides = array<i32>} : memref<640xf32, #tpu.memory_space<vmem>>, vector<16xf32>,
    %swap3A_2238 = vector.shape_cast %swap3A_2237 : vector<16xf32> to vector<16xf32>
    %swap3A_2239 = vector.shape_cast %broadcast_in_dim3A_2235 : vector<16xf32> to vector<16xf32>
    tpu.vector_store %arg13[%swap3A_2236], %swap3A_2239 {strides = array<i32>} : memref<640xf32, #tpu.memory_space<vmem>>, vector<16xf32>,
    %broadcast_in_dim3A_2240 = arith.constant 0.000000e+00 : f32
    %broadcast_in_dim3A_2241 = vector.broadcast %broadcast_in_dim3A_2240 : f32 to vector<16xf32>
    %swap3A_2242 = arith.constant 336 : index
    %swap3A_2243 = tpu.vector_load %arg13[%swap3A_2242] {strides = array<i32>} : memref<640xf32, #tpu.memory_space<vmem>>, vector<16xf32>,
    %swap3A_2244 = vector.shape_cast %swap3A_2243 : vector<16xf32> to vector<16xf32>
    %swap3A_2245 = vector.shape_cast %broadcast_in_dim3A_2241 : vector<16xf32> to vector<16xf32>
    tpu.vector_store %arg13[%swap3A_2242], %swap3A_2245 {strides = array<i32>} : memref<640xf32, #tpu.memory_space<vmem>>, vector<16xf32>,
    %broadcast_in_dim3A_2246 = arith.constant 0.000000e+00 : f32
    %broadcast_in_dim3A_2247 = vector.broadcast %broadcast_in_dim3A_2246 : f32 to vector<16xf32>
    %swap3A_2248 = arith.constant 352 : index
    %swap3A_2249 = tpu.vector_load %arg13[%swap3A_2248] {strides = array<i32>} : memref<640xf32, #tpu.memory_space<vmem>>, vector<16xf32>,
    %swap3A_2250 = vector.shape_cast %swap3A_2249 : vector<16xf32> to vector<16xf32>
    %swap3A_2251 = vector.shape_cast %broadcast_in_dim3A_2247 : vector<16xf32> to vector<16xf32>
    tpu.vector_store %arg13[%swap3A_2248], %swap3A_2251 {strides = array<i32>} : memref<640xf32, #tpu.memory_space<vmem>>, vector<16xf32>,
    %broadcast_in_dim3A_2252 = arith.constant 0.000000e+00 : f32
    %broadcast_in_dim3A_2253 = vector.broadcast %broadcast_in_dim3A_2252 : f32 to vector<16xf32>
    %swap3A_2254 = arith.constant 368 : index
    %swap3A_2255 = tpu.vector_load %arg13[%swap3A_2254] {strides = array<i32>} : memref<640xf32, #tpu.memory_space<vmem>>, vector<16xf32>,
    %swap3A_2256 = vector.shape_cast %swap3A_2255 : vector<16xf32> to vector<16xf32>
    %swap3A_2257 = vector.shape_cast %broadcast_in_dim3A_2253 : vector<16xf32> to vector<16xf32>
    tpu.vector_store %arg13[%swap3A_2254], %swap3A_2257 {strides = array<i32>} : memref<640xf32, #tpu.memory_space<vmem>>, vector<16xf32>,
    %broadcast_in_dim3A_2258 = arith.constant 0.000000e+00 : f32
    %broadcast_in_dim3A_2259 = vector.broadcast %broadcast_in_dim3A_2258 : f32 to vector<16xf32>
    %swap3A_2260 = arith.constant 384 : index
    %swap3A_2261 = tpu.vector_load %arg13[%swap3A_2260] {strides = array<i32>} : memref<640xf32, #tpu.memory_space<vmem>>, vector<16xf32>,
    %swap3A_2262 = vector.shape_cast %swap3A_2261 : vector<16xf32> to vector<16xf32>
    %swap3A_2263 = vector.shape_cast %broadcast_in_dim3A_2259 : vector<16xf32> to vector<16xf32>
    tpu.vector_store %arg13[%swap3A_2260], %swap3A_2263 {strides = array<i32>} : memref<640xf32, #tpu.memory_space<vmem>>, vector<16xf32>,
    %broadcast_in_dim3A_2264 = arith.constant 0.000000e+00 : f32
    %broadcast_in_dim3A_2265 = vector.broadcast %broadcast_in_dim3A_2264 : f32 to vector<16xf32>
    %swap3A_2266 = arith.constant 400 : index
    %swap3A_2267 = tpu.vector_load %arg13[%swap3A_2266] {strides = array<i32>} : memref<640xf32, #tpu.memory_space<vmem>>, vector<16xf32>,
    %swap3A_2268 = vector.shape_cast %swap3A_2267 : vector<16xf32> to vector<16xf32>
    %swap3A_2269 = vector.shape_cast %broadcast_in_dim3A_2265 : vector<16xf32> to vector<16xf32>
    tpu.vector_store %arg13[%swap3A_2266], %swap3A_2269 {strides = array<i32>} : memref<640xf32, #tpu.memory_space<vmem>>, vector<16xf32>,
    %broadcast_in_dim3A_2270 = arith.constant 0.000000e+00 : f32
    %broadcast_in_dim3A_2271 = vector.broadcast %broadcast_in_dim3A_2270 : f32 to vector<16xf32>
    %swap3A_2272 = arith.constant 416 : index
    %swap3A_2273 = tpu.vector_load %arg13[%swap3A_2272] {strides = array<i32>} : memref<640xf32, #tpu.memory_space<vmem>>, vector<16xf32>,
    %swap3A_2274 = vector.shape_cast %swap3A_2273 : vector<16xf32> to vector<16xf32>
    %swap3A_2275 = vector.shape_cast %broadcast_in_dim3A_2271 : vector<16xf32> to vector<16xf32>
    tpu.vector_store %arg13[%swap3A_2272], %swap3A_2275 {strides = array<i32>} : memref<640xf32, #tpu.memory_space<vmem>>, vector<16xf32>,
    %broadcast_in_dim3A_2276 = arith.constant 0.000000e+00 : f32
    %broadcast_in_dim3A_2277 = vector.broadcast %broadcast_in_dim3A_2276 : f32 to vector<16xf32>
    %swap3A_2278 = arith.constant 432 : index
    %swap3A_2279 = tpu.vector_load %arg13[%swap3A_2278] {strides = array<i32>} : memref<640xf32, #tpu.memory_space<vmem>>, vector<16xf32>,
    %swap3A_2280 = vector.shape_cast %swap3A_2279 : vector<16xf32> to vector<16xf32>
    %swap3A_2281 = vector.shape_cast %broadcast_in_dim3A_2277 : vector<16xf32> to vector<16xf32>
    tpu.vector_store %arg13[%swap3A_2278], %swap3A_2281 {strides = array<i32>} : memref<640xf32, #tpu.memory_space<vmem>>, vector<16xf32>,
    %broadcast_in_dim3A_2282 = arith.constant 0.000000e+00 : f32
    %broadcast_in_dim3A_2283 = vector.broadcast %broadcast_in_dim3A_2282 : f32 to vector<16xf32>
    %swap3A_2284 = arith.constant 448 : index
    %swap3A_2285 = tpu.vector_load %arg13[%swap3A_2284] {strides = array<i32>} : memref<640xf32, #tpu.memory_space<vmem>>, vector<16xf32>,
    %swap3A_2286 = vector.shape_cast %swap3A_2285 : vector<16xf32> to vector<16xf32>
    %swap3A_2287 = vector.shape_cast %broadcast_in_dim3A_2283 : vector<16xf32> to vector<16xf32>
    tpu.vector_store %arg13[%swap3A_2284], %swap3A_2287 {strides = array<i32>} : memref<640xf32, #tpu.memory_space<vmem>>, vector<16xf32>,
    %broadcast_in_dim3A_2288 = arith.constant 0.000000e+00 : f32
    %broadcast_in_dim3A_2289 = vector.broadcast %broadcast_in_dim3A_2288 : f32 to vector<16xf32>
    %swap3A_2290 = arith.constant 464 : index
    %swap3A_2291 = tpu.vector_load %arg13[%swap3A_2290] {strides = array<i32>} : memref<640xf32, #tpu.memory_space<vmem>>, vector<16xf32>,
    %swap3A_2292 = vector.shape_cast %swap3A_2291 : vector<16xf32> to vector<16xf32>
    %swap3A_2293 = vector.shape_cast %broadcast_in_dim3A_2289 : vector<16xf32> to vector<16xf32>
    tpu.vector_store %arg13[%swap3A_2290], %swap3A_2293 {strides = array<i32>} : memref<640xf32, #tpu.memory_space<vmem>>, vector<16xf32>,
    %broadcast_in_dim3A_2294 = arith.constant 0.000000e+00 : f32
    %broadcast_in_dim3A_2295 = vector.broadcast %broadcast_in_dim3A_2294 : f32 to vector<16xf32>
    %swap3A_2296 = arith.constant 480 : index
    %swap3A_2297 = tpu.vector_load %arg13[%swap3A_2296] {strides = array<i32>} : memref<640xf32, #tpu.memory_space<vmem>>, vector<16xf32>,
    %swap3A_2298 = vector.shape_cast %swap3A_2297 : vector<16xf32> to vector<16xf32>
    %swap3A_2299 = vector.shape_cast %broadcast_in_dim3A_2295 : vector<16xf32> to vector<16xf32>
    tpu.vector_store %arg13[%swap3A_2296], %swap3A_2299 {strides = array<i32>} : memref<640xf32, #tpu.memory_space<vmem>>, vector<16xf32>,
    %broadcast_in_dim3A_2300 = arith.constant 0.000000e+00 : f32
    %broadcast_in_dim3A_2301 = vector.broadcast %broadcast_in_dim3A_2300 : f32 to vector<16xf32>
    %swap3A_2302 = arith.constant 496 : index
    %swap3A_2303 = tpu.vector_load %arg13[%swap3A_2302] {strides = array<i32>} : memref<640xf32, #tpu.memory_space<vmem>>, vector<16xf32>,
    %swap3A_2304 = vector.shape_cast %swap3A_2303 : vector<16xf32> to vector<16xf32>
    %swap3A_2305 = vector.shape_cast %broadcast_in_dim3A_2301 : vector<16xf32> to vector<16xf32>
    tpu.vector_store %arg13[%swap3A_2302], %swap3A_2305 {strides = array<i32>} : memref<640xf32, #tpu.memory_space<vmem>>, vector<16xf32>,
    %broadcast_in_dim3A_2306 = arith.constant 0.000000e+00 : f32
    %broadcast_in_dim3A_2307 = vector.broadcast %broadcast_in_dim3A_2306 : f32 to vector<16xf32>
    %swap3A_2308 = arith.constant 512 : index
    %swap3A_2309 = tpu.vector_load %arg13[%swap3A_2308] {strides = array<i32>} : memref<640xf32, #tpu.memory_space<vmem>>, vector<16xf32>,
    %swap3A_2310 = vector.shape_cast %swap3A_2309 : vector<16xf32> to vector<16xf32>
    %swap3A_2311 = vector.shape_cast %broadcast_in_dim3A_2307 : vector<16xf32> to vector<16xf32>
    tpu.vector_store %arg13[%swap3A_2308], %swap3A_2311 {strides = array<i32>} : memref<640xf32, #tpu.memory_space<vmem>>, vector<16xf32>,
    %broadcast_in_dim3A_2312 = arith.constant 0.000000e+00 : f32
    %broadcast_in_dim3A_2313 = vector.broadcast %broadcast_in_dim3A_2312 : f32 to vector<16xf32>
    %swap3A_2314 = arith.constant 528 : index
    %swap3A_2315 = tpu.vector_load %arg13[%swap3A_2314] {strides = array<i32>} : memref<640xf32, #tpu.memory_space<vmem>>, vector<16xf32>,
    %swap3A_2316 = vector.shape_cast %swap3A_2315 : vector<16xf32> to vector<16xf32>
    %swap3A_2317 = vector.shape_cast %broadcast_in_dim3A_2313 : vector<16xf32> to vector<16xf32>
    tpu.vector_store %arg13[%swap3A_2314], %swap3A_2317 {strides = array<i32>} : memref<640xf32, #tpu.memory_space<vmem>>, vector<16xf32>,
    %broadcast_in_dim3A_2318 = arith.constant 0.000000e+00 : f32
    %broadcast_in_dim3A_2319 = vector.broadcast %broadcast_in_dim3A_2318 : f32 to vector<16xf32>
    %swap3A_2320 = arith.constant 544 : index
    %swap3A_2321 = tpu.vector_load %arg13[%swap3A_2320] {strides = array<i32>} : memref<640xf32, #tpu.memory_space<vmem>>, vector<16xf32>,
    %swap3A_2322 = vector.shape_cast %swap3A_2321 : vector<16xf32> to vector<16xf32>
    %swap3A_2323 = vector.shape_cast %broadcast_in_dim3A_2319 : vector<16xf32> to vector<16xf32>
    tpu.vector_store %arg13[%swap3A_2320], %swap3A_2323 {strides = array<i32>} : memref<640xf32, #tpu.memory_space<vmem>>, vector<16xf32>,
    %broadcast_in_dim3A_2324 = arith.constant 0.000000e+00 : f32
    %broadcast_in_dim3A_2325 = vector.broadcast %broadcast_in_dim3A_2324 : f32 to vector<16xf32>
    %swap3A_2326 = arith.constant 560 : index
    %swap3A_2327 = tpu.vector_load %arg13[%swap3A_2326] {strides = array<i32>} : memref<640xf32, #tpu.memory_space<vmem>>, vector<16xf32>,
    %swap3A_2328 = vector.shape_cast %swap3A_2327 : vector<16xf32> to vector<16xf32>
    %swap3A_2329 = vector.shape_cast %broadcast_in_dim3A_2325 : vector<16xf32> to vector<16xf32>
    tpu.vector_store %arg13[%swap3A_2326], %swap3A_2329 {strides = array<i32>} : memref<640xf32, #tpu.memory_space<vmem>>, vector<16xf32>,
    %broadcast_in_dim3A_2330 = arith.constant 0.000000e+00 : f32
    %broadcast_in_dim3A_2331 = vector.broadcast %broadcast_in_dim3A_2330 : f32 to vector<16xf32>
    %swap3A_2332 = arith.constant 576 : index
    %swap3A_2333 = tpu.vector_load %arg13[%swap3A_2332] {strides = array<i32>} : memref<640xf32, #tpu.memory_space<vmem>>, vector<16xf32>,
    %swap3A_2334 = vector.shape_cast %swap3A_2333 : vector<16xf32> to vector<16xf32>
    %swap3A_2335 = vector.shape_cast %broadcast_in_dim3A_2331 : vector<16xf32> to vector<16xf32>
    tpu.vector_store %arg13[%swap3A_2332], %swap3A_2335 {strides = array<i32>} : memref<640xf32, #tpu.memory_space<vmem>>, vector<16xf32>,
    %broadcast_in_dim3A_2336 = arith.constant 0.000000e+00 : f32
    %broadcast_in_dim3A_2337 = vector.broadcast %broadcast_in_dim3A_2336 : f32 to vector<16xf32>
    %swap3A_2338 = arith.constant 592 : index
    %swap3A_2339 = tpu.vector_load %arg13[%swap3A_2338] {strides = array<i32>} : memref<640xf32, #tpu.memory_space<vmem>>, vector<16xf32>,
    %swap3A_2340 = vector.shape_cast %swap3A_2339 : vector<16xf32> to vector<16xf32>
    %swap3A_2341 = vector.shape_cast %broadcast_in_dim3A_2337 : vector<16xf32> to vector<16xf32>
    tpu.vector_store %arg13[%swap3A_2338], %swap3A_2341 {strides = array<i32>} : memref<640xf32, #tpu.memory_space<vmem>>, vector<16xf32>,
    %broadcast_in_dim3A_2342 = arith.constant 0.000000e+00 : f32
    %broadcast_in_dim3A_2343 = vector.broadcast %broadcast_in_dim3A_2342 : f32 to vector<16xf32>
    %swap3A_2344 = arith.constant 608 : index
    %swap3A_2345 = tpu.vector_load %arg13[%swap3A_2344] {strides = array<i32>} : memref<640xf32, #tpu.memory_space<vmem>>, vector<16xf32>,
    %swap3A_2346 = vector.shape_cast %swap3A_2345 : vector<16xf32> to vector<16xf32>
    %swap3A_2347 = vector.shape_cast %broadcast_in_dim3A_2343 : vector<16xf32> to vector<16xf32>
    tpu.vector_store %arg13[%swap3A_2344], %swap3A_2347 {strides = array<i32>} : memref<640xf32, #tpu.memory_space<vmem>>, vector<16xf32>,
    %broadcast_in_dim3A_2348 = arith.constant 0.000000e+00 : f32
    %broadcast_in_dim3A_2349 = vector.broadcast %broadcast_in_dim3A_2348 : f32 to vector<16xf32>
    %swap3A_2350 = arith.constant 624 : index
    %swap3A_2351 = tpu.vector_load %arg13[%swap3A_2350] {strides = array<i32>} : memref<640xf32, #tpu.memory_space<vmem>>, vector<16xf32>,
    %swap3A_2352 = vector.shape_cast %swap3A_2351 : vector<16xf32> to vector<16xf32>
    %swap3A_2353 = vector.shape_cast %broadcast_in_dim3A_2349 : vector<16xf32> to vector<16xf32>
    tpu.vector_store %arg13[%swap3A_2350], %swap3A_2353 {strides = array<i32>} : memref<640xf32, #tpu.memory_space<vmem>>, vector<16xf32>,
    %broadcast_in_dim3A_2354 = arith.constant 1.000000e+00 : f32
    %broadcast_in_dim3A_2355 = vector.broadcast %broadcast_in_dim3A_2354 : f32 to vector<16xf32>
    %swap3A_2356 = arith.constant 0 : index
    %swap3A_2357 = tpu.vector_load %arg11[%swap3A_2356] {strides = array<i32>} : memref<128xf32, #tpu.memory_space<vmem>>, vector<16xf32>,
    %swap3A_2358 = vector.shape_cast %swap3A_2357 : vector<16xf32> to vector<16xf32>
    %swap3A_2359 = vector.shape_cast %broadcast_in_dim3A_2355 : vector<16xf32> to vector<16xf32>
    tpu.vector_store %arg11[%swap3A_2356], %swap3A_2359 {strides = array<i32>} : memref<128xf32, #tpu.memory_space<vmem>>, vector<16xf32>,
    %broadcast_in_dim3A_2360 = arith.constant 1.000000e+00 : f32
    %broadcast_in_dim3A_2361 = vector.broadcast %broadcast_in_dim3A_2360 : f32 to vector<16xf32>
    %swap3A_2362 = arith.constant 16 : index
    %swap3A_2363 = tpu.vector_load %arg11[%swap3A_2362] {strides = array<i32>} : memref<128xf32, #tpu.memory_space<vmem>>, vector<16xf32>,
    %swap3A_2364 = vector.shape_cast %swap3A_2363 : vector<16xf32> to vector<16xf32>
    %swap3A_2365 = vector.shape_cast %broadcast_in_dim3A_2361 : vector<16xf32> to vector<16xf32>
    tpu.vector_store %arg11[%swap3A_2362], %swap3A_2365 {strides = array<i32>} : memref<128xf32, #tpu.memory_space<vmem>>, vector<16xf32>,
    %broadcast_in_dim3A_2366 = arith.constant 1.000000e+00 : f32
    %broadcast_in_dim3A_2367 = vector.broadcast %broadcast_in_dim3A_2366 : f32 to vector<16xf32>
    %swap3A_2368 = arith.constant 32 : index
    %swap3A_2369 = tpu.vector_load %arg11[%swap3A_2368] {strides = array<i32>} : memref<128xf32, #tpu.memory_space<vmem>>, vector<16xf32>,
    %swap3A_2370 = vector.shape_cast %swap3A_2369 : vector<16xf32> to vector<16xf32>
    %swap3A_2371 = vector.shape_cast %broadcast_in_dim3A_2367 : vector<16xf32> to vector<16xf32>
    tpu.vector_store %arg11[%swap3A_2368], %swap3A_2371 {strides = array<i32>} : memref<128xf32, #tpu.memory_space<vmem>>, vector<16xf32>,
    %broadcast_in_dim3A_2372 = arith.constant 1.000000e+00 : f32
    %broadcast_in_dim3A_2373 = vector.broadcast %broadcast_in_dim3A_2372 : f32 to vector<16xf32>
    %swap3A_2374 = arith.constant 48 : index
    %swap3A_2375 = tpu.vector_load %arg11[%swap3A_2374] {strides = array<i32>} : memref<128xf32, #tpu.memory_space<vmem>>, vector<16xf32>,
    %swap3A_2376 = vector.shape_cast %swap3A_2375 : vector<16xf32> to vector<16xf32>
    %swap3A_2377 = vector.shape_cast %broadcast_in_dim3A_2373 : vector<16xf32> to vector<16xf32>
    tpu.vector_store %arg11[%swap3A_2374], %swap3A_2377 {strides = array<i32>} : memref<128xf32, #tpu.memory_space<vmem>>, vector<16xf32>,
    %broadcast_in_dim3A_2378 = arith.constant 1.000000e+00 : f32
    %broadcast_in_dim3A_2379 = vector.broadcast %broadcast_in_dim3A_2378 : f32 to vector<16xf32>
    %swap3A_2380 = arith.constant 64 : index
    %swap3A_2381 = tpu.vector_load %arg11[%swap3A_2380] {strides = array<i32>} : memref<128xf32, #tpu.memory_space<vmem>>, vector<16xf32>,
    %swap3A_2382 = vector.shape_cast %swap3A_2381 : vector<16xf32> to vector<16xf32>
    %swap3A_2383 = vector.shape_cast %broadcast_in_dim3A_2379 : vector<16xf32> to vector<16xf32>
    tpu.vector_store %arg11[%swap3A_2380], %swap3A_2383 {strides = array<i32>} : memref<128xf32, #tpu.memory_space<vmem>>, vector<16xf32>,
    %broadcast_in_dim3A_2384 = arith.constant 1.000000e+00 : f32
    %broadcast_in_dim3A_2385 = vector.broadcast %broadcast_in_dim3A_2384 : f32 to vector<16xf32>
    %swap3A_2386 = arith.constant 80 : index
    %swap3A_2387 = tpu.vector_load %arg11[%swap3A_2386] {strides = array<i32>} : memref<128xf32, #tpu.memory_space<vmem>>, vector<16xf32>,
    %swap3A_2388 = vector.shape_cast %swap3A_2387 : vector<16xf32> to vector<16xf32>
    %swap3A_2389 = vector.shape_cast %broadcast_in_dim3A_2385 : vector<16xf32> to vector<16xf32>
    tpu.vector_store %arg11[%swap3A_2386], %swap3A_2389 {strides = array<i32>} : memref<128xf32, #tpu.memory_space<vmem>>, vector<16xf32>,
    %broadcast_in_dim3A_2390 = arith.constant 1.000000e+00 : f32
    %broadcast_in_dim3A_2391 = vector.broadcast %broadcast_in_dim3A_2390 : f32 to vector<16xf32>
    %swap3A_2392 = arith.constant 96 : index
    %swap3A_2393 = tpu.vector_load %arg11[%swap3A_2392] {strides = array<i32>} : memref<128xf32, #tpu.memory_space<vmem>>, vector<16xf32>,
    %swap3A_2394 = vector.shape_cast %swap3A_2393 : vector<16xf32> to vector<16xf32>
    %swap3A_2395 = vector.shape_cast %broadcast_in_dim3A_2391 : vector<16xf32> to vector<16xf32>
    tpu.vector_store %arg11[%swap3A_2392], %swap3A_2395 {strides = array<i32>} : memref<128xf32, #tpu.memory_space<vmem>>, vector<16xf32>,
    %broadcast_in_dim3A_2396 = arith.constant 1.000000e+00 : f32
    %broadcast_in_dim3A_2397 = vector.broadcast %broadcast_in_dim3A_2396 : f32 to vector<16xf32>
    %swap3A_2398 = arith.constant 112 : index
    %swap3A_2399 = tpu.vector_load %arg11[%swap3A_2398] {strides = array<i32>} : memref<128xf32, #tpu.memory_space<vmem>>, vector<16xf32>,
    %swap3A_2400 = vector.shape_cast %swap3A_2399 : vector<16xf32> to vector<16xf32>
    %swap3A_2401 = vector.shape_cast %broadcast_in_dim3A_2397 : vector<16xf32> to vector<16xf32>
    tpu.vector_store %arg11[%swap3A_2398], %swap3A_2401 {strides = array<i32>} : memref<128xf32, #tpu.memory_space<vmem>>, vector<16xf32>,
    %lt3A = arith.constant 15 : i32
    %lt3A_2402 = arith.cmpi slt, %arg1, %lt3A : i32
    %convert_element_type3A = arith.extui %lt3A_2402 : i1 to i32
    %cond3A = arith.constant 0 : i32
    %cond3A_2403 = arith.cmpi ne, %convert_element_type3A, %cond3A : i32
    scf.if %cond3A_2403 {
      "tpu.region"() ({
        %run_scoped3A = tpu.sem_alloc : memref<!tpu.dma_semaphore, #tpu.memory_space<semaphore_mem>>
        %dma_start3A_2441 = arith.constant 0 : i32
        %dma_start3A_2442 = tpu.memref_slice %arg13[%dma_start3A_2441] : memref<640xf32, #tpu.memory_space<vmem>> -> memref<624xf32, #tpu.memory_space<vmem>>
        %dma_start3A_2443 = tpu.memref_slice %arg19[%mul3A_0] : memref<10000xf32, #tpu.memory_space<vmem_shared>> -> memref<624xf32, #tpu.memory_space<vmem_shared>>
        %dma_start3A_2444 = tpu.memref_slice %arg19[%mul3A_0] : memref<10000xf32, #tpu.memory_space<vmem_shared>> -> memref<624xf32, #tpu.memory_space<vmem_shared>>
        %dma_start3A_2445 = arith.constant 0 : i32
        %dma_start3A_2446 = tpu.memref_slice %arg13[%dma_start3A_2445] : memref<640xf32, #tpu.memory_space<vmem>> -> memref<624xf32, #tpu.memory_space<vmem>>
        tpu.enqueue_dma source(%dma_start3A_2446 : memref<624xf32, #tpu.memory_space<vmem>>) target(%dma_start3A_2444 : memref<624xf32, #tpu.memory_space<vmem_shared>>) target_semaphore(%run_scoped3A : memref<!tpu.dma_semaphore, #tpu.memory_space<semaphore_mem>>)
        %dma_wait3A_2447 = arith.constant 0 : i32
        %dma_wait3A_2448 = tpu.memref_slice %arg13[%dma_wait3A_2447] : memref<640xf32, #tpu.memory_space<vmem>> -> memref<624xf32, #tpu.memory_space<vmem>>
        %dma_wait3A_2449 = tpu.memref_slice %arg19[%mul3A_0] : memref<10000xf32, #tpu.memory_space<vmem_shared>> -> memref<624xf32, #tpu.memory_space<vmem_shared>>
        %dma_wait3A_2450 = tpu.memref_slice %arg19[%mul3A_0] : memref<10000xf32, #tpu.memory_space<vmem_shared>> -> memref<624xf32, #tpu.memory_space<vmem_shared>>
        %dma_wait3A_2451 = arith.constant 0 : i32
        %dma_wait3A_2452 = tpu.memref_slice %arg13[%dma_wait3A_2451] : memref<640xf32, #tpu.memory_space<vmem>> -> memref<624xf32, #tpu.memory_space<vmem>>
        tpu.wait_dma2 semaphore(%run_scoped3A : memref<!tpu.dma_semaphore, #tpu.memory_space<semaphore_mem>>) src(%dma_wait3A_2452 : memref<624xf32, #tpu.memory_space<vmem>>) dst(%dma_wait3A_2450 : memref<624xf32, #tpu.memory_space<vmem_shared>>)
        tpu.yield
      }) : () -> ()
    } else {
    }
    %eq3A = arith.constant 15 : i32
    %eq3A_2404 = arith.cmpi eq, %arg1, %eq3A : i32
    %convert_element_type3A_2405 = arith.extui %eq3A_2404 : i1 to i32
    %cond3A_2406 = arith.constant 0 : i32
    %cond3A_2407 = arith.cmpi ne, %convert_element_type3A_2405, %cond3A_2406 : i32
    scf.if %cond3A_2407 {
      "tpu.region"() ({
        %run_scoped3A = tpu.sem_alloc : memref<!tpu.dma_semaphore, #tpu.memory_space<semaphore_mem>>
        %dma_start3A_2441 = arith.constant 0 : i32
        %dma_start3A_2442 = arith.constant 0 : i32
        %dma_start3A_2443 = tpu.memref_slice %arg12[%dma_start3A_2441, %dma_start3A_2442] : memref<24x128xf32, #tpu.memory_space<vmem>> -> memref<16x128xf32, #tpu.memory_space<vmem>>
        %dma_start3A_2444 = arith.constant 9984 : i32
        %dma_start3A_2445 = arith.constant 0 : i32
        %dma_start3A_2446 = tpu.memref_slice %arg18[%dma_start3A_2444, %dma_start3A_2445] : memref<10000x128xf32, #tpu.memory_space<vmem_shared>> -> memref<16x128xf32, #tpu.memory_space<vmem_shared>>
        %dma_start3A_2447 = arith.constant 9984 : i32
        %dma_start3A_2448 = arith.constant 0 : i32
        %dma_start3A_2449 = tpu.memref_slice %arg18[%dma_start3A_2447, %dma_start3A_2448] : memref<10000x128xf32, #tpu.memory_space<vmem_shared>> -> memref<16x128xf32, #tpu.memory_space<vmem_shared>>
        %dma_start3A_2450 = arith.constant 0 : i32
        %dma_start3A_2451 = arith.constant 0 : i32
        %dma_start3A_2452 = tpu.memref_slice %arg12[%dma_start3A_2450, %dma_start3A_2451] : memref<24x128xf32, #tpu.memory_space<vmem>> -> memref<16x128xf32, #tpu.memory_space<vmem>>
        tpu.enqueue_dma source(%dma_start3A_2452 : memref<16x128xf32, #tpu.memory_space<vmem>>) target(%dma_start3A_2449 : memref<16x128xf32, #tpu.memory_space<vmem_shared>>) target_semaphore(%run_scoped3A : memref<!tpu.dma_semaphore, #tpu.memory_space<semaphore_mem>>)
        %dma_wait3A_2453 = arith.constant 0 : i32
        %dma_wait3A_2454 = arith.constant 0 : i32
        %dma_wait3A_2455 = tpu.memref_slice %arg12[%dma_wait3A_2453, %dma_wait3A_2454] : memref<24x128xf32, #tpu.memory_space<vmem>> -> memref<16x128xf32, #tpu.memory_space<vmem>>
        %dma_wait3A_2456 = arith.constant 9984 : i32
        %dma_wait3A_2457 = arith.constant 0 : i32
        %dma_wait3A_2458 = tpu.memref_slice %arg18[%dma_wait3A_2456, %dma_wait3A_2457] : memref<10000x128xf32, #tpu.memory_space<vmem_shared>> -> memref<16x128xf32, #tpu.memory_space<vmem_shared>>
        %dma_wait3A_2459 = arith.constant 9984 : i32
        %dma_wait3A_2460 = arith.constant 0 : i32
        %dma_wait3A_2461 = tpu.memref_slice %arg18[%dma_wait3A_2459, %dma_wait3A_2460] : memref<10000x128xf32, #tpu.memory_space<vmem_shared>> -> memref<16x128xf32, #tpu.memory_space<vmem_shared>>
        %dma_wait3A_2462 = arith.constant 0 : i32
        %dma_wait3A_2463 = arith.constant 0 : i32
        %dma_wait3A_2464 = tpu.memref_slice %arg12[%dma_wait3A_2462, %dma_wait3A_2463] : memref<24x128xf32, #tpu.memory_space<vmem>> -> memref<16x128xf32, #tpu.memory_space<vmem>>
        tpu.wait_dma2 semaphore(%run_scoped3A : memref<!tpu.dma_semaphore, #tpu.memory_space<semaphore_mem>>) src(%dma_wait3A_2464 : memref<16x128xf32, #tpu.memory_space<vmem>>) dst(%dma_wait3A_2461 : memref<16x128xf32, #tpu.memory_space<vmem_shared>>)
        tpu.yield
      }) : () -> ()
      "tpu.region"() ({
        %run_scoped3A = tpu.sem_alloc : memref<!tpu.dma_semaphore, #tpu.memory_space<semaphore_mem>>
        %dma_start3A_2441 = tpu.memref_slice %arg19[%mul3A_0] : memref<10000xf32, #tpu.memory_space<vmem_shared>> -> memref<640xf32, #tpu.memory_space<vmem_shared>>
        %dma_start3A_2442 = tpu.memref_slice %arg19[%mul3A_0] : memref<10000xf32, #tpu.memory_space<vmem_shared>> -> memref<640xf32, #tpu.memory_space<vmem_shared>>
        tpu.enqueue_dma source(%arg13 : memref<640xf32, #tpu.memory_space<vmem>>) target(%dma_start3A_2442 : memref<640xf32, #tpu.memory_space<vmem_shared>>) target_semaphore(%run_scoped3A : memref<!tpu.dma_semaphore, #tpu.memory_space<semaphore_mem>>)
        %dma_wait3A_2443 = tpu.memref_slice %arg19[%mul3A_0] : memref<10000xf32, #tpu.memory_space<vmem_shared>> -> memref<640xf32, #tpu.memory_space<vmem_shared>>
        %dma_wait3A_2444 = tpu.memref_slice %arg19[%mul3A_0] : memref<10000xf32, #tpu.memory_space<vmem_shared>> -> memref<640xf32, #tpu.memory_space<vmem_shared>>
        tpu.wait_dma2 semaphore(%run_scoped3A : memref<!tpu.dma_semaphore, #tpu.memory_space<semaphore_mem>>) src(%arg13 : memref<640xf32, #tpu.memory_space<vmem>>) dst(%dma_wait3A_2444 : memref<640xf32, #tpu.memory_space<vmem_shared>>)
        tpu.yield
      }) : () -> ()
    } else {
    }
    %barrier3A = arith.constant 0 : index
    tpu.barrier barrier_id(%barrier3A)
    %scan3A = arith.constant 0 : i32
    %scan3A_2408 = arith.constant 0 : i32
    %scan3A_2409 = arith.constant 39 : i32
    %scan3A_2410 = arith.addi %scan3A_2408, %scan3A_2409 : i32
    %scan3A_2411 = arith.constant 1 : i32
    scf.for %scan3A_2441 = %scan3A_2408 to %scan3A_2410 step %scan3A_2411  : i32 {
      %mul3A_2442 = arith.constant 2 : i32
      %mul3A_2443 = arith.muli %scan3A_2441, %mul3A_2442 : i32
      %eq3A_2444 = arith.constant 0 : i32
      %eq3A_2445 = arith.cmpi eq, %scan3A_2441, %eq3A_2444 : i32
      %convert_element_type3A_2446 = arith.extui %eq3A_2445 : i1 to i32
      %cond3A_2447 = arith.constant 0 : i32
      %cond3A_2448 = arith.cmpi ne, %convert_element_type3A_2446, %cond3A_2447 : i32
      scf.if %cond3A_2448 {
        %mul3A_2487 = arith.constant 10000 : i32
        %mul3A_2488 = arith.muli %arg1, %mul3A_2487 : i32
        %mul3A_2489 = arith.constant 128 : i32
        %mul3A_2490 = arith.muli %mul3A_2443, %mul3A_2489 : i32
        %add3A_2491 = arith.addi %mul3A_2488, %mul3A_2490 : i32
        %dma_wait3A_2492 = tpu.memref_slice %arg3[%add3A_2491] : memref<160000xi32, #tpu.memory_space<hbm>> -> memref<128xi32, #tpu.memory_space<hbm>>
        %dma_wait3A_2493 = tpu.memref_slice %arg3[%add3A_2491] : memref<160000xi32, #tpu.memory_space<hbm>> -> memref<128xi32, #tpu.memory_space<hbm>>
        tpu.wait_dma2 semaphore(%arg14 : memref<!tpu.dma_semaphore, #tpu.memory_space<semaphore_mem>>) src(%dma_wait3A_2493 : memref<128xi32, #tpu.memory_space<hbm>>) dst(%arg6 : memref<128xi32, #tpu.memory_space<vmem>>)
        %dma_wait3A_2494 = tpu.memref_slice %arg2[%add3A_2491, %mul3A_2] : memref<160000x256xf32, #tpu.memory_space<hbm>> -> memref<128x128xf32, #tpu.memory_space<hbm>>
        %dma_wait3A_2495 = tpu.memref_slice %arg2[%add3A_2491, %mul3A_2] : memref<160000x256xf32, #tpu.memory_space<hbm>> -> memref<128x128xf32, #tpu.memory_space<hbm>>
        tpu.wait_dma2 semaphore(%arg14 : memref<!tpu.dma_semaphore, #tpu.memory_space<semaphore_mem>>) src(%dma_wait3A_2495 : memref<128x128xf32, #tpu.memory_space<hbm>>) dst(%arg7 : memref<128x128xf32, #tpu.memory_space<vmem>>)
        %add3A_2496 = arith.constant 1 : i32
        %add3A_2497 = arith.addi %mul3A_2443, %add3A_2496 : i32
        %lt3A_2498 = arith.constant 78 : i32
        %lt3A_2499 = arith.cmpi slt, %add3A_2497, %lt3A_2498 : i32
        %convert_element_type3A_2500 = arith.extui %lt3A_2499 : i1 to i32
        %cond3A_2501 = arith.constant 0 : i32
        %cond3A_2502 = arith.cmpi ne, %convert_element_type3A_2500, %cond3A_2501 : i32
        scf.if %cond3A_2502 {
          %add3A_2511 = arith.constant 1 : i32
          %add3A_2512 = arith.addi %mul3A_2443, %add3A_2511 : i32
          %mul3A_2513 = arith.constant 10000 : i32
          %mul3A_2514 = arith.muli %arg1, %mul3A_2513 : i32
          %mul3A_2515 = arith.constant 128 : i32
          %mul3A_2516 = arith.muli %add3A_2512, %mul3A_2515 : i32
          %add3A_2517 = arith.addi %mul3A_2514, %mul3A_2516 : i32
          %dma_start3A_2518 = tpu.memref_slice %arg3[%add3A_2517] : memref<160000xi32, #tpu.memory_space<hbm>> -> memref<128xi32, #tpu.memory_space<hbm>>
          %dma_start3A_2519 = tpu.memref_slice %arg3[%add3A_2517] : memref<160000xi32, #tpu.memory_space<hbm>> -> memref<128xi32, #tpu.memory_space<hbm>>
          tpu.enqueue_dma source(%dma_start3A_2519 : memref<128xi32, #tpu.memory_space<hbm>>) target(%arg8 : memref<128xi32, #tpu.memory_space<vmem>>) target_semaphore(%arg15 : memref<!tpu.dma_semaphore, #tpu.memory_space<semaphore_mem>>)
          %dma_start3A_2520 = tpu.memref_slice %arg2[%add3A_2517, %mul3A_2] : memref<160000x256xf32, #tpu.memory_space<hbm>> -> memref<128x128xf32, #tpu.memory_space<hbm>>
          %dma_start3A_2521 = tpu.memref_slice %arg2[%add3A_2517, %mul3A_2] : memref<160000x256xf32, #tpu.memory_space<hbm>> -> memref<128x128xf32, #tpu.memory_space<hbm>>
          tpu.enqueue_dma source(%dma_start3A_2521 : memref<128x128xf32, #tpu.memory_space<hbm>>) target(%arg9 : memref<128x128xf32, #tpu.memory_space<vmem>>) target_semaphore(%arg15 : memref<!tpu.dma_semaphore, #tpu.memory_space<semaphore_mem>>)
        } else {
        }
        %dma_start3A_2503 = arith.constant 0 : i32
        %dma_start3A_2504 = arith.constant 0 : i32
        %dma_start3A_2505 = tpu.memref_slice %arg18[%dma_start3A_2503, %dma_start3A_2504] : memref<10000x128xf32, #tpu.memory_space<vmem_shared>> -> memref<10000x128xf32, #tpu.memory_space<vmem_shared>>
        tpu.enqueue_indirect_dma source(%arg7 : memref<128x128xf32, #tpu.memory_space<vmem>>) target(%dma_start3A_2505 : memref<10000x128xf32, #tpu.memory_space<vmem_shared>>) offsets(%arg6 : memref<128xi32, #tpu.memory_space<vmem>>) semaphore(%arg16 : memref<!tpu.dma_semaphore, #tpu.memory_space<semaphore_mem>>) {add = true}
        %eq3A_2506 = arith.constant 0 : i32
        %eq3A_2507 = arith.cmpi eq, %arg0, %eq3A_2506 : i32
        %convert_element_type3A_2508 = arith.extui %eq3A_2507 : i1 to i32
        %cond3A_2509 = arith.constant 0 : i32
        %cond3A_2510 = arith.cmpi ne, %convert_element_type3A_2508, %cond3A_2509 : i32
        scf.if %cond3A_2510 {
          %dma_start3A_2511 = arith.constant 0 : i32
          %dma_start3A_2512 = tpu.memref_slice %arg19[%dma_start3A_2511] : memref<10000xf32, #tpu.memory_space<vmem_shared>> -> memref<10000xf32, #tpu.memory_space<vmem_shared>>
          tpu.enqueue_indirect_dma source(%arg11 : memref<128xf32, #tpu.memory_space<vmem>>) target(%dma_start3A_2512 : memref<10000xf32, #tpu.memory_space<vmem_shared>>) offsets(%arg6 : memref<128xi32, #tpu.memory_space<vmem>>) semaphore(%arg16 : memref<!tpu.dma_semaphore, #tpu.memory_space<semaphore_mem>>) {add = true}
        } else {
        }
      } else {
      }
      %gt3A = arith.constant 0 : i32
      %gt3A_2449 = arith.cmpi sgt, %scan3A_2441, %gt3A : i32
      %convert_element_type3A_2450 = arith.extui %gt3A_2449 : i1 to i32
      %cond3A_2451 = arith.constant 0 : i32
      %cond3A_2452 = arith.cmpi ne, %convert_element_type3A_2450, %cond3A_2451 : i32
      scf.if %cond3A_2452 {
        %mul3A_2487 = arith.constant 10000 : i32
        %mul3A_2488 = arith.muli %arg1, %mul3A_2487 : i32
        %mul3A_2489 = arith.constant 128 : i32
        %mul3A_2490 = arith.muli %mul3A_2443, %mul3A_2489 : i32
        %add3A_2491 = arith.addi %mul3A_2488, %mul3A_2490 : i32
        %dma_wait3A_2492 = tpu.memref_slice %arg3[%add3A_2491] : memref<160000xi32, #tpu.memory_space<hbm>> -> memref<128xi32, #tpu.memory_space<hbm>>
        %dma_wait3A_2493 = tpu.memref_slice %arg3[%add3A_2491] : memref<160000xi32, #tpu.memory_space<hbm>> -> memref<128xi32, #tpu.memory_space<hbm>>
        tpu.wait_dma2 semaphore(%arg14 : memref<!tpu.dma_semaphore, #tpu.memory_space<semaphore_mem>>) src(%dma_wait3A_2493 : memref<128xi32, #tpu.memory_space<hbm>>) dst(%arg6 : memref<128xi32, #tpu.memory_space<vmem>>)
        %dma_wait3A_2494 = tpu.memref_slice %arg2[%add3A_2491, %mul3A_2] : memref<160000x256xf32, #tpu.memory_space<hbm>> -> memref<128x128xf32, #tpu.memory_space<hbm>>
        %dma_wait3A_2495 = tpu.memref_slice %arg2[%add3A_2491, %mul3A_2] : memref<160000x256xf32, #tpu.memory_space<hbm>> -> memref<128x128xf32, #tpu.memory_space<hbm>>
        tpu.wait_dma2 semaphore(%arg14 : memref<!tpu.dma_semaphore, #tpu.memory_space<semaphore_mem>>) src(%dma_wait3A_2495 : memref<128x128xf32, #tpu.memory_space<hbm>>) dst(%arg7 : memref<128x128xf32, #tpu.memory_space<vmem>>)
        %dma_wait3A_2496 = arith.constant 0 : i32
        %dma_wait3A_2497 = arith.constant 0 : i32
        %dma_wait3A_2498 = tpu.memref_slice %arg18[%dma_wait3A_2496, %dma_wait3A_2497] : memref<10000x128xf32, #tpu.memory_space<vmem_shared>> -> memref<10000x128xf32, #tpu.memory_space<vmem_shared>>
        tpu.wait_indirect_dma semaphore(%arg17 : memref<!tpu.dma_semaphore, #tpu.memory_space<semaphore_mem>>) src(%arg9 : memref<128x128xf32, #tpu.memory_space<vmem>>) dst(%dma_wait3A_2498 : memref<10000x128xf32, #tpu.memory_space<vmem_shared>>)
        %eq3A_2499 = arith.constant 0 : i32
        %eq3A_2500 = arith.cmpi eq, %arg0, %eq3A_2499 : i32
        %convert_element_type3A_2501 = arith.extui %eq3A_2500 : i1 to i32
        %cond3A_2502 = arith.constant 0 : i32
        %cond3A_2503 = arith.cmpi ne, %convert_element_type3A_2501, %cond3A_2502 : i32
        scf.if %cond3A_2503 {
          %dma_wait3A_2519 = arith.constant 0 : i32
          %dma_wait3A_2520 = tpu.memref_slice %arg19[%dma_wait3A_2519] : memref<10000xf32, #tpu.memory_space<vmem_shared>> -> memref<10000xf32, #tpu.memory_space<vmem_shared>>
          tpu.wait_indirect_dma semaphore(%arg17 : memref<!tpu.dma_semaphore, #tpu.memory_space<semaphore_mem>>) src(%arg11 : memref<128xf32, #tpu.memory_space<vmem>>) dst(%dma_wait3A_2520 : memref<10000xf32, #tpu.memory_space<vmem_shared>>)
        } else {
        }
        %add3A_2504 = arith.constant 1 : i32
        %add3A_2505 = arith.addi %mul3A_2443, %add3A_2504 : i32
        %lt3A_2506 = arith.constant 78 : i32
        %lt3A_2507 = arith.cmpi slt, %add3A_2505, %lt3A_2506 : i32
        %convert_element_type3A_2508 = arith.extui %lt3A_2507 : i1 to i32
        %cond3A_2509 = arith.constant 0 : i32
        %cond3A_2510 = arith.cmpi ne, %convert_element_type3A_2508, %cond3A_2509 : i32
        scf.if %cond3A_2510 {
          %add3A_2519 = arith.constant 1 : i32
          %add3A_2520 = arith.addi %mul3A_2443, %add3A_2519 : i32
          %mul3A_2521 = arith.constant 10000 : i32
          %mul3A_2522 = arith.muli %arg1, %mul3A_2521 : i32
          %mul3A_2523 = arith.constant 128 : i32
          %mul3A_2524 = arith.muli %add3A_2520, %mul3A_2523 : i32
          %add3A_2525 = arith.addi %mul3A_2522, %mul3A_2524 : i32
          %dma_start3A_2526 = tpu.memref_slice %arg3[%add3A_2525] : memref<160000xi32, #tpu.memory_space<hbm>> -> memref<128xi32, #tpu.memory_space<hbm>>
          %dma_start3A_2527 = tpu.memref_slice %arg3[%add3A_2525] : memref<160000xi32, #tpu.memory_space<hbm>> -> memref<128xi32, #tpu.memory_space<hbm>>
          tpu.enqueue_dma source(%dma_start3A_2527 : memref<128xi32, #tpu.memory_space<hbm>>) target(%arg8 : memref<128xi32, #tpu.memory_space<vmem>>) target_semaphore(%arg15 : memref<!tpu.dma_semaphore, #tpu.memory_space<semaphore_mem>>)
          %dma_start3A_2528 = tpu.memref_slice %arg2[%add3A_2525, %mul3A_2] : memref<160000x256xf32, #tpu.memory_space<hbm>> -> memref<128x128xf32, #tpu.memory_space<hbm>>
          %dma_start3A_2529 = tpu.memref_slice %arg2[%add3A_2525, %mul3A_2] : memref<160000x256xf32, #tpu.memory_space<hbm>> -> memref<128x128xf32, #tpu.memory_space<hbm>>
          tpu.enqueue_dma source(%dma_start3A_2529 : memref<128x128xf32, #tpu.memory_space<hbm>>) target(%arg9 : memref<128x128xf32, #tpu.memory_space<vmem>>) target_semaphore(%arg15 : memref<!tpu.dma_semaphore, #tpu.memory_space<semaphore_mem>>)
        } else {
        }
        %dma_start3A_2511 = arith.constant 0 : i32
        %dma_start3A_2512 = arith.constant 0 : i32
        %dma_start3A_2513 = tpu.memref_slice %arg18[%dma_start3A_2511, %dma_start3A_2512] : memref<10000x128xf32, #tpu.memory_space<vmem_shared>> -> memref<10000x128xf32, #tpu.memory_space<vmem_shared>>
        tpu.enqueue_indirect_dma source(%arg7 : memref<128x128xf32, #tpu.memory_space<vmem>>) target(%dma_start3A_2513 : memref<10000x128xf32, #tpu.memory_space<vmem_shared>>) offsets(%arg6 : memref<128xi32, #tpu.memory_space<vmem>>) semaphore(%arg16 : memref<!tpu.dma_semaphore, #tpu.memory_space<semaphore_mem>>) {add = true}
        %eq3A_2514 = arith.constant 0 : i32
        %eq3A_2515 = arith.cmpi eq, %arg0, %eq3A_2514 : i32
        %convert_element_type3A_2516 = arith.extui %eq3A_2515 : i1 to i32
        %cond3A_2517 = arith.constant 0 : i32
        %cond3A_2518 = arith.cmpi ne, %convert_element_type3A_2516, %cond3A_2517 : i32
        scf.if %cond3A_2518 {
          %dma_start3A_2519 = arith.constant 0 : i32
          %dma_start3A_2520 = tpu.memref_slice %arg19[%dma_start3A_2519] : memref<10000xf32, #tpu.memory_space<vmem_shared>> -> memref<10000xf32, #tpu.memory_space<vmem_shared>>
          tpu.enqueue_indirect_dma source(%arg11 : memref<128xf32, #tpu.memory_space<vmem>>) target(%dma_start3A_2520 : memref<10000xf32, #tpu.memory_space<vmem_shared>>) offsets(%arg6 : memref<128xi32, #tpu.memory_space<vmem>>) semaphore(%arg16 : memref<!tpu.dma_semaphore, #tpu.memory_space<semaphore_mem>>) {add = true}
        } else {
        }
      } else {
      }
      %add3A_2453 = arith.constant 1 : i32
      %add3A_2454 = arith.addi %mul3A_2443, %add3A_2453 : i32
      %mul3A_2455 = arith.constant 10000 : i32
      %mul3A_2456 = arith.muli %arg1, %mul3A_2455 : i32
      %mul3A_2457 = arith.constant 128 : i32
      %mul3A_2458 = arith.muli %add3A_2454, %mul3A_2457 : i32
      %add3A_2459 = arith.addi %mul3A_2456, %mul3A_2458 : i32
      %dma_wait3A_2460 = tpu.memref_slice %arg3[%add3A_2459] : memref<160000xi32, #tpu.memory_space<hbm>> -> memref<128xi32, #tpu.memory_space<hbm>>
      %dma_wait3A_2461 = tpu.memref_slice %arg3[%add3A_2459] : memref<160000xi32, #tpu.memory_space<hbm>> -> memref<128xi32, #tpu.memory_space<hbm>>
      tpu.wait_dma2 semaphore(%arg15 : memref<!tpu.dma_semaphore, #tpu.memory_space<semaphore_mem>>) src(%dma_wait3A_2461 : memref<128xi32, #tpu.memory_space<hbm>>) dst(%arg8 : memref<128xi32, #tpu.memory_space<vmem>>)
      %dma_wait3A_2462 = tpu.memref_slice %arg2[%add3A_2459, %mul3A_2] : memref<160000x256xf32, #tpu.memory_space<hbm>> -> memref<128x128xf32, #tpu.memory_space<hbm>>
      %dma_wait3A_2463 = tpu.memref_slice %arg2[%add3A_2459, %mul3A_2] : memref<160000x256xf32, #tpu.memory_space<hbm>> -> memref<128x128xf32, #tpu.memory_space<hbm>>
      tpu.wait_dma2 semaphore(%arg15 : memref<!tpu.dma_semaphore, #tpu.memory_space<semaphore_mem>>) src(%dma_wait3A_2463 : memref<128x128xf32, #tpu.memory_space<hbm>>) dst(%arg9 : memref<128x128xf32, #tpu.memory_space<vmem>>)
      %dma_wait3A_2464 = arith.constant 0 : i32
      %dma_wait3A_2465 = arith.constant 0 : i32
      %dma_wait3A_2466 = tpu.memref_slice %arg18[%dma_wait3A_2464, %dma_wait3A_2465] : memref<10000x128xf32, #tpu.memory_space<vmem_shared>> -> memref<10000x128xf32, #tpu.memory_space<vmem_shared>>
      tpu.wait_indirect_dma semaphore(%arg16 : memref<!tpu.dma_semaphore, #tpu.memory_space<semaphore_mem>>) src(%arg7 : memref<128x128xf32, #tpu.memory_space<vmem>>) dst(%dma_wait3A_2466 : memref<10000x128xf32, #tpu.memory_space<vmem_shared>>)
      %eq3A_2467 = arith.constant 0 : i32
      %eq3A_2468 = arith.cmpi eq, %arg0, %eq3A_2467 : i32
      %convert_element_type3A_2469 = arith.extui %eq3A_2468 : i1 to i32
      %cond3A_2470 = arith.constant 0 : i32
      %cond3A_2471 = arith.cmpi ne, %convert_element_type3A_2469, %cond3A_2470 : i32
      scf.if %cond3A_2471 {
        %dma_wait3A_2487 = arith.constant 0 : i32
        %dma_wait3A_2488 = tpu.memref_slice %arg19[%dma_wait3A_2487] : memref<10000xf32, #tpu.memory_space<vmem_shared>> -> memref<10000xf32, #tpu.memory_space<vmem_shared>>
        tpu.wait_indirect_dma semaphore(%arg16 : memref<!tpu.dma_semaphore, #tpu.memory_space<semaphore_mem>>) src(%arg11 : memref<128xf32, #tpu.memory_space<vmem>>) dst(%dma_wait3A_2488 : memref<10000xf32, #tpu.memory_space<vmem_shared>>)
      } else {
      }
      %add3A_2472 = arith.constant 1 : i32
      %add3A_2473 = arith.addi %add3A_2454, %add3A_2472 : i32
      %lt3A_2474 = arith.constant 78 : i32
      %lt3A_2475 = arith.cmpi slt, %add3A_2473, %lt3A_2474 : i32
      %convert_element_type3A_2476 = arith.extui %lt3A_2475 : i1 to i32
      %cond3A_2477 = arith.constant 0 : i32
      %cond3A_2478 = arith.cmpi ne, %convert_element_type3A_2476, %cond3A_2477 : i32
      scf.if %cond3A_2478 {
        %add3A_2487 = arith.constant 1 : i32
        %add3A_2488 = arith.addi %add3A_2454, %add3A_2487 : i32
        %mul3A_2489 = arith.constant 10000 : i32
        %mul3A_2490 = arith.muli %arg1, %mul3A_2489 : i32
        %mul3A_2491 = arith.constant 128 : i32
        %mul3A_2492 = arith.muli %add3A_2488, %mul3A_2491 : i32
        %add3A_2493 = arith.addi %mul3A_2490, %mul3A_2492 : i32
        %dma_start3A_2494 = tpu.memref_slice %arg3[%add3A_2493] : memref<160000xi32, #tpu.memory_space<hbm>> -> memref<128xi32, #tpu.memory_space<hbm>>
        %dma_start3A_2495 = tpu.memref_slice %arg3[%add3A_2493] : memref<160000xi32, #tpu.memory_space<hbm>> -> memref<128xi32, #tpu.memory_space<hbm>>
        tpu.enqueue_dma source(%dma_start3A_2495 : memref<128xi32, #tpu.memory_space<hbm>>) target(%arg6 : memref<128xi32, #tpu.memory_space<vmem>>) target_semaphore(%arg14 : memref<!tpu.dma_semaphore, #tpu.memory_space<semaphore_mem>>)
        %dma_start3A_2496 = tpu.memref_slice %arg2[%add3A_2493, %mul3A_2] : memref<160000x256xf32, #tpu.memory_space<hbm>> -> memref<128x128xf32, #tpu.memory_space<hbm>>
        %dma_start3A_2497 = tpu.memref_slice %arg2[%add3A_2493, %mul3A_2] : memref<160000x256xf32, #tpu.memory_space<hbm>> -> memref<128x128xf32, #tpu.memory_space<hbm>>
        tpu.enqueue_dma source(%dma_start3A_2497 : memref<128x128xf32, #tpu.memory_space<hbm>>) target(%arg7 : memref<128x128xf32, #tpu.memory_space<vmem>>) target_semaphore(%arg14 : memref<!tpu.dma_semaphore, #tpu.memory_space<semaphore_mem>>)
      } else {
      }
      %dma_start3A_2479 = arith.constant 0 : i32
      %dma_start3A_2480 = arith.constant 0 : i32
      %dma_start3A_2481 = tpu.memref_slice %arg18[%dma_start3A_2479, %dma_start3A_2480] : memref<10000x128xf32, #tpu.memory_space<vmem_shared>> -> memref<10000x128xf32, #tpu.memory_space<vmem_shared>>
      tpu.enqueue_indirect_dma source(%arg9 : memref<128x128xf32, #tpu.memory_space<vmem>>) target(%dma_start3A_2481 : memref<10000x128xf32, #tpu.memory_space<vmem_shared>>) offsets(%arg8 : memref<128xi32, #tpu.memory_space<vmem>>) semaphore(%arg17 : memref<!tpu.dma_semaphore, #tpu.memory_space<semaphore_mem>>) {add = true}
      %eq3A_2482 = arith.constant 0 : i32
      %eq3A_2483 = arith.cmpi eq, %arg0, %eq3A_2482 : i32
      %convert_element_type3A_2484 = arith.extui %eq3A_2483 : i1 to i32
      %cond3A_2485 = arith.constant 0 : i32
      %cond3A_2486 = arith.cmpi ne, %convert_element_type3A_2484, %cond3A_2485 : i32
      scf.if %cond3A_2486 {
        %dma_start3A_2487 = arith.constant 0 : i32
        %dma_start3A_2488 = tpu.memref_slice %arg19[%dma_start3A_2487] : memref<10000xf32, #tpu.memory_space<vmem_shared>> -> memref<10000xf32, #tpu.memory_space<vmem_shared>>
        tpu.enqueue_indirect_dma source(%arg11 : memref<128xf32, #tpu.memory_space<vmem>>) target(%dma_start3A_2488 : memref<10000xf32, #tpu.memory_space<vmem_shared>>) offsets(%arg8 : memref<128xi32, #tpu.memory_space<vmem>>) semaphore(%arg17 : memref<!tpu.dma_semaphore, #tpu.memory_space<semaphore_mem>>) {add = true}
      } else {
      }
    }
    %scan3A_2412 = arith.constant 39 : i32
    %mul3A_2413 = arith.constant 10000 : i32
    %mul3A_2414 = arith.muli %arg1, %mul3A_2413 : i32
    %add3A_2415 = arith.constant 9984 : i32
    %add3A_2416 = arith.addi %mul3A_2414, %add3A_2415 : i32
    "tpu.region"() ({
      %run_scoped3A = tpu.sem_alloc : memref<!tpu.dma_semaphore, #tpu.memory_space<semaphore_mem>>
      %dma_start3A_2441 = tpu.memref_slice %arg3[%add3A_2416] : memref<160000xi32, #tpu.memory_space<hbm>> -> memref<16xi32, #tpu.memory_space<hbm>>
      %dma_start3A_2442 = tpu.memref_slice %arg3[%add3A_2416] : memref<160000xi32, #tpu.memory_space<hbm>> -> memref<16xi32, #tpu.memory_space<hbm>>
      tpu.enqueue_dma source(%dma_start3A_2442 : memref<16xi32, #tpu.memory_space<hbm>>) target(%arg10 : memref<16xi32, #tpu.memory_space<vmem>>) target_semaphore(%run_scoped3A : memref<!tpu.dma_semaphore, #tpu.memory_space<semaphore_mem>>)
      %dma_wait3A_2443 = tpu.memref_slice %arg3[%add3A_2416] : memref<160000xi32, #tpu.memory_space<hbm>> -> memref<16xi32, #tpu.memory_space<hbm>>
      %dma_wait3A_2444 = tpu.memref_slice %arg3[%add3A_2416] : memref<160000xi32, #tpu.memory_space<hbm>> -> memref<16xi32, #tpu.memory_space<hbm>>
      tpu.wait_dma2 semaphore(%run_scoped3A : memref<!tpu.dma_semaphore, #tpu.memory_space<semaphore_mem>>) src(%dma_wait3A_2444 : memref<16xi32, #tpu.memory_space<hbm>>) dst(%arg10 : memref<16xi32, #tpu.memory_space<vmem>>)
      tpu.yield
    }) : () -> ()
    "tpu.region"() ({
      %run_scoped3A = tpu.sem_alloc : memref<!tpu.dma_semaphore, #tpu.memory_space<semaphore_mem>>
      %dma_start3A_2441 = arith.constant 0 : i32
      %dma_start3A_2442 = arith.constant 0 : i32
      %dma_start3A_2443 = tpu.memref_slice %arg7[%dma_start3A_2441, %dma_start3A_2442] : memref<128x128xf32, #tpu.memory_space<vmem>> -> memref<16x128xf32, #tpu.memory_space<vmem>>
      %dma_start3A_2444 = tpu.memref_slice %arg2[%add3A_2416, %mul3A_2] : memref<160000x256xf32, #tpu.memory_space<hbm>> -> memref<16x128xf32, #tpu.memory_space<hbm>>
      %dma_start3A_2445 = arith.constant 0 : i32
      %dma_start3A_2446 = arith.constant 0 : i32
      %dma_start3A_2447 = tpu.memref_slice %arg7[%dma_start3A_2445, %dma_start3A_2446] : memref<128x128xf32, #tpu.memory_space<vmem>> -> memref<16x128xf32, #tpu.memory_space<vmem>>
      %dma_start3A_2448 = tpu.memref_slice %arg2[%add3A_2416, %mul3A_2] : memref<160000x256xf32, #tpu.memory_space<hbm>> -> memref<16x128xf32, #tpu.memory_space<hbm>>
      tpu.enqueue_dma source(%dma_start3A_2448 : memref<16x128xf32, #tpu.memory_space<hbm>>) target(%dma_start3A_2447 : memref<16x128xf32, #tpu.memory_space<vmem>>) target_semaphore(%run_scoped3A : memref<!tpu.dma_semaphore, #tpu.memory_space<semaphore_mem>>)
      %dma_wait3A_2449 = arith.constant 0 : i32
      %dma_wait3A_2450 = arith.constant 0 : i32
      %dma_wait3A_2451 = tpu.memref_slice %arg7[%dma_wait3A_2449, %dma_wait3A_2450] : memref<128x128xf32, #tpu.memory_space<vmem>> -> memref<16x128xf32, #tpu.memory_space<vmem>>
      %dma_wait3A_2452 = tpu.memref_slice %arg2[%add3A_2416, %mul3A_2] : memref<160000x256xf32, #tpu.memory_space<hbm>> -> memref<16x128xf32, #tpu.memory_space<hbm>>
      %dma_wait3A_2453 = arith.constant 0 : i32
      %dma_wait3A_2454 = arith.constant 0 : i32
      %dma_wait3A_2455 = tpu.memref_slice %arg7[%dma_wait3A_2453, %dma_wait3A_2454] : memref<128x128xf32, #tpu.memory_space<vmem>> -> memref<16x128xf32, #tpu.memory_space<vmem>>
      %dma_wait3A_2456 = tpu.memref_slice %arg2[%add3A_2416, %mul3A_2] : memref<160000x256xf32, #tpu.memory_space<hbm>> -> memref<16x128xf32, #tpu.memory_space<hbm>>
      tpu.wait_dma2 semaphore(%run_scoped3A : memref<!tpu.dma_semaphore, #tpu.memory_space<semaphore_mem>>) src(%dma_wait3A_2456 : memref<16x128xf32, #tpu.memory_space<hbm>>) dst(%dma_wait3A_2455 : memref<16x128xf32, #tpu.memory_space<vmem>>)
      tpu.yield
    }) : () -> ()
    %dma_wait3A_2417 = arith.constant 0 : i32
    %dma_wait3A_2418 = arith.constant 0 : i32
    %dma_wait3A_2419 = tpu.memref_slice %arg18[%dma_wait3A_2417, %dma_wait3A_2418] : memref<10000x128xf32, #tpu.memory_space<vmem_shared>> -> memref<10000x128xf32, #tpu.memory_space<vmem_shared>>
    tpu.wait_indirect_dma semaphore(%arg17 : memref<!tpu.dma_semaphore, #tpu.memory_space<semaphore_mem>>) src(%arg9 : memref<128x128xf32, #tpu.memory_space<vmem>>) dst(%dma_wait3A_2419 : memref<10000x128xf32, #tpu.memory_space<vmem_shared>>)
    %eq3A_2420 = arith.constant 0 : i32
    %eq3A_2421 = arith.cmpi eq, %arg0, %eq3A_2420 : i32
    %convert_element_type3A_2422 = arith.extui %eq3A_2421 : i1 to i32
    %cond3A_2423 = arith.constant 0 : i32
    %cond3A_2424 = arith.cmpi ne, %convert_element_type3A_2422, %cond3A_2423 : i32
    scf.if %cond3A_2424 {
      %dma_wait3A_2441 = arith.constant 0 : i32
      %dma_wait3A_2442 = tpu.memref_slice %arg19[%dma_wait3A_2441] : memref<10000xf32, #tpu.memory_space<vmem_shared>> -> memref<10000xf32, #tpu.memory_space<vmem_shared>>
      tpu.wait_indirect_dma semaphore(%arg17 : memref<!tpu.dma_semaphore, #tpu.memory_space<semaphore_mem>>) src(%arg11 : memref<128xf32, #tpu.memory_space<vmem>>) dst(%dma_wait3A_2442 : memref<10000xf32, #tpu.memory_space<vmem_shared>>)
    } else {
    }
    "tpu.region"() ({
      %run_scoped3A = tpu.sem_alloc : memref<!tpu.dma_semaphore, #tpu.memory_space<semaphore_mem>>
      %dma_start3A_2441 = arith.constant 0 : i32
      %dma_start3A_2442 = arith.constant 0 : i32
      %dma_start3A_2443 = tpu.memref_slice %arg7[%dma_start3A_2441, %dma_start3A_2442] : memref<128x128xf32, #tpu.memory_space<vmem>> -> memref<16x128xf32, #tpu.memory_space<vmem>>
      %dma_start3A_2444 = arith.constant 0 : i32
      %dma_start3A_2445 = arith.constant 0 : i32
      %dma_start3A_2446 = tpu.memref_slice %arg18[%dma_start3A_2444, %dma_start3A_2445] : memref<10000x128xf32, #tpu.memory_space<vmem_shared>> -> memref<10000x128xf32, #tpu.memory_space<vmem_shared>>
      tpu.enqueue_indirect_dma source(%dma_start3A_2443 : memref<16x128xf32, #tpu.memory_space<vmem>>) target(%dma_start3A_2446 : memref<10000x128xf32, #tpu.memory_space<vmem_shared>>) offsets(%arg10 : memref<16xi32, #tpu.memory_space<vmem>>) semaphore(%run_scoped3A : memref<!tpu.dma_semaphore, #tpu.memory_space<semaphore_mem>>) {add = true}
      %dma_wait3A_2447 = arith.constant 0 : i32
      %dma_wait3A_2448 = arith.constant 0 : i32
      %dma_wait3A_2449 = tpu.memref_slice %arg7[%dma_wait3A_2447, %dma_wait3A_2448] : memref<128x128xf32, #tpu.memory_space<vmem>> -> memref<16x128xf32, #tpu.memory_space<vmem>>
      %dma_wait3A_2450 = arith.constant 0 : i32
      %dma_wait3A_2451 = arith.constant 0 : i32
      %dma_wait3A_2452 = tpu.memref_slice %arg18[%dma_wait3A_2450, %dma_wait3A_2451] : memref<10000x128xf32, #tpu.memory_space<vmem_shared>> -> memref<10000x128xf32, #tpu.memory_space<vmem_shared>>
      tpu.wait_indirect_dma semaphore(%run_scoped3A : memref<!tpu.dma_semaphore, #tpu.memory_space<semaphore_mem>>) src(%dma_wait3A_2449 : memref<16x128xf32, #tpu.memory_space<vmem>>) dst(%dma_wait3A_2452 : memref<10000x128xf32, #tpu.memory_space<vmem_shared>>)
      tpu.yield
    }) : () -> ()
    %eq3A_2425 = arith.constant 0 : i32
    %eq3A_2426 = arith.cmpi eq, %arg0, %eq3A_2425 : i32
    %convert_element_type3A_2427 = arith.extui %eq3A_2426 : i1 to i32
    %cond3A_2428 = arith.constant 0 : i32
    %cond3A_2429 = arith.cmpi ne, %convert_element_type3A_2427, %cond3A_2428 : i32
    scf.if %cond3A_2429 {
      "tpu.region"() ({
        %run_scoped3A = tpu.sem_alloc : memref<!tpu.dma_semaphore, #tpu.memory_space<semaphore_mem>>
        %dma_start3A_2441 = arith.constant 0 : i32
        %dma_start3A_2442 = tpu.memref_slice %arg11[%dma_start3A_2441] : memref<128xf32, #tpu.memory_space<vmem>> -> memref<16xf32, #tpu.memory_space<vmem>>
        %dma_start3A_2443 = arith.constant 0 : i32
        %dma_start3A_2444 = tpu.memref_slice %arg19[%dma_start3A_2443] : memref<10000xf32, #tpu.memory_space<vmem_shared>> -> memref<10000xf32, #tpu.memory_space<vmem_shared>>
        tpu.enqueue_indirect_dma source(%dma_start3A_2442 : memref<16xf32, #tpu.memory_space<vmem>>) target(%dma_start3A_2444 : memref<10000xf32, #tpu.memory_space<vmem_shared>>) offsets(%arg10 : memref<16xi32, #tpu.memory_space<vmem>>) semaphore(%run_scoped3A : memref<!tpu.dma_semaphore, #tpu.memory_space<semaphore_mem>>) {add = true}
        %dma_wait3A_2445 = arith.constant 0 : i32
        %dma_wait3A_2446 = tpu.memref_slice %arg11[%dma_wait3A_2445] : memref<128xf32, #tpu.memory_space<vmem>> -> memref<16xf32, #tpu.memory_space<vmem>>
        %dma_wait3A_2447 = arith.constant 0 : i32
        %dma_wait3A_2448 = tpu.memref_slice %arg19[%dma_wait3A_2447] : memref<10000xf32, #tpu.memory_space<vmem_shared>> -> memref<10000xf32, #tpu.memory_space<vmem_shared>>
        tpu.wait_indirect_dma semaphore(%run_scoped3A : memref<!tpu.dma_semaphore, #tpu.memory_space<semaphore_mem>>) src(%dma_wait3A_2446 : memref<16xf32, #tpu.memory_space<vmem>>) dst(%dma_wait3A_2448 : memref<10000xf32, #tpu.memory_space<vmem_shared>>)
        tpu.yield
      }) : () -> ()
    } else {
    }
    %barrier3A_2430 = arith.constant 0 : index
    tpu.barrier barrier_id(%barrier3A_2430)
    %lt3A_2431 = arith.constant 15 : i32
    %lt3A_2432 = arith.cmpi slt, %arg1, %lt3A_2431 : i32
    %convert_element_type3A_2433 = arith.extui %lt3A_2432 : i1 to i32
    %cond3A_2434 = arith.constant 0 : i32
    %cond3A_2435 = arith.cmpi ne, %convert_element_type3A_2433, %cond3A_2434 : i32
    scf.if %cond3A_2435 {
      "tpu.region"() ({
        %run_scoped3A = tpu.sem_alloc : memref<!tpu.dma_semaphore, #tpu.memory_space<semaphore_mem>>
        %dma_start3A_2446 = arith.constant 0 : i32
        %dma_start3A_2447 = tpu.memref_slice %arg4[%arg0, %mul3A_0, %dma_start3A_2446] : memref<2x10000x128xf32, #tpu.memory_space<hbm>> -> memref<1x624x128xf32, #tpu.memory_space<hbm>>
        %dma_start3A_2448 = tpu.memref_squeeze %dma_start3A_2447 : memref<1x624x128xf32, #tpu.memory_space<hbm>> -> memref<624x128xf32, #tpu.memory_space<hbm>>
        %dma_start3A_2449 = arith.constant 0 : i32
        %dma_start3A_2450 = tpu.memref_slice %arg18[%mul3A_0, %dma_start3A_2449] : memref<10000x128xf32, #tpu.memory_space<vmem_shared>> -> memref<624x128xf32, #tpu.memory_space<vmem_shared>>
        tpu.enqueue_dma source(%dma_start3A_2450 : memref<624x128xf32, #tpu.memory_space<vmem_shared>>) target(%dma_start3A_2448 : memref<624x128xf32, #tpu.memory_space<hbm>>) target_semaphore(%run_scoped3A : memref<!tpu.dma_semaphore, #tpu.memory_space<semaphore_mem>>)
        %dma_wait3A_2451 = arith.constant 0 : i32
        %dma_wait3A_2452 = tpu.memref_slice %arg4[%arg0, %mul3A_0, %dma_wait3A_2451] : memref<2x10000x128xf32, #tpu.memory_space<hbm>> -> memref<1x624x128xf32, #tpu.memory_space<hbm>>
        %dma_wait3A_2453 = tpu.memref_squeeze %dma_wait3A_2452 : memref<1x624x128xf32, #tpu.memory_space<hbm>> -> memref<624x128xf32, #tpu.memory_space<hbm>>
        %dma_wait3A_2454 = arith.constant 0 : i32
        %dma_wait3A_2455 = tpu.memref_slice %arg18[%mul3A_0, %dma_wait3A_2454] : memref<10000x128xf32, #tpu.memory_space<vmem_shared>> -> memref<624x128xf32, #tpu.memory_space<vmem_shared>>
        tpu.wait_dma2 semaphore(%run_scoped3A : memref<!tpu.dma_semaphore, #tpu.memory_space<semaphore_mem>>) src(%dma_wait3A_2455 : memref<624x128xf32, #tpu.memory_space<vmem_shared>>) dst(%dma_wait3A_2453 : memref<624x128xf32, #tpu.memory_space<hbm>>)
        tpu.yield
      }) : () -> ()
      %eq3A_2441 = arith.constant 0 : i32
      %eq3A_2442 = arith.cmpi eq, %arg0, %eq3A_2441 : i32
      %convert_element_type3A_2443 = arith.extui %eq3A_2442 : i1 to i32
      %cond3A_2444 = arith.constant 0 : i32
      %cond3A_2445 = arith.cmpi ne, %convert_element_type3A_2443, %cond3A_2444 : i32
      scf.if %cond3A_2445 {
        "tpu.region"() ({
          %run_scoped3A = tpu.sem_alloc : memref<!tpu.dma_semaphore, #tpu.memory_space<semaphore_mem>>
          %dma_start3A_2446 = arith.constant 0 : i32
          %dma_start3A_2447 = tpu.memref_slice %arg13[%dma_start3A_2446] : memref<640xf32, #tpu.memory_space<vmem>> -> memref<624xf32, #tpu.memory_space<vmem>>
          %dma_start3A_2448 = tpu.memref_slice %arg19[%mul3A_0] : memref<10000xf32, #tpu.memory_space<vmem_shared>> -> memref<624xf32, #tpu.memory_space<vmem_shared>>
          %dma_start3A_2449 = arith.constant 0 : i32
          %dma_start3A_2450 = tpu.memref_slice %arg13[%dma_start3A_2449] : memref<640xf32, #tpu.memory_space<vmem>> -> memref<624xf32, #tpu.memory_space<vmem>>
          %dma_start3A_2451 = tpu.memref_slice %arg19[%mul3A_0] : memref<10000xf32, #tpu.memory_space<vmem_shared>> -> memref<624xf32, #tpu.memory_space<vmem_shared>>
          tpu.enqueue_dma source(%dma_start3A_2451 : memref<624xf32, #tpu.memory_space<vmem_shared>>) target(%dma_start3A_2450 : memref<624xf32, #tpu.memory_space<vmem>>) target_semaphore(%run_scoped3A : memref<!tpu.dma_semaphore, #tpu.memory_space<semaphore_mem>>)
          %dma_wait3A_2452 = arith.constant 0 : i32
          %dma_wait3A_2453 = tpu.memref_slice %arg13[%dma_wait3A_2452] : memref<640xf32, #tpu.memory_space<vmem>> -> memref<624xf32, #tpu.memory_space<vmem>>
          %dma_wait3A_2454 = tpu.memref_slice %arg19[%mul3A_0] : memref<10000xf32, #tpu.memory_space<vmem_shared>> -> memref<624xf32, #tpu.memory_space<vmem_shared>>
          %dma_wait3A_2455 = arith.constant 0 : i32
          %dma_wait3A_2456 = tpu.memref_slice %arg13[%dma_wait3A_2455] : memref<640xf32, #tpu.memory_space<vmem>> -> memref<624xf32, #tpu.memory_space<vmem>>
          %dma_wait3A_2457 = tpu.memref_slice %arg19[%mul3A_0] : memref<10000xf32, #tpu.memory_space<vmem_shared>> -> memref<624xf32, #tpu.memory_space<vmem_shared>>
          tpu.wait_dma2 semaphore(%run_scoped3A : memref<!tpu.dma_semaphore, #tpu.memory_space<semaphore_mem>>) src(%dma_wait3A_2457 : memref<624xf32, #tpu.memory_space<vmem_shared>>) dst(%dma_wait3A_2456 : memref<624xf32, #tpu.memory_space<vmem>>)
          tpu.yield
        }) : () -> ()
        "tpu.region"() ({
          %run_scoped3A = tpu.sem_alloc : memref<!tpu.dma_semaphore, #tpu.memory_space<semaphore_mem>>
          %dma_start3A_2446 = arith.constant 0 : i32
          %dma_start3A_2447 = tpu.memref_slice %arg13[%dma_start3A_2446] : memref<640xf32, #tpu.memory_space<vmem>> -> memref<624xf32, #tpu.memory_space<vmem>>
          %dma_start3A_2448 = tpu.memref_slice %arg5[%mul3A_0] : memref<10000xf32, #tpu.memory_space<hbm>> -> memref<624xf32, #tpu.memory_space<hbm>>
          %dma_start3A_2449 = tpu.memref_slice %arg5[%mul3A_0] : memref<10000xf32, #tpu.memory_space<hbm>> -> memref<624xf32, #tpu.memory_space<hbm>>
          %dma_start3A_2450 = arith.constant 0 : i32
          %dma_start3A_2451 = tpu.memref_slice %arg13[%dma_start3A_2450] : memref<640xf32, #tpu.memory_space<vmem>> -> memref<624xf32, #tpu.memory_space<vmem>>
          tpu.enqueue_dma source(%dma_start3A_2451 : memref<624xf32, #tpu.memory_space<vmem>>) target(%dma_start3A_2449 : memref<624xf32, #tpu.memory_space<hbm>>) target_semaphore(%run_scoped3A : memref<!tpu.dma_semaphore, #tpu.memory_space<semaphore_mem>>)
          %dma_wait3A_2452 = arith.constant 0 : i32
          %dma_wait3A_2453 = tpu.memref_slice %arg13[%dma_wait3A_2452] : memref<640xf32, #tpu.memory_space<vmem>> -> memref<624xf32, #tpu.memory_space<vmem>>
          %dma_wait3A_2454 = tpu.memref_slice %arg5[%mul3A_0] : memref<10000xf32, #tpu.memory_space<hbm>> -> memref<624xf32, #tpu.memory_space<hbm>>
          %dma_wait3A_2455 = tpu.memref_slice %arg5[%mul3A_0] : memref<10000xf32, #tpu.memory_space<hbm>> -> memref<624xf32, #tpu.memory_space<hbm>>
          %dma_wait3A_2456 = arith.constant 0 : i32
          %dma_wait3A_2457 = tpu.memref_slice %arg13[%dma_wait3A_2456] : memref<640xf32, #tpu.memory_space<vmem>> -> memref<624xf32, #tpu.memory_space<vmem>>
          tpu.wait_dma2 semaphore(%run_scoped3A : memref<!tpu.dma_semaphore, #tpu.memory_space<semaphore_mem>>) src(%dma_wait3A_2457 : memref<624xf32, #tpu.memory_space<vmem>>) dst(%dma_wait3A_2455 : memref<624xf32, #tpu.memory_space<hbm>>)
          tpu.yield
        }) : () -> ()
      } else {
      }
    } else {
    }
    %eq3A_2436 = arith.constant 15 : i32
    %eq3A_2437 = arith.cmpi eq, %arg1, %eq3A_2436 : i32
    %convert_element_type3A_2438 = arith.extui %eq3A_2437 : i1 to i32
    %cond3A_2439 = arith.constant 0 : i32
    %cond3A_2440 = arith.cmpi ne, %convert_element_type3A_2438, %cond3A_2439 : i32
    scf.if %cond3A_2440 {
      "tpu.region"() ({
        %run_scoped3A = tpu.sem_alloc : memref<!tpu.dma_semaphore, #tpu.memory_space<semaphore_mem>>
        %dma_start3A_2446 = arith.constant 0 : i32
        %dma_start3A_2447 = tpu.memref_slice %arg4[%arg0, %mul3A_0, %dma_start3A_2446] : memref<2x10000x128xf32, #tpu.memory_space<hbm>> -> memref<1x640x128xf32, #tpu.memory_space<hbm>>
        %dma_start3A_2448 = tpu.memref_squeeze %dma_start3A_2447 : memref<1x640x128xf32, #tpu.memory_space<hbm>> -> memref<640x128xf32, #tpu.memory_space<hbm>>
        %dma_start3A_2449 = arith.constant 0 : i32
        %dma_start3A_2450 = tpu.memref_slice %arg18[%mul3A_0, %dma_start3A_2449] : memref<10000x128xf32, #tpu.memory_space<vmem_shared>> -> memref<640x128xf32, #tpu.memory_space<vmem_shared>>
        tpu.enqueue_dma source(%dma_start3A_2450 : memref<640x128xf32, #tpu.memory_space<vmem_shared>>) target(%dma_start3A_2448 : memref<640x128xf32, #tpu.memory_space<hbm>>) target_semaphore(%run_scoped3A : memref<!tpu.dma_semaphore, #tpu.memory_space<semaphore_mem>>)
        %dma_wait3A_2451 = arith.constant 0 : i32
        %dma_wait3A_2452 = tpu.memref_slice %arg4[%arg0, %mul3A_0, %dma_wait3A_2451] : memref<2x10000x128xf32, #tpu.memory_space<hbm>> -> memref<1x640x128xf32, #tpu.memory_space<hbm>>
        %dma_wait3A_2453 = tpu.memref_squeeze %dma_wait3A_2452 : memref<1x640x128xf32, #tpu.memory_space<hbm>> -> memref<640x128xf32, #tpu.memory_space<hbm>>
        %dma_wait3A_2454 = arith.constant 0 : i32
        %dma_wait3A_2455 = tpu.memref_slice %arg18[%mul3A_0, %dma_wait3A_2454] : memref<10000x128xf32, #tpu.memory_space<vmem_shared>> -> memref<640x128xf32, #tpu.memory_space<vmem_shared>>
        tpu.wait_dma2 semaphore(%run_scoped3A : memref<!tpu.dma_semaphore, #tpu.memory_space<semaphore_mem>>) src(%dma_wait3A_2455 : memref<640x128xf32, #tpu.memory_space<vmem_shared>>) dst(%dma_wait3A_2453 : memref<640x128xf32, #tpu.memory_space<hbm>>)
        tpu.yield
      }) : () -> ()
      %eq3A_2441 = arith.constant 0 : i32
      %eq3A_2442 = arith.cmpi eq, %arg0, %eq3A_2441 : i32
      %convert_element_type3A_2443 = arith.extui %eq3A_2442 : i1 to i32
      %cond3A_2444 = arith.constant 0 : i32
      %cond3A_2445 = arith.cmpi ne, %convert_element_type3A_2443, %cond3A_2444 : i32
      scf.if %cond3A_2445 {
        "tpu.region"() ({
          %run_scoped3A = tpu.sem_alloc : memref<!tpu.dma_semaphore, #tpu.memory_space<semaphore_mem>>
          %dma_start3A_2446 = tpu.memref_slice %arg19[%mul3A_0] : memref<10000xf32, #tpu.memory_space<vmem_shared>> -> memref<640xf32, #tpu.memory_space<vmem_shared>>
          %dma_start3A_2447 = tpu.memref_slice %arg19[%mul3A_0] : memref<10000xf32, #tpu.memory_space<vmem_shared>> -> memref<640xf32, #tpu.memory_space<vmem_shared>>
          tpu.enqueue_dma source(%dma_start3A_2447 : memref<640xf32, #tpu.memory_space<vmem_shared>>) target(%arg13 : memref<640xf32, #tpu.memory_space<vmem>>) target_semaphore(%run_scoped3A : memref<!tpu.dma_semaphore, #tpu.memory_space<semaphore_mem>>)
          %dma_wait3A_2448 = tpu.memref_slice %arg19[%mul3A_0] : memref<10000xf32, #tpu.memory_space<vmem_shared>> -> memref<640xf32, #tpu.memory_space<vmem_shared>>
          %dma_wait3A_2449 = tpu.memref_slice %arg19[%mul3A_0] : memref<10000xf32, #tpu.memory_space<vmem_shared>> -> memref<640xf32, #tpu.memory_space<vmem_shared>>
          tpu.wait_dma2 semaphore(%run_scoped3A : memref<!tpu.dma_semaphore, #tpu.memory_space<semaphore_mem>>) src(%dma_wait3A_2449 : memref<640xf32, #tpu.memory_space<vmem_shared>>) dst(%arg13 : memref<640xf32, #tpu.memory_space<vmem>>)
          tpu.yield
        }) : () -> ()
        "tpu.region"() ({
          %run_scoped3A = tpu.sem_alloc : memref<!tpu.dma_semaphore, #tpu.memory_space<semaphore_mem>>
          %dma_start3A_2446 = tpu.memref_slice %arg5[%mul3A_0] : memref<10000xf32, #tpu.memory_space<hbm>> -> memref<640xf32, #tpu.memory_space<hbm>>
          %dma_start3A_2447 = tpu.memref_slice %arg5[%mul3A_0] : memref<10000xf32, #tpu.memory_space<hbm>> -> memref<640xf32, #tpu.memory_space<hbm>>
          tpu.enqueue_dma source(%arg13 : memref<640xf32, #tpu.memory_space<vmem>>) target(%dma_start3A_2447 : memref<640xf32, #tpu.memory_space<hbm>>) target_semaphore(%run_scoped3A : memref<!tpu.dma_semaphore, #tpu.memory_space<semaphore_mem>>)
          %dma_wait3A_2448 = tpu.memref_slice %arg5[%mul3A_0] : memref<10000xf32, #tpu.memory_space<hbm>> -> memref<640xf32, #tpu.memory_space<hbm>>
          %dma_wait3A_2449 = tpu.memref_slice %arg5[%mul3A_0] : memref<10000xf32, #tpu.memory_space<hbm>> -> memref<640xf32, #tpu.memory_space<hbm>>
          tpu.wait_dma2 semaphore(%run_scoped3A : memref<!tpu.dma_semaphore, #tpu.memory_space<semaphore_mem>>) src(%arg13 : memref<640xf32, #tpu.memory_space<vmem>>) dst(%dma_wait3A_2449 : memref<640xf32, #tpu.memory_space<hbm>>)
          tpu.yield
        }) : () -> ()
      } else {
      }
    } else {
    }
    return
  }
}

module attributes {stable_mosaic.version = 14 : i64} {
  func.func @_mlp_body(%arg0: i32, %arg1: memref<2x5000x128xf32, #tpu.memory_space<vmem>>, %arg2: memref<5000x16xf32, #tpu.memory_space<vmem>>, %arg3: memref<256x256xf32, #tpu.memory_space<vmem>>, %arg4: memref<1x256xf32, #tpu.memory_space<vmem>>, %arg5: memref<256x256xf32, #tpu.memory_space<vmem>>, %arg6: memref<1x256xf32, #tpu.memory_space<vmem>>, %arg7: memref<5000x256xf32, #tpu.memory_space<vmem>>) attributes {dimension_semantics = [#tpu.dimension_semantics<arbitrary>], iteration_bounds = array<i64: 2>, scalar_prefetch = 0 : i64, scratch_operands = 0 : i64, tpu.core_type = #tpu.core_type<tc>, window_params = [{transform_indices = @transform_0, window_bounds = array<i64: 2, 5000, 128>}, {transform_indices = @transform_1, window_bounds = array<i64: 5000, 16>}, {pipeline_mode = #tpu.pipeline_mode<synchronous>, transform_indices = @transform_2, window_bounds = array<i64: 256, 256>}, {pipeline_mode = #tpu.pipeline_mode<synchronous>, transform_indices = @transform_3, window_bounds = array<i64: 1, 256>}, {pipeline_mode = #tpu.pipeline_mode<synchronous>, transform_indices = @transform_4, window_bounds = array<i64: 256, 256>}, {pipeline_mode = #tpu.pipeline_mode<synchronous>, transform_indices = @transform_5, window_bounds = array<i64: 1, 256>}, {transform_indices = @transform_6, window_bounds = array<i64: 5000, 256>}]} {
    %get3A = arith.constant 0 : index
    %get3A_0 = arith.constant 0 : index
    %get3A_1 = vector.load %arg2[%get3A, %get3A_0] : memref<5000x16xf32, #tpu.memory_space<vmem>>, vector<5000x1xf32>
    %max3A = arith.constant 1.000000e+00 : f32
    %max3A_2 = vector.broadcast %max3A : f32 to vector<5000x1xf32>
    %max3A_3 = arith.maximumf %get3A_1, %max3A_2 : vector<5000x1xf32>
    %div3A = arith.constant 1.000000e+00 : f32
    %div3A_4 = vector.broadcast %div3A : f32 to vector<5000x1xf32>
    %div3A_5 = arith.divf %div3A_4, %max3A_3 : vector<5000x1xf32>
    %get3A_6 = arith.constant 0 : index
    %get3A_7 = arith.constant 0 : index
    %get3A_8 = arith.constant 0 : index
    %get3A_9 = vector.load %arg1[%get3A_6, %get3A_7, %get3A_8] : memref<2x5000x128xf32, #tpu.memory_space<vmem>>, vector<1x5000x128xf32>
    %get3A_10 = vector.shape_cast %get3A_9 : vector<1x5000x128xf32> to vector<5000x128xf32>
    %mul3A = vector.broadcast %div3A_5 : vector<5000x1xf32> to vector<5000x128xf32>
    %mul3A_11 = arith.mulf %get3A_10, %mul3A : vector<5000x128xf32>
    %convert_element_type3A = arith.truncf %mul3A_11 : vector<5000x128xf32> to vector<5000x128xbf16>
    %get3A_12 = arith.constant 1 : index
    %get3A_13 = arith.constant 0 : index
    %get3A_14 = arith.constant 0 : index
    %get3A_15 = vector.load %arg1[%get3A_12, %get3A_13, %get3A_14] : memref<2x5000x128xf32, #tpu.memory_space<vmem>>, vector<1x5000x128xf32>
    %get3A_16 = vector.shape_cast %get3A_15 : vector<1x5000x128xf32> to vector<5000x128xf32>
    %mul3A_17 = vector.broadcast %div3A_5 : vector<5000x1xf32> to vector<5000x128xf32>
    %mul3A_18 = arith.mulf %get3A_16, %mul3A_17 : vector<5000x128xf32>
    %convert_element_type3A_19 = arith.truncf %mul3A_18 : vector<5000x128xf32> to vector<5000x128xbf16>
    %get3A_20 = arith.constant 0 : index
    %get3A_21 = arith.constant 0 : index
    %get3A_22 = vector.load %arg3[%get3A_20, %get3A_21] : memref<256x256xf32, #tpu.memory_space<vmem>>, vector<256x256xf32>
    %convert_element_type3A_23 = arith.truncf %get3A_22 : vector<256x256xf32> to vector<256x256xbf16>
    %slice3A = vector.extract_strided_slice %convert_element_type3A_23 {offsets = [0, 0], sizes = [128, 256], strides = [1, 1]} : vector<256x256xbf16> to vector<128x256xbf16>
    %dot_general3A = arith.constant dense<0.000000e+00> : vector<5000x256xf32>
    %dot_general3A_24 = tpu.matmul %convert_element_type3A, %slice3A, %dot_general3A {dimension_numbers = #tpu.dot_dimension_numbers<[1], [0], [0], [1], [0, 0, 1, 1], [], []>, transpose_lhs_hint = false} : vector<5000x128xbf16>, vector<128x256xbf16>, vector<5000x256xf32> -> vector<5000x256xf32>
    %slice3A_25 = vector.extract_strided_slice %convert_element_type3A_23 {offsets = [128, 0], sizes = [128, 256], strides = [1, 1]} : vector<256x256xbf16> to vector<128x256xbf16>
    %dot_general3A_26 = arith.constant dense<0.000000e+00> : vector<5000x256xf32>
    %dot_general3A_27 = tpu.matmul %convert_element_type3A_19, %slice3A_25, %dot_general3A_26 {dimension_numbers = #tpu.dot_dimension_numbers<[1], [0], [0], [1], [0, 0, 1, 1], [], []>, transpose_lhs_hint = false} : vector<5000x128xbf16>, vector<128x256xbf16>, vector<5000x256xf32> -> vector<5000x256xf32>
    %add3A = arith.addf %dot_general3A_24, %dot_general3A_27 : vector<5000x256xf32>
    %get3A_28 = arith.constant 0 : index
    %get3A_29 = arith.constant 0 : index
    %get3A_30 = vector.load %arg4[%get3A_28, %get3A_29] : memref<1x256xf32, #tpu.memory_space<vmem>>, vector<1x256xf32>
    %add3A_31 = vector.broadcast %get3A_30 : vector<1x256xf32> to vector<5000x256xf32>
    %add3A_32 = arith.addf %add3A, %add3A_31 : vector<5000x256xf32>
    %max3A_33 = arith.constant 0.000000e+00 : f32
    %max3A_34 = vector.broadcast %max3A_33 : f32 to vector<5000x256xf32>
    %max3A_35 = arith.maximumf %add3A_32, %max3A_34 : vector<5000x256xf32>
    %convert_element_type3A_36 = arith.truncf %max3A_35 : vector<5000x256xf32> to vector<5000x256xbf16>
    %get3A_37 = arith.constant 0 : index
    %get3A_38 = arith.constant 0 : index
    %get3A_39 = vector.load %arg5[%get3A_37, %get3A_38] : memref<256x256xf32, #tpu.memory_space<vmem>>, vector<256x256xf32>
    %convert_element_type3A_40 = arith.truncf %get3A_39 : vector<256x256xf32> to vector<256x256xbf16>
    %dot_general3A_41 = arith.constant dense<0.000000e+00> : vector<5000x256xf32>
    %dot_general3A_42 = tpu.matmul %convert_element_type3A_36, %convert_element_type3A_40, %dot_general3A_41 {dimension_numbers = #tpu.dot_dimension_numbers<[1], [0], [0], [1], [0, 0, 1, 1], [], []>, transpose_lhs_hint = false} : vector<5000x256xbf16>, vector<256x256xbf16>, vector<5000x256xf32> -> vector<5000x256xf32>
    %get3A_43 = arith.constant 0 : index
    %get3A_44 = arith.constant 0 : index
    %get3A_45 = vector.load %arg6[%get3A_43, %get3A_44] : memref<1x256xf32, #tpu.memory_space<vmem>>, vector<1x256xf32>
    %add3A_46 = vector.broadcast %get3A_45 : vector<1x256xf32> to vector<5000x256xf32>
    %add3A_47 = arith.addf %dot_general3A_42, %add3A_46 : vector<5000x256xf32>
    %max3A_48 = arith.constant 0.000000e+00 : f32
    %max3A_49 = vector.broadcast %max3A_48 : f32 to vector<5000x256xf32>
    %max3A_50 = arith.maximumf %add3A_47, %max3A_49 : vector<5000x256xf32>
    %swap3A = arith.constant 0 : index
    %swap3A_51 = arith.constant 0 : index
    %swap3A_52 = vector.load %arg7[%swap3A, %swap3A_51] : memref<5000x256xf32, #tpu.memory_space<vmem>>, vector<5000x256xf32>
    tpu.vector_store %arg7[%swap3A, %swap3A_51], %max3A_50 {strides = array<i32>} : memref<5000x256xf32, #tpu.memory_space<vmem>>, vector<5000x256xf32>,
    return
  }
  func.func @transform_0(%arg0: i32) -> (i32, i32, i32) {
    %c0_i32 = arith.constant 0 : i32
    %c0_i32_0 = arith.constant 0 : i32
    %c0_i32_1 = arith.constant 0 : i32
    return %c0_i32, %arg0, %c0_i32_0 : i32, i32, i32
  }
  func.func @transform_1(%arg0: i32) -> (i32, i32) {
    %c0_i32 = arith.constant 0 : i32
    %c0_i32_0 = arith.constant 0 : i32
    return %arg0, %c0_i32 : i32, i32
  }
  func.func @transform_2(%arg0: i32) -> (i32, i32) {
    %c0_i32 = arith.constant 0 : i32
    %c0_i32_0 = arith.constant 0 : i32
    %c0_i32_1 = arith.constant 0 : i32
    return %c0_i32, %c0_i32_0 : i32, i32
  }
  func.func @transform_3(%arg0: i32) -> (i32, i32) {
    %c0_i32 = arith.constant 0 : i32
    %c0_i32_0 = arith.constant 0 : i32
    %c0_i32_1 = arith.constant 0 : i32
    return %c0_i32, %c0_i32_0 : i32, i32
  }
  func.func @transform_4(%arg0: i32) -> (i32, i32) {
    %c0_i32 = arith.constant 0 : i32
    %c0_i32_0 = arith.constant 0 : i32
    %c0_i32_1 = arith.constant 0 : i32
    return %c0_i32, %c0_i32_0 : i32, i32
  }
  func.func @transform_5(%arg0: i32) -> (i32, i32) {
    %c0_i32 = arith.constant 0 : i32
    %c0_i32_0 = arith.constant 0 : i32
    %c0_i32_1 = arith.constant 0 : i32
    return %c0_i32, %c0_i32_0 : i32, i32
  }
  func.func @transform_6(%arg0: i32) -> (i32, i32) {
    %c0_i32 = arith.constant 0 : i32
    %c0_i32_0 = arith.constant 0 : i32
    return %arg0, %c0_i32 : i32, i32
  }
}

</mosaic_0001>

<sc_bundles>
// kernel: kernel.4.cloned.1.call-start
scs
__scs_entry_jumppad:
0x0: {  	(pc) =	sbr.rel $0x88, $3  }
0x1: {  	(tag) =	ssettag $0x0;
	lr =	simm.s32 $0x1  }
0x2: {  	[smem:$0x3F9B] =	sst lr;
	_ =	strace $0xD0000000  }
0x3: {  	_ = 	snop  }
0x4: {  	_ = 	snop  }
0x5: {  	_ = 	snop  }
0x6: {  	_ = 	snop  }
0x7: {  	_ = 	snop  }
__scs_overlays_trampoline_lowered:
0x8: {  	[smem:$0x3FAA] =	sst s0  }
0x9: {  	[smem:$0x3FAB] =	sst s1  }
0xa: {  	[smem:$0x3FAC] =	sst s2  }
0xb: {  	[smem:$0x3FAD] =	sst s3  }
0xc: {  	[smem:$0x3FAE] =	sst s4  }
0xd: {  	[smem:$0x3FAF] =	sst s5  }
0xe: {  	[smem:$0x3FB0] =	sst s6  }
0xf: {  	[smem:$0x3FB1] =	sst s7  }
0x10: {  	[smem:$0x3FB2] =	sst s8  }
0x11: {  	[smem:$0x3FB3] =	sst s9;
	s0 =	simm.s32 @!p0 $0x0  }
0x12: {  	s1 =	sld [smem:$0x3F99];
	s0 =	simm.s32 @p0 $0x1  }
0x13: {  	[smem:$0x3FB4] =	sst s0;
	s0 =	simm.s32 @!p1 $0x0  }
0x14: {  	s2 =	sld [smem:$0x3F98];
	s0 =	simm.s32 @p1 $0x1  }
0x15: {  	[smem:$0x3FB5] =	sst s0;
	s0 =	simm.s32 @!p2 $0x0  }
0x16: {  	s3 =	sld [smem:$0x3FDB];
	s0 =	simm.s32 @p2 $0x1  }
0x17: {  	s4 =	simm.s32 $0x1BF5;
	[smem:$0x3FB7] =	sst s0  }
0x18: {  	s0 =	sld [smem:$0x3F9A];
	_ =	swait.ge [sflag:s4], $0x0  }
0x19: {  	s7 =	sld [smem:$0x3F9B]  }
0x1a: {  	s8 =	sadd.s32 $0xFFFFE003, lr  }
0x1b: {  	s9 =	sadd.s32 $0xFFFFFEF7, lr;
	s5 =	simm.s32 $0xFFFFFFFF;
	p2 =	slt.u32 s8, $0xFFFFF086  }
0x1c: {  	p1 =	slt.u32 s9, $0xF7A;
	s5 =	simm.s32 @!p2 $0x0  }
0x1d: {  	s5 =	simm.s32 @p1 $0x1;
	p0 =	seq.s32 s7, s2  }
0x1e: {  	s7 =	smul.u32 @!p0 $0xF7A, s2;
	p2 =	seq.s32 @!p0 s5, $0x0  }
0x1f: {  	s9 =	smul.u32 $0xF7A, s1;
	s8 =	simm.s32 @!p0 $0x1BF5;
	p2 =	por !p2, p0  }
0x20: {  	[sflag:s8] =	ssyncset.s32 @!p0 $0xFFFFF086;
	s6 =	sadd.s32 @!p0 s3, s7;
	s7 =	simm.s32 @!p0 $0x108  }
0x21: {  	s3 =	sadd.s32 s3, s9;
	s6 =	sadd.s32 @!p0 $0x88, s6;
	s7 =	simm.s32 @p2 $0x1082  }
0x22: {  	[simem:s7], [sflag:s8] =	dma.local @!p0 [hbm:s6], $0xF7A  }
0x23: {  	s9 =	sor.u32 $0xD0000000, s2;
	s6 =	simm.s32 $0x108;
	_ =	swait.ge @!p0 [sflag:s8], $0x0  }
0x24: {  	s3 =	sadd.s32 $0x88, s3;
	s6 =	simm.s32 @!p1 $0x1082;
	[sflag:s4] =	ssyncset.s32 $0xFFFFF086  }
0x25: {  	[simem:s6], [sflag:s4] =	dma.local [hbm:s3], $0xF7A  }
0x26: {  	[smem:$0x3F9B] =	sst s1;
	(tag) =	ssettag s2;
	_ =	strace s9  }
0x27: {  	s1 =	sld [smem:$0x3FAB]  }
0x28: {  	s2 =	sld [smem:$0x3FAC]  }
0x29: {  	s4 =	sld [smem:$0x3FAE]  }
0x2a: {  	p0 =	seq.s32 s5, $0x0;
	s5 =	sld [smem:$0x3FAF]  }
0x2b: {  	s6 =	sld [smem:$0x3FB0]  }
0x2c: {  	s7 =	sld [smem:$0x3FB1]  }
0x2d: {  	s3 =	simm.s32 $0x108;
	s8 =	sld [smem:$0x3FB2]  }
0x2e: {  	s3 =	simm.s32 @!p0 $0x1082;
	s9 =	sld [smem:$0x3FB3]  }
0x2f: {  	lr =	sadd.s32 s0, s3;
	s0 =	sld [smem:$0x3FAA]  }
0x30: {  	s3 =	sld [smem:$0x3FAD]  }
0x31: {  	[smem:$0x3FB6] =	sst s10  }
0x32: {  	s10 =	sld [smem:$0x3FB4];
	_ =	sdelay $0x3  }
0x33: {  	p0 =	seq.s32 s10, $0x1;
	s10 =	sld [smem:$0x3FB6];
	_ =	sdelay $0x3  }
0x34: {  	[smem:$0x3FB6] =	sst s10  }
0x35: {  	s10 =	sld [smem:$0x3FB5];
	_ =	sdelay $0x3  }
0x36: {  	p1 =	seq.s32 s10, $0x1;
	s10 =	sld [smem:$0x3FB6];
	_ =	sdelay $0x3  }
0x37: {  	[smem:$0x3FB6] =	sst s10  }
0x38: {  	s10 =	sld [smem:$0x3FB7]  }
0x39: {  	_ = 	snop;
	(pc) =	sbr.ind lr, $3  }
0x3a: {  	_ = 	snop  }
0x3b: {  	_ = 	snop  }
0x3c: {  	p2 =	seq.s32 s10, $0x1;
	s10 =	sld [smem:$0x3FB6]  }
0x3d: {  	_ =	shalt  }
0x3e: {  	_ =	shalt  }
0x3f: {  	_ =	shalt  }
0x40: {  	_ =	shalt  }
0x41: {  	_ =	shalt  }
0x42: {  	_ =	shalt  }
0x43: {  	_ =	shalt  }
0x44: {  	_ =	shalt  }
0x45: {  	_ =	shalt  }
0x46: {  	_ =	shalt  }
0x47: {  	_ =	shalt  }
0x48: {  	_ =	shalt  }
0x49: {  	_ =	shalt  }
0x4a: {  	_ =	shalt  }
0x4b: {  	_ =	shalt  }
0x4c: {  	_ =	shalt  }
0x4d: {  	_ =	shalt  }
0x4e: {  	_ =	shalt  }
0x4f: {  	_ =	shalt  }
0x50: {  	_ =	shalt  }
0x51: {  	_ =	shalt  }
0x52: {  	_ =	shalt  }
0x53: {  	_ =	shalt  }
0x54: {  	_ =	shalt  }
0x55: {  	_ =	shalt  }
0x56: {  	_ =	shalt  }
0x57: {  	_ =	shalt  }
0x58: {  	_ =	shalt  }
0x59: {  	_ =	shalt  }
0x5a: {  	_ =	shalt  }
0x5b: {  	_ =	shalt  }
0x5c: {  	_ =	shalt  }
0x5d: {  	_ =	shalt  }
0x5e: {  	_ =	shalt  }
0x5f: {  	_ =	shalt  }
0x60: {  	_ =	shalt  }
0x61: {  	_ =	shalt  }
0x62: {  	_ =	shalt  }
0x63: {  	_ =	shalt  }
0x64: {  	_ =	shalt  }
0x65: {  	_ =	shalt  }
0x66: {  	_ =	shalt  }
0x67: {  	_ =	shalt  }
0x68: {  	_ =	shalt  }
0x69: {  	_ =	shalt  }
0x6a: {  	_ =	shalt  }
0x6b: {  	_ =	shalt  }
0x6c: {  	_ =	shalt  }
0x6d: {  	_ =	shalt  }
0x6e: {  	_ =	shalt  }
0x6f: {  	_ =	shalt  }
0x70: {  	_ =	shalt  }
0x71: {  	_ =	shalt  }
0x72: {  	_ =	shalt  }
0x73: {  	_ =	shalt  }
0x74: {  	_ =	shalt  }
0x75: {  	_ =	shalt  }
0x76: {  	_ =	shalt  }
0x77: {  	_ =	shalt  }
0x78: {  	_ =	shalt  }
0x79: {  	_ =	shalt  }
0x7a: {  	_ =	shalt  }
0x7b: {  	_ =	shalt  }
0x7c: {  	_ =	shalt  }
0x7d: {  	_ =	shalt  }
0x7e: {  	_ =	shalt  }
0x7f: {  	_ =	shalt  }
0x80: {  	_ =	shalt  }
0x81: {  	_ =	shalt  }
0x82: {  	_ =	shalt  }
0x83: {  	_ =	shalt  }
0x84: {  	_ =	shalt  }
0x85: {  	_ =	shalt  }
0x86: {  	_ =	shalt  }
0x87: {  	_ =	shalt  }
.Lfunc_end0:
.L_simem_size_0:
called_computation_lowered:
.L_overlay_start_0:
0x88: {  	s2 =	sld [smem:$0x3FD9]  }
0x89: {  	s3 =	sld [smem:$0x3FFE];
	_ =	sdelay $0x1  }
0x8a: {  	s1 =	srdreg.scid  }
0x8b: {  	s0 =	sand.u32 $0x1, s1  }
0x8c: {  	s17 =	sshll.u32 s0, $0xA;
	s2 =	sadd.s32 s3, s2  }
0x8d: {  	s2 =	sadd.s32 s2, s17  }
0x8e: {  	[smem:$0x3FC2] =	sst s2  }
0x8f: {  	_ = 	snop  }
0x90: {  	s2 =	sld [smem:$0x3FC9]  }
0x91: {  	s18 =	sld [smem:$0x3FC8]  }
0x92: {  	s4 =	sld [smem:$0x3FD0];
	(tm) =	ssettm $0x1  }
0x93: {  	s5 =	sld [smem:$0x3FFB];
	_ =	sdelay $0x3  }
0x94: {  	_ =	strace s5  }
0x95: {  	s5 =	sld [smem:$0x3FFC];
	_ =	sdelay $0x3  }
0x96: {  	_ =	strace s5  }
0x97: {  	s5 =	sld [smem:$0x3FFD];
	_ =	sdelay $0x3  }
0x98: {  	_ =	strace s5  }
0x99: {  	_ =	strace $0x8FFFFFFF  }
0x9a: {  	s19 =	sld [smem:$0x3FDB];
	_ =	sdelay $0x1  }
0x9b: {  	s6 =	simm.s32 $_scs_section_size  }
0x9c: {  	s7 =	simm.s32 $_size__tile_overlayer_lowered;
	s8 =	simm.s32 $_tile_overlayer_lowered  }
0x9d: {  	s22 =	simm.s32 $0x1BFF;
	s21 =	sshll.u32 s8, $0x1;
	s5 =	sadd.s32 s6, s19  }
0x9e: {  	s9 =	simm.s32 $0x0;
	s20 =	sshll.u32 s7, $0x1;
	s7 =	sadd.s32 s21, s5  }
0x9f: {  	[timem:s9], [sflag:s22] =	dma.local [hbm:s7], s20  }
0xa0: {  	_ =	swait.ge [sflag:s22], s20  }
0xa1: {  	s6 =	ssub.s32 $0x0, s20;
	[sflag:s22] =	ssyncset.done $0x0  }
0xa2: {  	[sflag:s22] =	ssyncadd.s32 s6;
	_ =	sdelay $0x1  }
0xa3: {  	s23 =	simm.s32 $0x1B8B  }
0xa4: {  	_ =	swait.ge [sflag:s23], $0x1  }
0xa5: {  	[sflag:s23] =	ssyncset.done $0x0  }
0xa6: {  	s25 =	simm.s32 $0x1B8E;
	s24 =	sld [smem:$0x3FFE];
	[sflag:s23] =	ssyncadd.s32 $0xFFFFFFFF  }
0xa7: {  	s26 =	simm.s32 $execute0_lowered;
	[smem:$0x3FD2] =	sst s25  }
0xa8: {  	s7 =	sshll.u32 s26, $0x1;
	_ =	strace $0x80000046;
	[dreg:$0x1] =	wrdreg $0xFFFFFFFF  }
0xa9: {  	s28 =	simm.s32 $_size_execute0_lowered;
	s5 =	sadd.s32 s5, s7;
	[dreg:$0x0] =	wrdreg $0x0  }
0xaa: {  	s7 =	sshll.u32 s28, $0x1;
	[dreg:$0x2] =	wrdreg s5  }
0xab: {  	[dreg:$0x3] =	wrdreg s7  }
0xac: {  	[dreg:$0x4] =	wrdreg $0xC0  }
0xad: {  	_ =	task [dreg:s9], $0x5FFFF  }
0xae: {  	[dreg:$0x1] =	wrdreg $0xFFFFFFFF  }
0xaf: {  	[dreg:$0x0] =	wrdreg $0x60  }
0xb0: {  	[dreg:$0x2] =	wrdreg s2  }
0xb1: {  	[dreg:$0x3] =	wrdreg s18  }
0xb2: {  	[dreg:$0x4] =	wrdreg s4  }
0xb3: {  	[dreg:$0x5] =	wrdreg s24  }
0xb4: {  	[dreg:$0x6] =	wrdreg $0x90800  }
0xb5: {  	[dreg:$0x7] =	wrdreg $0x1C9000  }
0xb6: {  	[dreg:$0x8] =	wrdreg $0x9  }
0xb7: {  	_ =	task.clear_ibuf [dreg:s9], $0x9FFFF;
	_ =	strace $0x90000046  }
0xb8: {  	s29 =	simm.s32 $0x9;
	_ =	strace $0x80000048  }
0xb9: {  	_ =	swait.ge [sflag:s29], $0x1  }
0xba: {  	[sflag:s29] =	ssyncadd.s32 $0xFFFFFFFF  }
0xbb: {  	_ =	strace $0x90000048  }
0xbc: {  	_ =	sfence  }
0xbd: {  	s30 =	sld [smem:$0x0];
	_ =	sdelay $0x2  }
0xbe: {  	s31 =	sshll.u32 s1, $0xD;
	s1 =	sshrl.u32 s1, $0x2  }
0xbf: {  	s3 =	sand.u32 $0x4000, s31;
	s1 =	sadd.s32 s1, s30  }
0xc0: {  	s0 =	sor.u32 s3, s0;
	s1 =	sshll.u32 s1, $0x11  }
0xc1: {  	s0 =	sor.u32 s1, s0  }
0xc2: {  	s0 =	sadd.s32 $0x8F2B, s0  }
0xc3: {  	[sflag:s0] =	ssyncadd.remote.s32 $0x1  }
0xc4: {  	_ =	sfence.sel $0xFFFF  }
0xc5: {  	[dreg:$0x0] =	wrdreg $0xFFFFFFFF;
	(pc) =	sbr.abs _section_cstart, $3  }
0xc6: {  	[dreg:$0x1] =	wrdreg $0xFFFFFFFF  }
0xc7: {  	_ =	task.clear_ibuf [dreg:s9], $0x2FFFF;
	_ =	strace $0x9FFFFFFF  }
0xc8: {  	(tm) =	ssettm $0x7FFFFFFF  }
0xc9: {  	_ =	shalt  }
tec
execute0_lowered:
.L_overlay_start_1:
0x0: {  	(tag) =	ssettag $0x1  }
0x1: {  	s1 =	rddreg [dreg:$0x0]  }
0x2: {  	s0 =	rddreg [dreg:$0x1]  }
0x3: {  	s2 =	rddreg [dreg:$0x2]  }
0x4: {  	s6 =	rddreg [dreg:$0x3]  }
0x5: {  	s3 =	rddreg [dreg:$0x4];
	s20 =	stileid.u32  }
0x6: {  	s4 =	rddreg [dreg:$0x5];
	s7 =	smul.u32 $0x270, s20  }
0x7: {  	s5 =	simm.s32 $0x0;
	s8 =	srdreg.scid;
	s11 =	smul.u32 $0x2710, s20  }
0x8: {  	s28 =	simm.s32 $0x400;
	s29 =	simm.s32 $0x800;
	s12 =	smul.u32 $0x271000, s20  }
0x9: {  	s30 =	simm.s32 $0x8200;
	s31 =	simm.s32 $0x3;
	s15 =	smul.u32 $0x4E000, s20  }
0xa: {  	[smem:$0x7FF] =	sst s5;
	s10 =	sand.u32 $0x1, s8;
	s17 =	smul.u32 $0x13800, s20  }
0xb: {  	p0 =	seq.s32 s20, $0xF;
	_ =	strace $0x80000047;
	s8 =	ssub.s32 $0x2, s10  }
0xc: {  	s14 =	sshll.u32 s10, $0xA;
	s24 =	smul.u32 $0x138800, s10;
	p1 =	seq.s32 s10, $0x0  }
0xd: {  	p2 =	sne.s32 s10, $0x0;
	p3 =	sne.s32 @p0 s10, $0x0;
	p4 =	sne.s32 @!p0 s10, $0x0  }
0xe: {  	s13 =	sshrl.u32 s8, $0x1;
	s21 =	sshrl.u32 s11, $0x3;
	s12 =	sor.u32 s14, s12  }
0xf: {  	s23 =	sshrl.u32 s15, $0x2;
	s26 =	sadd.s32 $0x80, s11;
	s16 =	ssub.s32 s8, s13  }
0x10: {  	s8 =	sadd.s32 s0, s21;
	s22 =	sshrl.u32 s12, $0x3;
	s17 =	sadd.s32 s17, s24  }
0x11: {  	[dreg:$0x7] =	wrdreg s8;
	s8 =	sadd.s32 s1, s22;
	s17 =	sshrl.u32 s17, $0x3  }
0x12: {  	[dreg:$0x8] =	wrdreg s8;
	s8 =	sadd.s32 s23, s3;
	s17 =	sadd.s32 s2, s17  }
0x13: {  	s13 =	sshrl.u32 s24, $0x3;
	s25 =	sadd.s32 $0xC00, s8;
	[dreg:$0xb] =	wrdreg s17  }
0x14: {  	s21 =	smul.u32 $0x4E2, s20;
	s18 =	sadd.s32 $0x1800, s8;
	[dreg:$0x9] =	wrdreg s25  }
0x15: {  	s2 =	sadd.s32 s2, s13;
	s22 =	sadd.s32 $0x2400, s8;
	[dreg:$0xa] =	wrdreg s18  }
0x16: {  	s23 =	sshrl.u32 s26, $0x3;
	s24 =	sadd.s32 $0x3000, s8;
	[dreg:$0xc] =	wrdreg s22  }
0x17: {  	s13 =	sadd.s32 s0, s23;
	s23 =	sadd.s32 $0x10000, s12;
	[dreg:$0xe] =	wrdreg s24  }
0x18: {  	s15 =	sadd.s32 s21, s0;
	s10 =	sadd.s32 $0x9000, s8;
	[dreg:$0x14] =	wrdreg s23  }
0x19: {  	s21 =	sadd.s32 $0x8000, s12;
	s12 =	sadd.s32 $0xA800, s8;
	[dreg:$0x1d] =	wrdreg s10  }
0x1a: {  	s11 =	sadd.s32 $0x2700, s11;
	s20 =	sadd.s32 $0xD800, s8;
	[dreg:$0x1f] =	wrdreg s12  }
0x1b: {  	s19 =	sshll.u32 s26, $0x8;
	s22 =	smax.u32 s16, $0x1;
	[smem:$0x7F7] =	sst s20  }
0x1c: {  	s18 =	sor.u32 s14, s19;
	s24 =	sadd.s32 $0x3C00, s8;
	[dreg:$0x13] =	wrdreg s22  }
0x1d: {  	s19 =	sshll.u32 s11, $0x8;
	s16 =	sadd.s32 $0xC000, s8;
	[dreg:$0x16] =	wrdreg s24  }
0x1e: {  	s11 =	sshrl.u32 s11, $0x3;
	s23 =	sadd.s32 $0xFC00, s8;
	[smem:$0x7F5] =	sst s16  }
0x1f: {  	s9 =	sshrl.u32 s7, $0x3;
	s11 =	sadd.s32 s0, s11;
	[smem:$0x7FA] =	sst s23  }
0x20: {  	s14 =	sor.u32 s14, s19;
	s19 =	sadd.s32 $0x1692, s6;
	[dreg:$0xd] =	wrdreg s11  }
0x21: {  	s9 =	sadd.s32 s9, s6;
	s6 =	sadd.s32 $0x6C00, s8;
	[dreg:$0x12] =	wrdreg s19  }
0x22: {  	s0 =	sshrl.u32 s21, $0x3;
	s21 =	sadd.s32 $0xE400, s8;
	[dreg:$0x1a] =	wrdreg s6  }
0x23: {  	p3 =	por p3, !p0;
	s22 =	sadd.s32 $0xF000, s8;
	[smem:$0x7F8] =	sst s21  }
0x24: {  	p4 =	por p4, p0;
	s24 =	sadd.s32 $0x10800, s8;
	[smem:$0x7F9] =	sst s22  }
0x25: {  	s17 =	sadd.s32 s7, s4;
	s11 =	sadd.s32 $0x1200, s9;
	[smem:$0x7FB] =	sst s24  }
0x26: {  	s26 =	sshrl.u32 s14, $0x3;
	s14 =	sadd.s32 $0x24900, s2;
	[dreg:$0x10] =	wrdreg s11  }
0x27: {  	s25 =	sshrl.u32 s18, $0x3;
	s0 =	sadd.s32 s0, s1;
	[dreg:$0x11] =	wrdreg s14  }
0x28: {  	s18 =	sadd.s32 s1, s25;
	s25 =	sadd.s32 $0x4800, s8;
	[dreg:$0x15] =	wrdreg s0  }
0x29: {  	s10 =	simm.s32 $0x5;
	s2 =	sadd.s32 $0x6000, s8;
	[dreg:$0x17] =	wrdreg s25  }
0x2a: {  	s12 =	simm.s32 $0x0;
	s9 =	sadd.s32 $0x8400, s8;
	[dreg:$0x19] =	wrdreg s2  }
0x2b: {  	s19 =	sadd.s32 $0xCC00, s8;
	s24 =	sadd.s32 $0x138000, s3;
	[dreg:$0x1c] =	wrdreg s9  }
0x2c: {  	s6 =	simm.s32 $0x4100;
	s7 =	sadd.s32 s1, s26;
	[smem:$0x7F6] =	sst s19  }
0x2d: {  	s26 =	sadd.s32 $0x5400, s8;
	s11 =	sadd.s32 $0x9C00, s8;
	[dreg:$0xf] =	wrdreg s7  }
0x2e: {  	s14 =	sadd.s32 $0xB400, s8;
	s25 =	sadd.s32 $0x11400, s8;
	[dreg:$0x18] =	wrdreg s26  }
.Ltmp0:
0x2f: {  	s0 =	simm.s32 $0x1;
	[dreg:$0x1e] =	wrdreg s11;
	(pc) =	sbr.rel .LBB2_1-.Ltmp0, $4  }
0x30: {  	s2 =	simm.s32 $0x4080;
	s9 =	simm.s32 $0x2;
	[smem:$0x7F4] =	sst s14  }
0x31: {  	s7 =	sadd.s32 $0x7800, s8;
	[smem:$0x7FC] =	sst s25;
	s26 =	sadd.s32 $0x12000, s8  }
0x32: {  	s25 =	simm.s32 $0x80;
	s11 =	simm.s32 $0x4;
	[dreg:$0x1b] =	wrdreg s7  }
0x33: {  	v0 =	vimm.f32 $0.0e+00;
	v1 =	vimm.f32 $1.000000000e+00;
	[smem:$0x7FD] =	sst s26;
	s26 =	sadd.s32 $0x12C00, s8;
	s7 =	simm.s32 $0x8180  }
.LBB2_8:
0x34: {  	s14 =	rddreg [dreg:$0xd];
	s16 =	simm.s32 $0x8100  }
0x35: {  	[tilespmem:s16], [sflag:$0x5] =	stream.linear.gather [hbm4b:s14+s5], $0x10, $0x38;
	[tilespmem:$0x1CB78] =	vst v63  }
0x36: {  	_ =	swait.ge [sflag:s10], $0x10  }
0x37: {  	[sflag:s10] =	ssyncset.done $0x0  }
0x38: {  	s22 =	rddreg [dreg:$0xf];
	[sflag:s10] =	ssyncadd.s32 $0xFFFFFFF0  }
0x39: {  	[tilespmem:s25], [sflag:$0x5] =	stream.strided.gather [hbm4b:s22+s28], $0x800, s29, s28, $0x38;
	[tilespmem:$0x1CB78] =	vst v63  }
0x3a: {  	_ =	swait.ge [sflag:s10], $0x800  }
0x3b: {  	[sflag:s10] =	ssyncset.done $0x0  }
0x3c: {  	[sflag:s10] =	ssyncadd.s32 $0xFFFFF800  }
0x3d: {  	_ =	swait.ge [sflag:s11], $0x4000  }
0x3e: {  	s19 =	simm.s32 @p2 $0x80;
	[sflag:s11] =	ssyncset.done $0x0  }
0x3f: {  	s14 =	simm.s32 @p2 $0x10;
	s16 =	simm.s32 @p2 $0x8100;
	[sflag:s11] =	ssyncadd.s32 $0xFFFFC000  }
0x40: {  	[spmem:s3] =	stream.indirect.scatter.add.f32 @p2 [tilespmem:s19], [sflag:$0x5], $0x80, s16, s14, $0xb8;
	[tilespmem:$0x1CB78] =	vst v63  }
0x41: {  	s14 =	simm.s32 @p2 $0x5  }
0x42: {  	_ =	swait.ge @p2 [sflag:s14], $0x800  }
0x43: {  	[sflag:s14] =	ssyncset.done @p2 $0x0  }
0x44: {  	[sflag:s14] =	ssyncadd.s32 @p2 $0xFFFFF800;
	s14 =	simm.s32 @!p2 $0x4  }
0x45: {  	_ =	swait.ge @!p2 [sflag:s14], $0x80  }
0x46: {  	s16 =	simm.s32 @!p2 $0x8100;
	[sflag:s14] =	ssyncset.done @!p2 $0x0  }
0x47: {  	s19 =	simm.s32 @!p2 $0x5;
	[sflag:s14] =	ssyncadd.s32 @!p2 $0xFFFFFF80;
	s14 =	simm.s32 @!p2 $0x10  }
0x48: {  	[spmem:s3] =	stream.indirect.scatter.add.f32 @!p2 [tilespmem:s21], [sflag:$0x5], $0x80, s16, s14, $0xb8;
	[tilespmem:$0x1CB78] =	vst v63  }
0x49: {  	_ =	swait.ge @!p2 [sflag:s19], $0x800  }
0x4a: {  	[sflag:s19] =	ssyncset.done @!p2 $0x0  }
0x4b: {  	[sflag:s19] =	ssyncadd.s32 @!p2 $0xFFFFF800  }
0x4c: {  	[spmem:s4] =	stream.indirect.scatter.add.f32 @!p2 [tilespmem:s20], [sflag:$0x5], $0x1, s16, s14, $0xb8;
	[tilespmem:$0x1CB78] =	vst v63  }
0x4d: {  	_ =	swait.ge @!p2 [sflag:s19], $0x10  }
0x4e: {  	[sflag:s19] =	ssyncset.done @!p2 $0x0  }
0x4f: {  	[sflag:s19] =	ssyncadd.s32 @!p2 $0xFFFFFFF0  }
0x50: {  	[bflag:$0x0] =	sbarrier.arrive $0xFFFF  }
0x51: {  	s14 =	sshrl.u32 @p0 s8, $0x3;
	s16 =	simm.s32 @p0 $0x1FC5;
	s19 =	rddreg [dreg:$0x11]  }
0x52: {  	[hbm:s19], [sflag:s16] =	dma.local @p0 [spmem:s14], $0x2800  }
0x53: {  	s14 =	simm.s32 @p0 $0x5  }
0x54: {  	_ =	swait.ge @p0 [sflag:s14], $0x2800  }
0x55: {  	[sflag:s14] =	ssyncset.done @p0 $0x0  }
0x56: {  	s16 =	simm.s32 @!p3 $0x5;
	[sflag:s14] =	ssyncadd.s32 @p0 $0xFFFFD800;
	s14 =	simm.s32 @!p3 $0x8E00  }
0x57: {  	[tilespmem:s14], [sflag:$0x5] =	stream.linear.gather @!p3 [spmem:s17], $0x280, $0x38;
	[tilespmem:$0x1CB78] =	vst v63  }
0x58: {  	_ =	swait.ge @!p3 [sflag:s16], $0x280  }
0x59: {  	[sflag:s16] =	ssyncset.done @!p3 $0x0  }
0x5a: {  	s19 =	simm.s32 @!p3 $0x0;
	s20 =	rddreg [dreg:$0x12];
	[sflag:s16] =	ssyncadd.s32 @!p3 $0xFFFFFD80  }
0x5b: {  	[hbm4b:s20+s19] =	stream.linear.scatter @!p3 [tilespmem:s14], [sflag:$0x5], $0x280, $0x38;
	[tilespmem:$0x1CB78] =	vst v63  }
0x5c: {  	s14 =	stileid.u32  }
0x5d: {  	_ =	swait.ge @!p3 [sflag:s16], $0x280;
	s14 =	sshll.u32 @!p0 s14, $0x6  }
0x5e: {  	[sflag:s16] =	ssyncset.done @!p3 $0x0;
	s14 =	sor.u32 @!p0 $0x1C05, s14  }
0x5f: {  	s19 =	rddreg [dreg:$0xb];
	[sflag:s16] =	ssyncadd.s32 @!p3 $0xFFFFFD80;
	s16 =	sshrl.u32 @!p0 s8, $0x3  }
0x60: {  	[hbm:s19], [sflag:s14] =	dma.local @!p0 [spmem:s16], $0x2700  }
0x61: {  	s14 =	simm.s32 @!p0 $0x5  }
0x62: {  	_ =	swait.ge @!p0 [sflag:s14], $0x2700  }
0x63: {  	[sflag:s14] =	ssyncset.done @!p0 $0x0  }
0x64: {  	s16 =	simm.s32 @!p4 $0x5;
	[sflag:s14] =	ssyncadd.s32 @!p0 $0xFFFFD900;
	s14 =	simm.s32 @!p4 $0x8E00  }
0x65: {  	[tilespmem:s14], [sflag:$0x5] =	stream.linear.gather @!p4 [spmem:s17], $0x270, $0x38;
	[tilespmem:$0x1CB78] =	vst v63  }
0x66: {  	_ =	swait.ge @!p4 [sflag:s16], $0x270  }
0x67: {  	[sflag:s16] =	ssyncset.done @!p4 $0x0  }
0x68: {  	s19 =	simm.s32 @!p4 $0x0;
	s20 =	rddreg [dreg:$0x10];
	[sflag:s16] =	ssyncadd.s32 @!p4 $0xFFFFFD90  }
0x69: {  	[hbm4b:s20+s19] =	stream.linear.scatter @!p4 [tilespmem:s14], [sflag:$0x5], $0x270, $0x38;
	[tilespmem:$0x1CB78] =	vst v63  }
0x6a: {  	_ =	swait.ge @!p4 [sflag:s16], $0x270  }
0x6b: {  	s12 =	sadd.s32 $0x1, s12;
	s23 =	rddreg [dreg:$0x13]  }
0x6c: {  	p5 =	sne.s32 s12, s23  }
.Ltmp1:
0x6d: {  	_ = 	snop;
	(pc) =	sbr.rel @!p5 .LBB2_9-.Ltmp1, $3  }
0x6e: {  	_ =	sdelay $0x1  }
0x6f: {  	[sflag:s16] =	ssyncset.done @!p4 $0x0  }
0x70: {  	[sflag:s16] =	ssyncadd.s32 @!p4 $0xFFFFFD90  }
.LBB2_1:
0x71: {  	s14 =	rddreg [dreg:$0x7]  }
0x72: {  	[tilespmem:s5], [sflag:$0x1] =	stream.linear.gather [hbm4b:s14+s5], $0x80, $0x38;
	[tilespmem:$0x1CB78] =	vst v63  }
0x73: {  	s23 =	rddreg [dreg:$0x8]  }
0x74: {  	[tilespmem:s25], [sflag:$0x1] =	stream.strided.gather [hbm4b:s23+s28], $0x4000, s29, s28, $0x38;
	[tilespmem:$0x1CB78] =	vst v63  }
0x75: {  	[tilespmem:$0x8200] =	vst v0  }
0x76: {  	[tilespmem:$0x8210] =	vst v0  }
0x77: {  	[tilespmem:$0x8220] =	vst v0  }
0x78: {  	[tilespmem:$0x8230] =	vst v0  }
0x79: {  	[tilespmem:$0x8240] =	vst v0  }
0x7a: {  	[tilespmem:$0x8250] =	vst v0  }
0x7b: {  	[tilespmem:$0x8260] =	vst v0  }
0x7c: {  	[tilespmem:$0x8270] =	vst v0  }
0x7d: {  	[tilespmem:$0x8280] =	vst v0  }
0x7e: {  	[tilespmem:$0x8290] =	vst v0  }
0x7f: {  	[tilespmem:$0x82A0] =	vst v0  }
0x80: {  	[tilespmem:$0x82B0] =	vst v0  }
0x81: {  	[tilespmem:$0x82C0] =	vst v0  }
0x82: {  	[tilespmem:$0x82D0] =	vst v0  }
0x83: {  	[tilespmem:$0x82E0] =	vst v0  }
0x84: {  	[tilespmem:$0x82F0] =	vst v0  }
0x85: {  	[tilespmem:$0x8300] =	vst v0  }
0x86: {  	[tilespmem:$0x8310] =	vst v0  }
0x87: {  	[tilespmem:$0x8320] =	vst v0  }
0x88: {  	[tilespmem:$0x8330] =	vst v0  }
0x89: {  	[tilespmem:$0x8340] =	vst v0  }
0x8a: {  	[tilespmem:$0x8350] =	vst v0  }
0x8b: {  	[tilespmem:$0x8360] =	vst v0  }
0x8c: {  	[tilespmem:$0x8370] =	vst v0  }
0x8d: {  	[tilespmem:$0x8380] =	vst v0  }
0x8e: {  	[tilespmem:$0x8390] =	vst v0  }
0x8f: {  	[tilespmem:$0x83A0] =	vst v0  }
0x90: {  	[tilespmem:$0x83B0] =	vst v0  }
0x91: {  	[tilespmem:$0x83C0] =	vst v0  }
0x92: {  	[tilespmem:$0x83D0] =	vst v0  }
0x93: {  	[tilespmem:$0x83E0] =	vst v0  }
0x94: {  	[tilespmem:$0x83F0] =	vst v0  }
0x95: {  	[tilespmem:$0x8400] =	vst v0  }
0x96: {  	[tilespmem:$0x8410] =	vst v0  }
0x97: {  	[tilespmem:$0x8420] =	vst v0  }
0x98: {  	[tilespmem:$0x8430] =	vst v0  }
0x99: {  	[tilespmem:$0x8440] =	vst v0  }
0x9a: {  	[tilespmem:$0x8450] =	vst v0  }
0x9b: {  	[tilespmem:$0x8460] =	vst v0  }
0x9c: {  	[tilespmem:$0x8470] =	vst v0  }
0x9d: {  	[tilespmem:$0x8480] =	vst v0  }
0x9e: {  	[tilespmem:$0x8490] =	vst v0  }
0x9f: {  	[tilespmem:$0x84A0] =	vst v0  }
0xa0: {  	[tilespmem:$0x84B0] =	vst v0  }
0xa1: {  	[tilespmem:$0x84C0] =	vst v0  }
0xa2: {  	[tilespmem:$0x84D0] =	vst v0  }
0xa3: {  	[tilespmem:$0x84E0] =	vst v0  }
0xa4: {  	[tilespmem:$0x84F0] =	vst v0  }
0xa5: {  	[tilespmem:$0x8500] =	vst v0  }
0xa6: {  	[tilespmem:$0x8510] =	vst v0  }
0xa7: {  	[tilespmem:$0x8520] =	vst v0  }
0xa8: {  	[tilespmem:$0x8530] =	vst v0  }
0xa9: {  	[tilespmem:$0x8540] =	vst v0  }
0xaa: {  	[tilespmem:$0x8550] =	vst v0  }
0xab: {  	[tilespmem:$0x8560] =	vst v0  }
0xac: {  	[tilespmem:$0x8570] =	vst v0  }
0xad: {  	[tilespmem:$0x8580] =	vst v0  }
0xae: {  	[tilespmem:$0x8590] =	vst v0  }
0xaf: {  	[tilespmem:$0x85A0] =	vst v0  }
0xb0: {  	[tilespmem:$0x85B0] =	vst v0  }
0xb1: {  	[tilespmem:$0x85C0] =	vst v0  }
0xb2: {  	[tilespmem:$0x85D0] =	vst v0  }
0xb3: {  	[tilespmem:$0x85E0] =	vst v0  }
0xb4: {  	[tilespmem:$0x85F0] =	vst v0  }
0xb5: {  	[tilespmem:$0x8600] =	vst v0  }
0xb6: {  	[tilespmem:$0x8610] =	vst v0  }
0xb7: {  	[tilespmem:$0x8620] =	vst v0  }
0xb8: {  	[tilespmem:$0x8630] =	vst v0  }
0xb9: {  	[tilespmem:$0x8640] =	vst v0  }
0xba: {  	[tilespmem:$0x8650] =	vst v0  }
0xbb: {  	[tilespmem:$0x8660] =	vst v0  }
0xbc: {  	[tilespmem:$0x8670] =	vst v0  }
0xbd: {  	[tilespmem:$0x8680] =	vst v0  }
0xbe: {  	[tilespmem:$0x8690] =	vst v0  }
0xbf: {  	[tilespmem:$0x86A0] =	vst v0  }
0xc0: {  	[tilespmem:$0x86B0] =	vst v0  }
0xc1: {  	[tilespmem:$0x86C0] =	vst v0  }
0xc2: {  	[tilespmem:$0x86D0] =	vst v0  }
0xc3: {  	[tilespmem:$0x86E0] =	vst v0  }
0xc4: {  	[tilespmem:$0x86F0] =	vst v0  }
0xc5: {  	[tilespmem:$0x8700] =	vst v0  }
0xc6: {  	[tilespmem:$0x8710] =	vst v0  }
0xc7: {  	[tilespmem:$0x8720] =	vst v0  }
0xc8: {  	[tilespmem:$0x8730] =	vst v0  }
0xc9: {  	[tilespmem:$0x8740] =	vst v0  }
0xca: {  	[tilespmem:$0x8750] =	vst v0  }
0xcb: {  	[tilespmem:$0x8760] =	vst v0  }
0xcc: {  	[tilespmem:$0x8770] =	vst v0  }
0xcd: {  	[tilespmem:$0x8780] =	vst v0  }
0xce: {  	[tilespmem:$0x8790] =	vst v0  }
0xcf: {  	[tilespmem:$0x87A0] =	vst v0  }
0xd0: {  	[tilespmem:$0x87B0] =	vst v0  }
0xd1: {  	[tilespmem:$0x87C0] =	vst v0  }
0xd2: {  	[tilespmem:$0x87D0] =	vst v0  }
0xd3: {  	[tilespmem:$0x87E0] =	vst v0  }
0xd4: {  	[tilespmem:$0x87F0] =	vst v0  }
0xd5: {  	[tilespmem:$0x8800] =	vst v0  }
0xd6: {  	[tilespmem:$0x8810] =	vst v0  }
0xd7: {  	[tilespmem:$0x8820] =	vst v0  }
0xd8: {  	[tilespmem:$0x8830] =	vst v0  }
0xd9: {  	[tilespmem:$0x8840] =	vst v0  }
0xda: {  	[tilespmem:$0x8850] =	vst v0  }
0xdb: {  	[tilespmem:$0x8860] =	vst v0  }
0xdc: {  	[tilespmem:$0x8870] =	vst v0  }
0xdd: {  	[tilespmem:$0x8880] =	vst v0  }
0xde: {  	[tilespmem:$0x8890] =	vst v0  }
0xdf: {  	[tilespmem:$0x88A0] =	vst v0  }
0xe0: {  	[tilespmem:$0x88B0] =	vst v0  }
0xe1: {  	[tilespmem:$0x88C0] =	vst v0  }
0xe2: {  	[tilespmem:$0x88D0] =	vst v0  }
0xe3: {  	[tilespmem:$0x88E0] =	vst v0  }
0xe4: {  	[tilespmem:$0x88F0] =	vst v0  }
0xe5: {  	[tilespmem:$0x8900] =	vst v0  }
0xe6: {  	[tilespmem:$0x8910] =	vst v0  }
0xe7: {  	[tilespmem:$0x8920] =	vst v0  }
0xe8: {  	[tilespmem:$0x8930] =	vst v0  }
0xe9: {  	[tilespmem:$0x8940] =	vst v0  }
0xea: {  	[tilespmem:$0x8950] =	vst v0  }
0xeb: {  	[tilespmem:$0x8960] =	vst v0  }
0xec: {  	[tilespmem:$0x8970] =	vst v0  }
0xed: {  	[tilespmem:$0x8980] =	vst v0  }
0xee: {  	[tilespmem:$0x8990] =	vst v0  }
0xef: {  	[tilespmem:$0x89A0] =	vst v0  }
0xf0: {  	[tilespmem:$0x89B0] =	vst v0  }
0xf1: {  	[tilespmem:$0x89C0] =	vst v0  }
0xf2: {  	[tilespmem:$0x89D0] =	vst v0  }
0xf3: {  	[tilespmem:$0x89E0] =	vst v0  }
0xf4: {  	[tilespmem:$0x89F0] =	vst v0  }
0xf5: {  	[tilespmem:$0x8A00] =	vst v0  }
0xf6: {  	[tilespmem:$0x8A10] =	vst v0  }
0xf7: {  	[tilespmem:$0x8A20] =	vst v0  }
0xf8: {  	[tilespmem:$0x8A30] =	vst v0  }
0xf9: {  	[tilespmem:$0x8A40] =	vst v0  }
0xfa: {  	[tilespmem:$0x8A50] =	vst v0  }
0xfb: {  	[tilespmem:$0x8A60] =	vst v0  }
0xfc: {  	[tilespmem:$0x8A70] =	vst v0  }
0xfd: {  	[tilespmem:$0x8A80] =	vst v0  }
0xfe: {  	[tilespmem:$0x8A90] =	vst v0  }
0xff: {  	[tilespmem:$0x8AA0] =	vst v0  }
0x100: {  	[tilespmem:$0x8AB0] =	vst v0  }
0x101: {  	[tilespmem:$0x8AC0] =	vst v0  }
0x102: {  	[tilespmem:$0x8AD0] =	vst v0  }
0x103: {  	[tilespmem:$0x8AE0] =	vst v0  }
0x104: {  	[tilespmem:$0x8AF0] =	vst v0  }
0x105: {  	[tilespmem:$0x8B00] =	vst v0  }
0x106: {  	[tilespmem:$0x8B10] =	vst v0  }
0x107: {  	[tilespmem:$0x8B20] =	vst v0  }
0x108: {  	[tilespmem:$0x8B30] =	vst v0  }
0x109: {  	[tilespmem:$0x8B40] =	vst v0  }
0x10a: {  	[tilespmem:$0x8B50] =	vst v0  }
0x10b: {  	[tilespmem:$0x8B60] =	vst v0  }
0x10c: {  	[tilespmem:$0x8B70] =	vst v0  }
0x10d: {  	[tilespmem:$0x8B80] =	vst v0  }
0x10e: {  	[tilespmem:$0x8B90] =	vst v0  }
0x10f: {  	[tilespmem:$0x8BA0] =	vst v0  }
0x110: {  	[tilespmem:$0x8BB0] =	vst v0  }
0x111: {  	[tilespmem:$0x8BC0] =	vst v0  }
0x112: {  	[tilespmem:$0x8BD0] =	vst v0  }
0x113: {  	[tilespmem:$0x8BE0] =	vst v0  }
0x114: {  	[tilespmem:$0x8BF0] =	vst v0  }
0x115: {  	[tilespmem:$0x8C00] =	vst v0  }
0x116: {  	[tilespmem:$0x8C10] =	vst v0  }
0x117: {  	[tilespmem:$0x8C20] =	vst v0  }
0x118: {  	[tilespmem:$0x8C30] =	vst v0  }
0x119: {  	[tilespmem:$0x8C40] =	vst v0  }
0x11a: {  	[tilespmem:$0x8C50] =	vst v0  }
0x11b: {  	[tilespmem:$0x8C60] =	vst v0  }
0x11c: {  	[tilespmem:$0x8C70] =	vst v0  }
0x11d: {  	[tilespmem:$0x8C80] =	vst v0  }
0x11e: {  	[tilespmem:$0x8C90] =	vst v0  }
0x11f: {  	[tilespmem:$0x8CA0] =	vst v0  }
0x120: {  	[tilespmem:$0x8CB0] =	vst v0  }
0x121: {  	[tilespmem:$0x8CC0] =	vst v0  }
0x122: {  	[tilespmem:$0x8CD0] =	vst v0  }
0x123: {  	[tilespmem:$0x8CE0] =	vst v0  }
0x124: {  	[tilespmem:$0x8CF0] =	vst v0  }
0x125: {  	[tilespmem:$0x8D00] =	vst v0  }
0x126: {  	[tilespmem:$0x8D10] =	vst v0  }
0x127: {  	[tilespmem:$0x8D20] =	vst v0  }
0x128: {  	[tilespmem:$0x8D30] =	vst v0  }
0x129: {  	[tilespmem:$0x8D40] =	vst v0  }
0x12a: {  	[tilespmem:$0x8D50] =	vst v0  }
0x12b: {  	[tilespmem:$0x8D60] =	vst v0  }
0x12c: {  	[tilespmem:$0x8D70] =	vst v0  }
0x12d: {  	[tilespmem:$0x8D80] =	vst v0  }
0x12e: {  	[tilespmem:$0x8D90] =	vst v0  }
0x12f: {  	[tilespmem:$0x8DA0] =	vst v0  }
0x130: {  	[tilespmem:$0x8DB0] =	vst v0  }
0x131: {  	[tilespmem:$0x8DC0] =	vst v0  }
0x132: {  	[tilespmem:$0x8DD0] =	vst v0  }
0x133: {  	[tilespmem:$0x8DE0] =	vst v0  }
0x134: {  	s16 =	rddreg [dreg:$0x9];
	[tilespmem:$0x8DF0] =	vst v0  }
0x135: {  	[spmem:s8] =	stream.linear.scatter [tilespmem:s30], [sflag:$0x3], $0xC00, $0x38;
	[tilespmem:$0x1CB78] =	vst v63  }
0x136: {  	s19 =	rddreg [dreg:$0xa]  }
0x137: {  	[spmem:s16] =	stream.linear.scatter [tilespmem:s30], [sflag:$0x3], $0xC00, $0x38;
	[tilespmem:$0x1CB78] =	vst v63  }
0x138: {  	s20 =	rddreg [dreg:$0xc]  }
0x139: {  	[spmem:s19] =	stream.linear.scatter [tilespmem:s30], [sflag:$0x3], $0xC00, $0x38;
	[tilespmem:$0x1CB78] =	vst v63  }
0x13a: {  	s21 =	rddreg [dreg:$0xe]  }
0x13b: {  	[spmem:s20] =	stream.linear.scatter [tilespmem:s30], [sflag:$0x3], $0xC00, $0x38;
	[tilespmem:$0x1CB78] =	vst v63  }
0x13c: {  	s22 =	rddreg [dreg:$0x16]  }
0x13d: {  	[spmem:s21] =	stream.linear.scatter [tilespmem:s30], [sflag:$0x3], $0xC00, $0x38;
	[tilespmem:$0x1CB78] =	vst v63  }
0x13e: {  	s23 =	rddreg [dreg:$0x17]  }
0x13f: {  	[spmem:s22] =	stream.linear.scatter [tilespmem:s30], [sflag:$0x3], $0xC00, $0x38;
	[tilespmem:$0x1CB78] =	vst v63  }
0x140: {  	s16 =	rddreg [dreg:$0x18]  }
0x141: {  	[spmem:s23] =	stream.linear.scatter [tilespmem:s30], [sflag:$0x3], $0xC00, $0x38;
	[tilespmem:$0x1CB78] =	vst v63  }
0x142: {  	s19 =	rddreg [dreg:$0x19]  }
0x143: {  	[spmem:s16] =	stream.linear.scatter [tilespmem:s30], [sflag:$0x3], $0xC00, $0x38;
	[tilespmem:$0x1CB78] =	vst v63  }
0x144: {  	s20 =	rddreg [dreg:$0x1a]  }
0x145: {  	[spmem:s19] =	stream.linear.scatter [tilespmem:s30], [sflag:$0x3], $0xC00, $0x38;
	[tilespmem:$0x1CB78] =	vst v63  }
0x146: {  	s21 =	rddreg [dreg:$0x1b]  }
0x147: {  	[spmem:s20] =	stream.linear.scatter [tilespmem:s30], [sflag:$0x3], $0xC00, $0x38;
	[tilespmem:$0x1CB78] =	vst v63  }
0x148: {  	s22 =	rddreg [dreg:$0x1c]  }
0x149: {  	[spmem:s21] =	stream.linear.scatter [tilespmem:s30], [sflag:$0x3], $0xC00, $0x38;
	[tilespmem:$0x1CB78] =	vst v63  }
0x14a: {  	s23 =	rddreg [dreg:$0x1d]  }
0x14b: {  	[spmem:s22] =	stream.linear.scatter [tilespmem:s30], [sflag:$0x3], $0xC00, $0x38;
	[tilespmem:$0x1CB78] =	vst v63  }
0x14c: {  	s16 =	rddreg [dreg:$0x1e]  }
0x14d: {  	[spmem:s23] =	stream.linear.scatter [tilespmem:s30], [sflag:$0x3], $0xC00, $0x38;
	[tilespmem:$0x1CB78] =	vst v63  }
0x14e: {  	s19 =	rddreg [dreg:$0x1f]  }
0x14f: {  	[spmem:s16] =	stream.linear.scatter [tilespmem:s30], [sflag:$0x3], $0xC00, $0x38;
	[tilespmem:$0x1CB78] =	vst v63  }
0x150: {  	s20 =	sld [smem:$0x7F4]  }
0x151: {  	[spmem:s19] =	stream.linear.scatter [tilespmem:s30], [sflag:$0x3], $0xC00, $0x38;
	[tilespmem:$0x1CB78] =	vst v63  }
0x152: {  	s21 =	sld [smem:$0x7F5]  }
0x153: {  	[spmem:s20] =	stream.linear.scatter [tilespmem:s30], [sflag:$0x3], $0xC00, $0x38;
	[tilespmem:$0x1CB78] =	vst v63  }
0x154: {  	s22 =	sld [smem:$0x7F6]  }
0x155: {  	[spmem:s21] =	stream.linear.scatter [tilespmem:s30], [sflag:$0x3], $0xC00, $0x38;
	[tilespmem:$0x1CB78] =	vst v63  }
0x156: {  	s23 =	sld [smem:$0x7F7]  }
0x157: {  	[spmem:s22] =	stream.linear.scatter [tilespmem:s30], [sflag:$0x3], $0xC00, $0x38;
	[tilespmem:$0x1CB78] =	vst v63  }
0x158: {  	s16 =	sld [smem:$0x7F8]  }
0x159: {  	[spmem:s23] =	stream.linear.scatter [tilespmem:s30], [sflag:$0x3], $0xC00, $0x38;
	[tilespmem:$0x1CB78] =	vst v63  }
0x15a: {  	s19 =	sld [smem:$0x7F9]  }
0x15b: {  	[spmem:s16] =	stream.linear.scatter [tilespmem:s30], [sflag:$0x3], $0xC00, $0x38;
	[tilespmem:$0x1CB78] =	vst v63  }
0x15c: {  	s20 =	sld [smem:$0x7FA]  }
0x15d: {  	[spmem:s19] =	stream.linear.scatter [tilespmem:s30], [sflag:$0x3], $0xC00, $0x38;
	[tilespmem:$0x1CB78] =	vst v63  }
0x15e: {  	s21 =	sld [smem:$0x7FB]  }
0x15f: {  	[spmem:s20] =	stream.linear.scatter [tilespmem:s30], [sflag:$0x3], $0xC00, $0x38;
	[tilespmem:$0x1CB78] =	vst v63  }
0x160: {  	s22 =	sld [smem:$0x7FC]  }
0x161: {  	[spmem:s21] =	stream.linear.scatter [tilespmem:s30], [sflag:$0x3], $0xC00, $0x38;
	[tilespmem:$0x1CB78] =	vst v63  }
0x162: {  	s23 =	sld [smem:$0x7FD]  }
0x163: {  	[spmem:s22] =	stream.linear.scatter [tilespmem:s30], [sflag:$0x3], $0xC00, $0x38;
	[tilespmem:$0x1CB78] =	vst v63  }
0x164: {  	_ = 	snop  }
0x165: {  	[spmem:s23] =	stream.linear.scatter [tilespmem:s30], [sflag:$0x3], $0xC00, $0x38;
	[tilespmem:$0x1CB78] =	vst v63  }
0x166: {  	_ = 	snop  }
0x167: {  	[spmem:s26] =	stream.linear.scatter [tilespmem:s30], [sflag:$0x3], $0xC00, $0x38;
	[tilespmem:$0x1CB78] =	vst v63  }
0x168: {  	_ =	swait.ge [sflag:s31], $0xC00  }
0x169: {  	[sflag:s31] =	ssyncset.done $0x0  }
0x16a: {  	[sflag:s31] =	ssyncadd.s32 $0xFFFFF400  }
0x16b: {  	_ =	swait.ge [sflag:s31], $0xC00  }
0x16c: {  	[sflag:s31] =	ssyncset.done $0x0  }
0x16d: {  	[sflag:s31] =	ssyncadd.s32 $0xFFFFF400  }
0x16e: {  	_ =	swait.ge [sflag:s31], $0xC00  }
0x16f: {  	[sflag:s31] =	ssyncset.done $0x0  }
0x170: {  	[sflag:s31] =	ssyncadd.s32 $0xFFFFF400  }
0x171: {  	_ =	swait.ge [sflag:s31], $0xC00  }
0x172: {  	[sflag:s31] =	ssyncset.done $0x0  }
0x173: {  	[sflag:s31] =	ssyncadd.s32 $0xFFFFF400  }
0x174: {  	_ =	swait.ge [sflag:s31], $0xC00  }
0x175: {  	[sflag:s31] =	ssyncset.done $0x0  }
0x176: {  	[sflag:s31] =	ssyncadd.s32 $0xFFFFF400  }
0x177: {  	_ =	swait.ge [sflag:s31], $0xC00  }
0x178: {  	[sflag:s31] =	ssyncset.done $0x0  }
0x179: {  	[sflag:s31] =	ssyncadd.s32 $0xFFFFF400  }
0x17a: {  	_ =	swait.ge [sflag:s31], $0xC00  }
0x17b: {  	[sflag:s31] =	ssyncset.done $0x0  }
0x17c: {  	[sflag:s31] =	ssyncadd.s32 $0xFFFFF400  }
0x17d: {  	_ =	swait.ge [sflag:s31], $0xC00  }
0x17e: {  	[sflag:s31] =	ssyncset.done $0x0  }
0x17f: {  	[sflag:s31] =	ssyncadd.s32 $0xFFFFF400  }
0x180: {  	_ =	swait.ge [sflag:s31], $0xC00  }
0x181: {  	[sflag:s31] =	ssyncset.done $0x0  }
0x182: {  	[sflag:s31] =	ssyncadd.s32 $0xFFFFF400  }
0x183: {  	_ =	swait.ge [sflag:s31], $0xC00  }
0x184: {  	[sflag:s31] =	ssyncset.done $0x0  }
0x185: {  	[sflag:s31] =	ssyncadd.s32 $0xFFFFF400  }
0x186: {  	_ =	swait.ge [sflag:s31], $0xC00  }
0x187: {  	[sflag:s31] =	ssyncset.done $0x0  }
0x188: {  	[sflag:s31] =	ssyncadd.s32 $0xFFFFF400  }
0x189: {  	_ =	swait.ge [sflag:s31], $0xC00  }
0x18a: {  	[sflag:s31] =	ssyncset.done $0x0  }
0x18b: {  	[sflag:s31] =	ssyncadd.s32 $0xFFFFF400  }
0x18c: {  	_ =	swait.ge [sflag:s31], $0xC00  }
0x18d: {  	[sflag:s31] =	ssyncset.done $0x0  }
0x18e: {  	[sflag:s31] =	ssyncadd.s32 $0xFFFFF400  }
0x18f: {  	_ =	swait.ge [sflag:s31], $0xC00  }
0x190: {  	[sflag:s31] =	ssyncset.done $0x0  }
0x191: {  	[sflag:s31] =	ssyncadd.s32 $0xFFFFF400  }
0x192: {  	_ =	swait.ge [sflag:s31], $0xC00  }
0x193: {  	[sflag:s31] =	ssyncset.done $0x0  }
0x194: {  	[sflag:s31] =	ssyncadd.s32 $0xFFFFF400  }
0x195: {  	_ =	swait.ge [sflag:s31], $0xC00  }
0x196: {  	[sflag:s31] =	ssyncset.done $0x0  }
0x197: {  	[sflag:s31] =	ssyncadd.s32 $0xFFFFF400  }
0x198: {  	_ =	swait.ge [sflag:s31], $0xC00  }
0x199: {  	[sflag:s31] =	ssyncset.done $0x0  }
0x19a: {  	[sflag:s31] =	ssyncadd.s32 $0xFFFFF400  }
0x19b: {  	_ =	swait.ge [sflag:s31], $0xC00  }
0x19c: {  	[sflag:s31] =	ssyncset.done $0x0  }
0x19d: {  	[sflag:s31] =	ssyncadd.s32 $0xFFFFF400  }
0x19e: {  	_ =	swait.ge [sflag:s31], $0xC00  }
0x19f: {  	[sflag:s31] =	ssyncset.done $0x0  }
0x1a0: {  	[sflag:s31] =	ssyncadd.s32 $0xFFFFF400  }
0x1a1: {  	_ =	swait.ge [sflag:s31], $0xC00  }
0x1a2: {  	[sflag:s31] =	ssyncset.done $0x0  }
0x1a3: {  	[sflag:s31] =	ssyncadd.s32 $0xFFFFF400  }
0x1a4: {  	_ =	swait.ge [sflag:s31], $0xC00  }
0x1a5: {  	[sflag:s31] =	ssyncset.done $0x0  }
0x1a6: {  	[sflag:s31] =	ssyncadd.s32 $0xFFFFF400  }
0x1a7: {  	_ =	swait.ge [sflag:s31], $0xC00  }
0x1a8: {  	[sflag:s31] =	ssyncset.done $0x0  }
0x1a9: {  	[sflag:s31] =	ssyncadd.s32 $0xFFFFF400  }
0x1aa: {  	_ =	swait.ge [sflag:s31], $0xC00  }
0x1ab: {  	[sflag:s31] =	ssyncset.done $0x0  }
0x1ac: {  	[sflag:s31] =	ssyncadd.s32 $0xFFFFF400  }
0x1ad: {  	_ =	swait.ge [sflag:s31], $0xC00  }
0x1ae: {  	[sflag:s31] =	ssyncset.done $0x0  }
0x1af: {  	[sflag:s31] =	ssyncadd.s32 $0xFFFFF400  }
0x1b0: {  	_ =	swait.ge [sflag:s31], $0xC00  }
0x1b1: {  	[sflag:s31] =	ssyncset.done $0x0  }
0x1b2: {  	[sflag:s31] =	ssyncadd.s32 $0xFFFFF400  }
0x1b3: {  	_ =	swait.ge [sflag:s31], $0xC00  }
0x1b4: {  	[sflag:s31] =	ssyncset.done $0x0  }
0x1b5: {  	[sflag:s31] =	ssyncadd.s32 $0xFFFFF400  }
0x1b6: {  	[tilespmem:$0x8E00] =	vst v0  }
0x1b7: {  	[tilespmem:$0x8E10] =	vst v0  }
0x1b8: {  	[tilespmem:$0x8E20] =	vst v0  }
0x1b9: {  	[tilespmem:$0x8E30] =	vst v0  }
0x1ba: {  	[tilespmem:$0x8E40] =	vst v0  }
0x1bb: {  	[tilespmem:$0x8E50] =	vst v0  }
0x1bc: {  	[tilespmem:$0x8E60] =	vst v0  }
0x1bd: {  	[tilespmem:$0x8E70] =	vst v0  }
0x1be: {  	[tilespmem:$0x8E80] =	vst v0  }
0x1bf: {  	[tilespmem:$0x8E90] =	vst v0  }
0x1c0: {  	[tilespmem:$0x8EA0] =	vst v0  }
0x1c1: {  	[tilespmem:$0x8EB0] =	vst v0  }
0x1c2: {  	[tilespmem:$0x8EC0] =	vst v0  }
0x1c3: {  	[tilespmem:$0x8ED0] =	vst v0  }
0x1c4: {  	[tilespmem:$0x8EE0] =	vst v0  }
0x1c5: {  	[tilespmem:$0x8EF0] =	vst v0  }
0x1c6: {  	[tilespmem:$0x8F00] =	vst v0  }
0x1c7: {  	[tilespmem:$0x8F10] =	vst v0  }
0x1c8: {  	[tilespmem:$0x8F20] =	vst v0  }
0x1c9: {  	[tilespmem:$0x8F30] =	vst v0  }
0x1ca: {  	[tilespmem:$0x8F40] =	vst v0  }
0x1cb: {  	[tilespmem:$0x8F50] =	vst v0  }
0x1cc: {  	[tilespmem:$0x8F60] =	vst v0  }
0x1cd: {  	[tilespmem:$0x8F70] =	vst v0  }
0x1ce: {  	[tilespmem:$0x8F80] =	vst v0  }
0x1cf: {  	[tilespmem:$0x8F90] =	vst v0  }
0x1d0: {  	[tilespmem:$0x8FA0] =	vst v0  }
0x1d1: {  	[tilespmem:$0x8FB0] =	vst v0  }
0x1d2: {  	[tilespmem:$0x8FC0] =	vst v0  }
0x1d3: {  	[tilespmem:$0x8FD0] =	vst v0  }
0x1d4: {  	[tilespmem:$0x8FE0] =	vst v0  }
0x1d5: {  	[tilespmem:$0x8FF0] =	vst v0  }
0x1d6: {  	[tilespmem:$0x9000] =	vst v0  }
0x1d7: {  	[tilespmem:$0x9010] =	vst v0  }
0x1d8: {  	[tilespmem:$0x9020] =	vst v0  }
0x1d9: {  	[tilespmem:$0x9030] =	vst v0  }
0x1da: {  	[tilespmem:$0x9040] =	vst v0  }
0x1db: {  	[tilespmem:$0x9050] =	vst v0  }
0x1dc: {  	[tilespmem:$0x9060] =	vst v0  }
0x1dd: {  	[tilespmem:$0x9070] =	vst v0  }
0x1de: {  	[tilespmem:$0x8180] =	vst v1  }
0x1df: {  	[tilespmem:$0x8190] =	vst v1  }
0x1e0: {  	[tilespmem:$0x81A0] =	vst v1  }
0x1e1: {  	[tilespmem:$0x81B0] =	vst v1  }
0x1e2: {  	[tilespmem:$0x81C0] =	vst v1  }
0x1e3: {  	[tilespmem:$0x81D0] =	vst v1  }
0x1e4: {  	[tilespmem:$0x81E0] =	vst v1  }
0x1e5: {  	s14 =	simm.s32 @p0 $0x8200;
	[tilespmem:$0x81F0] =	vst v1  }
0x1e6: {  	[spmem:s24] =	stream.linear.scatter @p0 [tilespmem:s14], [sflag:$0x5], $0x800, $0x38;
	[tilespmem:$0x1CB78] =	vst v63  }
0x1e7: {  	s14 =	simm.s32 @p0 $0x5  }
0x1e8: {  	_ =	swait.ge @p0 [sflag:s14], $0x800  }
0x1e9: {  	[sflag:s14] =	ssyncset.done @p0 $0x0  }
0x1ea: {  	s16 =	simm.s32 @p0 $0x8E00;
	[sflag:s14] =	ssyncadd.s32 @p0 $0xFFFFF800  }
0x1eb: {  	[spmem:s17] =	stream.linear.scatter @p0 [tilespmem:s16], [sflag:$0x5], $0x280, $0x38;
	[tilespmem:$0x1CB78] =	vst v63  }
0x1ec: {  	_ =	swait.ge @p0 [sflag:s14], $0x280  }
0x1ed: {  	[sflag:s14] =	ssyncset.done @p0 $0x0  }
0x1ee: {  	[sflag:s14] =	ssyncadd.s32 @p0 $0xFFFFFD80;
	s14 =	simm.s32 @!p0 $0x8E00  }
0x1ef: {  	[spmem:s17] =	stream.linear.scatter @!p0 [tilespmem:s14], [sflag:$0x5], $0x270, $0x38;
	[tilespmem:$0x1CB78] =	vst v63  }
0x1f0: {  	s14 =	simm.s32 @!p0 $0x5  }
0x1f1: {  	_ =	swait.ge @!p0 [sflag:s14], $0x270  }
.Ltmp2:
0x1f2: {  	[sflag:s14] =	ssyncset.done @!p0 $0x0;
	(pc) =	sbr.rel .LBB2_2-.Ltmp2, $4  }
0x1f3: {  	[sflag:s14] =	ssyncadd.s32 @!p0 $0xFFFFFD90  }
0x1f4: {  	[bflag:$0x0] =	sbarrier.arrive $0xFFFF  }
0x1f5: {  	s14 =	rddreg [dreg:$0x15]  }
0x1f6: {  	s19 =	simm.s32 $0x0;
	s16 =	rddreg [dreg:$0x14]  }
.LBB2_6:
0x1f7: {  	[spmem:s4] =	stream.indirect.scatter.add.f32 [tilespmem:s7], [sflag:$0x3], $0x1, s5, s25, $0xb8;
	[tilespmem:$0x1CB78] =	vst v63  }
0x1f8: {  	_ =	swait.ge [sflag:s9], $0x80  }
0x1f9: {  	[sflag:s9] =	ssyncset.done $0x0  }
0x1fa: {  	[sflag:s9] =	ssyncadd.s32 $0xFFFFFF80  }
0x1fb: {  	_ =	swait.ge [sflag:s9], $0x4000  }
0x1fc: {  	[sflag:s9] =	ssyncset.done $0x0  }
0x1fd: {  	[sflag:s9] =	ssyncadd.s32 $0xFFFFC000  }
0x1fe: {  	_ =	swait.ge [sflag:s31], $0x4000  }
0x1ff: {  	[sflag:s31] =	ssyncset.done $0x0  }
0x200: {  	[sflag:s31] =	ssyncadd.s32 $0xFFFFC000  }
0x201: {  	_ =	swait.ge [sflag:s31], $0x80  }
0x202: {  	[sflag:s31] =	ssyncset.done $0x0  }
0x203: {  	[sflag:s31] =	ssyncadd.s32 $0xFFFFFF80  }
.LBB2_7:
0x204: {  	p5 =	seq.s32 s19, $0x4C0  }
0x205: {  	s20 =	sadd.s32 @!p5 s19, s15  }
0x206: {  	s21 =	simm.s32 @!p5 $0x0;
	s20 =	sadd.s32 @!p5 $0x20, s20  }
0x207: {  	[tilespmem:s21], [sflag:$0x1] =	stream.linear.gather @!p5 [hbm4b:s20+s21], $0x80, $0x38;
	[tilespmem:$0x1CB78] =	vst v63  }
0x208: {  	s22 =	simm.s32 @!p5 $0x800;
	s23 =	simm.s32 @!p5 $0x80;
	s20 =	sshrl.u32 @!p5 s16, $0x3  }
0x209: {  	s19 =	sadd.s32 $0x20, s19;
	s21 =	simm.s32 @!p5 $0x400;
	s20 =	sadd.s32 @!p5 s1, s20  }
0x20a: {  	[tilespmem:s23], [sflag:$0x1] =	stream.strided.gather @!p5 [hbm4b:s20+s21], $0x4000, s22, s21, $0x38;
	[tilespmem:$0x1CB78] =	vst v63  }
0x20b: {  	p5 =	sne.s32 s19, $0x4E0  }
.Ltmp3:
0x20c: {  	_ = 	snop;
	(pc) =	sbr.rel @!p5 .LBB2_8-.Ltmp3, $4  }
0x20d: {  	s14 =	sadd.s32 $0x2000, s14;
	s16 =	sadd.s32 $0x10000, s16  }
0x20e: {  	[spmem:s3] =	stream.indirect.scatter.add.f32 [tilespmem:s6], [sflag:$0x4], $0x80, s2, s25, $0xb8;
	[tilespmem:$0x1CB78] =	vst v63  }
0x20f: {  	s21 =	simm.s32 @!p2 $0x80;
	s22 =	simm.s32 @!p2 $0x4080;
	s20 =	simm.s32 @!p2 $0x8180  }
0x210: {  	[spmem:s4] =	stream.indirect.scatter.add.f32 @!p2 [tilespmem:s20], [sflag:$0x4], $0x1, s22, s21, $0xb8;
	[tilespmem:$0x1CB78] =	vst v63  }
.LBB2_2:
0x211: {  	_ =	swait.ge [sflag:s0], $0x80;
	p5 =	sne.s32 s19, $0x0  }
.Ltmp4:
0x212: {  	[sflag:s0] =	ssyncset.done $0x0;
	(pc) =	sbr.rel @!p5 .LBB2_3-.Ltmp4, $4  }
0x213: {  	[sflag:s0] =	ssyncadd.s32 $0xFFFFFF80  }
0x214: {  	_ =	swait.ge [sflag:s0], $0x4000  }
0x215: {  	[sflag:s0] =	ssyncset.done $0x0  }
0x216: {  	[sflag:s0] =	ssyncadd.s32 $0xFFFFC000  }
0x217: {  	_ =	swait.ge [sflag:s11], $0x4000  }
0x218: {  	[sflag:s11] =	ssyncset.done $0x0  }
0x219: {  	s20 =	simm.s32 @!p2 $0x4;
	[sflag:s11] =	ssyncadd.s32 $0xFFFFC000  }
0x21a: {  	_ =	swait.ge @!p2 [sflag:s20], $0x80  }
0x21b: {  	s21 =	sadd.s32 s19, s15;
	[sflag:s20] =	ssyncset.done @!p2 $0x0  }
0x21c: {  	s23 =	sadd.s32 $0x10, s21;
	[sflag:s20] =	ssyncadd.s32 @!p2 $0xFFFFFF80  }
0x21d: {  	[tilespmem:s2], [sflag:$0x2] =	stream.linear.gather [hbm4b:s23+s5], $0x80, $0x38;
	[tilespmem:$0x1CB78] =	vst v63  }
.Ltmp5:
0x21e: {  	_ = 	snop;
	(pc) =	sbr.rel @p2 .LBB2_4-.Ltmp5, $4  }
.Ltmp6:
0x21f: {  	_ = 	snop;
	(pc) =	sbr.rel @!p2 .LBB2_6-.Ltmp6, $4  }
0x220: {  	[tilespmem:s6], [sflag:$0x2] =	stream.strided.gather [hbm4b:s14+s28], $0x4000, s29, s28, $0x38;
	[tilespmem:$0x1CB78] =	vst v63  }
0x221: {  	_ = 	snop  }
0x222: {  	[spmem:s3] =	stream.indirect.scatter.add.f32 [tilespmem:s25], [sflag:$0x3], $0x80, s5, s25, $0xb8;
	[tilespmem:$0x1CB78] =	vst v63  }
0x223: {  	_ = 	snop  }
.LBB2_3:
0x224: {  	[tilespmem:s2], [sflag:$0x2] =	stream.linear.gather [hbm4b:s13+s5], $0x80, $0x38;
	[tilespmem:$0x1CB78] =	vst v63  }
.Ltmp7:
0x225: {  	_ = 	snop;
	(pc) =	sbr.rel @p1 .LBB2_6-.Ltmp7, $4  }
0x226: {  	_ = 	snop  }
0x227: {  	[tilespmem:s6], [sflag:$0x2] =	stream.strided.gather [hbm4b:s18+s28], $0x4000, s29, s28, $0x38;
	[tilespmem:$0x1CB78] =	vst v63  }
0x228: {  	_ = 	snop  }
0x229: {  	[spmem:s3] =	stream.indirect.scatter.add.f32 [tilespmem:s25], [sflag:$0x3], $0x80, s5, s25, $0xb8;
	[tilespmem:$0x1CB78] =	vst v63  }
.LBB2_4:
0x22a: {  	_ =	swait.ge [sflag:s9], $0x80  }
0x22b: {  	[sflag:s9] =	ssyncset.done $0x0  }
0x22c: {  	[sflag:s9] =	ssyncadd.s32 $0xFFFFFF80  }
0x22d: {  	_ =	swait.ge [sflag:s9], $0x4000  }
.Ltmp8:
0x22e: {  	[sflag:s9] =	ssyncset.done $0x0;
	(pc) =	sbr.rel .LBB2_7-.Ltmp8, $4  }
0x22f: {  	[sflag:s9] =	ssyncadd.s32 $0xFFFFC000  }
0x230: {  	_ =	swait.ge [sflag:s31], $0x4000  }
0x231: {  	[sflag:s31] =	ssyncset.done $0x0  }
0x232: {  	[sflag:s31] =	ssyncadd.s32 $0xFFFFC000  }
.LBB2_9:
0x233: {  	_ =	sfence.sel $0x180000  }
0x234: {  	[bflag:$0x0] =	sbarrier.arrive $0xFFFF  }
0x235: {  	_ =	strace $0x90000047  }
0x236: {  	s0 =	stileid.u32;
	[bflag:$0x2] =	sbarrier.arrive $0xFFFF  }
0x237: {  	p0 =	sne.s32 s0, $0x0;
	s0 =	rddreg [dreg:$0x6]  }
0x238: {  	s0 =	sadd.s32 @!p0 $0x100000, s0  }
0x239: {  	[sflag:s0] =	ssyncadd.tile.s32 @!p0 $0x1;
	_ =	shalt  }
.Lfunc_end2:
_tile_overlayer_lowered:
.L_overlay_start_2:
0x23a: {  	(tag) =	ssettag $0x2  }
0x23b: {  	s0 =	rddreg [dreg:$0x0];
	s2 =	stileid.u32  }
0x23c: {  	s1 =	rddreg [dreg:$0x1];
	p0 =	sne.s32 s2, $0x0  }
0x23d: {  	s3 =	rddreg [dreg:$0x2];
	[bflag:$0x3] =	sbarrier.arrive $0xFFFF;
	s2 =	simm.s32 @!p0 $0x1C05  }
0x23e: {  	[timem:s3], [sflag:s2] =	dma.local @!p0 [hbm:s0], s1  }
0x23f: {  	s0 =	simm.s32 @!p0 $0x5  }
0x240: {  	_ =	swait.ge @!p0 [sflag:s0], s1  }
0x241: {  	s1 =	ssub.s32 @!p0 $0x0, s1;
	[sflag:s0] =	ssyncset.done @!p0 $0x0  }
0x242: {  	[sflag:s0] =	ssyncadd.s32 @!p0 s1  }
0x243: {  	[bflag:$0x3] =	sbarrier.arrive $0xFFFF  }
0x244: {  	_ =	shalt  }

</sc_bundles>
